<compile_context>
chip_gen: v7x
topology: tpu7x:2x2x1
jax: 0.10.2.dev20260603
libtpu: 0.0.44.dev20260713+nightly
codegen_flags: <defaults>
</compile_context>

<pallas_src>
import jax
import jax.numpy as jnp
from jax import lax
from jax.experimental import pallas as pl
from jax.experimental.pallas import tpu as pltpu
from jax.experimental.pallas import tpu_sc as plsc

NUM_EMBEDDINGS = 1000000
EMBEDDING_DIM = 64
BATCH = 16384
HIST = 20

TOTAL = BATCH * HIST
NUM_CORES = 2
NUM_SUBCORES = 16
NUM_WORKERS = NUM_CORES * NUM_SUBCORES
PER_WORKER = TOTAL // NUM_WORKERS
CHUNK = 512
NUM_CHUNKS = PER_WORKER // CHUNK
NBUF = 3

LANES = 128
FULL_TC = NUM_EMBEDDINGS // LANES
TAIL = NUM_EMBEDDINGS - FULL_TC * LANES
TC_LO = FULL_TC // NUM_WORKERS
TC_EXTRA = FULL_TC - TC_LO * NUM_WORKERS

assert TOTAL % NUM_WORKERS == 0
assert PER_WORKER % CHUNK == 0


PITCH = 65


def _relayout_body(wt_hbm, tail_hbm, out_hbm, in0, in1, ob0, ob1, pad_buf,
                   isems, osems):
    in_bufs = (in0, in1)
    out_bufs = (ob0, ob1)
    wid = lax.axis_index("s") * NUM_CORES + lax.axis_index("c")
    base_tc = wid * TC_LO + jnp.minimum(wid, TC_EXTRA)
    n_tc = TC_LO + jnp.where(wid < TC_EXTRA, 1, 0)

    lane_iota = lax.iota(jnp.int32, 16)
    bases = [lane_iota * PITCH + 16 * k * PITCH
             for k in range(LANES // 16)]

    def start_load(tc, b):
        return pltpu.async_copy(
            wt_hbm.at[:, pl.ds(tc * LANES, LANES)], in_bufs[b], isems[b])

    def wait_load(b):
        pltpu.make_async_copy(
            wt_hbm.at[:, pl.ds(0, LANES)], in_bufs[b], isems[b]).wait()

    def start_store(tc, b):
        pltpu.async_copy(
            out_bufs[b],
            out_hbm.at[pl.ds(tc * LANES * EMBEDDING_DIM,
                             LANES * EMBEDDING_DIM)],
            osems[b])

    def wait_store(b):
        pltpu.make_async_copy(
            out_bufs[b],
            out_hbm.at[pl.ds(0, LANES * EMBEDDING_DIM)], osems[b]).wait()

    def transpose_block(b):
        inb = in_bufs[b]
        outb = out_bufs[b]

        @plsc.parallel_loop(0, EMBEDDING_DIM, step=1)
        def _(d):
            rows = jnp.full((16,), d, jnp.int32)
            for k in range(LANES // 16):
                v = plsc.load_gather(inb, [rows, lane_iota + 16 * k])
                plsc.store_scatter(pad_buf, [bases[k] + d], v)

        @plsc.parallel_loop(0, LANES, step=1)
        def _(vl):
            for j in range(EMBEDDING_DIM // 16):
                outb[pl.ds(vl * EMBEDDING_DIM + 16 * j, 16)] = (
                    pad_buf[pl.ds(vl * PITCH + 16 * j, 16)])

    start_load(base_tc, 0)
    start_load(base_tc + 1, 1)

    def pair(g, carry):
        for b in (0, 1):
            i = 2 * g + b

            @pl.when(i < n_tc)
            def _():
                tc = base_tc + i
                wait_load(b)

                @pl.when(i >= 2)
                def _():
                    wait_store(b)

                transpose_block(b)
                start_store(tc, b)

                @pl.when(i + 2 < n_tc)
                def _():
                    start_load(tc + 2, b)
        return carry

    lax.fori_loop(0, (TC_LO + 2) // 2, pair, 0)
    wait_store(0)
    wait_store(1)

    @pl.when(wid == NUM_WORKERS - 1)
    def _tail():
        pltpu.async_copy(
            tail_hbm, out_bufs[1].at[pl.ds(0, TAIL * EMBEDDING_DIM)],
            isems[1]).wait()
        pltpu.async_copy(
            out_bufs[1].at[pl.ds(0, TAIL * EMBEDDING_DIM)],
            out_hbm.at[pl.ds(FULL_TC * LANES * EMBEDDING_DIM,
                             TAIL * EMBEDDING_DIM)],
            osems[1]).wait()


def _gather_body(x_hbm, w_hbm, out_hbm, idx_v, rows_v, gsems, ssems):
    wid = lax.axis_index("s") * NUM_CORES + lax.axis_index("c")
    base = wid * PER_WORKER

    pltpu.sync_copy(x_hbm.at[pl.ds(base, PER_WORKER)], idx_v)

    def start_gather(c):
        b = c % NBUF
        return pltpu.async_copy(
            w_hbm.at[idx_v.at[pl.ds(c * CHUNK, CHUNK)]], rows_v.at[b],
            gsems[b])

    gd = {}
    for c in range(NBUF):
        gd[c] = start_gather(c)

    pending_stores = {}
    for c in range(NUM_CHUNKS):
        b = c % NBUF
        gd[c].wait()
        sd = pltpu.async_copy(
            rows_v.at[b], out_hbm.at[pl.ds(base + c * CHUNK, CHUNK)],
            ssems[b])
        if c + NBUF < NUM_CHUNKS:
            sd.wait()
            gd[c + NBUF] = start_gather(c + NBUF)
        else:
            pending_stores[b] = sd

    for b in sorted(pending_stores):
        pending_stores[b].wait()


C_HP = HIST // 2
C_BC = BATCH // LANES
C_BLOCKS = C_HP * C_BC
C_PER_W = C_BLOCKS // NUM_WORKERS
C_PITCH = 129


def _format_body(din_hbm, out_hbm, idxb, rows0, rows1, op0, op1, pitchb,
                 gsems, osems):
    rows_bufs = (rows0, rows1)
    out_bufs = (op0, op1)
    wid = lax.axis_index("s") * NUM_CORES + lax.axis_index("c")
    base = wid * C_PER_W
    lane_iota = lax.iota(jnp.int32, 16)
    zeros16 = jnp.zeros((16,), jnp.int32)

    def start_gather(t, b):
        blkid = base + t
        hp = blkid // C_BC
        bc = blkid % C_BC
        for k in range(LANES // 16):
            idxb[pl.ds(16 * k, 16)] = (
                (lane_iota + (16 * k) + bc * LANES) * C_HP + hp)
        pltpu.async_copy(din_hbm.at[idxb], rows_bufs[b], gsems[b])

    def wait_gather(b):
        pltpu.make_async_copy(
            din_hbm.at[pl.ds(0, LANES)], rows_bufs[b], gsems[b]).wait()

    start_gather(0, 0)

    def blk(t, carry):
        for b in (0, 1):
            @pl.when((lax.rem(t, 2) == b) & (t < C_PER_W))
            def _():
                blkid = base + t
                hp = blkid // C_BC
                bc = blkid % C_BC
                wait_gather(b)

                @pl.when(t + 1 < C_PER_W)
                def _():
                    start_gather(t + 1, 1 - b)

                @plsc.parallel_loop(0, LANES, step=1)
                def _(l):
                    rows = jnp.full((16,), l, jnp.int32)
                    for j in range(LANES // 16):
                        v = plsc.load_gather(rows_bufs[b],
                                             [rows, lane_iota + 16 * j])
                        pitchb[pl.ds(l * C_PITCH + 16 * j, 16)] = v

                for p in (0, 1):
                    @plsc.parallel_loop(0, EMBEDDING_DIM, step=1)
                    def _(d):
                        for k in range(LANES // 16):
                            idxv = ((lane_iota + 16 * k) * C_PITCH
                                    + p * EMBEDDING_DIM + d)
                            v = plsc.load_gather(pitchb, [idxv])
                            plsc.store_scatter(
                                out_bufs[p],
                                [zeros16, jnp.full((16,), d, jnp.int32),
                                 lane_iota + 16 * k], v)
                    pltpu.async_copy(
                        out_bufs[p],
                        out_hbm.at[pl.ds(2 * hp + p, 1), :,
                                   pl.ds(bc * LANES, LANES)],
                        osems[p]).wait()
        return carry

    lax.fori_loop(0, C_PER_W, blk, 0)


@jax.jit
def kernel(x, weight):
    mesh = plsc.VectorSubcoreMesh(
        core_axis_name="c", subcore_axis_name="s",
        num_cores=NUM_CORES, num_subcores=NUM_SUBCORES,
    )
    dense = pl.kernel(
        _relayout_body,
        out_type=jax.ShapeDtypeStruct((NUM_EMBEDDINGS * EMBEDDING_DIM,),
                                      jnp.float32),
        mesh=mesh,
        scratch_types=[
            pltpu.VMEM((EMBEDDING_DIM, LANES), jnp.float32),
            pltpu.VMEM((EMBEDDING_DIM, LANES), jnp.float32),
            pltpu.VMEM((LANES * EMBEDDING_DIM,), jnp.float32),
            pltpu.VMEM((LANES * EMBEDDING_DIM,), jnp.float32),
            pltpu.VMEM((LANES * PITCH,), jnp.float32),
            [pltpu.SemaphoreType.DMA] * 2,
            [pltpu.SemaphoreType.DMA] * 2,
        ],
        compiler_params=pltpu.CompilerParams(use_tc_tiling_on_sc=True,
                                             needs_layout_passes=False),
    )(weight.T,
      lax.slice(weight, (FULL_TC * LANES, 0),
                (NUM_EMBEDDINGS, EMBEDDING_DIM)).reshape(TAIL * EMBEDDING_DIM))
    table = dense.reshape(NUM_EMBEDDINGS, EMBEDDING_DIM)

    flat_x = x.reshape(TOTAL)
    out = pl.kernel(
        _gather_body,
        out_type=jax.ShapeDtypeStruct((TOTAL, EMBEDDING_DIM), jnp.float32),
        mesh=mesh,
        scratch_types=[
            pltpu.VMEM((PER_WORKER,), jnp.int32),
            pltpu.VMEM((NBUF, CHUNK, EMBEDDING_DIM), jnp.float32),
            [pltpu.SemaphoreType.DMA] * NBUF,
            [pltpu.SemaphoreType.DMA] * NBUF,
        ],
        compiler_params=pltpu.CompilerParams(use_tc_tiling_on_sc=False),
    )(flat_x, table)

    out_t = pl.kernel(
        _format_body,
        out_type=jax.ShapeDtypeStruct((HIST, EMBEDDING_DIM, BATCH),
                                      jnp.float32),
        mesh=mesh,
        scratch_types=[
            pltpu.VMEM((LANES,), jnp.int32),
            pltpu.VMEM((LANES, LANES), jnp.float32),
            pltpu.VMEM((LANES, LANES), jnp.float32),
            pltpu.VMEM((1, EMBEDDING_DIM, LANES), jnp.float32),
            pltpu.VMEM((1, EMBEDDING_DIM, LANES), jnp.float32),
            pltpu.VMEM((LANES * C_PITCH,), jnp.float32),
            [pltpu.SemaphoreType.DMA] * 2,
            [pltpu.SemaphoreType.DMA] * 2,
        ],
        compiler_params=pltpu.CompilerParams(use_tc_tiling_on_sc=True,
                                             needs_layout_passes=False),
    )(out.reshape(TOTAL // 2, 2 * EMBEDDING_DIM))
    return jnp.transpose(out_t, (2, 0, 1))

# --- scband reference (transcript-rebuilt; emitter-appended) ---
"""Pipeline reference for scband-embedding-6554120093834 (READ-ONLY COPY).

The authoritative reference and input builder live on the scoring server;
editing this copy changes nothing except your own understanding.
"""

import jax, jax.numpy as jnp
import numpy as np

NUM_EMBEDDINGS = 1000000
EMBEDDING_DIM = 64
BATCH = 16384
HIST = 20

def setup_inputs(seed: int = 0) -> dict:
    key = jax.random.key(seed)
    k_idx, k_w = jax.random.split(key)
    x = jax.random.randint(k_idx, (BATCH, HIST), 0, NUM_EMBEDDINGS, dtype=jnp.int64 if jax.config.jax_enable_x64 else jnp.int32)
    weight = jax.random.normal(k_w, (NUM_EMBEDDINGS, EMBEDDING_DIM), dtype=jnp.float32) * 0.02
    return {"x": x, "weight": weight}

def reference(x, weight):
    # tp_size == 1, sharding_dim == 0, num_embeddings % 8 == 0 so no padding row is added;
    # the op reduces to a plain row-gather from the embedding table.
    return jnp.take(weight, x, axis=0)

if __name__ == "__main__":
    import jax
    _d = setup_inputs()
    print(jax.jit(kernel)(*tuple(_d.values())))

</pallas_src>

<mosaic_0001>
#map = affine_map<(d0, d1) -> (0, 0)>
#map1 = affine_map<(d0, d1) -> (0)>
module attributes {stable_mosaic.version = 14 : i64} {
  func.func @_relayout_body(%arg0: i32, %arg1: i32, %arg2: memref<64x1000000xf32, #tpu.memory_space<hbm>>, %arg3: memref<4096xf32, #tpu.memory_space<hbm>>, %arg4: memref<64000000xf32, #tpu.memory_space<hbm>>, %arg5: memref<64x128xf32, #tpu.memory_space<vmem>>, %arg6: memref<64x128xf32, #tpu.memory_space<vmem>>, %arg7: memref<8192xf32, #tpu.memory_space<vmem>>, %arg8: memref<8192xf32, #tpu.memory_space<vmem>>, %arg9: memref<8320xf32, #tpu.memory_space<vmem>>, %arg10: memref<!tpu.dma_semaphore, #tpu.memory_space<semaphore_mem>>, %arg11: memref<!tpu.dma_semaphore, #tpu.memory_space<semaphore_mem>>, %arg12: memref<!tpu.dma_semaphore, #tpu.memory_space<semaphore_mem>>, %arg13: memref<!tpu.dma_semaphore, #tpu.memory_space<semaphore_mem>>) attributes {dimension_semantics = [#tpu.dimension_semantics<core_parallel>, #tpu.dimension_semantics<subcore_parallel>], iteration_bounds = array<i64: 2, 16>, scalar_prefetch = 0 : i64, scratch_operands = 9 : i64, tpu.core_type = #tpu.core_type<sc_vector_subcore>, window_params = [{transform_indices = #map}, {transform_indices = #map1}, {transform_indices = #map1}]} {
    %mul3A = arith.constant 2 : i32
    %mul3A_0 = arith.muli %arg1, %mul3A : i32
    %add3A = arith.addi %mul3A_0, %arg0 : i32
    %mul3A_1 = arith.constant 244 : i32
    %mul3A_2 = arith.muli %add3A, %mul3A_1 : i32
    %min3A = arith.constant 4 : i32
    %min3A_3 = arith.minsi %add3A, %min3A : i32
    %add3A_4 = arith.addi %mul3A_2, %min3A_3 : i32
    %lt3A = arith.constant 4 : i32
    %lt3A_5 = arith.cmpi slt, %add3A, %lt3A : i32
    %jit3A = arith.constant 1 : i32
    %jit3A_6 = arith.constant 0 : i32
    %select_n3A = arith.select %lt3A_5, %jit3A, %jit3A_6 : i32
    %add3A_7 = arith.constant 244 : i32
    %add3A_8 = arith.addi %add3A_7, %select_n3A : i32
    %iota3A = tpu.iota {dimensions = array<i32: 0>} : vector<16xi32>
    %mul3A_9 = arith.constant 65 : i32
    %mul3A_10 = vector.broadcast %mul3A_9 : i32 to vector<16xi32>
    %mul3A_11 = arith.muli %iota3A, %mul3A_10 : vector<16xi32>
    %add3A_12 = arith.constant 0 : i32
    %add3A_13 = vector.broadcast %add3A_12 : i32 to vector<16xi32>
    %add3A_14 = arith.addi %mul3A_11, %add3A_13 : vector<16xi32>
    %mul3A_15 = arith.constant 65 : i32
    %mul3A_16 = vector.broadcast %mul3A_15 : i32 to vector<16xi32>
    %mul3A_17 = arith.muli %iota3A, %mul3A_16 : vector<16xi32>
    %add3A_18 = arith.constant 1040 : i32
    %add3A_19 = vector.broadcast %add3A_18 : i32 to vector<16xi32>
    %add3A_20 = arith.addi %mul3A_17, %add3A_19 : vector<16xi32>
    %mul3A_21 = arith.constant 65 : i32
    %mul3A_22 = vector.broadcast %mul3A_21 : i32 to vector<16xi32>
    %mul3A_23 = arith.muli %iota3A, %mul3A_22 : vector<16xi32>
    %add3A_24 = arith.constant 2080 : i32
    %add3A_25 = vector.broadcast %add3A_24 : i32 to vector<16xi32>
    %add3A_26 = arith.addi %mul3A_23, %add3A_25 : vector<16xi32>
    %mul3A_27 = arith.constant 65 : i32
    %mul3A_28 = vector.broadcast %mul3A_27 : i32 to vector<16xi32>
    %mul3A_29 = arith.muli %iota3A, %mul3A_28 : vector<16xi32>
    %add3A_30 = arith.constant 3120 : i32
    %add3A_31 = vector.broadcast %add3A_30 : i32 to vector<16xi32>
    %add3A_32 = arith.addi %mul3A_29, %add3A_31 : vector<16xi32>
    %mul3A_33 = arith.constant 65 : i32
    %mul3A_34 = vector.broadcast %mul3A_33 : i32 to vector<16xi32>
    %mul3A_35 = arith.muli %iota3A, %mul3A_34 : vector<16xi32>
    %add3A_36 = arith.constant 4160 : i32
    %add3A_37 = vector.broadcast %add3A_36 : i32 to vector<16xi32>
    %add3A_38 = arith.addi %mul3A_35, %add3A_37 : vector<16xi32>
    %mul3A_39 = arith.constant 65 : i32
    %mul3A_40 = vector.broadcast %mul3A_39 : i32 to vector<16xi32>
    %mul3A_41 = arith.muli %iota3A, %mul3A_40 : vector<16xi32>
    %add3A_42 = arith.constant 5200 : i32
    %add3A_43 = vector.broadcast %add3A_42 : i32 to vector<16xi32>
    %add3A_44 = arith.addi %mul3A_41, %add3A_43 : vector<16xi32>
    %mul3A_45 = arith.constant 65 : i32
    %mul3A_46 = vector.broadcast %mul3A_45 : i32 to vector<16xi32>
    %mul3A_47 = arith.muli %iota3A, %mul3A_46 : vector<16xi32>
    %add3A_48 = arith.constant 6240 : i32
    %add3A_49 = vector.broadcast %add3A_48 : i32 to vector<16xi32>
    %add3A_50 = arith.addi %mul3A_47, %add3A_49 : vector<16xi32>
    %mul3A_51 = arith.constant 65 : i32
    %mul3A_52 = vector.broadcast %mul3A_51 : i32 to vector<16xi32>
    %mul3A_53 = arith.muli %iota3A, %mul3A_52 : vector<16xi32>
    %add3A_54 = arith.constant 7280 : i32
    %add3A_55 = vector.broadcast %add3A_54 : i32 to vector<16xi32>
    %add3A_56 = arith.addi %mul3A_53, %add3A_55 : vector<16xi32>
    %mul3A_57 = arith.constant 128 : i32
    %mul3A_58 = arith.muli %add3A_4, %mul3A_57 : i32
    %dma_start3A = arith.constant 0 : i32
    %dma_start3A_59 = tpu.memref_slice %arg2[%dma_start3A, %mul3A_58] : memref<64x1000000xf32, #tpu.memory_space<hbm>> -> memref<64x128xf32, #tpu.memory_space<hbm>>
    %dma_start3A_60 = arith.constant 0 : i32
    %dma_start3A_61 = tpu.memref_slice %arg2[%dma_start3A_60, %mul3A_58] : memref<64x1000000xf32, #tpu.memory_space<hbm>> -> memref<64x128xf32, #tpu.memory_space<hbm>>
    tpu.enqueue_dma source(%dma_start3A_61 : memref<64x128xf32, #tpu.memory_space<hbm>>) target(%arg5 : memref<64x128xf32, #tpu.memory_space<vmem>>) target_semaphore(%arg10 : memref<!tpu.dma_semaphore, #tpu.memory_space<semaphore_mem>>)
    %add3A_62 = arith.constant 1 : i32
    %add3A_63 = arith.addi %add3A_4, %add3A_62 : i32
    %mul3A_64 = arith.constant 128 : i32
    %mul3A_65 = arith.muli %add3A_63, %mul3A_64 : i32
    %dma_start3A_66 = arith.constant 0 : i32
    %dma_start3A_67 = tpu.memref_slice %arg2[%dma_start3A_66, %mul3A_65] : memref<64x1000000xf32, #tpu.memory_space<hbm>> -> memref<64x128xf32, #tpu.memory_space<hbm>>
    %dma_start3A_68 = arith.constant 0 : i32
    %dma_start3A_69 = tpu.memref_slice %arg2[%dma_start3A_68, %mul3A_65] : memref<64x1000000xf32, #tpu.memory_space<hbm>> -> memref<64x128xf32, #tpu.memory_space<hbm>>
    tpu.enqueue_dma source(%dma_start3A_69 : memref<64x128xf32, #tpu.memory_space<hbm>>) target(%arg6 : memref<64x128xf32, #tpu.memory_space<vmem>>) target_semaphore(%arg11 : memref<!tpu.dma_semaphore, #tpu.memory_space<semaphore_mem>>)
    %scan3A = arith.constant 0 : i32
    %scan3A_70 = arith.constant 0 : i32
    %scan3A_71 = arith.constant 123 : i32
    %scan3A_72 = arith.addi %scan3A_70, %scan3A_71 : i32
    %scan3A_73 = arith.constant 1 : i32
    scf.for %scan3A_84 = %scan3A_70 to %scan3A_72 step %scan3A_73  : i32 {
      %mul3A_85 = arith.constant 2 : i32
      %mul3A_86 = arith.muli %mul3A_85, %scan3A_84 : i32
      %add3A_87 = arith.constant 0 : i32
      %add3A_88 = arith.addi %mul3A_86, %add3A_87 : i32
      %lt3A_89 = arith.cmpi slt, %add3A_88, %add3A_8 : i32
      %convert_element_type3A_90 = arith.extui %lt3A_89 : i1 to i32
      %cond3A_91 = arith.constant 0 : i32
      %cond3A_92 = arith.cmpi ne, %convert_element_type3A_90, %cond3A_91 : i32
      scf.if %cond3A_92 {
        %add3A_101 = arith.addi %add3A_4, %add3A_88 : i32
        %dma_wait3A_102 = arith.constant 0 : i32
        %dma_wait3A_103 = arith.constant 0 : i32
        %dma_wait3A_104 = tpu.memref_slice %arg2[%dma_wait3A_102, %dma_wait3A_103] : memref<64x1000000xf32, #tpu.memory_space<hbm>> -> memref<64x128xf32, #tpu.memory_space<hbm>>
        %dma_wait3A_105 = arith.constant 0 : i32
        %dma_wait3A_106 = arith.constant 0 : i32
        %dma_wait3A_107 = tpu.memref_slice %arg2[%dma_wait3A_105, %dma_wait3A_106] : memref<64x1000000xf32, #tpu.memory_space<hbm>> -> memref<64x128xf32, #tpu.memory_space<hbm>>
        tpu.wait_dma2 semaphore(%arg10 : memref<!tpu.dma_semaphore, #tpu.memory_space<semaphore_mem>>) src(%dma_wait3A_107 : memref<64x128xf32, #tpu.memory_space<hbm>>) dst(%arg5 : memref<64x128xf32, #tpu.memory_space<vmem>>)
        %ge3A = arith.constant 2 : i32
        %ge3A_108 = arith.cmpi sge, %add3A_88, %ge3A : i32
        %convert_element_type3A_109 = arith.extui %ge3A_108 : i1 to i32
        %cond3A_110 = arith.constant 0 : i32
        %cond3A_111 = arith.cmpi ne, %convert_element_type3A_109, %cond3A_110 : i32
        scf.if %cond3A_111 {
          %dma_wait3A_129 = arith.constant 0 : i32
          %dma_wait3A_130 = tpu.memref_slice %arg4[%dma_wait3A_129] : memref<64000000xf32, #tpu.memory_space<hbm>> -> memref<8192xf32, #tpu.memory_space<hbm>>
          %dma_wait3A_131 = arith.constant 0 : i32
          %dma_wait3A_132 = tpu.memref_slice %arg4[%dma_wait3A_131] : memref<64000000xf32, #tpu.memory_space<hbm>> -> memref<8192xf32, #tpu.memory_space<hbm>>
          tpu.wait_dma2 semaphore(%arg12 : memref<!tpu.dma_semaphore, #tpu.memory_space<semaphore_mem>>) src(%arg7 : memref<8192xf32, #tpu.memory_space<vmem>>) dst(%dma_wait3A_132 : memref<8192xf32, #tpu.memory_space<hbm>>)
        } else {
        }
        %parallel_loop3A = arith.constant 0 : i32
        %parallel_loop3A_112 = arith.constant 64 : i32
        %parallel_loop3A_113 = arith.constant 1 : i32
        scf.for %parallel_loop3A_129 = %parallel_loop3A to %parallel_loop3A_112 step %parallel_loop3A_113  : i32 {
          %parallel_loop3A_130 = vector.broadcast %parallel_loop3A_129 : i32 to vector<16xi32>
          %parallel_loop3A_131 = arith.constant 0 : i32
          %parallel_loop3A_132 = vector.broadcast %parallel_loop3A_131 : i32 to vector<16xi32>
          %parallel_loop3A_133 = arith.addi %iota3A, %parallel_loop3A_132 : vector<16xi32>
          %parallel_loop3A_134 = tpu.vector_load_idx %arg5[%parallel_loop3A_130, %parallel_loop3A_133] : memref<64x128xf32, #tpu.memory_space<vmem>>[vector<16xi32>, vector<16xi32>], vector<16xf32>,
          %parallel_loop3A_135 = vector.broadcast %parallel_loop3A_129 : i32 to vector<16xi32>
          %parallel_loop3A_136 = arith.addi %add3A_14, %parallel_loop3A_135 : vector<16xi32>
          tpu.vector_store_idx %arg9[%parallel_loop3A_136], %parallel_loop3A_134 : memref<8320xf32, #tpu.memory_space<vmem>>[vector<16xi32>], vector<16xf32>,
          %parallel_loop3A_137 = arith.constant 16 : i32
          %parallel_loop3A_138 = vector.broadcast %parallel_loop3A_137 : i32 to vector<16xi32>
          %parallel_loop3A_139 = arith.addi %iota3A, %parallel_loop3A_138 : vector<16xi32>
          %parallel_loop3A_140 = tpu.vector_load_idx %arg5[%parallel_loop3A_130, %parallel_loop3A_139] : memref<64x128xf32, #tpu.memory_space<vmem>>[vector<16xi32>, vector<16xi32>], vector<16xf32>,
          %parallel_loop3A_141 = vector.broadcast %parallel_loop3A_129 : i32 to vector<16xi32>
          %parallel_loop3A_142 = arith.addi %add3A_20, %parallel_loop3A_141 : vector<16xi32>
          tpu.vector_store_idx %arg9[%parallel_loop3A_142], %parallel_loop3A_140 : memref<8320xf32, #tpu.memory_space<vmem>>[vector<16xi32>], vector<16xf32>,
          %parallel_loop3A_143 = arith.constant 32 : i32
          %parallel_loop3A_144 = vector.broadcast %parallel_loop3A_143 : i32 to vector<16xi32>
          %parallel_loop3A_145 = arith.addi %iota3A, %parallel_loop3A_144 : vector<16xi32>
          %parallel_loop3A_146 = tpu.vector_load_idx %arg5[%parallel_loop3A_130, %parallel_loop3A_145] : memref<64x128xf32, #tpu.memory_space<vmem>>[vector<16xi32>, vector<16xi32>], vector<16xf32>,
          %parallel_loop3A_147 = vector.broadcast %parallel_loop3A_129 : i32 to vector<16xi32>
          %parallel_loop3A_148 = arith.addi %add3A_26, %parallel_loop3A_147 : vector<16xi32>
          tpu.vector_store_idx %arg9[%parallel_loop3A_148], %parallel_loop3A_146 : memref<8320xf32, #tpu.memory_space<vmem>>[vector<16xi32>], vector<16xf32>,
          %parallel_loop3A_149 = arith.constant 48 : i32
          %parallel_loop3A_150 = vector.broadcast %parallel_loop3A_149 : i32 to vector<16xi32>
          %parallel_loop3A_151 = arith.addi %iota3A, %parallel_loop3A_150 : vector<16xi32>
          %parallel_loop3A_152 = tpu.vector_load_idx %arg5[%parallel_loop3A_130, %parallel_loop3A_151] : memref<64x128xf32, #tpu.memory_space<vmem>>[vector<16xi32>, vector<16xi32>], vector<16xf32>,
          %parallel_loop3A_153 = vector.broadcast %parallel_loop3A_129 : i32 to vector<16xi32>
          %parallel_loop3A_154 = arith.addi %add3A_32, %parallel_loop3A_153 : vector<16xi32>
          tpu.vector_store_idx %arg9[%parallel_loop3A_154], %parallel_loop3A_152 : memref<8320xf32, #tpu.memory_space<vmem>>[vector<16xi32>], vector<16xf32>,
          %parallel_loop3A_155 = arith.constant 64 : i32
          %parallel_loop3A_156 = vector.broadcast %parallel_loop3A_155 : i32 to vector<16xi32>
          %parallel_loop3A_157 = arith.addi %iota3A, %parallel_loop3A_156 : vector<16xi32>
          %parallel_loop3A_158 = tpu.vector_load_idx %arg5[%parallel_loop3A_130, %parallel_loop3A_157] : memref<64x128xf32, #tpu.memory_space<vmem>>[vector<16xi32>, vector<16xi32>], vector<16xf32>,
          %parallel_loop3A_159 = vector.broadcast %parallel_loop3A_129 : i32 to vector<16xi32>
          %parallel_loop3A_160 = arith.addi %add3A_38, %parallel_loop3A_159 : vector<16xi32>
          tpu.vector_store_idx %arg9[%parallel_loop3A_160], %parallel_loop3A_158 : memref<8320xf32, #tpu.memory_space<vmem>>[vector<16xi32>], vector<16xf32>,
          %parallel_loop3A_161 = arith.constant 80 : i32
          %parallel_loop3A_162 = vector.broadcast %parallel_loop3A_161 : i32 to vector<16xi32>
          %parallel_loop3A_163 = arith.addi %iota3A, %parallel_loop3A_162 : vector<16xi32>
          %parallel_loop3A_164 = tpu.vector_load_idx %arg5[%parallel_loop3A_130, %parallel_loop3A_163] : memref<64x128xf32, #tpu.memory_space<vmem>>[vector<16xi32>, vector<16xi32>], vector<16xf32>,
          %parallel_loop3A_165 = vector.broadcast %parallel_loop3A_129 : i32 to vector<16xi32>
          %parallel_loop3A_166 = arith.addi %add3A_44, %parallel_loop3A_165 : vector<16xi32>
          tpu.vector_store_idx %arg9[%parallel_loop3A_166], %parallel_loop3A_164 : memref<8320xf32, #tpu.memory_space<vmem>>[vector<16xi32>], vector<16xf32>,
          %parallel_loop3A_167 = arith.constant 96 : i32
          %parallel_loop3A_168 = vector.broadcast %parallel_loop3A_167 : i32 to vector<16xi32>
          %parallel_loop3A_169 = arith.addi %iota3A, %parallel_loop3A_168 : vector<16xi32>
          %parallel_loop3A_170 = tpu.vector_load_idx %arg5[%parallel_loop3A_130, %parallel_loop3A_169] : memref<64x128xf32, #tpu.memory_space<vmem>>[vector<16xi32>, vector<16xi32>], vector<16xf32>,
          %parallel_loop3A_171 = vector.broadcast %parallel_loop3A_129 : i32 to vector<16xi32>
          %parallel_loop3A_172 = arith.addi %add3A_50, %parallel_loop3A_171 : vector<16xi32>
          tpu.vector_store_idx %arg9[%parallel_loop3A_172], %parallel_loop3A_170 : memref<8320xf32, #tpu.memory_space<vmem>>[vector<16xi32>], vector<16xf32>,
          %parallel_loop3A_173 = arith.constant 112 : i32
          %parallel_loop3A_174 = vector.broadcast %parallel_loop3A_173 : i32 to vector<16xi32>
          %parallel_loop3A_175 = arith.addi %iota3A, %parallel_loop3A_174 : vector<16xi32>
          %parallel_loop3A_176 = tpu.vector_load_idx %arg5[%parallel_loop3A_130, %parallel_loop3A_175] : memref<64x128xf32, #tpu.memory_space<vmem>>[vector<16xi32>, vector<16xi32>], vector<16xf32>,
          %parallel_loop3A_177 = vector.broadcast %parallel_loop3A_129 : i32 to vector<16xi32>
          %parallel_loop3A_178 = arith.addi %add3A_56, %parallel_loop3A_177 : vector<16xi32>
          tpu.vector_store_idx %arg9[%parallel_loop3A_178], %parallel_loop3A_176 : memref<8320xf32, #tpu.memory_space<vmem>>[vector<16xi32>], vector<16xf32>,
        } {sc.loop_unroll_factor = 1 : i64, sc.parallel_access}
        %parallel_loop3A_114 = arith.constant 0 : i32
        %parallel_loop3A_115 = arith.constant 128 : i32
        %parallel_loop3A_116 = arith.constant 1 : i32
        scf.for %parallel_loop3A_129 = %parallel_loop3A_114 to %parallel_loop3A_115 step %parallel_loop3A_116  : i32 {
          %parallel_loop3A_130 = arith.constant 65 : i32
          %parallel_loop3A_131 = arith.muli %parallel_loop3A_129, %parallel_loop3A_130 : i32
          %parallel_loop3A_132 = arith.constant 0 : i32
          %parallel_loop3A_133 = arith.addi %parallel_loop3A_131, %parallel_loop3A_132 : i32
          %parallel_loop3A_134 = arith.index_cast %parallel_loop3A_133 : i32 to index
          %parallel_loop3A_135 = tpu.vector_load %arg9[%parallel_loop3A_134] {strides = array<i32>} : memref<8320xf32, #tpu.memory_space<vmem>>, vector<16xf32>,
          %parallel_loop3A_136 = arith.constant 64 : i32
          %parallel_loop3A_137 = arith.muli %parallel_loop3A_129, %parallel_loop3A_136 : i32
          %parallel_loop3A_138 = arith.constant 0 : i32
          %parallel_loop3A_139 = arith.addi %parallel_loop3A_137, %parallel_loop3A_138 : i32
          %parallel_loop3A_140 = arith.index_cast %parallel_loop3A_139 : i32 to index
          %parallel_loop3A_141 = tpu.vector_load %arg7[%parallel_loop3A_140] {strides = array<i32>} : memref<8192xf32, #tpu.memory_space<vmem>>, vector<16xf32>,
          tpu.vector_store %arg7[%parallel_loop3A_140], %parallel_loop3A_135 {strides = array<i32>} : memref<8192xf32, #tpu.memory_space<vmem>>, vector<16xf32>,
          %parallel_loop3A_142 = arith.constant 65 : i32
          %parallel_loop3A_143 = arith.muli %parallel_loop3A_129, %parallel_loop3A_142 : i32
          %parallel_loop3A_144 = arith.constant 16 : i32
          %parallel_loop3A_145 = arith.addi %parallel_loop3A_143, %parallel_loop3A_144 : i32
          %parallel_loop3A_146 = arith.index_cast %parallel_loop3A_145 : i32 to index
          %parallel_loop3A_147 = tpu.vector_load %arg9[%parallel_loop3A_146] {strides = array<i32>} : memref<8320xf32, #tpu.memory_space<vmem>>, vector<16xf32>,
          %parallel_loop3A_148 = arith.constant 64 : i32
          %parallel_loop3A_149 = arith.muli %parallel_loop3A_129, %parallel_loop3A_148 : i32
          %parallel_loop3A_150 = arith.constant 16 : i32
          %parallel_loop3A_151 = arith.addi %parallel_loop3A_149, %parallel_loop3A_150 : i32
          %parallel_loop3A_152 = arith.index_cast %parallel_loop3A_151 : i32 to index
          %parallel_loop3A_153 = tpu.vector_load %arg7[%parallel_loop3A_152] {strides = array<i32>} : memref<8192xf32, #tpu.memory_space<vmem>>, vector<16xf32>,
          tpu.vector_store %arg7[%parallel_loop3A_152], %parallel_loop3A_147 {strides = array<i32>} : memref<8192xf32, #tpu.memory_space<vmem>>, vector<16xf32>,
          %parallel_loop3A_154 = arith.constant 65 : i32
          %parallel_loop3A_155 = arith.muli %parallel_loop3A_129, %parallel_loop3A_154 : i32
          %parallel_loop3A_156 = arith.constant 32 : i32
          %parallel_loop3A_157 = arith.addi %parallel_loop3A_155, %parallel_loop3A_156 : i32
          %parallel_loop3A_158 = arith.index_cast %parallel_loop3A_157 : i32 to index
          %parallel_loop3A_159 = tpu.vector_load %arg9[%parallel_loop3A_158] {strides = array<i32>} : memref<8320xf32, #tpu.memory_space<vmem>>, vector<16xf32>,
          %parallel_loop3A_160 = arith.constant 64 : i32
          %parallel_loop3A_161 = arith.muli %parallel_loop3A_129, %parallel_loop3A_160 : i32
          %parallel_loop3A_162 = arith.constant 32 : i32
          %parallel_loop3A_163 = arith.addi %parallel_loop3A_161, %parallel_loop3A_162 : i32
          %parallel_loop3A_164 = arith.index_cast %parallel_loop3A_163 : i32 to index
          %parallel_loop3A_165 = tpu.vector_load %arg7[%parallel_loop3A_164] {strides = array<i32>} : memref<8192xf32, #tpu.memory_space<vmem>>, vector<16xf32>,
          tpu.vector_store %arg7[%parallel_loop3A_164], %parallel_loop3A_159 {strides = array<i32>} : memref<8192xf32, #tpu.memory_space<vmem>>, vector<16xf32>,
          %parallel_loop3A_166 = arith.constant 65 : i32
          %parallel_loop3A_167 = arith.muli %parallel_loop3A_129, %parallel_loop3A_166 : i32
          %parallel_loop3A_168 = arith.constant 48 : i32
          %parallel_loop3A_169 = arith.addi %parallel_loop3A_167, %parallel_loop3A_168 : i32
          %parallel_loop3A_170 = arith.index_cast %parallel_loop3A_169 : i32 to index
          %parallel_loop3A_171 = tpu.vector_load %arg9[%parallel_loop3A_170] {strides = array<i32>} : memref<8320xf32, #tpu.memory_space<vmem>>, vector<16xf32>,
          %parallel_loop3A_172 = arith.constant 64 : i32
          %parallel_loop3A_173 = arith.muli %parallel_loop3A_129, %parallel_loop3A_172 : i32
          %parallel_loop3A_174 = arith.constant 48 : i32
          %parallel_loop3A_175 = arith.addi %parallel_loop3A_173, %parallel_loop3A_174 : i32
          %parallel_loop3A_176 = arith.index_cast %parallel_loop3A_175 : i32 to index
          %parallel_loop3A_177 = tpu.vector_load %arg7[%parallel_loop3A_176] {strides = array<i32>} : memref<8192xf32, #tpu.memory_space<vmem>>, vector<16xf32>,
          tpu.vector_store %arg7[%parallel_loop3A_176], %parallel_loop3A_171 {strides = array<i32>} : memref<8192xf32, #tpu.memory_space<vmem>>, vector<16xf32>,
        } {sc.loop_unroll_factor = 1 : i64, sc.parallel_access}
        %mul3A_117 = arith.constant 128 : i32
        %mul3A_118 = arith.muli %add3A_101, %mul3A_117 : i32
        %mul3A_119 = arith.constant 64 : i32
        %mul3A_120 = arith.muli %mul3A_118, %mul3A_119 : i32
        %dma_start3A_121 = tpu.memref_slice %arg4[%mul3A_120] : memref<64000000xf32, #tpu.memory_space<hbm>> -> memref<8192xf32, #tpu.memory_space<hbm>>
        %dma_start3A_122 = tpu.memref_slice %arg4[%mul3A_120] : memref<64000000xf32, #tpu.memory_space<hbm>> -> memref<8192xf32, #tpu.memory_space<hbm>>
        tpu.enqueue_dma source(%arg7 : memref<8192xf32, #tpu.memory_space<vmem>>) target(%dma_start3A_122 : memref<8192xf32, #tpu.memory_space<hbm>>) target_semaphore(%arg12 : memref<!tpu.dma_semaphore, #tpu.memory_space<semaphore_mem>>)
        %add3A_123 = arith.constant 2 : i32
        %add3A_124 = arith.addi %add3A_88, %add3A_123 : i32
        %lt3A_125 = arith.cmpi slt, %add3A_124, %add3A_8 : i32
        %convert_element_type3A_126 = arith.extui %lt3A_125 : i1 to i32
        %cond3A_127 = arith.constant 0 : i32
        %cond3A_128 = arith.cmpi ne, %convert_element_type3A_126, %cond3A_127 : i32
        scf.if %cond3A_128 {
          %add3A_129 = arith.constant 2 : i32
          %add3A_130 = arith.addi %add3A_101, %add3A_129 : i32
          %mul3A_131 = arith.constant 128 : i32
          %mul3A_132 = arith.muli %add3A_130, %mul3A_131 : i32
          %dma_start3A_133 = arith.constant 0 : i32
          %dma_start3A_134 = tpu.memref_slice %arg2[%dma_start3A_133, %mul3A_132] : memref<64x1000000xf32, #tpu.memory_space<hbm>> -> memref<64x128xf32, #tpu.memory_space<hbm>>
          %dma_start3A_135 = arith.constant 0 : i32
          %dma_start3A_136 = tpu.memref_slice %arg2[%dma_start3A_135, %mul3A_132] : memref<64x1000000xf32, #tpu.memory_space<hbm>> -> memref<64x128xf32, #tpu.memory_space<hbm>>
          tpu.enqueue_dma source(%dma_start3A_136 : memref<64x128xf32, #tpu.memory_space<hbm>>) target(%arg5 : memref<64x128xf32, #tpu.memory_space<vmem>>) target_semaphore(%arg10 : memref<!tpu.dma_semaphore, #tpu.memory_space<semaphore_mem>>)
        } else {
        }
      } else {
      }
      %mul3A_93 = arith.constant 2 : i32
      %mul3A_94 = arith.muli %mul3A_93, %scan3A_84 : i32
      %add3A_95 = arith.constant 1 : i32
      %add3A_96 = arith.addi %mul3A_94, %add3A_95 : i32
      %lt3A_97 = arith.cmpi slt, %add3A_96, %add3A_8 : i32
      %convert_element_type3A_98 = arith.extui %lt3A_97 : i1 to i32
      %cond3A_99 = arith.constant 0 : i32
      %cond3A_100 = arith.cmpi ne, %convert_element_type3A_98, %cond3A_99 : i32
      scf.if %cond3A_100 {
        %add3A_101 = arith.addi %add3A_4, %add3A_96 : i32
        %dma_wait3A_102 = arith.constant 0 : i32
        %dma_wait3A_103 = arith.constant 0 : i32
        %dma_wait3A_104 = tpu.memref_slice %arg2[%dma_wait3A_102, %dma_wait3A_103] : memref<64x1000000xf32, #tpu.memory_space<hbm>> -> memref<64x128xf32, #tpu.memory_space<hbm>>
        %dma_wait3A_105 = arith.constant 0 : i32
        %dma_wait3A_106 = arith.constant 0 : i32
        %dma_wait3A_107 = tpu.memref_slice %arg2[%dma_wait3A_105, %dma_wait3A_106] : memref<64x1000000xf32, #tpu.memory_space<hbm>> -> memref<64x128xf32, #tpu.memory_space<hbm>>
        tpu.wait_dma2 semaphore(%arg11 : memref<!tpu.dma_semaphore, #tpu.memory_space<semaphore_mem>>) src(%dma_wait3A_107 : memref<64x128xf32, #tpu.memory_space<hbm>>) dst(%arg6 : memref<64x128xf32, #tpu.memory_space<vmem>>)
        %ge3A = arith.constant 2 : i32
        %ge3A_108 = arith.cmpi sge, %add3A_96, %ge3A : i32
        %convert_element_type3A_109 = arith.extui %ge3A_108 : i1 to i32
        %cond3A_110 = arith.constant 0 : i32
        %cond3A_111 = arith.cmpi ne, %convert_element_type3A_109, %cond3A_110 : i32
        scf.if %cond3A_111 {
          %dma_wait3A_129 = arith.constant 0 : i32
          %dma_wait3A_130 = tpu.memref_slice %arg4[%dma_wait3A_129] : memref<64000000xf32, #tpu.memory_space<hbm>> -> memref<8192xf32, #tpu.memory_space<hbm>>
          %dma_wait3A_131 = arith.constant 0 : i32
          %dma_wait3A_132 = tpu.memref_slice %arg4[%dma_wait3A_131] : memref<64000000xf32, #tpu.memory_space<hbm>> -> memref<8192xf32, #tpu.memory_space<hbm>>
          tpu.wait_dma2 semaphore(%arg13 : memref<!tpu.dma_semaphore, #tpu.memory_space<semaphore_mem>>) src(%arg8 : memref<8192xf32, #tpu.memory_space<vmem>>) dst(%dma_wait3A_132 : memref<8192xf32, #tpu.memory_space<hbm>>)
        } else {
        }
        %parallel_loop3A = arith.constant 0 : i32
        %parallel_loop3A_112 = arith.constant 64 : i32
        %parallel_loop3A_113 = arith.constant 1 : i32
        scf.for %parallel_loop3A_129 = %parallel_loop3A to %parallel_loop3A_112 step %parallel_loop3A_113  : i32 {
          %parallel_loop3A_130 = vector.broadcast %parallel_loop3A_129 : i32 to vector<16xi32>
          %parallel_loop3A_131 = arith.constant 0 : i32
          %parallel_loop3A_132 = vector.broadcast %parallel_loop3A_131 : i32 to vector<16xi32>
          %parallel_loop3A_133 = arith.addi %iota3A, %parallel_loop3A_132 : vector<16xi32>
          %parallel_loop3A_134 = tpu.vector_load_idx %arg6[%parallel_loop3A_130, %parallel_loop3A_133] : memref<64x128xf32, #tpu.memory_space<vmem>>[vector<16xi32>, vector<16xi32>], vector<16xf32>,
          %parallel_loop3A_135 = vector.broadcast %parallel_loop3A_129 : i32 to vector<16xi32>
          %parallel_loop3A_136 = arith.addi %add3A_14, %parallel_loop3A_135 : vector<16xi32>
          tpu.vector_store_idx %arg9[%parallel_loop3A_136], %parallel_loop3A_134 : memref<8320xf32, #tpu.memory_space<vmem>>[vector<16xi32>], vector<16xf32>,
          %parallel_loop3A_137 = arith.constant 16 : i32
          %parallel_loop3A_138 = vector.broadcast %parallel_loop3A_137 : i32 to vector<16xi32>
          %parallel_loop3A_139 = arith.addi %iota3A, %parallel_loop3A_138 : vector<16xi32>
          %parallel_loop3A_140 = tpu.vector_load_idx %arg6[%parallel_loop3A_130, %parallel_loop3A_139] : memref<64x128xf32, #tpu.memory_space<vmem>>[vector<16xi32>, vector<16xi32>], vector<16xf32>,
          %parallel_loop3A_141 = vector.broadcast %parallel_loop3A_129 : i32 to vector<16xi32>
          %parallel_loop3A_142 = arith.addi %add3A_20, %parallel_loop3A_141 : vector<16xi32>
          tpu.vector_store_idx %arg9[%parallel_loop3A_142], %parallel_loop3A_140 : memref<8320xf32, #tpu.memory_space<vmem>>[vector<16xi32>], vector<16xf32>,
          %parallel_loop3A_143 = arith.constant 32 : i32
          %parallel_loop3A_144 = vector.broadcast %parallel_loop3A_143 : i32 to vector<16xi32>
          %parallel_loop3A_145 = arith.addi %iota3A, %parallel_loop3A_144 : vector<16xi32>
          %parallel_loop3A_146 = tpu.vector_load_idx %arg6[%parallel_loop3A_130, %parallel_loop3A_145] : memref<64x128xf32, #tpu.memory_space<vmem>>[vector<16xi32>, vector<16xi32>], vector<16xf32>,
          %parallel_loop3A_147 = vector.broadcast %parallel_loop3A_129 : i32 to vector<16xi32>
          %parallel_loop3A_148 = arith.addi %add3A_26, %parallel_loop3A_147 : vector<16xi32>
          tpu.vector_store_idx %arg9[%parallel_loop3A_148], %parallel_loop3A_146 : memref<8320xf32, #tpu.memory_space<vmem>>[vector<16xi32>], vector<16xf32>,
          %parallel_loop3A_149 = arith.constant 48 : i32
          %parallel_loop3A_150 = vector.broadcast %parallel_loop3A_149 : i32 to vector<16xi32>
          %parallel_loop3A_151 = arith.addi %iota3A, %parallel_loop3A_150 : vector<16xi32>
          %parallel_loop3A_152 = tpu.vector_load_idx %arg6[%parallel_loop3A_130, %parallel_loop3A_151] : memref<64x128xf32, #tpu.memory_space<vmem>>[vector<16xi32>, vector<16xi32>], vector<16xf32>,
          %parallel_loop3A_153 = vector.broadcast %parallel_loop3A_129 : i32 to vector<16xi32>
          %parallel_loop3A_154 = arith.addi %add3A_32, %parallel_loop3A_153 : vector<16xi32>
          tpu.vector_store_idx %arg9[%parallel_loop3A_154], %parallel_loop3A_152 : memref<8320xf32, #tpu.memory_space<vmem>>[vector<16xi32>], vector<16xf32>,
          %parallel_loop3A_155 = arith.constant 64 : i32
          %parallel_loop3A_156 = vector.broadcast %parallel_loop3A_155 : i32 to vector<16xi32>
          %parallel_loop3A_157 = arith.addi %iota3A, %parallel_loop3A_156 : vector<16xi32>
          %parallel_loop3A_158 = tpu.vector_load_idx %arg6[%parallel_loop3A_130, %parallel_loop3A_157] : memref<64x128xf32, #tpu.memory_space<vmem>>[vector<16xi32>, vector<16xi32>], vector<16xf32>,
          %parallel_loop3A_159 = vector.broadcast %parallel_loop3A_129 : i32 to vector<16xi32>
          %parallel_loop3A_160 = arith.addi %add3A_38, %parallel_loop3A_159 : vector<16xi32>
          tpu.vector_store_idx %arg9[%parallel_loop3A_160], %parallel_loop3A_158 : memref<8320xf32, #tpu.memory_space<vmem>>[vector<16xi32>], vector<16xf32>,
          %parallel_loop3A_161 = arith.constant 80 : i32
          %parallel_loop3A_162 = vector.broadcast %parallel_loop3A_161 : i32 to vector<16xi32>
          %parallel_loop3A_163 = arith.addi %iota3A, %parallel_loop3A_162 : vector<16xi32>
          %parallel_loop3A_164 = tpu.vector_load_idx %arg6[%parallel_loop3A_130, %parallel_loop3A_163] : memref<64x128xf32, #tpu.memory_space<vmem>>[vector<16xi32>, vector<16xi32>], vector<16xf32>,
          %parallel_loop3A_165 = vector.broadcast %parallel_loop3A_129 : i32 to vector<16xi32>
          %parallel_loop3A_166 = arith.addi %add3A_44, %parallel_loop3A_165 : vector<16xi32>
          tpu.vector_store_idx %arg9[%parallel_loop3A_166], %parallel_loop3A_164 : memref<8320xf32, #tpu.memory_space<vmem>>[vector<16xi32>], vector<16xf32>,
          %parallel_loop3A_167 = arith.constant 96 : i32
          %parallel_loop3A_168 = vector.broadcast %parallel_loop3A_167 : i32 to vector<16xi32>
          %parallel_loop3A_169 = arith.addi %iota3A, %parallel_loop3A_168 : vector<16xi32>
          %parallel_loop3A_170 = tpu.vector_load_idx %arg6[%parallel_loop3A_130, %parallel_loop3A_169] : memref<64x128xf32, #tpu.memory_space<vmem>>[vector<16xi32>, vector<16xi32>], vector<16xf32>,
          %parallel_loop3A_171 = vector.broadcast %parallel_loop3A_129 : i32 to vector<16xi32>
          %parallel_loop3A_172 = arith.addi %add3A_50, %parallel_loop3A_171 : vector<16xi32>
          tpu.vector_store_idx %arg9[%parallel_loop3A_172], %parallel_loop3A_170 : memref<8320xf32, #tpu.memory_space<vmem>>[vector<16xi32>], vector<16xf32>,
          %parallel_loop3A_173 = arith.constant 112 : i32
          %parallel_loop3A_174 = vector.broadcast %parallel_loop3A_173 : i32 to vector<16xi32>
          %parallel_loop3A_175 = arith.addi %iota3A, %parallel_loop3A_174 : vector<16xi32>
          %parallel_loop3A_176 = tpu.vector_load_idx %arg6[%parallel_loop3A_130, %parallel_loop3A_175] : memref<64x128xf32, #tpu.memory_space<vmem>>[vector<16xi32>, vector<16xi32>], vector<16xf32>,
          %parallel_loop3A_177 = vector.broadcast %parallel_loop3A_129 : i32 to vector<16xi32>
          %parallel_loop3A_178 = arith.addi %add3A_56, %parallel_loop3A_177 : vector<16xi32>
          tpu.vector_store_idx %arg9[%parallel_loop3A_178], %parallel_loop3A_176 : memref<8320xf32, #tpu.memory_space<vmem>>[vector<16xi32>], vector<16xf32>,
        } {sc.loop_unroll_factor = 1 : i64, sc.parallel_access}
        %parallel_loop3A_114 = arith.constant 0 : i32
        %parallel_loop3A_115 = arith.constant 128 : i32
        %parallel_loop3A_116 = arith.constant 1 : i32
        scf.for %parallel_loop3A_129 = %parallel_loop3A_114 to %parallel_loop3A_115 step %parallel_loop3A_116  : i32 {
          %parallel_loop3A_130 = arith.constant 65 : i32
          %parallel_loop3A_131 = arith.muli %parallel_loop3A_129, %parallel_loop3A_130 : i32
          %parallel_loop3A_132 = arith.constant 0 : i32
          %parallel_loop3A_133 = arith.addi %parallel_loop3A_131, %parallel_loop3A_132 : i32
          %parallel_loop3A_134 = arith.index_cast %parallel_loop3A_133 : i32 to index
          %parallel_loop3A_135 = tpu.vector_load %arg9[%parallel_loop3A_134] {strides = array<i32>} : memref<8320xf32, #tpu.memory_space<vmem>>, vector<16xf32>,
          %parallel_loop3A_136 = arith.constant 64 : i32
          %parallel_loop3A_137 = arith.muli %parallel_loop3A_129, %parallel_loop3A_136 : i32
          %parallel_loop3A_138 = arith.constant 0 : i32
          %parallel_loop3A_139 = arith.addi %parallel_loop3A_137, %parallel_loop3A_138 : i32
          %parallel_loop3A_140 = arith.index_cast %parallel_loop3A_139 : i32 to index
          %parallel_loop3A_141 = tpu.vector_load %arg8[%parallel_loop3A_140] {strides = array<i32>} : memref<8192xf32, #tpu.memory_space<vmem>>, vector<16xf32>,
          tpu.vector_store %arg8[%parallel_loop3A_140], %parallel_loop3A_135 {strides = array<i32>} : memref<8192xf32, #tpu.memory_space<vmem>>, vector<16xf32>,
          %parallel_loop3A_142 = arith.constant 65 : i32
          %parallel_loop3A_143 = arith.muli %parallel_loop3A_129, %parallel_loop3A_142 : i32
          %parallel_loop3A_144 = arith.constant 16 : i32
          %parallel_loop3A_145 = arith.addi %parallel_loop3A_143, %parallel_loop3A_144 : i32
          %parallel_loop3A_146 = arith.index_cast %parallel_loop3A_145 : i32 to index
          %parallel_loop3A_147 = tpu.vector_load %arg9[%parallel_loop3A_146] {strides = array<i32>} : memref<8320xf32, #tpu.memory_space<vmem>>, vector<16xf32>,
          %parallel_loop3A_148 = arith.constant 64 : i32
          %parallel_loop3A_149 = arith.muli %parallel_loop3A_129, %parallel_loop3A_148 : i32
          %parallel_loop3A_150 = arith.constant 16 : i32
          %parallel_loop3A_151 = arith.addi %parallel_loop3A_149, %parallel_loop3A_150 : i32
          %parallel_loop3A_152 = arith.index_cast %parallel_loop3A_151 : i32 to index
          %parallel_loop3A_153 = tpu.vector_load %arg8[%parallel_loop3A_152] {strides = array<i32>} : memref<8192xf32, #tpu.memory_space<vmem>>, vector<16xf32>,
          tpu.vector_store %arg8[%parallel_loop3A_152], %parallel_loop3A_147 {strides = array<i32>} : memref<8192xf32, #tpu.memory_space<vmem>>, vector<16xf32>,
          %parallel_loop3A_154 = arith.constant 65 : i32
          %parallel_loop3A_155 = arith.muli %parallel_loop3A_129, %parallel_loop3A_154 : i32
          %parallel_loop3A_156 = arith.constant 32 : i32
          %parallel_loop3A_157 = arith.addi %parallel_loop3A_155, %parallel_loop3A_156 : i32
          %parallel_loop3A_158 = arith.index_cast %parallel_loop3A_157 : i32 to index
          %parallel_loop3A_159 = tpu.vector_load %arg9[%parallel_loop3A_158] {strides = array<i32>} : memref<8320xf32, #tpu.memory_space<vmem>>, vector<16xf32>,
          %parallel_loop3A_160 = arith.constant 64 : i32
          %parallel_loop3A_161 = arith.muli %parallel_loop3A_129, %parallel_loop3A_160 : i32
          %parallel_loop3A_162 = arith.constant 32 : i32
          %parallel_loop3A_163 = arith.addi %parallel_loop3A_161, %parallel_loop3A_162 : i32
          %parallel_loop3A_164 = arith.index_cast %parallel_loop3A_163 : i32 to index
          %parallel_loop3A_165 = tpu.vector_load %arg8[%parallel_loop3A_164] {strides = array<i32>} : memref<8192xf32, #tpu.memory_space<vmem>>, vector<16xf32>,
          tpu.vector_store %arg8[%parallel_loop3A_164], %parallel_loop3A_159 {strides = array<i32>} : memref<8192xf32, #tpu.memory_space<vmem>>, vector<16xf32>,
          %parallel_loop3A_166 = arith.constant 65 : i32
          %parallel_loop3A_167 = arith.muli %parallel_loop3A_129, %parallel_loop3A_166 : i32
          %parallel_loop3A_168 = arith.constant 48 : i32
          %parallel_loop3A_169 = arith.addi %parallel_loop3A_167, %parallel_loop3A_168 : i32
          %parallel_loop3A_170 = arith.index_cast %parallel_loop3A_169 : i32 to index
          %parallel_loop3A_171 = tpu.vector_load %arg9[%parallel_loop3A_170] {strides = array<i32>} : memref<8320xf32, #tpu.memory_space<vmem>>, vector<16xf32>,
          %parallel_loop3A_172 = arith.constant 64 : i32
          %parallel_loop3A_173 = arith.muli %parallel_loop3A_129, %parallel_loop3A_172 : i32
          %parallel_loop3A_174 = arith.constant 48 : i32
          %parallel_loop3A_175 = arith.addi %parallel_loop3A_173, %parallel_loop3A_174 : i32
          %parallel_loop3A_176 = arith.index_cast %parallel_loop3A_175 : i32 to index
          %parallel_loop3A_177 = tpu.vector_load %arg8[%parallel_loop3A_176] {strides = array<i32>} : memref<8192xf32, #tpu.memory_space<vmem>>, vector<16xf32>,
          tpu.vector_store %arg8[%parallel_loop3A_176], %parallel_loop3A_171 {strides = array<i32>} : memref<8192xf32, #tpu.memory_space<vmem>>, vector<16xf32>,
        } {sc.loop_unroll_factor = 1 : i64, sc.parallel_access}
        %mul3A_117 = arith.constant 128 : i32
        %mul3A_118 = arith.muli %add3A_101, %mul3A_117 : i32
        %mul3A_119 = arith.constant 64 : i32
        %mul3A_120 = arith.muli %mul3A_118, %mul3A_119 : i32
        %dma_start3A_121 = tpu.memref_slice %arg4[%mul3A_120] : memref<64000000xf32, #tpu.memory_space<hbm>> -> memref<8192xf32, #tpu.memory_space<hbm>>
        %dma_start3A_122 = tpu.memref_slice %arg4[%mul3A_120] : memref<64000000xf32, #tpu.memory_space<hbm>> -> memref<8192xf32, #tpu.memory_space<hbm>>
        tpu.enqueue_dma source(%arg8 : memref<8192xf32, #tpu.memory_space<vmem>>) target(%dma_start3A_122 : memref<8192xf32, #tpu.memory_space<hbm>>) target_semaphore(%arg13 : memref<!tpu.dma_semaphore, #tpu.memory_space<semaphore_mem>>)
        %add3A_123 = arith.constant 2 : i32
        %add3A_124 = arith.addi %add3A_96, %add3A_123 : i32
        %lt3A_125 = arith.cmpi slt, %add3A_124, %add3A_8 : i32
        %convert_element_type3A_126 = arith.extui %lt3A_125 : i1 to i32
        %cond3A_127 = arith.constant 0 : i32
        %cond3A_128 = arith.cmpi ne, %convert_element_type3A_126, %cond3A_127 : i32
        scf.if %cond3A_128 {
          %add3A_129 = arith.constant 2 : i32
          %add3A_130 = arith.addi %add3A_101, %add3A_129 : i32
          %mul3A_131 = arith.constant 128 : i32
          %mul3A_132 = arith.muli %add3A_130, %mul3A_131 : i32
          %dma_start3A_133 = arith.constant 0 : i32
          %dma_start3A_134 = tpu.memref_slice %arg2[%dma_start3A_133, %mul3A_132] : memref<64x1000000xf32, #tpu.memory_space<hbm>> -> memref<64x128xf32, #tpu.memory_space<hbm>>
          %dma_start3A_135 = arith.constant 0 : i32
          %dma_start3A_136 = tpu.memref_slice %arg2[%dma_start3A_135, %mul3A_132] : memref<64x1000000xf32, #tpu.memory_space<hbm>> -> memref<64x128xf32, #tpu.memory_space<hbm>>
          tpu.enqueue_dma source(%dma_start3A_136 : memref<64x128xf32, #tpu.memory_space<hbm>>) target(%arg6 : memref<64x128xf32, #tpu.memory_space<vmem>>) target_semaphore(%arg11 : memref<!tpu.dma_semaphore, #tpu.memory_space<semaphore_mem>>)
        } else {
        }
      } else {
      }
    }
    %scan3A_74 = arith.constant 123 : i32
    %dma_wait3A = arith.constant 0 : i32
    %dma_wait3A_75 = tpu.memref_slice %arg4[%dma_wait3A] : memref<64000000xf32, #tpu.memory_space<hbm>> -> memref<8192xf32, #tpu.memory_space<hbm>>
    %dma_wait3A_76 = arith.constant 0 : i32
    %dma_wait3A_77 = tpu.memref_slice %arg4[%dma_wait3A_76] : memref<64000000xf32, #tpu.memory_space<hbm>> -> memref<8192xf32, #tpu.memory_space<hbm>>
    tpu.wait_dma2 semaphore(%arg12 : memref<!tpu.dma_semaphore, #tpu.memory_space<semaphore_mem>>) src(%arg7 : memref<8192xf32, #tpu.memory_space<vmem>>) dst(%dma_wait3A_77 : memref<8192xf32, #tpu.memory_space<hbm>>)
    %dma_wait3A_78 = arith.constant 0 : i32
    %dma_wait3A_79 = tpu.memref_slice %arg4[%dma_wait3A_78] : memref<64000000xf32, #tpu.memory_space<hbm>> -> memref<8192xf32, #tpu.memory_space<hbm>>
    %dma_wait3A_80 = arith.constant 0 : i32
    %dma_wait3A_81 = tpu.memref_slice %arg4[%dma_wait3A_80] : memref<64000000xf32, #tpu.memory_space<hbm>> -> memref<8192xf32, #tpu.memory_space<hbm>>
    tpu.wait_dma2 semaphore(%arg13 : memref<!tpu.dma_semaphore, #tpu.memory_space<semaphore_mem>>) src(%arg8 : memref<8192xf32, #tpu.memory_space<vmem>>) dst(%dma_wait3A_81 : memref<8192xf32, #tpu.memory_space<hbm>>)
    %eq3A = arith.constant 31 : i32
    %eq3A_82 = arith.cmpi eq, %add3A, %eq3A : i32
    %convert_element_type3A = arith.extui %eq3A_82 : i1 to i32
    %cond3A = arith.constant 0 : i32
    %cond3A_83 = arith.cmpi ne, %convert_element_type3A, %cond3A : i32
    scf.if %cond3A_83 {
      %dma_start3A_84 = arith.constant 0 : i32
      %dma_start3A_85 = tpu.memref_slice %arg8[%dma_start3A_84] : memref<8192xf32, #tpu.memory_space<vmem>> -> memref<4096xf32, #tpu.memory_space<vmem>>
      %dma_start3A_86 = arith.constant 0 : i32
      %dma_start3A_87 = tpu.memref_slice %arg8[%dma_start3A_86] : memref<8192xf32, #tpu.memory_space<vmem>> -> memref<4096xf32, #tpu.memory_space<vmem>>
      tpu.enqueue_dma source(%arg3 : memref<4096xf32, #tpu.memory_space<hbm>>) target(%dma_start3A_87 : memref<4096xf32, #tpu.memory_space<vmem>>) target_semaphore(%arg11 : memref<!tpu.dma_semaphore, #tpu.memory_space<semaphore_mem>>)
      %dma_wait3A_88 = arith.constant 0 : i32
      %dma_wait3A_89 = tpu.memref_slice %arg8[%dma_wait3A_88] : memref<8192xf32, #tpu.memory_space<vmem>> -> memref<4096xf32, #tpu.memory_space<vmem>>
      %dma_wait3A_90 = arith.constant 0 : i32
      %dma_wait3A_91 = tpu.memref_slice %arg8[%dma_wait3A_90] : memref<8192xf32, #tpu.memory_space<vmem>> -> memref<4096xf32, #tpu.memory_space<vmem>>
      tpu.wait_dma2 semaphore(%arg11 : memref<!tpu.dma_semaphore, #tpu.memory_space<semaphore_mem>>) src(%arg3 : memref<4096xf32, #tpu.memory_space<hbm>>) dst(%dma_wait3A_91 : memref<4096xf32, #tpu.memory_space<vmem>>)
      %dma_start3A_92 = arith.constant 0 : i32
      %dma_start3A_93 = tpu.memref_slice %arg8[%dma_start3A_92] : memref<8192xf32, #tpu.memory_space<vmem>> -> memref<4096xf32, #tpu.memory_space<vmem>>
      %dma_start3A_94 = arith.constant 63995904 : i32
      %dma_start3A_95 = tpu.memref_slice %arg4[%dma_start3A_94] : memref<64000000xf32, #tpu.memory_space<hbm>> -> memref<4096xf32, #tpu.memory_space<hbm>>
      %dma_start3A_96 = arith.constant 63995904 : i32
      %dma_start3A_97 = tpu.memref_slice %arg4[%dma_start3A_96] : memref<64000000xf32, #tpu.memory_space<hbm>> -> memref<4096xf32, #tpu.memory_space<hbm>>
      %dma_start3A_98 = arith.constant 0 : i32
      %dma_start3A_99 = tpu.memref_slice %arg8[%dma_start3A_98] : memref<8192xf32, #tpu.memory_space<vmem>> -> memref<4096xf32, #tpu.memory_space<vmem>>
      tpu.enqueue_dma source(%dma_start3A_99 : memref<4096xf32, #tpu.memory_space<vmem>>) target(%dma_start3A_97 : memref<4096xf32, #tpu.memory_space<hbm>>) target_semaphore(%arg13 : memref<!tpu.dma_semaphore, #tpu.memory_space<semaphore_mem>>)
      %dma_wait3A_100 = arith.constant 0 : i32
      %dma_wait3A_101 = tpu.memref_slice %arg8[%dma_wait3A_100] : memref<8192xf32, #tpu.memory_space<vmem>> -> memref<4096xf32, #tpu.memory_space<vmem>>
      %dma_wait3A_102 = arith.constant 63995904 : i32
      %dma_wait3A_103 = tpu.memref_slice %arg4[%dma_wait3A_102] : memref<64000000xf32, #tpu.memory_space<hbm>> -> memref<4096xf32, #tpu.memory_space<hbm>>
      %dma_wait3A_104 = arith.constant 63995904 : i32
      %dma_wait3A_105 = tpu.memref_slice %arg4[%dma_wait3A_104] : memref<64000000xf32, #tpu.memory_space<hbm>> -> memref<4096xf32, #tpu.memory_space<hbm>>
      %dma_wait3A_106 = arith.constant 0 : i32
      %dma_wait3A_107 = tpu.memref_slice %arg8[%dma_wait3A_106] : memref<8192xf32, #tpu.memory_space<vmem>> -> memref<4096xf32, #tpu.memory_space<vmem>>
      tpu.wait_dma2 semaphore(%arg13 : memref<!tpu.dma_semaphore, #tpu.memory_space<semaphore_mem>>) src(%dma_wait3A_107 : memref<4096xf32, #tpu.memory_space<vmem>>) dst(%dma_wait3A_105 : memref<4096xf32, #tpu.memory_space<hbm>>)
    } else {
    }
    return
  }
}

#map = affine_map<(d0, d1) -> (0)>
#map1 = affine_map<(d0, d1) -> (0, 0)>
module attributes {stable_mosaic.version = 14 : i64} {
  func.func @_gather_body(%arg0: i32, %arg1: i32, %arg2: memref<327680xi32, #tpu.memory_space<hbm>>, %arg3: memref<1000000x64xf32, #tpu.memory_space<hbm>>, %arg4: memref<327680x64xf32, #tpu.memory_space<hbm>>, %arg5: memref<10240xi32, #tpu.memory_space<vmem>>, %arg6: memref<3x512x64xf32, #tpu.memory_space<vmem>>, %arg7: memref<!tpu.dma_semaphore, #tpu.memory_space<semaphore_mem>>, %arg8: memref<!tpu.dma_semaphore, #tpu.memory_space<semaphore_mem>>, %arg9: memref<!tpu.dma_semaphore, #tpu.memory_space<semaphore_mem>>, %arg10: memref<!tpu.dma_semaphore, #tpu.memory_space<semaphore_mem>>, %arg11: memref<!tpu.dma_semaphore, #tpu.memory_space<semaphore_mem>>, %arg12: memref<!tpu.dma_semaphore, #tpu.memory_space<semaphore_mem>>) attributes {dimension_semantics = [#tpu.dimension_semantics<core_parallel>, #tpu.dimension_semantics<subcore_parallel>], iteration_bounds = array<i64: 2, 16>, scalar_prefetch = 0 : i64, scratch_operands = 8 : i64, tpu.core_type = #tpu.core_type<sc_vector_subcore>, window_params = [{transform_indices = #map}, {transform_indices = #map1}, {transform_indices = #map1}]} {
    %mul3A = arith.constant 2 : i32
    %mul3A_0 = arith.muli %arg1, %mul3A : i32
    %add3A = arith.addi %mul3A_0, %arg0 : i32
    %mul3A_1 = arith.constant 10240 : i32
    %mul3A_2 = arith.muli %add3A, %mul3A_1 : i32
    "tpu.region"() ({
      %run_scoped3A = tpu.sem_alloc : memref<!tpu.dma_semaphore, #tpu.memory_space<semaphore_mem>>
      %dma_start3A_961 = tpu.memref_slice %arg2[%mul3A_2] : memref<327680xi32, #tpu.memory_space<hbm>> -> memref<10240xi32, #tpu.memory_space<hbm>>
      %dma_start3A_962 = tpu.memref_slice %arg2[%mul3A_2] : memref<327680xi32, #tpu.memory_space<hbm>> -> memref<10240xi32, #tpu.memory_space<hbm>>
      tpu.enqueue_dma source(%dma_start3A_962 : memref<10240xi32, #tpu.memory_space<hbm>>) target(%arg5 : memref<10240xi32, #tpu.memory_space<vmem>>) target_semaphore(%run_scoped3A : memref<!tpu.dma_semaphore, #tpu.memory_space<semaphore_mem>>)
      %dma_wait3A_963 = tpu.memref_slice %arg2[%mul3A_2] : memref<327680xi32, #tpu.memory_space<hbm>> -> memref<10240xi32, #tpu.memory_space<hbm>>
      %dma_wait3A_964 = tpu.memref_slice %arg2[%mul3A_2] : memref<327680xi32, #tpu.memory_space<hbm>> -> memref<10240xi32, #tpu.memory_space<hbm>>
      tpu.wait_dma2 semaphore(%run_scoped3A : memref<!tpu.dma_semaphore, #tpu.memory_space<semaphore_mem>>) src(%dma_wait3A_964 : memref<10240xi32, #tpu.memory_space<hbm>>) dst(%arg5 : memref<10240xi32, #tpu.memory_space<vmem>>)
      tpu.yield
    }) : () -> ()
    %dma_start3A = arith.constant 0 : i32
    %dma_start3A_3 = arith.constant 0 : i32
    %dma_start3A_4 = arith.constant 0 : i32
    %dma_start3A_5 = tpu.memref_slice %arg6[%dma_start3A, %dma_start3A_3, %dma_start3A_4] : memref<3x512x64xf32, #tpu.memory_space<vmem>> -> memref<1x512x64xf32, #tpu.memory_space<vmem>>
    %dma_start3A_6 = tpu.memref_squeeze %dma_start3A_5 : memref<1x512x64xf32, #tpu.memory_space<vmem>> -> memref<512x64xf32, #tpu.memory_space<vmem>>
    %dma_start3A_7 = arith.constant 0 : i32
    %dma_start3A_8 = tpu.memref_slice %arg5[%dma_start3A_7] : memref<10240xi32, #tpu.memory_space<vmem>> -> memref<512xi32, #tpu.memory_space<vmem>>
    %dma_start3A_9 = arith.constant 0 : i32
    %dma_start3A_10 = arith.constant 0 : i32
    %dma_start3A_11 = tpu.memref_slice %arg3[%dma_start3A_9, %dma_start3A_10] : memref<1000000x64xf32, #tpu.memory_space<hbm>> -> memref<1000000x64xf32, #tpu.memory_space<hbm>>
    tpu.enqueue_indirect_dma source(%dma_start3A_11 : memref<1000000x64xf32, #tpu.memory_space<hbm>>) target(%dma_start3A_6 : memref<512x64xf32, #tpu.memory_space<vmem>>) offsets(%dma_start3A_8 : memref<512xi32, #tpu.memory_space<vmem>>) semaphore(%arg7 : memref<!tpu.dma_semaphore, #tpu.memory_space<semaphore_mem>>)
    %dma_start3A_12 = arith.constant 1 : i32
    %dma_start3A_13 = arith.constant 0 : i32
    %dma_start3A_14 = arith.constant 0 : i32
    %dma_start3A_15 = tpu.memref_slice %arg6[%dma_start3A_12, %dma_start3A_13, %dma_start3A_14] : memref<3x512x64xf32, #tpu.memory_space<vmem>> -> memref<1x512x64xf32, #tpu.memory_space<vmem>>
    %dma_start3A_16 = tpu.memref_squeeze %dma_start3A_15 : memref<1x512x64xf32, #tpu.memory_space<vmem>> -> memref<512x64xf32, #tpu.memory_space<vmem>>
    %dma_start3A_17 = arith.constant 512 : i32
    %dma_start3A_18 = tpu.memref_slice %arg5[%dma_start3A_17] : memref<10240xi32, #tpu.memory_space<vmem>> -> memref<512xi32, #tpu.memory_space<vmem>>
    %dma_start3A_19 = arith.constant 0 : i32
    %dma_start3A_20 = arith.constant 0 : i32
    %dma_start3A_21 = tpu.memref_slice %arg3[%dma_start3A_19, %dma_start3A_20] : memref<1000000x64xf32, #tpu.memory_space<hbm>> -> memref<1000000x64xf32, #tpu.memory_space<hbm>>
    tpu.enqueue_indirect_dma source(%dma_start3A_21 : memref<1000000x64xf32, #tpu.memory_space<hbm>>) target(%dma_start3A_16 : memref<512x64xf32, #tpu.memory_space<vmem>>) offsets(%dma_start3A_18 : memref<512xi32, #tpu.memory_space<vmem>>) semaphore(%arg8 : memref<!tpu.dma_semaphore, #tpu.memory_space<semaphore_mem>>)
    %dma_start3A_22 = arith.constant 2 : i32
    %dma_start3A_23 = arith.constant 0 : i32
    %dma_start3A_24 = arith.constant 0 : i32
    %dma_start3A_25 = tpu.memref_slice %arg6[%dma_start3A_22, %dma_start3A_23, %dma_start3A_24] : memref<3x512x64xf32, #tpu.memory_space<vmem>> -> memref<1x512x64xf32, #tpu.memory_space<vmem>>
    %dma_start3A_26 = tpu.memref_squeeze %dma_start3A_25 : memref<1x512x64xf32, #tpu.memory_space<vmem>> -> memref<512x64xf32, #tpu.memory_space<vmem>>
    %dma_start3A_27 = arith.constant 1024 : i32
    %dma_start3A_28 = tpu.memref_slice %arg5[%dma_start3A_27] : memref<10240xi32, #tpu.memory_space<vmem>> -> memref<512xi32, #tpu.memory_space<vmem>>
    %dma_start3A_29 = arith.constant 0 : i32
    %dma_start3A_30 = arith.constant 0 : i32
    %dma_start3A_31 = tpu.memref_slice %arg3[%dma_start3A_29, %dma_start3A_30] : memref<1000000x64xf32, #tpu.memory_space<hbm>> -> memref<1000000x64xf32, #tpu.memory_space<hbm>>
    tpu.enqueue_indirect_dma source(%dma_start3A_31 : memref<1000000x64xf32, #tpu.memory_space<hbm>>) target(%dma_start3A_26 : memref<512x64xf32, #tpu.memory_space<vmem>>) offsets(%dma_start3A_28 : memref<512xi32, #tpu.memory_space<vmem>>) semaphore(%arg9 : memref<!tpu.dma_semaphore, #tpu.memory_space<semaphore_mem>>)
    %dma_wait3A = arith.constant 0 : i32
    %dma_wait3A_32 = arith.constant 0 : i32
    %dma_wait3A_33 = arith.constant 0 : i32
    %dma_wait3A_34 = tpu.memref_slice %arg6[%dma_wait3A, %dma_wait3A_32, %dma_wait3A_33] : memref<3x512x64xf32, #tpu.memory_space<vmem>> -> memref<1x512x64xf32, #tpu.memory_space<vmem>>
    %dma_wait3A_35 = tpu.memref_squeeze %dma_wait3A_34 : memref<1x512x64xf32, #tpu.memory_space<vmem>> -> memref<512x64xf32, #tpu.memory_space<vmem>>
    %dma_wait3A_36 = arith.constant 0 : i32
    %dma_wait3A_37 = tpu.memref_slice %arg5[%dma_wait3A_36] : memref<10240xi32, #tpu.memory_space<vmem>> -> memref<512xi32, #tpu.memory_space<vmem>>
    %dma_wait3A_38 = arith.constant 0 : i32
    %dma_wait3A_39 = arith.constant 0 : i32
    %dma_wait3A_40 = tpu.memref_slice %arg3[%dma_wait3A_38, %dma_wait3A_39] : memref<1000000x64xf32, #tpu.memory_space<hbm>> -> memref<1000000x64xf32, #tpu.memory_space<hbm>>
    tpu.wait_indirect_dma semaphore(%arg7 : memref<!tpu.dma_semaphore, #tpu.memory_space<semaphore_mem>>) src(%dma_wait3A_40 : memref<1000000x64xf32, #tpu.memory_space<hbm>>) dst(%dma_wait3A_35 : memref<512x64xf32, #tpu.memory_space<vmem>>)
    %add3A_41 = arith.constant 0 : i32
    %add3A_42 = arith.addi %mul3A_2, %add3A_41 : i32
    %dma_start3A_43 = arith.constant 0 : i32
    %dma_start3A_44 = arith.constant 0 : i32
    %dma_start3A_45 = arith.constant 0 : i32
    %dma_start3A_46 = tpu.memref_slice %arg6[%dma_start3A_43, %dma_start3A_44, %dma_start3A_45] : memref<3x512x64xf32, #tpu.memory_space<vmem>> -> memref<1x512x64xf32, #tpu.memory_space<vmem>>
    %dma_start3A_47 = tpu.memref_squeeze %dma_start3A_46 : memref<1x512x64xf32, #tpu.memory_space<vmem>> -> memref<512x64xf32, #tpu.memory_space<vmem>>
    %dma_start3A_48 = arith.constant 0 : i32
    %dma_start3A_49 = tpu.memref_slice %arg4[%add3A_42, %dma_start3A_48] : memref<327680x64xf32, #tpu.memory_space<hbm>> -> memref<512x64xf32, #tpu.memory_space<hbm>>
    %dma_start3A_50 = arith.constant 0 : i32
    %dma_start3A_51 = tpu.memref_slice %arg4[%add3A_42, %dma_start3A_50] : memref<327680x64xf32, #tpu.memory_space<hbm>> -> memref<512x64xf32, #tpu.memory_space<hbm>>
    %dma_start3A_52 = arith.constant 0 : i32
    %dma_start3A_53 = arith.constant 0 : i32
    %dma_start3A_54 = tpu.memref_slice %arg6[%dma_start3A_43, %dma_start3A_52, %dma_start3A_53] : memref<3x512x64xf32, #tpu.memory_space<vmem>> -> memref<1x512x64xf32, #tpu.memory_space<vmem>>
    %dma_start3A_55 = tpu.memref_squeeze %dma_start3A_54 : memref<1x512x64xf32, #tpu.memory_space<vmem>> -> memref<512x64xf32, #tpu.memory_space<vmem>>
    tpu.enqueue_dma source(%dma_start3A_55 : memref<512x64xf32, #tpu.memory_space<vmem>>) target(%dma_start3A_51 : memref<512x64xf32, #tpu.memory_space<hbm>>) target_semaphore(%arg10 : memref<!tpu.dma_semaphore, #tpu.memory_space<semaphore_mem>>)
    %dma_wait3A_56 = arith.constant 0 : i32
    %dma_wait3A_57 = arith.constant 0 : i32
    %dma_wait3A_58 = arith.constant 0 : i32
    %dma_wait3A_59 = tpu.memref_slice %arg6[%dma_wait3A_56, %dma_wait3A_57, %dma_wait3A_58] : memref<3x512x64xf32, #tpu.memory_space<vmem>> -> memref<1x512x64xf32, #tpu.memory_space<vmem>>
    %dma_wait3A_60 = tpu.memref_squeeze %dma_wait3A_59 : memref<1x512x64xf32, #tpu.memory_space<vmem>> -> memref<512x64xf32, #tpu.memory_space<vmem>>
    %dma_wait3A_61 = arith.constant 0 : i32
    %dma_wait3A_62 = tpu.memref_slice %arg4[%add3A_42, %dma_wait3A_61] : memref<327680x64xf32, #tpu.memory_space<hbm>> -> memref<512x64xf32, #tpu.memory_space<hbm>>
    %dma_wait3A_63 = arith.constant 0 : i32
    %dma_wait3A_64 = tpu.memref_slice %arg4[%add3A_42, %dma_wait3A_63] : memref<327680x64xf32, #tpu.memory_space<hbm>> -> memref<512x64xf32, #tpu.memory_space<hbm>>
    %dma_wait3A_65 = arith.constant 0 : i32
    %dma_wait3A_66 = arith.constant 0 : i32
    %dma_wait3A_67 = tpu.memref_slice %arg6[%dma_wait3A_56, %dma_wait3A_65, %dma_wait3A_66] : memref<3x512x64xf32, #tpu.memory_space<vmem>> -> memref<1x512x64xf32, #tpu.memory_space<vmem>>
    %dma_wait3A_68 = tpu.memref_squeeze %dma_wait3A_67 : memref<1x512x64xf32, #tpu.memory_space<vmem>> -> memref<512x64xf32, #tpu.memory_space<vmem>>
    tpu.wait_dma2 semaphore(%arg10 : memref<!tpu.dma_semaphore, #tpu.memory_space<semaphore_mem>>) src(%dma_wait3A_68 : memref<512x64xf32, #tpu.memory_space<vmem>>) dst(%dma_wait3A_64 : memref<512x64xf32, #tpu.memory_space<hbm>>)
    %dma_start3A_69 = arith.constant 0 : i32
    %dma_start3A_70 = arith.constant 0 : i32
    %dma_start3A_71 = arith.constant 0 : i32
    %dma_start3A_72 = tpu.memref_slice %arg6[%dma_start3A_69, %dma_start3A_70, %dma_start3A_71] : memref<3x512x64xf32, #tpu.memory_space<vmem>> -> memref<1x512x64xf32, #tpu.memory_space<vmem>>
    %dma_start3A_73 = tpu.memref_squeeze %dma_start3A_72 : memref<1x512x64xf32, #tpu.memory_space<vmem>> -> memref<512x64xf32, #tpu.memory_space<vmem>>
    %dma_start3A_74 = arith.constant 1536 : i32
    %dma_start3A_75 = tpu.memref_slice %arg5[%dma_start3A_74] : memref<10240xi32, #tpu.memory_space<vmem>> -> memref<512xi32, #tpu.memory_space<vmem>>
    %dma_start3A_76 = arith.constant 0 : i32
    %dma_start3A_77 = arith.constant 0 : i32
    %dma_start3A_78 = tpu.memref_slice %arg3[%dma_start3A_76, %dma_start3A_77] : memref<1000000x64xf32, #tpu.memory_space<hbm>> -> memref<1000000x64xf32, #tpu.memory_space<hbm>>
    tpu.enqueue_indirect_dma source(%dma_start3A_78 : memref<1000000x64xf32, #tpu.memory_space<hbm>>) target(%dma_start3A_73 : memref<512x64xf32, #tpu.memory_space<vmem>>) offsets(%dma_start3A_75 : memref<512xi32, #tpu.memory_space<vmem>>) semaphore(%arg7 : memref<!tpu.dma_semaphore, #tpu.memory_space<semaphore_mem>>)
    %dma_wait3A_79 = arith.constant 1 : i32
    %dma_wait3A_80 = arith.constant 0 : i32
    %dma_wait3A_81 = arith.constant 0 : i32
    %dma_wait3A_82 = tpu.memref_slice %arg6[%dma_wait3A_79, %dma_wait3A_80, %dma_wait3A_81] : memref<3x512x64xf32, #tpu.memory_space<vmem>> -> memref<1x512x64xf32, #tpu.memory_space<vmem>>
    %dma_wait3A_83 = tpu.memref_squeeze %dma_wait3A_82 : memref<1x512x64xf32, #tpu.memory_space<vmem>> -> memref<512x64xf32, #tpu.memory_space<vmem>>
    %dma_wait3A_84 = arith.constant 512 : i32
    %dma_wait3A_85 = tpu.memref_slice %arg5[%dma_wait3A_84] : memref<10240xi32, #tpu.memory_space<vmem>> -> memref<512xi32, #tpu.memory_space<vmem>>
    %dma_wait3A_86 = arith.constant 0 : i32
    %dma_wait3A_87 = arith.constant 0 : i32
    %dma_wait3A_88 = tpu.memref_slice %arg3[%dma_wait3A_86, %dma_wait3A_87] : memref<1000000x64xf32, #tpu.memory_space<hbm>> -> memref<1000000x64xf32, #tpu.memory_space<hbm>>
    tpu.wait_indirect_dma semaphore(%arg8 : memref<!tpu.dma_semaphore, #tpu.memory_space<semaphore_mem>>) src(%dma_wait3A_88 : memref<1000000x64xf32, #tpu.memory_space<hbm>>) dst(%dma_wait3A_83 : memref<512x64xf32, #tpu.memory_space<vmem>>)
    %add3A_89 = arith.constant 512 : i32
    %add3A_90 = arith.addi %mul3A_2, %add3A_89 : i32
    %dma_start3A_91 = arith.constant 1 : i32
    %dma_start3A_92 = arith.constant 0 : i32
    %dma_start3A_93 = arith.constant 0 : i32
    %dma_start3A_94 = tpu.memref_slice %arg6[%dma_start3A_91, %dma_start3A_92, %dma_start3A_93] : memref<3x512x64xf32, #tpu.memory_space<vmem>> -> memref<1x512x64xf32, #tpu.memory_space<vmem>>
    %dma_start3A_95 = tpu.memref_squeeze %dma_start3A_94 : memref<1x512x64xf32, #tpu.memory_space<vmem>> -> memref<512x64xf32, #tpu.memory_space<vmem>>
    %dma_start3A_96 = arith.constant 0 : i32
    %dma_start3A_97 = tpu.memref_slice %arg4[%add3A_90, %dma_start3A_96] : memref<327680x64xf32, #tpu.memory_space<hbm>> -> memref<512x64xf32, #tpu.memory_space<hbm>>
    %dma_start3A_98 = arith.constant 0 : i32
    %dma_start3A_99 = tpu.memref_slice %arg4[%add3A_90, %dma_start3A_98] : memref<327680x64xf32, #tpu.memory_space<hbm>> -> memref<512x64xf32, #tpu.memory_space<hbm>>
    %dma_start3A_100 = arith.constant 0 : i32
    %dma_start3A_101 = arith.constant 0 : i32
    %dma_start3A_102 = tpu.memref_slice %arg6[%dma_start3A_91, %dma_start3A_100, %dma_start3A_101] : memref<3x512x64xf32, #tpu.memory_space<vmem>> -> memref<1x512x64xf32, #tpu.memory_space<vmem>>
    %dma_start3A_103 = tpu.memref_squeeze %dma_start3A_102 : memref<1x512x64xf32, #tpu.memory_space<vmem>> -> memref<512x64xf32, #tpu.memory_space<vmem>>
    tpu.enqueue_dma source(%dma_start3A_103 : memref<512x64xf32, #tpu.memory_space<vmem>>) target(%dma_start3A_99 : memref<512x64xf32, #tpu.memory_space<hbm>>) target_semaphore(%arg11 : memref<!tpu.dma_semaphore, #tpu.memory_space<semaphore_mem>>)
    %dma_wait3A_104 = arith.constant 1 : i32
    %dma_wait3A_105 = arith.constant 0 : i32
    %dma_wait3A_106 = arith.constant 0 : i32
    %dma_wait3A_107 = tpu.memref_slice %arg6[%dma_wait3A_104, %dma_wait3A_105, %dma_wait3A_106] : memref<3x512x64xf32, #tpu.memory_space<vmem>> -> memref<1x512x64xf32, #tpu.memory_space<vmem>>
    %dma_wait3A_108 = tpu.memref_squeeze %dma_wait3A_107 : memref<1x512x64xf32, #tpu.memory_space<vmem>> -> memref<512x64xf32, #tpu.memory_space<vmem>>
    %dma_wait3A_109 = arith.constant 0 : i32
    %dma_wait3A_110 = tpu.memref_slice %arg4[%add3A_90, %dma_wait3A_109] : memref<327680x64xf32, #tpu.memory_space<hbm>> -> memref<512x64xf32, #tpu.memory_space<hbm>>
    %dma_wait3A_111 = arith.constant 0 : i32
    %dma_wait3A_112 = tpu.memref_slice %arg4[%add3A_90, %dma_wait3A_111] : memref<327680x64xf32, #tpu.memory_space<hbm>> -> memref<512x64xf32, #tpu.memory_space<hbm>>
    %dma_wait3A_113 = arith.constant 0 : i32
    %dma_wait3A_114 = arith.constant 0 : i32
    %dma_wait3A_115 = tpu.memref_slice %arg6[%dma_wait3A_104, %dma_wait3A_113, %dma_wait3A_114] : memref<3x512x64xf32, #tpu.memory_space<vmem>> -> memref<1x512x64xf32, #tpu.memory_space<vmem>>
    %dma_wait3A_116 = tpu.memref_squeeze %dma_wait3A_115 : memref<1x512x64xf32, #tpu.memory_space<vmem>> -> memref<512x64xf32, #tpu.memory_space<vmem>>
    tpu.wait_dma2 semaphore(%arg11 : memref<!tpu.dma_semaphore, #tpu.memory_space<semaphore_mem>>) src(%dma_wait3A_116 : memref<512x64xf32, #tpu.memory_space<vmem>>) dst(%dma_wait3A_112 : memref<512x64xf32, #tpu.memory_space<hbm>>)
    %dma_start3A_117 = arith.constant 1 : i32
    %dma_start3A_118 = arith.constant 0 : i32
    %dma_start3A_119 = arith.constant 0 : i32
    %dma_start3A_120 = tpu.memref_slice %arg6[%dma_start3A_117, %dma_start3A_118, %dma_start3A_119] : memref<3x512x64xf32, #tpu.memory_space<vmem>> -> memref<1x512x64xf32, #tpu.memory_space<vmem>>
    %dma_start3A_121 = tpu.memref_squeeze %dma_start3A_120 : memref<1x512x64xf32, #tpu.memory_space<vmem>> -> memref<512x64xf32, #tpu.memory_space<vmem>>
    %dma_start3A_122 = arith.constant 2048 : i32
    %dma_start3A_123 = tpu.memref_slice %arg5[%dma_start3A_122] : memref<10240xi32, #tpu.memory_space<vmem>> -> memref<512xi32, #tpu.memory_space<vmem>>
    %dma_start3A_124 = arith.constant 0 : i32
    %dma_start3A_125 = arith.constant 0 : i32
    %dma_start3A_126 = tpu.memref_slice %arg3[%dma_start3A_124, %dma_start3A_125] : memref<1000000x64xf32, #tpu.memory_space<hbm>> -> memref<1000000x64xf32, #tpu.memory_space<hbm>>
    tpu.enqueue_indirect_dma source(%dma_start3A_126 : memref<1000000x64xf32, #tpu.memory_space<hbm>>) target(%dma_start3A_121 : memref<512x64xf32, #tpu.memory_space<vmem>>) offsets(%dma_start3A_123 : memref<512xi32, #tpu.memory_space<vmem>>) semaphore(%arg8 : memref<!tpu.dma_semaphore, #tpu.memory_space<semaphore_mem>>)
    %dma_wait3A_127 = arith.constant 2 : i32
    %dma_wait3A_128 = arith.constant 0 : i32
    %dma_wait3A_129 = arith.constant 0 : i32
    %dma_wait3A_130 = tpu.memref_slice %arg6[%dma_wait3A_127, %dma_wait3A_128, %dma_wait3A_129] : memref<3x512x64xf32, #tpu.memory_space<vmem>> -> memref<1x512x64xf32, #tpu.memory_space<vmem>>
    %dma_wait3A_131 = tpu.memref_squeeze %dma_wait3A_130 : memref<1x512x64xf32, #tpu.memory_space<vmem>> -> memref<512x64xf32, #tpu.memory_space<vmem>>
    %dma_wait3A_132 = arith.constant 1024 : i32
    %dma_wait3A_133 = tpu.memref_slice %arg5[%dma_wait3A_132] : memref<10240xi32, #tpu.memory_space<vmem>> -> memref<512xi32, #tpu.memory_space<vmem>>
    %dma_wait3A_134 = arith.constant 0 : i32
    %dma_wait3A_135 = arith.constant 0 : i32
    %dma_wait3A_136 = tpu.memref_slice %arg3[%dma_wait3A_134, %dma_wait3A_135] : memref<1000000x64xf32, #tpu.memory_space<hbm>> -> memref<1000000x64xf32, #tpu.memory_space<hbm>>
    tpu.wait_indirect_dma semaphore(%arg9 : memref<!tpu.dma_semaphore, #tpu.memory_space<semaphore_mem>>) src(%dma_wait3A_136 : memref<1000000x64xf32, #tpu.memory_space<hbm>>) dst(%dma_wait3A_131 : memref<512x64xf32, #tpu.memory_space<vmem>>)
    %add3A_137 = arith.constant 1024 : i32
    %add3A_138 = arith.addi %mul3A_2, %add3A_137 : i32
    %dma_start3A_139 = arith.constant 2 : i32
    %dma_start3A_140 = arith.constant 0 : i32
    %dma_start3A_141 = arith.constant 0 : i32
    %dma_start3A_142 = tpu.memref_slice %arg6[%dma_start3A_139, %dma_start3A_140, %dma_start3A_141] : memref<3x512x64xf32, #tpu.memory_space<vmem>> -> memref<1x512x64xf32, #tpu.memory_space<vmem>>
    %dma_start3A_143 = tpu.memref_squeeze %dma_start3A_142 : memref<1x512x64xf32, #tpu.memory_space<vmem>> -> memref<512x64xf32, #tpu.memory_space<vmem>>
    %dma_start3A_144 = arith.constant 0 : i32
    %dma_start3A_145 = tpu.memref_slice %arg4[%add3A_138, %dma_start3A_144] : memref<327680x64xf32, #tpu.memory_space<hbm>> -> memref<512x64xf32, #tpu.memory_space<hbm>>
    %dma_start3A_146 = arith.constant 0 : i32
    %dma_start3A_147 = tpu.memref_slice %arg4[%add3A_138, %dma_start3A_146] : memref<327680x64xf32, #tpu.memory_space<hbm>> -> memref<512x64xf32, #tpu.memory_space<hbm>>
    %dma_start3A_148 = arith.constant 0 : i32
    %dma_start3A_149 = arith.constant 0 : i32
    %dma_start3A_150 = tpu.memref_slice %arg6[%dma_start3A_139, %dma_start3A_148, %dma_start3A_149] : memref<3x512x64xf32, #tpu.memory_space<vmem>> -> memref<1x512x64xf32, #tpu.memory_space<vmem>>
    %dma_start3A_151 = tpu.memref_squeeze %dma_start3A_150 : memref<1x512x64xf32, #tpu.memory_space<vmem>> -> memref<512x64xf32, #tpu.memory_space<vmem>>
    tpu.enqueue_dma source(%dma_start3A_151 : memref<512x64xf32, #tpu.memory_space<vmem>>) target(%dma_start3A_147 : memref<512x64xf32, #tpu.memory_space<hbm>>) target_semaphore(%arg12 : memref<!tpu.dma_semaphore, #tpu.memory_space<semaphore_mem>>)
    %dma_wait3A_152 = arith.constant 2 : i32
    %dma_wait3A_153 = arith.constant 0 : i32
    %dma_wait3A_154 = arith.constant 0 : i32
    %dma_wait3A_155 = tpu.memref_slice %arg6[%dma_wait3A_152, %dma_wait3A_153, %dma_wait3A_154] : memref<3x512x64xf32, #tpu.memory_space<vmem>> -> memref<1x512x64xf32, #tpu.memory_space<vmem>>
    %dma_wait3A_156 = tpu.memref_squeeze %dma_wait3A_155 : memref<1x512x64xf32, #tpu.memory_space<vmem>> -> memref<512x64xf32, #tpu.memory_space<vmem>>
    %dma_wait3A_157 = arith.constant 0 : i32
    %dma_wait3A_158 = tpu.memref_slice %arg4[%add3A_138, %dma_wait3A_157] : memref<327680x64xf32, #tpu.memory_space<hbm>> -> memref<512x64xf32, #tpu.memory_space<hbm>>
    %dma_wait3A_159 = arith.constant 0 : i32
    %dma_wait3A_160 = tpu.memref_slice %arg4[%add3A_138, %dma_wait3A_159] : memref<327680x64xf32, #tpu.memory_space<hbm>> -> memref<512x64xf32, #tpu.memory_space<hbm>>
    %dma_wait3A_161 = arith.constant 0 : i32
    %dma_wait3A_162 = arith.constant 0 : i32
    %dma_wait3A_163 = tpu.memref_slice %arg6[%dma_wait3A_152, %dma_wait3A_161, %dma_wait3A_162] : memref<3x512x64xf32, #tpu.memory_space<vmem>> -> memref<1x512x64xf32, #tpu.memory_space<vmem>>
    %dma_wait3A_164 = tpu.memref_squeeze %dma_wait3A_163 : memref<1x512x64xf32, #tpu.memory_space<vmem>> -> memref<512x64xf32, #tpu.memory_space<vmem>>
    tpu.wait_dma2 semaphore(%arg12 : memref<!tpu.dma_semaphore, #tpu.memory_space<semaphore_mem>>) src(%dma_wait3A_164 : memref<512x64xf32, #tpu.memory_space<vmem>>) dst(%dma_wait3A_160 : memref<512x64xf32, #tpu.memory_space<hbm>>)
    %dma_start3A_165 = arith.constant 2 : i32
    %dma_start3A_166 = arith.constant 0 : i32
    %dma_start3A_167 = arith.constant 0 : i32
    %dma_start3A_168 = tpu.memref_slice %arg6[%dma_start3A_165, %dma_start3A_166, %dma_start3A_167] : memref<3x512x64xf32, #tpu.memory_space<vmem>> -> memref<1x512x64xf32, #tpu.memory_space<vmem>>
    %dma_start3A_169 = tpu.memref_squeeze %dma_start3A_168 : memref<1x512x64xf32, #tpu.memory_space<vmem>> -> memref<512x64xf32, #tpu.memory_space<vmem>>
    %dma_start3A_170 = arith.constant 2560 : i32
    %dma_start3A_171 = tpu.memref_slice %arg5[%dma_start3A_170] : memref<10240xi32, #tpu.memory_space<vmem>> -> memref<512xi32, #tpu.memory_space<vmem>>
    %dma_start3A_172 = arith.constant 0 : i32
    %dma_start3A_173 = arith.constant 0 : i32
    %dma_start3A_174 = tpu.memref_slice %arg3[%dma_start3A_172, %dma_start3A_173] : memref<1000000x64xf32, #tpu.memory_space<hbm>> -> memref<1000000x64xf32, #tpu.memory_space<hbm>>
    tpu.enqueue_indirect_dma source(%dma_start3A_174 : memref<1000000x64xf32, #tpu.memory_space<hbm>>) target(%dma_start3A_169 : memref<512x64xf32, #tpu.memory_space<vmem>>) offsets(%dma_start3A_171 : memref<512xi32, #tpu.memory_space<vmem>>) semaphore(%arg9 : memref<!tpu.dma_semaphore, #tpu.memory_space<semaphore_mem>>)
    %dma_wait3A_175 = arith.constant 0 : i32
    %dma_wait3A_176 = arith.constant 0 : i32
    %dma_wait3A_177 = arith.constant 0 : i32
    %dma_wait3A_178 = tpu.memref_slice %arg6[%dma_wait3A_175, %dma_wait3A_176, %dma_wait3A_177] : memref<3x512x64xf32, #tpu.memory_space<vmem>> -> memref<1x512x64xf32, #tpu.memory_space<vmem>>
    %dma_wait3A_179 = tpu.memref_squeeze %dma_wait3A_178 : memref<1x512x64xf32, #tpu.memory_space<vmem>> -> memref<512x64xf32, #tpu.memory_space<vmem>>
    %dma_wait3A_180 = arith.constant 1536 : i32
    %dma_wait3A_181 = tpu.memref_slice %arg5[%dma_wait3A_180] : memref<10240xi32, #tpu.memory_space<vmem>> -> memref<512xi32, #tpu.memory_space<vmem>>
    %dma_wait3A_182 = arith.constant 0 : i32
    %dma_wait3A_183 = arith.constant 0 : i32
    %dma_wait3A_184 = tpu.memref_slice %arg3[%dma_wait3A_182, %dma_wait3A_183] : memref<1000000x64xf32, #tpu.memory_space<hbm>> -> memref<1000000x64xf32, #tpu.memory_space<hbm>>
    tpu.wait_indirect_dma semaphore(%arg7 : memref<!tpu.dma_semaphore, #tpu.memory_space<semaphore_mem>>) src(%dma_wait3A_184 : memref<1000000x64xf32, #tpu.memory_space<hbm>>) dst(%dma_wait3A_179 : memref<512x64xf32, #tpu.memory_space<vmem>>)
    %add3A_185 = arith.constant 1536 : i32
    %add3A_186 = arith.addi %mul3A_2, %add3A_185 : i32
    %dma_start3A_187 = arith.constant 0 : i32
    %dma_start3A_188 = arith.constant 0 : i32
    %dma_start3A_189 = arith.constant 0 : i32
    %dma_start3A_190 = tpu.memref_slice %arg6[%dma_start3A_187, %dma_start3A_188, %dma_start3A_189] : memref<3x512x64xf32, #tpu.memory_space<vmem>> -> memref<1x512x64xf32, #tpu.memory_space<vmem>>
    %dma_start3A_191 = tpu.memref_squeeze %dma_start3A_190 : memref<1x512x64xf32, #tpu.memory_space<vmem>> -> memref<512x64xf32, #tpu.memory_space<vmem>>
    %dma_start3A_192 = arith.constant 0 : i32
    %dma_start3A_193 = tpu.memref_slice %arg4[%add3A_186, %dma_start3A_192] : memref<327680x64xf32, #tpu.memory_space<hbm>> -> memref<512x64xf32, #tpu.memory_space<hbm>>
    %dma_start3A_194 = arith.constant 0 : i32
    %dma_start3A_195 = tpu.memref_slice %arg4[%add3A_186, %dma_start3A_194] : memref<327680x64xf32, #tpu.memory_space<hbm>> -> memref<512x64xf32, #tpu.memory_space<hbm>>
    %dma_start3A_196 = arith.constant 0 : i32
    %dma_start3A_197 = arith.constant 0 : i32
    %dma_start3A_198 = tpu.memref_slice %arg6[%dma_start3A_187, %dma_start3A_196, %dma_start3A_197] : memref<3x512x64xf32, #tpu.memory_space<vmem>> -> memref<1x512x64xf32, #tpu.memory_space<vmem>>
    %dma_start3A_199 = tpu.memref_squeeze %dma_start3A_198 : memref<1x512x64xf32, #tpu.memory_space<vmem>> -> memref<512x64xf32, #tpu.memory_space<vmem>>
    tpu.enqueue_dma source(%dma_start3A_199 : memref<512x64xf32, #tpu.memory_space<vmem>>) target(%dma_start3A_195 : memref<512x64xf32, #tpu.memory_space<hbm>>) target_semaphore(%arg10 : memref<!tpu.dma_semaphore, #tpu.memory_space<semaphore_mem>>)
    %dma_wait3A_200 = arith.constant 0 : i32
    %dma_wait3A_201 = arith.constant 0 : i32
    %dma_wait3A_202 = arith.constant 0 : i32
    %dma_wait3A_203 = tpu.memref_slice %arg6[%dma_wait3A_200, %dma_wait3A_201, %dma_wait3A_202] : memref<3x512x64xf32, #tpu.memory_space<vmem>> -> memref<1x512x64xf32, #tpu.memory_space<vmem>>
    %dma_wait3A_204 = tpu.memref_squeeze %dma_wait3A_203 : memref<1x512x64xf32, #tpu.memory_space<vmem>> -> memref<512x64xf32, #tpu.memory_space<vmem>>
    %dma_wait3A_205 = arith.constant 0 : i32
    %dma_wait3A_206 = tpu.memref_slice %arg4[%add3A_186, %dma_wait3A_205] : memref<327680x64xf32, #tpu.memory_space<hbm>> -> memref<512x64xf32, #tpu.memory_space<hbm>>
    %dma_wait3A_207 = arith.constant 0 : i32
    %dma_wait3A_208 = tpu.memref_slice %arg4[%add3A_186, %dma_wait3A_207] : memref<327680x64xf32, #tpu.memory_space<hbm>> -> memref<512x64xf32, #tpu.memory_space<hbm>>
    %dma_wait3A_209 = arith.constant 0 : i32
    %dma_wait3A_210 = arith.constant 0 : i32
    %dma_wait3A_211 = tpu.memref_slice %arg6[%dma_wait3A_200, %dma_wait3A_209, %dma_wait3A_210] : memref<3x512x64xf32, #tpu.memory_space<vmem>> -> memref<1x512x64xf32, #tpu.memory_space<vmem>>
    %dma_wait3A_212 = tpu.memref_squeeze %dma_wait3A_211 : memref<1x512x64xf32, #tpu.memory_space<vmem>> -> memref<512x64xf32, #tpu.memory_space<vmem>>
    tpu.wait_dma2 semaphore(%arg10 : memref<!tpu.dma_semaphore, #tpu.memory_space<semaphore_mem>>) src(%dma_wait3A_212 : memref<512x64xf32, #tpu.memory_space<vmem>>) dst(%dma_wait3A_208 : memref<512x64xf32, #tpu.memory_space<hbm>>)
    %dma_start3A_213 = arith.constant 0 : i32
    %dma_start3A_214 = arith.constant 0 : i32
    %dma_start3A_215 = arith.constant 0 : i32
    %dma_start3A_216 = tpu.memref_slice %arg6[%dma_start3A_213, %dma_start3A_214, %dma_start3A_215] : memref<3x512x64xf32, #tpu.memory_space<vmem>> -> memref<1x512x64xf32, #tpu.memory_space<vmem>>
    %dma_start3A_217 = tpu.memref_squeeze %dma_start3A_216 : memref<1x512x64xf32, #tpu.memory_space<vmem>> -> memref<512x64xf32, #tpu.memory_space<vmem>>
    %dma_start3A_218 = arith.constant 3072 : i32
    %dma_start3A_219 = tpu.memref_slice %arg5[%dma_start3A_218] : memref<10240xi32, #tpu.memory_space<vmem>> -> memref<512xi32, #tpu.memory_space<vmem>>
    %dma_start3A_220 = arith.constant 0 : i32
    %dma_start3A_221 = arith.constant 0 : i32
    %dma_start3A_222 = tpu.memref_slice %arg3[%dma_start3A_220, %dma_start3A_221] : memref<1000000x64xf32, #tpu.memory_space<hbm>> -> memref<1000000x64xf32, #tpu.memory_space<hbm>>
    tpu.enqueue_indirect_dma source(%dma_start3A_222 : memref<1000000x64xf32, #tpu.memory_space<hbm>>) target(%dma_start3A_217 : memref<512x64xf32, #tpu.memory_space<vmem>>) offsets(%dma_start3A_219 : memref<512xi32, #tpu.memory_space<vmem>>) semaphore(%arg7 : memref<!tpu.dma_semaphore, #tpu.memory_space<semaphore_mem>>)
    %dma_wait3A_223 = arith.constant 1 : i32
    %dma_wait3A_224 = arith.constant 0 : i32
    %dma_wait3A_225 = arith.constant 0 : i32
    %dma_wait3A_226 = tpu.memref_slice %arg6[%dma_wait3A_223, %dma_wait3A_224, %dma_wait3A_225] : memref<3x512x64xf32, #tpu.memory_space<vmem>> -> memref<1x512x64xf32, #tpu.memory_space<vmem>>
    %dma_wait3A_227 = tpu.memref_squeeze %dma_wait3A_226 : memref<1x512x64xf32, #tpu.memory_space<vmem>> -> memref<512x64xf32, #tpu.memory_space<vmem>>
    %dma_wait3A_228 = arith.constant 2048 : i32
    %dma_wait3A_229 = tpu.memref_slice %arg5[%dma_wait3A_228] : memref<10240xi32, #tpu.memory_space<vmem>> -> memref<512xi32, #tpu.memory_space<vmem>>
    %dma_wait3A_230 = arith.constant 0 : i32
    %dma_wait3A_231 = arith.constant 0 : i32
    %dma_wait3A_232 = tpu.memref_slice %arg3[%dma_wait3A_230, %dma_wait3A_231] : memref<1000000x64xf32, #tpu.memory_space<hbm>> -> memref<1000000x64xf32, #tpu.memory_space<hbm>>
    tpu.wait_indirect_dma semaphore(%arg8 : memref<!tpu.dma_semaphore, #tpu.memory_space<semaphore_mem>>) src(%dma_wait3A_232 : memref<1000000x64xf32, #tpu.memory_space<hbm>>) dst(%dma_wait3A_227 : memref<512x64xf32, #tpu.memory_space<vmem>>)
    %add3A_233 = arith.constant 2048 : i32
    %add3A_234 = arith.addi %mul3A_2, %add3A_233 : i32
    %dma_start3A_235 = arith.constant 1 : i32
    %dma_start3A_236 = arith.constant 0 : i32
    %dma_start3A_237 = arith.constant 0 : i32
    %dma_start3A_238 = tpu.memref_slice %arg6[%dma_start3A_235, %dma_start3A_236, %dma_start3A_237] : memref<3x512x64xf32, #tpu.memory_space<vmem>> -> memref<1x512x64xf32, #tpu.memory_space<vmem>>
    %dma_start3A_239 = tpu.memref_squeeze %dma_start3A_238 : memref<1x512x64xf32, #tpu.memory_space<vmem>> -> memref<512x64xf32, #tpu.memory_space<vmem>>
    %dma_start3A_240 = arith.constant 0 : i32
    %dma_start3A_241 = tpu.memref_slice %arg4[%add3A_234, %dma_start3A_240] : memref<327680x64xf32, #tpu.memory_space<hbm>> -> memref<512x64xf32, #tpu.memory_space<hbm>>
    %dma_start3A_242 = arith.constant 0 : i32
    %dma_start3A_243 = tpu.memref_slice %arg4[%add3A_234, %dma_start3A_242] : memref<327680x64xf32, #tpu.memory_space<hbm>> -> memref<512x64xf32, #tpu.memory_space<hbm>>
    %dma_start3A_244 = arith.constant 0 : i32
    %dma_start3A_245 = arith.constant 0 : i32
    %dma_start3A_246 = tpu.memref_slice %arg6[%dma_start3A_235, %dma_start3A_244, %dma_start3A_245] : memref<3x512x64xf32, #tpu.memory_space<vmem>> -> memref<1x512x64xf32, #tpu.memory_space<vmem>>
    %dma_start3A_247 = tpu.memref_squeeze %dma_start3A_246 : memref<1x512x64xf32, #tpu.memory_space<vmem>> -> memref<512x64xf32, #tpu.memory_space<vmem>>
    tpu.enqueue_dma source(%dma_start3A_247 : memref<512x64xf32, #tpu.memory_space<vmem>>) target(%dma_start3A_243 : memref<512x64xf32, #tpu.memory_space<hbm>>) target_semaphore(%arg11 : memref<!tpu.dma_semaphore, #tpu.memory_space<semaphore_mem>>)
    %dma_wait3A_248 = arith.constant 1 : i32
    %dma_wait3A_249 = arith.constant 0 : i32
    %dma_wait3A_250 = arith.constant 0 : i32
    %dma_wait3A_251 = tpu.memref_slice %arg6[%dma_wait3A_248, %dma_wait3A_249, %dma_wait3A_250] : memref<3x512x64xf32, #tpu.memory_space<vmem>> -> memref<1x512x64xf32, #tpu.memory_space<vmem>>
    %dma_wait3A_252 = tpu.memref_squeeze %dma_wait3A_251 : memref<1x512x64xf32, #tpu.memory_space<vmem>> -> memref<512x64xf32, #tpu.memory_space<vmem>>
    %dma_wait3A_253 = arith.constant 0 : i32
    %dma_wait3A_254 = tpu.memref_slice %arg4[%add3A_234, %dma_wait3A_253] : memref<327680x64xf32, #tpu.memory_space<hbm>> -> memref<512x64xf32, #tpu.memory_space<hbm>>
    %dma_wait3A_255 = arith.constant 0 : i32
    %dma_wait3A_256 = tpu.memref_slice %arg4[%add3A_234, %dma_wait3A_255] : memref<327680x64xf32, #tpu.memory_space<hbm>> -> memref<512x64xf32, #tpu.memory_space<hbm>>
    %dma_wait3A_257 = arith.constant 0 : i32
    %dma_wait3A_258 = arith.constant 0 : i32
    %dma_wait3A_259 = tpu.memref_slice %arg6[%dma_wait3A_248, %dma_wait3A_257, %dma_wait3A_258] : memref<3x512x64xf32, #tpu.memory_space<vmem>> -> memref<1x512x64xf32, #tpu.memory_space<vmem>>
    %dma_wait3A_260 = tpu.memref_squeeze %dma_wait3A_259 : memref<1x512x64xf32, #tpu.memory_space<vmem>> -> memref<512x64xf32, #tpu.memory_space<vmem>>
    tpu.wait_dma2 semaphore(%arg11 : memref<!tpu.dma_semaphore, #tpu.memory_space<semaphore_mem>>) src(%dma_wait3A_260 : memref<512x64xf32, #tpu.memory_space<vmem>>) dst(%dma_wait3A_256 : memref<512x64xf32, #tpu.memory_space<hbm>>)
    %dma_start3A_261 = arith.constant 1 : i32
    %dma_start3A_262 = arith.constant 0 : i32
    %dma_start3A_263 = arith.constant 0 : i32
    %dma_start3A_264 = tpu.memref_slice %arg6[%dma_start3A_261, %dma_start3A_262, %dma_start3A_263] : memref<3x512x64xf32, #tpu.memory_space<vmem>> -> memref<1x512x64xf32, #tpu.memory_space<vmem>>
    %dma_start3A_265 = tpu.memref_squeeze %dma_start3A_264 : memref<1x512x64xf32, #tpu.memory_space<vmem>> -> memref<512x64xf32, #tpu.memory_space<vmem>>
    %dma_start3A_266 = arith.constant 3584 : i32
    %dma_start3A_267 = tpu.memref_slice %arg5[%dma_start3A_266] : memref<10240xi32, #tpu.memory_space<vmem>> -> memref<512xi32, #tpu.memory_space<vmem>>
    %dma_start3A_268 = arith.constant 0 : i32
    %dma_start3A_269 = arith.constant 0 : i32
    %dma_start3A_270 = tpu.memref_slice %arg3[%dma_start3A_268, %dma_start3A_269] : memref<1000000x64xf32, #tpu.memory_space<hbm>> -> memref<1000000x64xf32, #tpu.memory_space<hbm>>
    tpu.enqueue_indirect_dma source(%dma_start3A_270 : memref<1000000x64xf32, #tpu.memory_space<hbm>>) target(%dma_start3A_265 : memref<512x64xf32, #tpu.memory_space<vmem>>) offsets(%dma_start3A_267 : memref<512xi32, #tpu.memory_space<vmem>>) semaphore(%arg8 : memref<!tpu.dma_semaphore, #tpu.memory_space<semaphore_mem>>)
    %dma_wait3A_271 = arith.constant 2 : i32
    %dma_wait3A_272 = arith.constant 0 : i32
    %dma_wait3A_273 = arith.constant 0 : i32
    %dma_wait3A_274 = tpu.memref_slice %arg6[%dma_wait3A_271, %dma_wait3A_272, %dma_wait3A_273] : memref<3x512x64xf32, #tpu.memory_space<vmem>> -> memref<1x512x64xf32, #tpu.memory_space<vmem>>
    %dma_wait3A_275 = tpu.memref_squeeze %dma_wait3A_274 : memref<1x512x64xf32, #tpu.memory_space<vmem>> -> memref<512x64xf32, #tpu.memory_space<vmem>>
    %dma_wait3A_276 = arith.constant 2560 : i32
    %dma_wait3A_277 = tpu.memref_slice %arg5[%dma_wait3A_276] : memref<10240xi32, #tpu.memory_space<vmem>> -> memref<512xi32, #tpu.memory_space<vmem>>
    %dma_wait3A_278 = arith.constant 0 : i32
    %dma_wait3A_279 = arith.constant 0 : i32
    %dma_wait3A_280 = tpu.memref_slice %arg3[%dma_wait3A_278, %dma_wait3A_279] : memref<1000000x64xf32, #tpu.memory_space<hbm>> -> memref<1000000x64xf32, #tpu.memory_space<hbm>>
    tpu.wait_indirect_dma semaphore(%arg9 : memref<!tpu.dma_semaphore, #tpu.memory_space<semaphore_mem>>) src(%dma_wait3A_280 : memref<1000000x64xf32, #tpu.memory_space<hbm>>) dst(%dma_wait3A_275 : memref<512x64xf32, #tpu.memory_space<vmem>>)
    %add3A_281 = arith.constant 2560 : i32
    %add3A_282 = arith.addi %mul3A_2, %add3A_281 : i32
    %dma_start3A_283 = arith.constant 2 : i32
    %dma_start3A_284 = arith.constant 0 : i32
    %dma_start3A_285 = arith.constant 0 : i32
    %dma_start3A_286 = tpu.memref_slice %arg6[%dma_start3A_283, %dma_start3A_284, %dma_start3A_285] : memref<3x512x64xf32, #tpu.memory_space<vmem>> -> memref<1x512x64xf32, #tpu.memory_space<vmem>>
    %dma_start3A_287 = tpu.memref_squeeze %dma_start3A_286 : memref<1x512x64xf32, #tpu.memory_space<vmem>> -> memref<512x64xf32, #tpu.memory_space<vmem>>
    %dma_start3A_288 = arith.constant 0 : i32
    %dma_start3A_289 = tpu.memref_slice %arg4[%add3A_282, %dma_start3A_288] : memref<327680x64xf32, #tpu.memory_space<hbm>> -> memref<512x64xf32, #tpu.memory_space<hbm>>
    %dma_start3A_290 = arith.constant 0 : i32
    %dma_start3A_291 = tpu.memref_slice %arg4[%add3A_282, %dma_start3A_290] : memref<327680x64xf32, #tpu.memory_space<hbm>> -> memref<512x64xf32, #tpu.memory_space<hbm>>
    %dma_start3A_292 = arith.constant 0 : i32
    %dma_start3A_293 = arith.constant 0 : i32
    %dma_start3A_294 = tpu.memref_slice %arg6[%dma_start3A_283, %dma_start3A_292, %dma_start3A_293] : memref<3x512x64xf32, #tpu.memory_space<vmem>> -> memref<1x512x64xf32, #tpu.memory_space<vmem>>
    %dma_start3A_295 = tpu.memref_squeeze %dma_start3A_294 : memref<1x512x64xf32, #tpu.memory_space<vmem>> -> memref<512x64xf32, #tpu.memory_space<vmem>>
    tpu.enqueue_dma source(%dma_start3A_295 : memref<512x64xf32, #tpu.memory_space<vmem>>) target(%dma_start3A_291 : memref<512x64xf32, #tpu.memory_space<hbm>>) target_semaphore(%arg12 : memref<!tpu.dma_semaphore, #tpu.memory_space<semaphore_mem>>)
    %dma_wait3A_296 = arith.constant 2 : i32
    %dma_wait3A_297 = arith.constant 0 : i32
    %dma_wait3A_298 = arith.constant 0 : i32
    %dma_wait3A_299 = tpu.memref_slice %arg6[%dma_wait3A_296, %dma_wait3A_297, %dma_wait3A_298] : memref<3x512x64xf32, #tpu.memory_space<vmem>> -> memref<1x512x64xf32, #tpu.memory_space<vmem>>
    %dma_wait3A_300 = tpu.memref_squeeze %dma_wait3A_299 : memref<1x512x64xf32, #tpu.memory_space<vmem>> -> memref<512x64xf32, #tpu.memory_space<vmem>>
    %dma_wait3A_301 = arith.constant 0 : i32
    %dma_wait3A_302 = tpu.memref_slice %arg4[%add3A_282, %dma_wait3A_301] : memref<327680x64xf32, #tpu.memory_space<hbm>> -> memref<512x64xf32, #tpu.memory_space<hbm>>
    %dma_wait3A_303 = arith.constant 0 : i32
    %dma_wait3A_304 = tpu.memref_slice %arg4[%add3A_282, %dma_wait3A_303] : memref<327680x64xf32, #tpu.memory_space<hbm>> -> memref<512x64xf32, #tpu.memory_space<hbm>>
    %dma_wait3A_305 = arith.constant 0 : i32
    %dma_wait3A_306 = arith.constant 0 : i32
    %dma_wait3A_307 = tpu.memref_slice %arg6[%dma_wait3A_296, %dma_wait3A_305, %dma_wait3A_306] : memref<3x512x64xf32, #tpu.memory_space<vmem>> -> memref<1x512x64xf32, #tpu.memory_space<vmem>>
    %dma_wait3A_308 = tpu.memref_squeeze %dma_wait3A_307 : memref<1x512x64xf32, #tpu.memory_space<vmem>> -> memref<512x64xf32, #tpu.memory_space<vmem>>
    tpu.wait_dma2 semaphore(%arg12 : memref<!tpu.dma_semaphore, #tpu.memory_space<semaphore_mem>>) src(%dma_wait3A_308 : memref<512x64xf32, #tpu.memory_space<vmem>>) dst(%dma_wait3A_304 : memref<512x64xf32, #tpu.memory_space<hbm>>)
    %dma_start3A_309 = arith.constant 2 : i32
    %dma_start3A_310 = arith.constant 0 : i32
    %dma_start3A_311 = arith.constant 0 : i32
    %dma_start3A_312 = tpu.memref_slice %arg6[%dma_start3A_309, %dma_start3A_310, %dma_start3A_311] : memref<3x512x64xf32, #tpu.memory_space<vmem>> -> memref<1x512x64xf32, #tpu.memory_space<vmem>>
    %dma_start3A_313 = tpu.memref_squeeze %dma_start3A_312 : memref<1x512x64xf32, #tpu.memory_space<vmem>> -> memref<512x64xf32, #tpu.memory_space<vmem>>
    %dma_start3A_314 = arith.constant 4096 : i32
    %dma_start3A_315 = tpu.memref_slice %arg5[%dma_start3A_314] : memref<10240xi32, #tpu.memory_space<vmem>> -> memref<512xi32, #tpu.memory_space<vmem>>
    %dma_start3A_316 = arith.constant 0 : i32
    %dma_start3A_317 = arith.constant 0 : i32
    %dma_start3A_318 = tpu.memref_slice %arg3[%dma_start3A_316, %dma_start3A_317] : memref<1000000x64xf32, #tpu.memory_space<hbm>> -> memref<1000000x64xf32, #tpu.memory_space<hbm>>
    tpu.enqueue_indirect_dma source(%dma_start3A_318 : memref<1000000x64xf32, #tpu.memory_space<hbm>>) target(%dma_start3A_313 : memref<512x64xf32, #tpu.memory_space<vmem>>) offsets(%dma_start3A_315 : memref<512xi32, #tpu.memory_space<vmem>>) semaphore(%arg9 : memref<!tpu.dma_semaphore, #tpu.memory_space<semaphore_mem>>)
    %dma_wait3A_319 = arith.constant 0 : i32
    %dma_wait3A_320 = arith.constant 0 : i32
    %dma_wait3A_321 = arith.constant 0 : i32
    %dma_wait3A_322 = tpu.memref_slice %arg6[%dma_wait3A_319, %dma_wait3A_320, %dma_wait3A_321] : memref<3x512x64xf32, #tpu.memory_space<vmem>> -> memref<1x512x64xf32, #tpu.memory_space<vmem>>
    %dma_wait3A_323 = tpu.memref_squeeze %dma_wait3A_322 : memref<1x512x64xf32, #tpu.memory_space<vmem>> -> memref<512x64xf32, #tpu.memory_space<vmem>>
    %dma_wait3A_324 = arith.constant 3072 : i32
    %dma_wait3A_325 = tpu.memref_slice %arg5[%dma_wait3A_324] : memref<10240xi32, #tpu.memory_space<vmem>> -> memref<512xi32, #tpu.memory_space<vmem>>
    %dma_wait3A_326 = arith.constant 0 : i32
    %dma_wait3A_327 = arith.constant 0 : i32
    %dma_wait3A_328 = tpu.memref_slice %arg3[%dma_wait3A_326, %dma_wait3A_327] : memref<1000000x64xf32, #tpu.memory_space<hbm>> -> memref<1000000x64xf32, #tpu.memory_space<hbm>>
    tpu.wait_indirect_dma semaphore(%arg7 : memref<!tpu.dma_semaphore, #tpu.memory_space<semaphore_mem>>) src(%dma_wait3A_328 : memref<1000000x64xf32, #tpu.memory_space<hbm>>) dst(%dma_wait3A_323 : memref<512x64xf32, #tpu.memory_space<vmem>>)
    %add3A_329 = arith.constant 3072 : i32
    %add3A_330 = arith.addi %mul3A_2, %add3A_329 : i32
    %dma_start3A_331 = arith.constant 0 : i32
    %dma_start3A_332 = arith.constant 0 : i32
    %dma_start3A_333 = arith.constant 0 : i32
    %dma_start3A_334 = tpu.memref_slice %arg6[%dma_start3A_331, %dma_start3A_332, %dma_start3A_333] : memref<3x512x64xf32, #tpu.memory_space<vmem>> -> memref<1x512x64xf32, #tpu.memory_space<vmem>>
    %dma_start3A_335 = tpu.memref_squeeze %dma_start3A_334 : memref<1x512x64xf32, #tpu.memory_space<vmem>> -> memref<512x64xf32, #tpu.memory_space<vmem>>
    %dma_start3A_336 = arith.constant 0 : i32
    %dma_start3A_337 = tpu.memref_slice %arg4[%add3A_330, %dma_start3A_336] : memref<327680x64xf32, #tpu.memory_space<hbm>> -> memref<512x64xf32, #tpu.memory_space<hbm>>
    %dma_start3A_338 = arith.constant 0 : i32
    %dma_start3A_339 = tpu.memref_slice %arg4[%add3A_330, %dma_start3A_338] : memref<327680x64xf32, #tpu.memory_space<hbm>> -> memref<512x64xf32, #tpu.memory_space<hbm>>
    %dma_start3A_340 = arith.constant 0 : i32
    %dma_start3A_341 = arith.constant 0 : i32
    %dma_start3A_342 = tpu.memref_slice %arg6[%dma_start3A_331, %dma_start3A_340, %dma_start3A_341] : memref<3x512x64xf32, #tpu.memory_space<vmem>> -> memref<1x512x64xf32, #tpu.memory_space<vmem>>
    %dma_start3A_343 = tpu.memref_squeeze %dma_start3A_342 : memref<1x512x64xf32, #tpu.memory_space<vmem>> -> memref<512x64xf32, #tpu.memory_space<vmem>>
    tpu.enqueue_dma source(%dma_start3A_343 : memref<512x64xf32, #tpu.memory_space<vmem>>) target(%dma_start3A_339 : memref<512x64xf32, #tpu.memory_space<hbm>>) target_semaphore(%arg10 : memref<!tpu.dma_semaphore, #tpu.memory_space<semaphore_mem>>)
    %dma_wait3A_344 = arith.constant 0 : i32
    %dma_wait3A_345 = arith.constant 0 : i32
    %dma_wait3A_346 = arith.constant 0 : i32
    %dma_wait3A_347 = tpu.memref_slice %arg6[%dma_wait3A_344, %dma_wait3A_345, %dma_wait3A_346] : memref<3x512x64xf32, #tpu.memory_space<vmem>> -> memref<1x512x64xf32, #tpu.memory_space<vmem>>
    %dma_wait3A_348 = tpu.memref_squeeze %dma_wait3A_347 : memref<1x512x64xf32, #tpu.memory_space<vmem>> -> memref<512x64xf32, #tpu.memory_space<vmem>>
    %dma_wait3A_349 = arith.constant 0 : i32
    %dma_wait3A_350 = tpu.memref_slice %arg4[%add3A_330, %dma_wait3A_349] : memref<327680x64xf32, #tpu.memory_space<hbm>> -> memref<512x64xf32, #tpu.memory_space<hbm>>
    %dma_wait3A_351 = arith.constant 0 : i32
    %dma_wait3A_352 = tpu.memref_slice %arg4[%add3A_330, %dma_wait3A_351] : memref<327680x64xf32, #tpu.memory_space<hbm>> -> memref<512x64xf32, #tpu.memory_space<hbm>>
    %dma_wait3A_353 = arith.constant 0 : i32
    %dma_wait3A_354 = arith.constant 0 : i32
    %dma_wait3A_355 = tpu.memref_slice %arg6[%dma_wait3A_344, %dma_wait3A_353, %dma_wait3A_354] : memref<3x512x64xf32, #tpu.memory_space<vmem>> -> memref<1x512x64xf32, #tpu.memory_space<vmem>>
    %dma_wait3A_356 = tpu.memref_squeeze %dma_wait3A_355 : memref<1x512x64xf32, #tpu.memory_space<vmem>> -> memref<512x64xf32, #tpu.memory_space<vmem>>
    tpu.wait_dma2 semaphore(%arg10 : memref<!tpu.dma_semaphore, #tpu.memory_space<semaphore_mem>>) src(%dma_wait3A_356 : memref<512x64xf32, #tpu.memory_space<vmem>>) dst(%dma_wait3A_352 : memref<512x64xf32, #tpu.memory_space<hbm>>)
    %dma_start3A_357 = arith.constant 0 : i32
    %dma_start3A_358 = arith.constant 0 : i32
    %dma_start3A_359 = arith.constant 0 : i32
    %dma_start3A_360 = tpu.memref_slice %arg6[%dma_start3A_357, %dma_start3A_358, %dma_start3A_359] : memref<3x512x64xf32, #tpu.memory_space<vmem>> -> memref<1x512x64xf32, #tpu.memory_space<vmem>>
    %dma_start3A_361 = tpu.memref_squeeze %dma_start3A_360 : memref<1x512x64xf32, #tpu.memory_space<vmem>> -> memref<512x64xf32, #tpu.memory_space<vmem>>
    %dma_start3A_362 = arith.constant 4608 : i32
    %dma_start3A_363 = tpu.memref_slice %arg5[%dma_start3A_362] : memref<10240xi32, #tpu.memory_space<vmem>> -> memref<512xi32, #tpu.memory_space<vmem>>
    %dma_start3A_364 = arith.constant 0 : i32
    %dma_start3A_365 = arith.constant 0 : i32
    %dma_start3A_366 = tpu.memref_slice %arg3[%dma_start3A_364, %dma_start3A_365] : memref<1000000x64xf32, #tpu.memory_space<hbm>> -> memref<1000000x64xf32, #tpu.memory_space<hbm>>
    tpu.enqueue_indirect_dma source(%dma_start3A_366 : memref<1000000x64xf32, #tpu.memory_space<hbm>>) target(%dma_start3A_361 : memref<512x64xf32, #tpu.memory_space<vmem>>) offsets(%dma_start3A_363 : memref<512xi32, #tpu.memory_space<vmem>>) semaphore(%arg7 : memref<!tpu.dma_semaphore, #tpu.memory_space<semaphore_mem>>)
    %dma_wait3A_367 = arith.constant 1 : i32
    %dma_wait3A_368 = arith.constant 0 : i32
    %dma_wait3A_369 = arith.constant 0 : i32
    %dma_wait3A_370 = tpu.memref_slice %arg6[%dma_wait3A_367, %dma_wait3A_368, %dma_wait3A_369] : memref<3x512x64xf32, #tpu.memory_space<vmem>> -> memref<1x512x64xf32, #tpu.memory_space<vmem>>
    %dma_wait3A_371 = tpu.memref_squeeze %dma_wait3A_370 : memref<1x512x64xf32, #tpu.memory_space<vmem>> -> memref<512x64xf32, #tpu.memory_space<vmem>>
    %dma_wait3A_372 = arith.constant 3584 : i32
    %dma_wait3A_373 = tpu.memref_slice %arg5[%dma_wait3A_372] : memref<10240xi32, #tpu.memory_space<vmem>> -> memref<512xi32, #tpu.memory_space<vmem>>
    %dma_wait3A_374 = arith.constant 0 : i32
    %dma_wait3A_375 = arith.constant 0 : i32
    %dma_wait3A_376 = tpu.memref_slice %arg3[%dma_wait3A_374, %dma_wait3A_375] : memref<1000000x64xf32, #tpu.memory_space<hbm>> -> memref<1000000x64xf32, #tpu.memory_space<hbm>>
    tpu.wait_indirect_dma semaphore(%arg8 : memref<!tpu.dma_semaphore, #tpu.memory_space<semaphore_mem>>) src(%dma_wait3A_376 : memref<1000000x64xf32, #tpu.memory_space<hbm>>) dst(%dma_wait3A_371 : memref<512x64xf32, #tpu.memory_space<vmem>>)
    %add3A_377 = arith.constant 3584 : i32
    %add3A_378 = arith.addi %mul3A_2, %add3A_377 : i32
    %dma_start3A_379 = arith.constant 1 : i32
    %dma_start3A_380 = arith.constant 0 : i32
    %dma_start3A_381 = arith.constant 0 : i32
    %dma_start3A_382 = tpu.memref_slice %arg6[%dma_start3A_379, %dma_start3A_380, %dma_start3A_381] : memref<3x512x64xf32, #tpu.memory_space<vmem>> -> memref<1x512x64xf32, #tpu.memory_space<vmem>>
    %dma_start3A_383 = tpu.memref_squeeze %dma_start3A_382 : memref<1x512x64xf32, #tpu.memory_space<vmem>> -> memref<512x64xf32, #tpu.memory_space<vmem>>
    %dma_start3A_384 = arith.constant 0 : i32
    %dma_start3A_385 = tpu.memref_slice %arg4[%add3A_378, %dma_start3A_384] : memref<327680x64xf32, #tpu.memory_space<hbm>> -> memref<512x64xf32, #tpu.memory_space<hbm>>
    %dma_start3A_386 = arith.constant 0 : i32
    %dma_start3A_387 = tpu.memref_slice %arg4[%add3A_378, %dma_start3A_386] : memref<327680x64xf32, #tpu.memory_space<hbm>> -> memref<512x64xf32, #tpu.memory_space<hbm>>
    %dma_start3A_388 = arith.constant 0 : i32
    %dma_start3A_389 = arith.constant 0 : i32
    %dma_start3A_390 = tpu.memref_slice %arg6[%dma_start3A_379, %dma_start3A_388, %dma_start3A_389] : memref<3x512x64xf32, #tpu.memory_space<vmem>> -> memref<1x512x64xf32, #tpu.memory_space<vmem>>
    %dma_start3A_391 = tpu.memref_squeeze %dma_start3A_390 : memref<1x512x64xf32, #tpu.memory_space<vmem>> -> memref<512x64xf32, #tpu.memory_space<vmem>>
    tpu.enqueue_dma source(%dma_start3A_391 : memref<512x64xf32, #tpu.memory_space<vmem>>) target(%dma_start3A_387 : memref<512x64xf32, #tpu.memory_space<hbm>>) target_semaphore(%arg11 : memref<!tpu.dma_semaphore, #tpu.memory_space<semaphore_mem>>)
    %dma_wait3A_392 = arith.constant 1 : i32
    %dma_wait3A_393 = arith.constant 0 : i32
    %dma_wait3A_394 = arith.constant 0 : i32
    %dma_wait3A_395 = tpu.memref_slice %arg6[%dma_wait3A_392, %dma_wait3A_393, %dma_wait3A_394] : memref<3x512x64xf32, #tpu.memory_space<vmem>> -> memref<1x512x64xf32, #tpu.memory_space<vmem>>
    %dma_wait3A_396 = tpu.memref_squeeze %dma_wait3A_395 : memref<1x512x64xf32, #tpu.memory_space<vmem>> -> memref<512x64xf32, #tpu.memory_space<vmem>>
    %dma_wait3A_397 = arith.constant 0 : i32
    %dma_wait3A_398 = tpu.memref_slice %arg4[%add3A_378, %dma_wait3A_397] : memref<327680x64xf32, #tpu.memory_space<hbm>> -> memref<512x64xf32, #tpu.memory_space<hbm>>
    %dma_wait3A_399 = arith.constant 0 : i32
    %dma_wait3A_400 = tpu.memref_slice %arg4[%add3A_378, %dma_wait3A_399] : memref<327680x64xf32, #tpu.memory_space<hbm>> -> memref<512x64xf32, #tpu.memory_space<hbm>>
    %dma_wait3A_401 = arith.constant 0 : i32
    %dma_wait3A_402 = arith.constant 0 : i32
    %dma_wait3A_403 = tpu.memref_slice %arg6[%dma_wait3A_392, %dma_wait3A_401, %dma_wait3A_402] : memref<3x512x64xf32, #tpu.memory_space<vmem>> -> memref<1x512x64xf32, #tpu.memory_space<vmem>>
    %dma_wait3A_404 = tpu.memref_squeeze %dma_wait3A_403 : memref<1x512x64xf32, #tpu.memory_space<vmem>> -> memref<512x64xf32, #tpu.memory_space<vmem>>
    tpu.wait_dma2 semaphore(%arg11 : memref<!tpu.dma_semaphore, #tpu.memory_space<semaphore_mem>>) src(%dma_wait3A_404 : memref<512x64xf32, #tpu.memory_space<vmem>>) dst(%dma_wait3A_400 : memref<512x64xf32, #tpu.memory_space<hbm>>)
    %dma_start3A_405 = arith.constant 1 : i32
    %dma_start3A_406 = arith.constant 0 : i32
    %dma_start3A_407 = arith.constant 0 : i32
    %dma_start3A_408 = tpu.memref_slice %arg6[%dma_start3A_405, %dma_start3A_406, %dma_start3A_407] : memref<3x512x64xf32, #tpu.memory_space<vmem>> -> memref<1x512x64xf32, #tpu.memory_space<vmem>>
    %dma_start3A_409 = tpu.memref_squeeze %dma_start3A_408 : memref<1x512x64xf32, #tpu.memory_space<vmem>> -> memref<512x64xf32, #tpu.memory_space<vmem>>
    %dma_start3A_410 = arith.constant 5120 : i32
    %dma_start3A_411 = tpu.memref_slice %arg5[%dma_start3A_410] : memref<10240xi32, #tpu.memory_space<vmem>> -> memref<512xi32, #tpu.memory_space<vmem>>
    %dma_start3A_412 = arith.constant 0 : i32
    %dma_start3A_413 = arith.constant 0 : i32
    %dma_start3A_414 = tpu.memref_slice %arg3[%dma_start3A_412, %dma_start3A_413] : memref<1000000x64xf32, #tpu.memory_space<hbm>> -> memref<1000000x64xf32, #tpu.memory_space<hbm>>
    tpu.enqueue_indirect_dma source(%dma_start3A_414 : memref<1000000x64xf32, #tpu.memory_space<hbm>>) target(%dma_start3A_409 : memref<512x64xf32, #tpu.memory_space<vmem>>) offsets(%dma_start3A_411 : memref<512xi32, #tpu.memory_space<vmem>>) semaphore(%arg8 : memref<!tpu.dma_semaphore, #tpu.memory_space<semaphore_mem>>)
    %dma_wait3A_415 = arith.constant 2 : i32
    %dma_wait3A_416 = arith.constant 0 : i32
    %dma_wait3A_417 = arith.constant 0 : i32
    %dma_wait3A_418 = tpu.memref_slice %arg6[%dma_wait3A_415, %dma_wait3A_416, %dma_wait3A_417] : memref<3x512x64xf32, #tpu.memory_space<vmem>> -> memref<1x512x64xf32, #tpu.memory_space<vmem>>
    %dma_wait3A_419 = tpu.memref_squeeze %dma_wait3A_418 : memref<1x512x64xf32, #tpu.memory_space<vmem>> -> memref<512x64xf32, #tpu.memory_space<vmem>>
    %dma_wait3A_420 = arith.constant 4096 : i32
    %dma_wait3A_421 = tpu.memref_slice %arg5[%dma_wait3A_420] : memref<10240xi32, #tpu.memory_space<vmem>> -> memref<512xi32, #tpu.memory_space<vmem>>
    %dma_wait3A_422 = arith.constant 0 : i32
    %dma_wait3A_423 = arith.constant 0 : i32
    %dma_wait3A_424 = tpu.memref_slice %arg3[%dma_wait3A_422, %dma_wait3A_423] : memref<1000000x64xf32, #tpu.memory_space<hbm>> -> memref<1000000x64xf32, #tpu.memory_space<hbm>>
    tpu.wait_indirect_dma semaphore(%arg9 : memref<!tpu.dma_semaphore, #tpu.memory_space<semaphore_mem>>) src(%dma_wait3A_424 : memref<1000000x64xf32, #tpu.memory_space<hbm>>) dst(%dma_wait3A_419 : memref<512x64xf32, #tpu.memory_space<vmem>>)
    %add3A_425 = arith.constant 4096 : i32
    %add3A_426 = arith.addi %mul3A_2, %add3A_425 : i32
    %dma_start3A_427 = arith.constant 2 : i32
    %dma_start3A_428 = arith.constant 0 : i32
    %dma_start3A_429 = arith.constant 0 : i32
    %dma_start3A_430 = tpu.memref_slice %arg6[%dma_start3A_427, %dma_start3A_428, %dma_start3A_429] : memref<3x512x64xf32, #tpu.memory_space<vmem>> -> memref<1x512x64xf32, #tpu.memory_space<vmem>>
    %dma_start3A_431 = tpu.memref_squeeze %dma_start3A_430 : memref<1x512x64xf32, #tpu.memory_space<vmem>> -> memref<512x64xf32, #tpu.memory_space<vmem>>
    %dma_start3A_432 = arith.constant 0 : i32
    %dma_start3A_433 = tpu.memref_slice %arg4[%add3A_426, %dma_start3A_432] : memref<327680x64xf32, #tpu.memory_space<hbm>> -> memref<512x64xf32, #tpu.memory_space<hbm>>
    %dma_start3A_434 = arith.constant 0 : i32
    %dma_start3A_435 = tpu.memref_slice %arg4[%add3A_426, %dma_start3A_434] : memref<327680x64xf32, #tpu.memory_space<hbm>> -> memref<512x64xf32, #tpu.memory_space<hbm>>
    %dma_start3A_436 = arith.constant 0 : i32
    %dma_start3A_437 = arith.constant 0 : i32
    %dma_start3A_438 = tpu.memref_slice %arg6[%dma_start3A_427, %dma_start3A_436, %dma_start3A_437] : memref<3x512x64xf32, #tpu.memory_space<vmem>> -> memref<1x512x64xf32, #tpu.memory_space<vmem>>
    %dma_start3A_439 = tpu.memref_squeeze %dma_start3A_438 : memref<1x512x64xf32, #tpu.memory_space<vmem>> -> memref<512x64xf32, #tpu.memory_space<vmem>>
    tpu.enqueue_dma source(%dma_start3A_439 : memref<512x64xf32, #tpu.memory_space<vmem>>) target(%dma_start3A_435 : memref<512x64xf32, #tpu.memory_space<hbm>>) target_semaphore(%arg12 : memref<!tpu.dma_semaphore, #tpu.memory_space<semaphore_mem>>)
    %dma_wait3A_440 = arith.constant 2 : i32
    %dma_wait3A_441 = arith.constant 0 : i32
    %dma_wait3A_442 = arith.constant 0 : i32
    %dma_wait3A_443 = tpu.memref_slice %arg6[%dma_wait3A_440, %dma_wait3A_441, %dma_wait3A_442] : memref<3x512x64xf32, #tpu.memory_space<vmem>> -> memref<1x512x64xf32, #tpu.memory_space<vmem>>
    %dma_wait3A_444 = tpu.memref_squeeze %dma_wait3A_443 : memref<1x512x64xf32, #tpu.memory_space<vmem>> -> memref<512x64xf32, #tpu.memory_space<vmem>>
    %dma_wait3A_445 = arith.constant 0 : i32
    %dma_wait3A_446 = tpu.memref_slice %arg4[%add3A_426, %dma_wait3A_445] : memref<327680x64xf32, #tpu.memory_space<hbm>> -> memref<512x64xf32, #tpu.memory_space<hbm>>
    %dma_wait3A_447 = arith.constant 0 : i32
    %dma_wait3A_448 = tpu.memref_slice %arg4[%add3A_426, %dma_wait3A_447] : memref<327680x64xf32, #tpu.memory_space<hbm>> -> memref<512x64xf32, #tpu.memory_space<hbm>>
    %dma_wait3A_449 = arith.constant 0 : i32
    %dma_wait3A_450 = arith.constant 0 : i32
    %dma_wait3A_451 = tpu.memref_slice %arg6[%dma_wait3A_440, %dma_wait3A_449, %dma_wait3A_450] : memref<3x512x64xf32, #tpu.memory_space<vmem>> -> memref<1x512x64xf32, #tpu.memory_space<vmem>>
    %dma_wait3A_452 = tpu.memref_squeeze %dma_wait3A_451 : memref<1x512x64xf32, #tpu.memory_space<vmem>> -> memref<512x64xf32, #tpu.memory_space<vmem>>
    tpu.wait_dma2 semaphore(%arg12 : memref<!tpu.dma_semaphore, #tpu.memory_space<semaphore_mem>>) src(%dma_wait3A_452 : memref<512x64xf32, #tpu.memory_space<vmem>>) dst(%dma_wait3A_448 : memref<512x64xf32, #tpu.memory_space<hbm>>)
    %dma_start3A_453 = arith.constant 2 : i32
    %dma_start3A_454 = arith.constant 0 : i32
    %dma_start3A_455 = arith.constant 0 : i32
    %dma_start3A_456 = tpu.memref_slice %arg6[%dma_start3A_453, %dma_start3A_454, %dma_start3A_455] : memref<3x512x64xf32, #tpu.memory_space<vmem>> -> memref<1x512x64xf32, #tpu.memory_space<vmem>>
    %dma_start3A_457 = tpu.memref_squeeze %dma_start3A_456 : memref<1x512x64xf32, #tpu.memory_space<vmem>> -> memref<512x64xf32, #tpu.memory_space<vmem>>
    %dma_start3A_458 = arith.constant 5632 : i32
    %dma_start3A_459 = tpu.memref_slice %arg5[%dma_start3A_458] : memref<10240xi32, #tpu.memory_space<vmem>> -> memref<512xi32, #tpu.memory_space<vmem>>
    %dma_start3A_460 = arith.constant 0 : i32
    %dma_start3A_461 = arith.constant 0 : i32
    %dma_start3A_462 = tpu.memref_slice %arg3[%dma_start3A_460, %dma_start3A_461] : memref<1000000x64xf32, #tpu.memory_space<hbm>> -> memref<1000000x64xf32, #tpu.memory_space<hbm>>
    tpu.enqueue_indirect_dma source(%dma_start3A_462 : memref<1000000x64xf32, #tpu.memory_space<hbm>>) target(%dma_start3A_457 : memref<512x64xf32, #tpu.memory_space<vmem>>) offsets(%dma_start3A_459 : memref<512xi32, #tpu.memory_space<vmem>>) semaphore(%arg9 : memref<!tpu.dma_semaphore, #tpu.memory_space<semaphore_mem>>)
    %dma_wait3A_463 = arith.constant 0 : i32
    %dma_wait3A_464 = arith.constant 0 : i32
    %dma_wait3A_465 = arith.constant 0 : i32
    %dma_wait3A_466 = tpu.memref_slice %arg6[%dma_wait3A_463, %dma_wait3A_464, %dma_wait3A_465] : memref<3x512x64xf32, #tpu.memory_space<vmem>> -> memref<1x512x64xf32, #tpu.memory_space<vmem>>
    %dma_wait3A_467 = tpu.memref_squeeze %dma_wait3A_466 : memref<1x512x64xf32, #tpu.memory_space<vmem>> -> memref<512x64xf32, #tpu.memory_space<vmem>>
    %dma_wait3A_468 = arith.constant 4608 : i32
    %dma_wait3A_469 = tpu.memref_slice %arg5[%dma_wait3A_468] : memref<10240xi32, #tpu.memory_space<vmem>> -> memref<512xi32, #tpu.memory_space<vmem>>
    %dma_wait3A_470 = arith.constant 0 : i32
    %dma_wait3A_471 = arith.constant 0 : i32
    %dma_wait3A_472 = tpu.memref_slice %arg3[%dma_wait3A_470, %dma_wait3A_471] : memref<1000000x64xf32, #tpu.memory_space<hbm>> -> memref<1000000x64xf32, #tpu.memory_space<hbm>>
    tpu.wait_indirect_dma semaphore(%arg7 : memref<!tpu.dma_semaphore, #tpu.memory_space<semaphore_mem>>) src(%dma_wait3A_472 : memref<1000000x64xf32, #tpu.memory_space<hbm>>) dst(%dma_wait3A_467 : memref<512x64xf32, #tpu.memory_space<vmem>>)
    %add3A_473 = arith.constant 4608 : i32
    %add3A_474 = arith.addi %mul3A_2, %add3A_473 : i32
    %dma_start3A_475 = arith.constant 0 : i32
    %dma_start3A_476 = arith.constant 0 : i32
    %dma_start3A_477 = arith.constant 0 : i32
    %dma_start3A_478 = tpu.memref_slice %arg6[%dma_start3A_475, %dma_start3A_476, %dma_start3A_477] : memref<3x512x64xf32, #tpu.memory_space<vmem>> -> memref<1x512x64xf32, #tpu.memory_space<vmem>>
    %dma_start3A_479 = tpu.memref_squeeze %dma_start3A_478 : memref<1x512x64xf32, #tpu.memory_space<vmem>> -> memref<512x64xf32, #tpu.memory_space<vmem>>
    %dma_start3A_480 = arith.constant 0 : i32
    %dma_start3A_481 = tpu.memref_slice %arg4[%add3A_474, %dma_start3A_480] : memref<327680x64xf32, #tpu.memory_space<hbm>> -> memref<512x64xf32, #tpu.memory_space<hbm>>
    %dma_start3A_482 = arith.constant 0 : i32
    %dma_start3A_483 = tpu.memref_slice %arg4[%add3A_474, %dma_start3A_482] : memref<327680x64xf32, #tpu.memory_space<hbm>> -> memref<512x64xf32, #tpu.memory_space<hbm>>
    %dma_start3A_484 = arith.constant 0 : i32
    %dma_start3A_485 = arith.constant 0 : i32
    %dma_start3A_486 = tpu.memref_slice %arg6[%dma_start3A_475, %dma_start3A_484, %dma_start3A_485] : memref<3x512x64xf32, #tpu.memory_space<vmem>> -> memref<1x512x64xf32, #tpu.memory_space<vmem>>
    %dma_start3A_487 = tpu.memref_squeeze %dma_start3A_486 : memref<1x512x64xf32, #tpu.memory_space<vmem>> -> memref<512x64xf32, #tpu.memory_space<vmem>>
    tpu.enqueue_dma source(%dma_start3A_487 : memref<512x64xf32, #tpu.memory_space<vmem>>) target(%dma_start3A_483 : memref<512x64xf32, #tpu.memory_space<hbm>>) target_semaphore(%arg10 : memref<!tpu.dma_semaphore, #tpu.memory_space<semaphore_mem>>)
    %dma_wait3A_488 = arith.constant 0 : i32
    %dma_wait3A_489 = arith.constant 0 : i32
    %dma_wait3A_490 = arith.constant 0 : i32
    %dma_wait3A_491 = tpu.memref_slice %arg6[%dma_wait3A_488, %dma_wait3A_489, %dma_wait3A_490] : memref<3x512x64xf32, #tpu.memory_space<vmem>> -> memref<1x512x64xf32, #tpu.memory_space<vmem>>
    %dma_wait3A_492 = tpu.memref_squeeze %dma_wait3A_491 : memref<1x512x64xf32, #tpu.memory_space<vmem>> -> memref<512x64xf32, #tpu.memory_space<vmem>>
    %dma_wait3A_493 = arith.constant 0 : i32
    %dma_wait3A_494 = tpu.memref_slice %arg4[%add3A_474, %dma_wait3A_493] : memref<327680x64xf32, #tpu.memory_space<hbm>> -> memref<512x64xf32, #tpu.memory_space<hbm>>
    %dma_wait3A_495 = arith.constant 0 : i32
    %dma_wait3A_496 = tpu.memref_slice %arg4[%add3A_474, %dma_wait3A_495] : memref<327680x64xf32, #tpu.memory_space<hbm>> -> memref<512x64xf32, #tpu.memory_space<hbm>>
    %dma_wait3A_497 = arith.constant 0 : i32
    %dma_wait3A_498 = arith.constant 0 : i32
    %dma_wait3A_499 = tpu.memref_slice %arg6[%dma_wait3A_488, %dma_wait3A_497, %dma_wait3A_498] : memref<3x512x64xf32, #tpu.memory_space<vmem>> -> memref<1x512x64xf32, #tpu.memory_space<vmem>>
    %dma_wait3A_500 = tpu.memref_squeeze %dma_wait3A_499 : memref<1x512x64xf32, #tpu.memory_space<vmem>> -> memref<512x64xf32, #tpu.memory_space<vmem>>
    tpu.wait_dma2 semaphore(%arg10 : memref<!tpu.dma_semaphore, #tpu.memory_space<semaphore_mem>>) src(%dma_wait3A_500 : memref<512x64xf32, #tpu.memory_space<vmem>>) dst(%dma_wait3A_496 : memref<512x64xf32, #tpu.memory_space<hbm>>)
    %dma_start3A_501 = arith.constant 0 : i32
    %dma_start3A_502 = arith.constant 0 : i32
    %dma_start3A_503 = arith.constant 0 : i32
    %dma_start3A_504 = tpu.memref_slice %arg6[%dma_start3A_501, %dma_start3A_502, %dma_start3A_503] : memref<3x512x64xf32, #tpu.memory_space<vmem>> -> memref<1x512x64xf32, #tpu.memory_space<vmem>>
    %dma_start3A_505 = tpu.memref_squeeze %dma_start3A_504 : memref<1x512x64xf32, #tpu.memory_space<vmem>> -> memref<512x64xf32, #tpu.memory_space<vmem>>
    %dma_start3A_506 = arith.constant 6144 : i32
    %dma_start3A_507 = tpu.memref_slice %arg5[%dma_start3A_506] : memref<10240xi32, #tpu.memory_space<vmem>> -> memref<512xi32, #tpu.memory_space<vmem>>
    %dma_start3A_508 = arith.constant 0 : i32
    %dma_start3A_509 = arith.constant 0 : i32
    %dma_start3A_510 = tpu.memref_slice %arg3[%dma_start3A_508, %dma_start3A_509] : memref<1000000x64xf32, #tpu.memory_space<hbm>> -> memref<1000000x64xf32, #tpu.memory_space<hbm>>
    tpu.enqueue_indirect_dma source(%dma_start3A_510 : memref<1000000x64xf32, #tpu.memory_space<hbm>>) target(%dma_start3A_505 : memref<512x64xf32, #tpu.memory_space<vmem>>) offsets(%dma_start3A_507 : memref<512xi32, #tpu.memory_space<vmem>>) semaphore(%arg7 : memref<!tpu.dma_semaphore, #tpu.memory_space<semaphore_mem>>)
    %dma_wait3A_511 = arith.constant 1 : i32
    %dma_wait3A_512 = arith.constant 0 : i32
    %dma_wait3A_513 = arith.constant 0 : i32
    %dma_wait3A_514 = tpu.memref_slice %arg6[%dma_wait3A_511, %dma_wait3A_512, %dma_wait3A_513] : memref<3x512x64xf32, #tpu.memory_space<vmem>> -> memref<1x512x64xf32, #tpu.memory_space<vmem>>
    %dma_wait3A_515 = tpu.memref_squeeze %dma_wait3A_514 : memref<1x512x64xf32, #tpu.memory_space<vmem>> -> memref<512x64xf32, #tpu.memory_space<vmem>>
    %dma_wait3A_516 = arith.constant 5120 : i32
    %dma_wait3A_517 = tpu.memref_slice %arg5[%dma_wait3A_516] : memref<10240xi32, #tpu.memory_space<vmem>> -> memref<512xi32, #tpu.memory_space<vmem>>
    %dma_wait3A_518 = arith.constant 0 : i32
    %dma_wait3A_519 = arith.constant 0 : i32
    %dma_wait3A_520 = tpu.memref_slice %arg3[%dma_wait3A_518, %dma_wait3A_519] : memref<1000000x64xf32, #tpu.memory_space<hbm>> -> memref<1000000x64xf32, #tpu.memory_space<hbm>>
    tpu.wait_indirect_dma semaphore(%arg8 : memref<!tpu.dma_semaphore, #tpu.memory_space<semaphore_mem>>) src(%dma_wait3A_520 : memref<1000000x64xf32, #tpu.memory_space<hbm>>) dst(%dma_wait3A_515 : memref<512x64xf32, #tpu.memory_space<vmem>>)
    %add3A_521 = arith.constant 5120 : i32
    %add3A_522 = arith.addi %mul3A_2, %add3A_521 : i32
    %dma_start3A_523 = arith.constant 1 : i32
    %dma_start3A_524 = arith.constant 0 : i32
    %dma_start3A_525 = arith.constant 0 : i32
    %dma_start3A_526 = tpu.memref_slice %arg6[%dma_start3A_523, %dma_start3A_524, %dma_start3A_525] : memref<3x512x64xf32, #tpu.memory_space<vmem>> -> memref<1x512x64xf32, #tpu.memory_space<vmem>>
    %dma_start3A_527 = tpu.memref_squeeze %dma_start3A_526 : memref<1x512x64xf32, #tpu.memory_space<vmem>> -> memref<512x64xf32, #tpu.memory_space<vmem>>
    %dma_start3A_528 = arith.constant 0 : i32
    %dma_start3A_529 = tpu.memref_slice %arg4[%add3A_522, %dma_start3A_528] : memref<327680x64xf32, #tpu.memory_space<hbm>> -> memref<512x64xf32, #tpu.memory_space<hbm>>
    %dma_start3A_530 = arith.constant 0 : i32
    %dma_start3A_531 = tpu.memref_slice %arg4[%add3A_522, %dma_start3A_530] : memref<327680x64xf32, #tpu.memory_space<hbm>> -> memref<512x64xf32, #tpu.memory_space<hbm>>
    %dma_start3A_532 = arith.constant 0 : i32
    %dma_start3A_533 = arith.constant 0 : i32
    %dma_start3A_534 = tpu.memref_slice %arg6[%dma_start3A_523, %dma_start3A_532, %dma_start3A_533] : memref<3x512x64xf32, #tpu.memory_space<vmem>> -> memref<1x512x64xf32, #tpu.memory_space<vmem>>
    %dma_start3A_535 = tpu.memref_squeeze %dma_start3A_534 : memref<1x512x64xf32, #tpu.memory_space<vmem>> -> memref<512x64xf32, #tpu.memory_space<vmem>>
    tpu.enqueue_dma source(%dma_start3A_535 : memref<512x64xf32, #tpu.memory_space<vmem>>) target(%dma_start3A_531 : memref<512x64xf32, #tpu.memory_space<hbm>>) target_semaphore(%arg11 : memref<!tpu.dma_semaphore, #tpu.memory_space<semaphore_mem>>)
    %dma_wait3A_536 = arith.constant 1 : i32
    %dma_wait3A_537 = arith.constant 0 : i32
    %dma_wait3A_538 = arith.constant 0 : i32
    %dma_wait3A_539 = tpu.memref_slice %arg6[%dma_wait3A_536, %dma_wait3A_537, %dma_wait3A_538] : memref<3x512x64xf32, #tpu.memory_space<vmem>> -> memref<1x512x64xf32, #tpu.memory_space<vmem>>
    %dma_wait3A_540 = tpu.memref_squeeze %dma_wait3A_539 : memref<1x512x64xf32, #tpu.memory_space<vmem>> -> memref<512x64xf32, #tpu.memory_space<vmem>>
    %dma_wait3A_541 = arith.constant 0 : i32
    %dma_wait3A_542 = tpu.memref_slice %arg4[%add3A_522, %dma_wait3A_541] : memref<327680x64xf32, #tpu.memory_space<hbm>> -> memref<512x64xf32, #tpu.memory_space<hbm>>
    %dma_wait3A_543 = arith.constant 0 : i32
    %dma_wait3A_544 = tpu.memref_slice %arg4[%add3A_522, %dma_wait3A_543] : memref<327680x64xf32, #tpu.memory_space<hbm>> -> memref<512x64xf32, #tpu.memory_space<hbm>>
    %dma_wait3A_545 = arith.constant 0 : i32
    %dma_wait3A_546 = arith.constant 0 : i32
    %dma_wait3A_547 = tpu.memref_slice %arg6[%dma_wait3A_536, %dma_wait3A_545, %dma_wait3A_546] : memref<3x512x64xf32, #tpu.memory_space<vmem>> -> memref<1x512x64xf32, #tpu.memory_space<vmem>>
    %dma_wait3A_548 = tpu.memref_squeeze %dma_wait3A_547 : memref<1x512x64xf32, #tpu.memory_space<vmem>> -> memref<512x64xf32, #tpu.memory_space<vmem>>
    tpu.wait_dma2 semaphore(%arg11 : memref<!tpu.dma_semaphore, #tpu.memory_space<semaphore_mem>>) src(%dma_wait3A_548 : memref<512x64xf32, #tpu.memory_space<vmem>>) dst(%dma_wait3A_544 : memref<512x64xf32, #tpu.memory_space<hbm>>)
    %dma_start3A_549 = arith.constant 1 : i32
    %dma_start3A_550 = arith.constant 0 : i32
    %dma_start3A_551 = arith.constant 0 : i32
    %dma_start3A_552 = tpu.memref_slice %arg6[%dma_start3A_549, %dma_start3A_550, %dma_start3A_551] : memref<3x512x64xf32, #tpu.memory_space<vmem>> -> memref<1x512x64xf32, #tpu.memory_space<vmem>>
    %dma_start3A_553 = tpu.memref_squeeze %dma_start3A_552 : memref<1x512x64xf32, #tpu.memory_space<vmem>> -> memref<512x64xf32, #tpu.memory_space<vmem>>
    %dma_start3A_554 = arith.constant 6656 : i32
    %dma_start3A_555 = tpu.memref_slice %arg5[%dma_start3A_554] : memref<10240xi32, #tpu.memory_space<vmem>> -> memref<512xi32, #tpu.memory_space<vmem>>
    %dma_start3A_556 = arith.constant 0 : i32
    %dma_start3A_557 = arith.constant 0 : i32
    %dma_start3A_558 = tpu.memref_slice %arg3[%dma_start3A_556, %dma_start3A_557] : memref<1000000x64xf32, #tpu.memory_space<hbm>> -> memref<1000000x64xf32, #tpu.memory_space<hbm>>
    tpu.enqueue_indirect_dma source(%dma_start3A_558 : memref<1000000x64xf32, #tpu.memory_space<hbm>>) target(%dma_start3A_553 : memref<512x64xf32, #tpu.memory_space<vmem>>) offsets(%dma_start3A_555 : memref<512xi32, #tpu.memory_space<vmem>>) semaphore(%arg8 : memref<!tpu.dma_semaphore, #tpu.memory_space<semaphore_mem>>)
    %dma_wait3A_559 = arith.constant 2 : i32
    %dma_wait3A_560 = arith.constant 0 : i32
    %dma_wait3A_561 = arith.constant 0 : i32
    %dma_wait3A_562 = tpu.memref_slice %arg6[%dma_wait3A_559, %dma_wait3A_560, %dma_wait3A_561] : memref<3x512x64xf32, #tpu.memory_space<vmem>> -> memref<1x512x64xf32, #tpu.memory_space<vmem>>
    %dma_wait3A_563 = tpu.memref_squeeze %dma_wait3A_562 : memref<1x512x64xf32, #tpu.memory_space<vmem>> -> memref<512x64xf32, #tpu.memory_space<vmem>>
    %dma_wait3A_564 = arith.constant 5632 : i32
    %dma_wait3A_565 = tpu.memref_slice %arg5[%dma_wait3A_564] : memref<10240xi32, #tpu.memory_space<vmem>> -> memref<512xi32, #tpu.memory_space<vmem>>
    %dma_wait3A_566 = arith.constant 0 : i32
    %dma_wait3A_567 = arith.constant 0 : i32
    %dma_wait3A_568 = tpu.memref_slice %arg3[%dma_wait3A_566, %dma_wait3A_567] : memref<1000000x64xf32, #tpu.memory_space<hbm>> -> memref<1000000x64xf32, #tpu.memory_space<hbm>>
    tpu.wait_indirect_dma semaphore(%arg9 : memref<!tpu.dma_semaphore, #tpu.memory_space<semaphore_mem>>) src(%dma_wait3A_568 : memref<1000000x64xf32, #tpu.memory_space<hbm>>) dst(%dma_wait3A_563 : memref<512x64xf32, #tpu.memory_space<vmem>>)
    %add3A_569 = arith.constant 5632 : i32
    %add3A_570 = arith.addi %mul3A_2, %add3A_569 : i32
    %dma_start3A_571 = arith.constant 2 : i32
    %dma_start3A_572 = arith.constant 0 : i32
    %dma_start3A_573 = arith.constant 0 : i32
    %dma_start3A_574 = tpu.memref_slice %arg6[%dma_start3A_571, %dma_start3A_572, %dma_start3A_573] : memref<3x512x64xf32, #tpu.memory_space<vmem>> -> memref<1x512x64xf32, #tpu.memory_space<vmem>>
    %dma_start3A_575 = tpu.memref_squeeze %dma_start3A_574 : memref<1x512x64xf32, #tpu.memory_space<vmem>> -> memref<512x64xf32, #tpu.memory_space<vmem>>
    %dma_start3A_576 = arith.constant 0 : i32
    %dma_start3A_577 = tpu.memref_slice %arg4[%add3A_570, %dma_start3A_576] : memref<327680x64xf32, #tpu.memory_space<hbm>> -> memref<512x64xf32, #tpu.memory_space<hbm>>
    %dma_start3A_578 = arith.constant 0 : i32
    %dma_start3A_579 = tpu.memref_slice %arg4[%add3A_570, %dma_start3A_578] : memref<327680x64xf32, #tpu.memory_space<hbm>> -> memref<512x64xf32, #tpu.memory_space<hbm>>
    %dma_start3A_580 = arith.constant 0 : i32
    %dma_start3A_581 = arith.constant 0 : i32
    %dma_start3A_582 = tpu.memref_slice %arg6[%dma_start3A_571, %dma_start3A_580, %dma_start3A_581] : memref<3x512x64xf32, #tpu.memory_space<vmem>> -> memref<1x512x64xf32, #tpu.memory_space<vmem>>
    %dma_start3A_583 = tpu.memref_squeeze %dma_start3A_582 : memref<1x512x64xf32, #tpu.memory_space<vmem>> -> memref<512x64xf32, #tpu.memory_space<vmem>>
    tpu.enqueue_dma source(%dma_start3A_583 : memref<512x64xf32, #tpu.memory_space<vmem>>) target(%dma_start3A_579 : memref<512x64xf32, #tpu.memory_space<hbm>>) target_semaphore(%arg12 : memref<!tpu.dma_semaphore, #tpu.memory_space<semaphore_mem>>)
    %dma_wait3A_584 = arith.constant 2 : i32
    %dma_wait3A_585 = arith.constant 0 : i32
    %dma_wait3A_586 = arith.constant 0 : i32
    %dma_wait3A_587 = tpu.memref_slice %arg6[%dma_wait3A_584, %dma_wait3A_585, %dma_wait3A_586] : memref<3x512x64xf32, #tpu.memory_space<vmem>> -> memref<1x512x64xf32, #tpu.memory_space<vmem>>
    %dma_wait3A_588 = tpu.memref_squeeze %dma_wait3A_587 : memref<1x512x64xf32, #tpu.memory_space<vmem>> -> memref<512x64xf32, #tpu.memory_space<vmem>>
    %dma_wait3A_589 = arith.constant 0 : i32
    %dma_wait3A_590 = tpu.memref_slice %arg4[%add3A_570, %dma_wait3A_589] : memref<327680x64xf32, #tpu.memory_space<hbm>> -> memref<512x64xf32, #tpu.memory_space<hbm>>
    %dma_wait3A_591 = arith.constant 0 : i32
    %dma_wait3A_592 = tpu.memref_slice %arg4[%add3A_570, %dma_wait3A_591] : memref<327680x64xf32, #tpu.memory_space<hbm>> -> memref<512x64xf32, #tpu.memory_space<hbm>>
    %dma_wait3A_593 = arith.constant 0 : i32
    %dma_wait3A_594 = arith.constant 0 : i32
    %dma_wait3A_595 = tpu.memref_slice %arg6[%dma_wait3A_584, %dma_wait3A_593, %dma_wait3A_594] : memref<3x512x64xf32, #tpu.memory_space<vmem>> -> memref<1x512x64xf32, #tpu.memory_space<vmem>>
    %dma_wait3A_596 = tpu.memref_squeeze %dma_wait3A_595 : memref<1x512x64xf32, #tpu.memory_space<vmem>> -> memref<512x64xf32, #tpu.memory_space<vmem>>
    tpu.wait_dma2 semaphore(%arg12 : memref<!tpu.dma_semaphore, #tpu.memory_space<semaphore_mem>>) src(%dma_wait3A_596 : memref<512x64xf32, #tpu.memory_space<vmem>>) dst(%dma_wait3A_592 : memref<512x64xf32, #tpu.memory_space<hbm>>)
    %dma_start3A_597 = arith.constant 2 : i32
    %dma_start3A_598 = arith.constant 0 : i32
    %dma_start3A_599 = arith.constant 0 : i32
    %dma_start3A_600 = tpu.memref_slice %arg6[%dma_start3A_597, %dma_start3A_598, %dma_start3A_599] : memref<3x512x64xf32, #tpu.memory_space<vmem>> -> memref<1x512x64xf32, #tpu.memory_space<vmem>>
    %dma_start3A_601 = tpu.memref_squeeze %dma_start3A_600 : memref<1x512x64xf32, #tpu.memory_space<vmem>> -> memref<512x64xf32, #tpu.memory_space<vmem>>
    %dma_start3A_602 = arith.constant 7168 : i32
    %dma_start3A_603 = tpu.memref_slice %arg5[%dma_start3A_602] : memref<10240xi32, #tpu.memory_space<vmem>> -> memref<512xi32, #tpu.memory_space<vmem>>
    %dma_start3A_604 = arith.constant 0 : i32
    %dma_start3A_605 = arith.constant 0 : i32
    %dma_start3A_606 = tpu.memref_slice %arg3[%dma_start3A_604, %dma_start3A_605] : memref<1000000x64xf32, #tpu.memory_space<hbm>> -> memref<1000000x64xf32, #tpu.memory_space<hbm>>
    tpu.enqueue_indirect_dma source(%dma_start3A_606 : memref<1000000x64xf32, #tpu.memory_space<hbm>>) target(%dma_start3A_601 : memref<512x64xf32, #tpu.memory_space<vmem>>) offsets(%dma_start3A_603 : memref<512xi32, #tpu.memory_space<vmem>>) semaphore(%arg9 : memref<!tpu.dma_semaphore, #tpu.memory_space<semaphore_mem>>)
    %dma_wait3A_607 = arith.constant 0 : i32
    %dma_wait3A_608 = arith.constant 0 : i32
    %dma_wait3A_609 = arith.constant 0 : i32
    %dma_wait3A_610 = tpu.memref_slice %arg6[%dma_wait3A_607, %dma_wait3A_608, %dma_wait3A_609] : memref<3x512x64xf32, #tpu.memory_space<vmem>> -> memref<1x512x64xf32, #tpu.memory_space<vmem>>
    %dma_wait3A_611 = tpu.memref_squeeze %dma_wait3A_610 : memref<1x512x64xf32, #tpu.memory_space<vmem>> -> memref<512x64xf32, #tpu.memory_space<vmem>>
    %dma_wait3A_612 = arith.constant 6144 : i32
    %dma_wait3A_613 = tpu.memref_slice %arg5[%dma_wait3A_612] : memref<10240xi32, #tpu.memory_space<vmem>> -> memref<512xi32, #tpu.memory_space<vmem>>
    %dma_wait3A_614 = arith.constant 0 : i32
    %dma_wait3A_615 = arith.constant 0 : i32
    %dma_wait3A_616 = tpu.memref_slice %arg3[%dma_wait3A_614, %dma_wait3A_615] : memref<1000000x64xf32, #tpu.memory_space<hbm>> -> memref<1000000x64xf32, #tpu.memory_space<hbm>>
    tpu.wait_indirect_dma semaphore(%arg7 : memref<!tpu.dma_semaphore, #tpu.memory_space<semaphore_mem>>) src(%dma_wait3A_616 : memref<1000000x64xf32, #tpu.memory_space<hbm>>) dst(%dma_wait3A_611 : memref<512x64xf32, #tpu.memory_space<vmem>>)
    %add3A_617 = arith.constant 6144 : i32
    %add3A_618 = arith.addi %mul3A_2, %add3A_617 : i32
    %dma_start3A_619 = arith.constant 0 : i32
    %dma_start3A_620 = arith.constant 0 : i32
    %dma_start3A_621 = arith.constant 0 : i32
    %dma_start3A_622 = tpu.memref_slice %arg6[%dma_start3A_619, %dma_start3A_620, %dma_start3A_621] : memref<3x512x64xf32, #tpu.memory_space<vmem>> -> memref<1x512x64xf32, #tpu.memory_space<vmem>>
    %dma_start3A_623 = tpu.memref_squeeze %dma_start3A_622 : memref<1x512x64xf32, #tpu.memory_space<vmem>> -> memref<512x64xf32, #tpu.memory_space<vmem>>
    %dma_start3A_624 = arith.constant 0 : i32
    %dma_start3A_625 = tpu.memref_slice %arg4[%add3A_618, %dma_start3A_624] : memref<327680x64xf32, #tpu.memory_space<hbm>> -> memref<512x64xf32, #tpu.memory_space<hbm>>
    %dma_start3A_626 = arith.constant 0 : i32
    %dma_start3A_627 = tpu.memref_slice %arg4[%add3A_618, %dma_start3A_626] : memref<327680x64xf32, #tpu.memory_space<hbm>> -> memref<512x64xf32, #tpu.memory_space<hbm>>
    %dma_start3A_628 = arith.constant 0 : i32
    %dma_start3A_629 = arith.constant 0 : i32
    %dma_start3A_630 = tpu.memref_slice %arg6[%dma_start3A_619, %dma_start3A_628, %dma_start3A_629] : memref<3x512x64xf32, #tpu.memory_space<vmem>> -> memref<1x512x64xf32, #tpu.memory_space<vmem>>
    %dma_start3A_631 = tpu.memref_squeeze %dma_start3A_630 : memref<1x512x64xf32, #tpu.memory_space<vmem>> -> memref<512x64xf32, #tpu.memory_space<vmem>>
    tpu.enqueue_dma source(%dma_start3A_631 : memref<512x64xf32, #tpu.memory_space<vmem>>) target(%dma_start3A_627 : memref<512x64xf32, #tpu.memory_space<hbm>>) target_semaphore(%arg10 : memref<!tpu.dma_semaphore, #tpu.memory_space<semaphore_mem>>)
    %dma_wait3A_632 = arith.constant 0 : i32
    %dma_wait3A_633 = arith.constant 0 : i32
    %dma_wait3A_634 = arith.constant 0 : i32
    %dma_wait3A_635 = tpu.memref_slice %arg6[%dma_wait3A_632, %dma_wait3A_633, %dma_wait3A_634] : memref<3x512x64xf32, #tpu.memory_space<vmem>> -> memref<1x512x64xf32, #tpu.memory_space<vmem>>
    %dma_wait3A_636 = tpu.memref_squeeze %dma_wait3A_635 : memref<1x512x64xf32, #tpu.memory_space<vmem>> -> memref<512x64xf32, #tpu.memory_space<vmem>>
    %dma_wait3A_637 = arith.constant 0 : i32
    %dma_wait3A_638 = tpu.memref_slice %arg4[%add3A_618, %dma_wait3A_637] : memref<327680x64xf32, #tpu.memory_space<hbm>> -> memref<512x64xf32, #tpu.memory_space<hbm>>
    %dma_wait3A_639 = arith.constant 0 : i32
    %dma_wait3A_640 = tpu.memref_slice %arg4[%add3A_618, %dma_wait3A_639] : memref<327680x64xf32, #tpu.memory_space<hbm>> -> memref<512x64xf32, #tpu.memory_space<hbm>>
    %dma_wait3A_641 = arith.constant 0 : i32
    %dma_wait3A_642 = arith.constant 0 : i32
    %dma_wait3A_643 = tpu.memref_slice %arg6[%dma_wait3A_632, %dma_wait3A_641, %dma_wait3A_642] : memref<3x512x64xf32, #tpu.memory_space<vmem>> -> memref<1x512x64xf32, #tpu.memory_space<vmem>>
    %dma_wait3A_644 = tpu.memref_squeeze %dma_wait3A_643 : memref<1x512x64xf32, #tpu.memory_space<vmem>> -> memref<512x64xf32, #tpu.memory_space<vmem>>
    tpu.wait_dma2 semaphore(%arg10 : memref<!tpu.dma_semaphore, #tpu.memory_space<semaphore_mem>>) src(%dma_wait3A_644 : memref<512x64xf32, #tpu.memory_space<vmem>>) dst(%dma_wait3A_640 : memref<512x64xf32, #tpu.memory_space<hbm>>)
    %dma_start3A_645 = arith.constant 0 : i32
    %dma_start3A_646 = arith.constant 0 : i32
    %dma_start3A_647 = arith.constant 0 : i32
    %dma_start3A_648 = tpu.memref_slice %arg6[%dma_start3A_645, %dma_start3A_646, %dma_start3A_647] : memref<3x512x64xf32, #tpu.memory_space<vmem>> -> memref<1x512x64xf32, #tpu.memory_space<vmem>>
    %dma_start3A_649 = tpu.memref_squeeze %dma_start3A_648 : memref<1x512x64xf32, #tpu.memory_space<vmem>> -> memref<512x64xf32, #tpu.memory_space<vmem>>
    %dma_start3A_650 = arith.constant 7680 : i32
    %dma_start3A_651 = tpu.memref_slice %arg5[%dma_start3A_650] : memref<10240xi32, #tpu.memory_space<vmem>> -> memref<512xi32, #tpu.memory_space<vmem>>
    %dma_start3A_652 = arith.constant 0 : i32
    %dma_start3A_653 = arith.constant 0 : i32
    %dma_start3A_654 = tpu.memref_slice %arg3[%dma_start3A_652, %dma_start3A_653] : memref<1000000x64xf32, #tpu.memory_space<hbm>> -> memref<1000000x64xf32, #tpu.memory_space<hbm>>
    tpu.enqueue_indirect_dma source(%dma_start3A_654 : memref<1000000x64xf32, #tpu.memory_space<hbm>>) target(%dma_start3A_649 : memref<512x64xf32, #tpu.memory_space<vmem>>) offsets(%dma_start3A_651 : memref<512xi32, #tpu.memory_space<vmem>>) semaphore(%arg7 : memref<!tpu.dma_semaphore, #tpu.memory_space<semaphore_mem>>)
    %dma_wait3A_655 = arith.constant 1 : i32
    %dma_wait3A_656 = arith.constant 0 : i32
    %dma_wait3A_657 = arith.constant 0 : i32
    %dma_wait3A_658 = tpu.memref_slice %arg6[%dma_wait3A_655, %dma_wait3A_656, %dma_wait3A_657] : memref<3x512x64xf32, #tpu.memory_space<vmem>> -> memref<1x512x64xf32, #tpu.memory_space<vmem>>
    %dma_wait3A_659 = tpu.memref_squeeze %dma_wait3A_658 : memref<1x512x64xf32, #tpu.memory_space<vmem>> -> memref<512x64xf32, #tpu.memory_space<vmem>>
    %dma_wait3A_660 = arith.constant 6656 : i32
    %dma_wait3A_661 = tpu.memref_slice %arg5[%dma_wait3A_660] : memref<10240xi32, #tpu.memory_space<vmem>> -> memref<512xi32, #tpu.memory_space<vmem>>
    %dma_wait3A_662 = arith.constant 0 : i32
    %dma_wait3A_663 = arith.constant 0 : i32
    %dma_wait3A_664 = tpu.memref_slice %arg3[%dma_wait3A_662, %dma_wait3A_663] : memref<1000000x64xf32, #tpu.memory_space<hbm>> -> memref<1000000x64xf32, #tpu.memory_space<hbm>>
    tpu.wait_indirect_dma semaphore(%arg8 : memref<!tpu.dma_semaphore, #tpu.memory_space<semaphore_mem>>) src(%dma_wait3A_664 : memref<1000000x64xf32, #tpu.memory_space<hbm>>) dst(%dma_wait3A_659 : memref<512x64xf32, #tpu.memory_space<vmem>>)
    %add3A_665 = arith.constant 6656 : i32
    %add3A_666 = arith.addi %mul3A_2, %add3A_665 : i32
    %dma_start3A_667 = arith.constant 1 : i32
    %dma_start3A_668 = arith.constant 0 : i32
    %dma_start3A_669 = arith.constant 0 : i32
    %dma_start3A_670 = tpu.memref_slice %arg6[%dma_start3A_667, %dma_start3A_668, %dma_start3A_669] : memref<3x512x64xf32, #tpu.memory_space<vmem>> -> memref<1x512x64xf32, #tpu.memory_space<vmem>>
    %dma_start3A_671 = tpu.memref_squeeze %dma_start3A_670 : memref<1x512x64xf32, #tpu.memory_space<vmem>> -> memref<512x64xf32, #tpu.memory_space<vmem>>
    %dma_start3A_672 = arith.constant 0 : i32
    %dma_start3A_673 = tpu.memref_slice %arg4[%add3A_666, %dma_start3A_672] : memref<327680x64xf32, #tpu.memory_space<hbm>> -> memref<512x64xf32, #tpu.memory_space<hbm>>
    %dma_start3A_674 = arith.constant 0 : i32
    %dma_start3A_675 = tpu.memref_slice %arg4[%add3A_666, %dma_start3A_674] : memref<327680x64xf32, #tpu.memory_space<hbm>> -> memref<512x64xf32, #tpu.memory_space<hbm>>
    %dma_start3A_676 = arith.constant 0 : i32
    %dma_start3A_677 = arith.constant 0 : i32
    %dma_start3A_678 = tpu.memref_slice %arg6[%dma_start3A_667, %dma_start3A_676, %dma_start3A_677] : memref<3x512x64xf32, #tpu.memory_space<vmem>> -> memref<1x512x64xf32, #tpu.memory_space<vmem>>
    %dma_start3A_679 = tpu.memref_squeeze %dma_start3A_678 : memref<1x512x64xf32, #tpu.memory_space<vmem>> -> memref<512x64xf32, #tpu.memory_space<vmem>>
    tpu.enqueue_dma source(%dma_start3A_679 : memref<512x64xf32, #tpu.memory_space<vmem>>) target(%dma_start3A_675 : memref<512x64xf32, #tpu.memory_space<hbm>>) target_semaphore(%arg11 : memref<!tpu.dma_semaphore, #tpu.memory_space<semaphore_mem>>)
    %dma_wait3A_680 = arith.constant 1 : i32
    %dma_wait3A_681 = arith.constant 0 : i32
    %dma_wait3A_682 = arith.constant 0 : i32
    %dma_wait3A_683 = tpu.memref_slice %arg6[%dma_wait3A_680, %dma_wait3A_681, %dma_wait3A_682] : memref<3x512x64xf32, #tpu.memory_space<vmem>> -> memref<1x512x64xf32, #tpu.memory_space<vmem>>
    %dma_wait3A_684 = tpu.memref_squeeze %dma_wait3A_683 : memref<1x512x64xf32, #tpu.memory_space<vmem>> -> memref<512x64xf32, #tpu.memory_space<vmem>>
    %dma_wait3A_685 = arith.constant 0 : i32
    %dma_wait3A_686 = tpu.memref_slice %arg4[%add3A_666, %dma_wait3A_685] : memref<327680x64xf32, #tpu.memory_space<hbm>> -> memref<512x64xf32, #tpu.memory_space<hbm>>
    %dma_wait3A_687 = arith.constant 0 : i32
    %dma_wait3A_688 = tpu.memref_slice %arg4[%add3A_666, %dma_wait3A_687] : memref<327680x64xf32, #tpu.memory_space<hbm>> -> memref<512x64xf32, #tpu.memory_space<hbm>>
    %dma_wait3A_689 = arith.constant 0 : i32
    %dma_wait3A_690 = arith.constant 0 : i32
    %dma_wait3A_691 = tpu.memref_slice %arg6[%dma_wait3A_680, %dma_wait3A_689, %dma_wait3A_690] : memref<3x512x64xf32, #tpu.memory_space<vmem>> -> memref<1x512x64xf32, #tpu.memory_space<vmem>>
    %dma_wait3A_692 = tpu.memref_squeeze %dma_wait3A_691 : memref<1x512x64xf32, #tpu.memory_space<vmem>> -> memref<512x64xf32, #tpu.memory_space<vmem>>
    tpu.wait_dma2 semaphore(%arg11 : memref<!tpu.dma_semaphore, #tpu.memory_space<semaphore_mem>>) src(%dma_wait3A_692 : memref<512x64xf32, #tpu.memory_space<vmem>>) dst(%dma_wait3A_688 : memref<512x64xf32, #tpu.memory_space<hbm>>)
    %dma_start3A_693 = arith.constant 1 : i32
    %dma_start3A_694 = arith.constant 0 : i32
    %dma_start3A_695 = arith.constant 0 : i32
    %dma_start3A_696 = tpu.memref_slice %arg6[%dma_start3A_693, %dma_start3A_694, %dma_start3A_695] : memref<3x512x64xf32, #tpu.memory_space<vmem>> -> memref<1x512x64xf32, #tpu.memory_space<vmem>>
    %dma_start3A_697 = tpu.memref_squeeze %dma_start3A_696 : memref<1x512x64xf32, #tpu.memory_space<vmem>> -> memref<512x64xf32, #tpu.memory_space<vmem>>
    %dma_start3A_698 = arith.constant 8192 : i32
    %dma_start3A_699 = tpu.memref_slice %arg5[%dma_start3A_698] : memref<10240xi32, #tpu.memory_space<vmem>> -> memref<512xi32, #tpu.memory_space<vmem>>
    %dma_start3A_700 = arith.constant 0 : i32
    %dma_start3A_701 = arith.constant 0 : i32
    %dma_start3A_702 = tpu.memref_slice %arg3[%dma_start3A_700, %dma_start3A_701] : memref<1000000x64xf32, #tpu.memory_space<hbm>> -> memref<1000000x64xf32, #tpu.memory_space<hbm>>
    tpu.enqueue_indirect_dma source(%dma_start3A_702 : memref<1000000x64xf32, #tpu.memory_space<hbm>>) target(%dma_start3A_697 : memref<512x64xf32, #tpu.memory_space<vmem>>) offsets(%dma_start3A_699 : memref<512xi32, #tpu.memory_space<vmem>>) semaphore(%arg8 : memref<!tpu.dma_semaphore, #tpu.memory_space<semaphore_mem>>)
    %dma_wait3A_703 = arith.constant 2 : i32
    %dma_wait3A_704 = arith.constant 0 : i32
    %dma_wait3A_705 = arith.constant 0 : i32
    %dma_wait3A_706 = tpu.memref_slice %arg6[%dma_wait3A_703, %dma_wait3A_704, %dma_wait3A_705] : memref<3x512x64xf32, #tpu.memory_space<vmem>> -> memref<1x512x64xf32, #tpu.memory_space<vmem>>
    %dma_wait3A_707 = tpu.memref_squeeze %dma_wait3A_706 : memref<1x512x64xf32, #tpu.memory_space<vmem>> -> memref<512x64xf32, #tpu.memory_space<vmem>>
    %dma_wait3A_708 = arith.constant 7168 : i32
    %dma_wait3A_709 = tpu.memref_slice %arg5[%dma_wait3A_708] : memref<10240xi32, #tpu.memory_space<vmem>> -> memref<512xi32, #tpu.memory_space<vmem>>
    %dma_wait3A_710 = arith.constant 0 : i32
    %dma_wait3A_711 = arith.constant 0 : i32
    %dma_wait3A_712 = tpu.memref_slice %arg3[%dma_wait3A_710, %dma_wait3A_711] : memref<1000000x64xf32, #tpu.memory_space<hbm>> -> memref<1000000x64xf32, #tpu.memory_space<hbm>>
    tpu.wait_indirect_dma semaphore(%arg9 : memref<!tpu.dma_semaphore, #tpu.memory_space<semaphore_mem>>) src(%dma_wait3A_712 : memref<1000000x64xf32, #tpu.memory_space<hbm>>) dst(%dma_wait3A_707 : memref<512x64xf32, #tpu.memory_space<vmem>>)
    %add3A_713 = arith.constant 7168 : i32
    %add3A_714 = arith.addi %mul3A_2, %add3A_713 : i32
    %dma_start3A_715 = arith.constant 2 : i32
    %dma_start3A_716 = arith.constant 0 : i32
    %dma_start3A_717 = arith.constant 0 : i32
    %dma_start3A_718 = tpu.memref_slice %arg6[%dma_start3A_715, %dma_start3A_716, %dma_start3A_717] : memref<3x512x64xf32, #tpu.memory_space<vmem>> -> memref<1x512x64xf32, #tpu.memory_space<vmem>>
    %dma_start3A_719 = tpu.memref_squeeze %dma_start3A_718 : memref<1x512x64xf32, #tpu.memory_space<vmem>> -> memref<512x64xf32, #tpu.memory_space<vmem>>
    %dma_start3A_720 = arith.constant 0 : i32
    %dma_start3A_721 = tpu.memref_slice %arg4[%add3A_714, %dma_start3A_720] : memref<327680x64xf32, #tpu.memory_space<hbm>> -> memref<512x64xf32, #tpu.memory_space<hbm>>
    %dma_start3A_722 = arith.constant 0 : i32
    %dma_start3A_723 = tpu.memref_slice %arg4[%add3A_714, %dma_start3A_722] : memref<327680x64xf32, #tpu.memory_space<hbm>> -> memref<512x64xf32, #tpu.memory_space<hbm>>
    %dma_start3A_724 = arith.constant 0 : i32
    %dma_start3A_725 = arith.constant 0 : i32
    %dma_start3A_726 = tpu.memref_slice %arg6[%dma_start3A_715, %dma_start3A_724, %dma_start3A_725] : memref<3x512x64xf32, #tpu.memory_space<vmem>> -> memref<1x512x64xf32, #tpu.memory_space<vmem>>
    %dma_start3A_727 = tpu.memref_squeeze %dma_start3A_726 : memref<1x512x64xf32, #tpu.memory_space<vmem>> -> memref<512x64xf32, #tpu.memory_space<vmem>>
    tpu.enqueue_dma source(%dma_start3A_727 : memref<512x64xf32, #tpu.memory_space<vmem>>) target(%dma_start3A_723 : memref<512x64xf32, #tpu.memory_space<hbm>>) target_semaphore(%arg12 : memref<!tpu.dma_semaphore, #tpu.memory_space<semaphore_mem>>)
    %dma_wait3A_728 = arith.constant 2 : i32
    %dma_wait3A_729 = arith.constant 0 : i32
    %dma_wait3A_730 = arith.constant 0 : i32
    %dma_wait3A_731 = tpu.memref_slice %arg6[%dma_wait3A_728, %dma_wait3A_729, %dma_wait3A_730] : memref<3x512x64xf32, #tpu.memory_space<vmem>> -> memref<1x512x64xf32, #tpu.memory_space<vmem>>
    %dma_wait3A_732 = tpu.memref_squeeze %dma_wait3A_731 : memref<1x512x64xf32, #tpu.memory_space<vmem>> -> memref<512x64xf32, #tpu.memory_space<vmem>>
    %dma_wait3A_733 = arith.constant 0 : i32
    %dma_wait3A_734 = tpu.memref_slice %arg4[%add3A_714, %dma_wait3A_733] : memref<327680x64xf32, #tpu.memory_space<hbm>> -> memref<512x64xf32, #tpu.memory_space<hbm>>
    %dma_wait3A_735 = arith.constant 0 : i32
    %dma_wait3A_736 = tpu.memref_slice %arg4[%add3A_714, %dma_wait3A_735] : memref<327680x64xf32, #tpu.memory_space<hbm>> -> memref<512x64xf32, #tpu.memory_space<hbm>>
    %dma_wait3A_737 = arith.constant 0 : i32
    %dma_wait3A_738 = arith.constant 0 : i32
    %dma_wait3A_739 = tpu.memref_slice %arg6[%dma_wait3A_728, %dma_wait3A_737, %dma_wait3A_738] : memref<3x512x64xf32, #tpu.memory_space<vmem>> -> memref<1x512x64xf32, #tpu.memory_space<vmem>>
    %dma_wait3A_740 = tpu.memref_squeeze %dma_wait3A_739 : memref<1x512x64xf32, #tpu.memory_space<vmem>> -> memref<512x64xf32, #tpu.memory_space<vmem>>
    tpu.wait_dma2 semaphore(%arg12 : memref<!tpu.dma_semaphore, #tpu.memory_space<semaphore_mem>>) src(%dma_wait3A_740 : memref<512x64xf32, #tpu.memory_space<vmem>>) dst(%dma_wait3A_736 : memref<512x64xf32, #tpu.memory_space<hbm>>)
    %dma_start3A_741 = arith.constant 2 : i32
    %dma_start3A_742 = arith.constant 0 : i32
    %dma_start3A_743 = arith.constant 0 : i32
    %dma_start3A_744 = tpu.memref_slice %arg6[%dma_start3A_741, %dma_start3A_742, %dma_start3A_743] : memref<3x512x64xf32, #tpu.memory_space<vmem>> -> memref<1x512x64xf32, #tpu.memory_space<vmem>>
    %dma_start3A_745 = tpu.memref_squeeze %dma_start3A_744 : memref<1x512x64xf32, #tpu.memory_space<vmem>> -> memref<512x64xf32, #tpu.memory_space<vmem>>
    %dma_start3A_746 = arith.constant 8704 : i32
    %dma_start3A_747 = tpu.memref_slice %arg5[%dma_start3A_746] : memref<10240xi32, #tpu.memory_space<vmem>> -> memref<512xi32, #tpu.memory_space<vmem>>
    %dma_start3A_748 = arith.constant 0 : i32
    %dma_start3A_749 = arith.constant 0 : i32
    %dma_start3A_750 = tpu.memref_slice %arg3[%dma_start3A_748, %dma_start3A_749] : memref<1000000x64xf32, #tpu.memory_space<hbm>> -> memref<1000000x64xf32, #tpu.memory_space<hbm>>
    tpu.enqueue_indirect_dma source(%dma_start3A_750 : memref<1000000x64xf32, #tpu.memory_space<hbm>>) target(%dma_start3A_745 : memref<512x64xf32, #tpu.memory_space<vmem>>) offsets(%dma_start3A_747 : memref<512xi32, #tpu.memory_space<vmem>>) semaphore(%arg9 : memref<!tpu.dma_semaphore, #tpu.memory_space<semaphore_mem>>)
    %dma_wait3A_751 = arith.constant 0 : i32
    %dma_wait3A_752 = arith.constant 0 : i32
    %dma_wait3A_753 = arith.constant 0 : i32
    %dma_wait3A_754 = tpu.memref_slice %arg6[%dma_wait3A_751, %dma_wait3A_752, %dma_wait3A_753] : memref<3x512x64xf32, #tpu.memory_space<vmem>> -> memref<1x512x64xf32, #tpu.memory_space<vmem>>
    %dma_wait3A_755 = tpu.memref_squeeze %dma_wait3A_754 : memref<1x512x64xf32, #tpu.memory_space<vmem>> -> memref<512x64xf32, #tpu.memory_space<vmem>>
    %dma_wait3A_756 = arith.constant 7680 : i32
    %dma_wait3A_757 = tpu.memref_slice %arg5[%dma_wait3A_756] : memref<10240xi32, #tpu.memory_space<vmem>> -> memref<512xi32, #tpu.memory_space<vmem>>
    %dma_wait3A_758 = arith.constant 0 : i32
    %dma_wait3A_759 = arith.constant 0 : i32
    %dma_wait3A_760 = tpu.memref_slice %arg3[%dma_wait3A_758, %dma_wait3A_759] : memref<1000000x64xf32, #tpu.memory_space<hbm>> -> memref<1000000x64xf32, #tpu.memory_space<hbm>>
    tpu.wait_indirect_dma semaphore(%arg7 : memref<!tpu.dma_semaphore, #tpu.memory_space<semaphore_mem>>) src(%dma_wait3A_760 : memref<1000000x64xf32, #tpu.memory_space<hbm>>) dst(%dma_wait3A_755 : memref<512x64xf32, #tpu.memory_space<vmem>>)
    %add3A_761 = arith.constant 7680 : i32
    %add3A_762 = arith.addi %mul3A_2, %add3A_761 : i32
    %dma_start3A_763 = arith.constant 0 : i32
    %dma_start3A_764 = arith.constant 0 : i32
    %dma_start3A_765 = arith.constant 0 : i32
    %dma_start3A_766 = tpu.memref_slice %arg6[%dma_start3A_763, %dma_start3A_764, %dma_start3A_765] : memref<3x512x64xf32, #tpu.memory_space<vmem>> -> memref<1x512x64xf32, #tpu.memory_space<vmem>>
    %dma_start3A_767 = tpu.memref_squeeze %dma_start3A_766 : memref<1x512x64xf32, #tpu.memory_space<vmem>> -> memref<512x64xf32, #tpu.memory_space<vmem>>
    %dma_start3A_768 = arith.constant 0 : i32
    %dma_start3A_769 = tpu.memref_slice %arg4[%add3A_762, %dma_start3A_768] : memref<327680x64xf32, #tpu.memory_space<hbm>> -> memref<512x64xf32, #tpu.memory_space<hbm>>
    %dma_start3A_770 = arith.constant 0 : i32
    %dma_start3A_771 = tpu.memref_slice %arg4[%add3A_762, %dma_start3A_770] : memref<327680x64xf32, #tpu.memory_space<hbm>> -> memref<512x64xf32, #tpu.memory_space<hbm>>
    %dma_start3A_772 = arith.constant 0 : i32
    %dma_start3A_773 = arith.constant 0 : i32
    %dma_start3A_774 = tpu.memref_slice %arg6[%dma_start3A_763, %dma_start3A_772, %dma_start3A_773] : memref<3x512x64xf32, #tpu.memory_space<vmem>> -> memref<1x512x64xf32, #tpu.memory_space<vmem>>
    %dma_start3A_775 = tpu.memref_squeeze %dma_start3A_774 : memref<1x512x64xf32, #tpu.memory_space<vmem>> -> memref<512x64xf32, #tpu.memory_space<vmem>>
    tpu.enqueue_dma source(%dma_start3A_775 : memref<512x64xf32, #tpu.memory_space<vmem>>) target(%dma_start3A_771 : memref<512x64xf32, #tpu.memory_space<hbm>>) target_semaphore(%arg10 : memref<!tpu.dma_semaphore, #tpu.memory_space<semaphore_mem>>)
    %dma_wait3A_776 = arith.constant 0 : i32
    %dma_wait3A_777 = arith.constant 0 : i32
    %dma_wait3A_778 = arith.constant 0 : i32
    %dma_wait3A_779 = tpu.memref_slice %arg6[%dma_wait3A_776, %dma_wait3A_777, %dma_wait3A_778] : memref<3x512x64xf32, #tpu.memory_space<vmem>> -> memref<1x512x64xf32, #tpu.memory_space<vmem>>
    %dma_wait3A_780 = tpu.memref_squeeze %dma_wait3A_779 : memref<1x512x64xf32, #tpu.memory_space<vmem>> -> memref<512x64xf32, #tpu.memory_space<vmem>>
    %dma_wait3A_781 = arith.constant 0 : i32
    %dma_wait3A_782 = tpu.memref_slice %arg4[%add3A_762, %dma_wait3A_781] : memref<327680x64xf32, #tpu.memory_space<hbm>> -> memref<512x64xf32, #tpu.memory_space<hbm>>
    %dma_wait3A_783 = arith.constant 0 : i32
    %dma_wait3A_784 = tpu.memref_slice %arg4[%add3A_762, %dma_wait3A_783] : memref<327680x64xf32, #tpu.memory_space<hbm>> -> memref<512x64xf32, #tpu.memory_space<hbm>>
    %dma_wait3A_785 = arith.constant 0 : i32
    %dma_wait3A_786 = arith.constant 0 : i32
    %dma_wait3A_787 = tpu.memref_slice %arg6[%dma_wait3A_776, %dma_wait3A_785, %dma_wait3A_786] : memref<3x512x64xf32, #tpu.memory_space<vmem>> -> memref<1x512x64xf32, #tpu.memory_space<vmem>>
    %dma_wait3A_788 = tpu.memref_squeeze %dma_wait3A_787 : memref<1x512x64xf32, #tpu.memory_space<vmem>> -> memref<512x64xf32, #tpu.memory_space<vmem>>
    tpu.wait_dma2 semaphore(%arg10 : memref<!tpu.dma_semaphore, #tpu.memory_space<semaphore_mem>>) src(%dma_wait3A_788 : memref<512x64xf32, #tpu.memory_space<vmem>>) dst(%dma_wait3A_784 : memref<512x64xf32, #tpu.memory_space<hbm>>)
    %dma_start3A_789 = arith.constant 0 : i32
    %dma_start3A_790 = arith.constant 0 : i32
    %dma_start3A_791 = arith.constant 0 : i32
    %dma_start3A_792 = tpu.memref_slice %arg6[%dma_start3A_789, %dma_start3A_790, %dma_start3A_791] : memref<3x512x64xf32, #tpu.memory_space<vmem>> -> memref<1x512x64xf32, #tpu.memory_space<vmem>>
    %dma_start3A_793 = tpu.memref_squeeze %dma_start3A_792 : memref<1x512x64xf32, #tpu.memory_space<vmem>> -> memref<512x64xf32, #tpu.memory_space<vmem>>
    %dma_start3A_794 = arith.constant 9216 : i32
    %dma_start3A_795 = tpu.memref_slice %arg5[%dma_start3A_794] : memref<10240xi32, #tpu.memory_space<vmem>> -> memref<512xi32, #tpu.memory_space<vmem>>
    %dma_start3A_796 = arith.constant 0 : i32
    %dma_start3A_797 = arith.constant 0 : i32
    %dma_start3A_798 = tpu.memref_slice %arg3[%dma_start3A_796, %dma_start3A_797] : memref<1000000x64xf32, #tpu.memory_space<hbm>> -> memref<1000000x64xf32, #tpu.memory_space<hbm>>
    tpu.enqueue_indirect_dma source(%dma_start3A_798 : memref<1000000x64xf32, #tpu.memory_space<hbm>>) target(%dma_start3A_793 : memref<512x64xf32, #tpu.memory_space<vmem>>) offsets(%dma_start3A_795 : memref<512xi32, #tpu.memory_space<vmem>>) semaphore(%arg7 : memref<!tpu.dma_semaphore, #tpu.memory_space<semaphore_mem>>)
    %dma_wait3A_799 = arith.constant 1 : i32
    %dma_wait3A_800 = arith.constant 0 : i32
    %dma_wait3A_801 = arith.constant 0 : i32
    %dma_wait3A_802 = tpu.memref_slice %arg6[%dma_wait3A_799, %dma_wait3A_800, %dma_wait3A_801] : memref<3x512x64xf32, #tpu.memory_space<vmem>> -> memref<1x512x64xf32, #tpu.memory_space<vmem>>
    %dma_wait3A_803 = tpu.memref_squeeze %dma_wait3A_802 : memref<1x512x64xf32, #tpu.memory_space<vmem>> -> memref<512x64xf32, #tpu.memory_space<vmem>>
    %dma_wait3A_804 = arith.constant 8192 : i32
    %dma_wait3A_805 = tpu.memref_slice %arg5[%dma_wait3A_804] : memref<10240xi32, #tpu.memory_space<vmem>> -> memref<512xi32, #tpu.memory_space<vmem>>
    %dma_wait3A_806 = arith.constant 0 : i32
    %dma_wait3A_807 = arith.constant 0 : i32
    %dma_wait3A_808 = tpu.memref_slice %arg3[%dma_wait3A_806, %dma_wait3A_807] : memref<1000000x64xf32, #tpu.memory_space<hbm>> -> memref<1000000x64xf32, #tpu.memory_space<hbm>>
    tpu.wait_indirect_dma semaphore(%arg8 : memref<!tpu.dma_semaphore, #tpu.memory_space<semaphore_mem>>) src(%dma_wait3A_808 : memref<1000000x64xf32, #tpu.memory_space<hbm>>) dst(%dma_wait3A_803 : memref<512x64xf32, #tpu.memory_space<vmem>>)
    %add3A_809 = arith.constant 8192 : i32
    %add3A_810 = arith.addi %mul3A_2, %add3A_809 : i32
    %dma_start3A_811 = arith.constant 1 : i32
    %dma_start3A_812 = arith.constant 0 : i32
    %dma_start3A_813 = arith.constant 0 : i32
    %dma_start3A_814 = tpu.memref_slice %arg6[%dma_start3A_811, %dma_start3A_812, %dma_start3A_813] : memref<3x512x64xf32, #tpu.memory_space<vmem>> -> memref<1x512x64xf32, #tpu.memory_space<vmem>>
    %dma_start3A_815 = tpu.memref_squeeze %dma_start3A_814 : memref<1x512x64xf32, #tpu.memory_space<vmem>> -> memref<512x64xf32, #tpu.memory_space<vmem>>
    %dma_start3A_816 = arith.constant 0 : i32
    %dma_start3A_817 = tpu.memref_slice %arg4[%add3A_810, %dma_start3A_816] : memref<327680x64xf32, #tpu.memory_space<hbm>> -> memref<512x64xf32, #tpu.memory_space<hbm>>
    %dma_start3A_818 = arith.constant 0 : i32
    %dma_start3A_819 = tpu.memref_slice %arg4[%add3A_810, %dma_start3A_818] : memref<327680x64xf32, #tpu.memory_space<hbm>> -> memref<512x64xf32, #tpu.memory_space<hbm>>
    %dma_start3A_820 = arith.constant 0 : i32
    %dma_start3A_821 = arith.constant 0 : i32
    %dma_start3A_822 = tpu.memref_slice %arg6[%dma_start3A_811, %dma_start3A_820, %dma_start3A_821] : memref<3x512x64xf32, #tpu.memory_space<vmem>> -> memref<1x512x64xf32, #tpu.memory_space<vmem>>
    %dma_start3A_823 = tpu.memref_squeeze %dma_start3A_822 : memref<1x512x64xf32, #tpu.memory_space<vmem>> -> memref<512x64xf32, #tpu.memory_space<vmem>>
    tpu.enqueue_dma source(%dma_start3A_823 : memref<512x64xf32, #tpu.memory_space<vmem>>) target(%dma_start3A_819 : memref<512x64xf32, #tpu.memory_space<hbm>>) target_semaphore(%arg11 : memref<!tpu.dma_semaphore, #tpu.memory_space<semaphore_mem>>)
    %dma_wait3A_824 = arith.constant 1 : i32
    %dma_wait3A_825 = arith.constant 0 : i32
    %dma_wait3A_826 = arith.constant 0 : i32
    %dma_wait3A_827 = tpu.memref_slice %arg6[%dma_wait3A_824, %dma_wait3A_825, %dma_wait3A_826] : memref<3x512x64xf32, #tpu.memory_space<vmem>> -> memref<1x512x64xf32, #tpu.memory_space<vmem>>
    %dma_wait3A_828 = tpu.memref_squeeze %dma_wait3A_827 : memref<1x512x64xf32, #tpu.memory_space<vmem>> -> memref<512x64xf32, #tpu.memory_space<vmem>>
    %dma_wait3A_829 = arith.constant 0 : i32
    %dma_wait3A_830 = tpu.memref_slice %arg4[%add3A_810, %dma_wait3A_829] : memref<327680x64xf32, #tpu.memory_space<hbm>> -> memref<512x64xf32, #tpu.memory_space<hbm>>
    %dma_wait3A_831 = arith.constant 0 : i32
    %dma_wait3A_832 = tpu.memref_slice %arg4[%add3A_810, %dma_wait3A_831] : memref<327680x64xf32, #tpu.memory_space<hbm>> -> memref<512x64xf32, #tpu.memory_space<hbm>>
    %dma_wait3A_833 = arith.constant 0 : i32
    %dma_wait3A_834 = arith.constant 0 : i32
    %dma_wait3A_835 = tpu.memref_slice %arg6[%dma_wait3A_824, %dma_wait3A_833, %dma_wait3A_834] : memref<3x512x64xf32, #tpu.memory_space<vmem>> -> memref<1x512x64xf32, #tpu.memory_space<vmem>>
    %dma_wait3A_836 = tpu.memref_squeeze %dma_wait3A_835 : memref<1x512x64xf32, #tpu.memory_space<vmem>> -> memref<512x64xf32, #tpu.memory_space<vmem>>
    tpu.wait_dma2 semaphore(%arg11 : memref<!tpu.dma_semaphore, #tpu.memory_space<semaphore_mem>>) src(%dma_wait3A_836 : memref<512x64xf32, #tpu.memory_space<vmem>>) dst(%dma_wait3A_832 : memref<512x64xf32, #tpu.memory_space<hbm>>)
    %dma_start3A_837 = arith.constant 1 : i32
    %dma_start3A_838 = arith.constant 0 : i32
    %dma_start3A_839 = arith.constant 0 : i32
    %dma_start3A_840 = tpu.memref_slice %arg6[%dma_start3A_837, %dma_start3A_838, %dma_start3A_839] : memref<3x512x64xf32, #tpu.memory_space<vmem>> -> memref<1x512x64xf32, #tpu.memory_space<vmem>>
    %dma_start3A_841 = tpu.memref_squeeze %dma_start3A_840 : memref<1x512x64xf32, #tpu.memory_space<vmem>> -> memref<512x64xf32, #tpu.memory_space<vmem>>
    %dma_start3A_842 = arith.constant 9728 : i32
    %dma_start3A_843 = tpu.memref_slice %arg5[%dma_start3A_842] : memref<10240xi32, #tpu.memory_space<vmem>> -> memref<512xi32, #tpu.memory_space<vmem>>
    %dma_start3A_844 = arith.constant 0 : i32
    %dma_start3A_845 = arith.constant 0 : i32
    %dma_start3A_846 = tpu.memref_slice %arg3[%dma_start3A_844, %dma_start3A_845] : memref<1000000x64xf32, #tpu.memory_space<hbm>> -> memref<1000000x64xf32, #tpu.memory_space<hbm>>
    tpu.enqueue_indirect_dma source(%dma_start3A_846 : memref<1000000x64xf32, #tpu.memory_space<hbm>>) target(%dma_start3A_841 : memref<512x64xf32, #tpu.memory_space<vmem>>) offsets(%dma_start3A_843 : memref<512xi32, #tpu.memory_space<vmem>>) semaphore(%arg8 : memref<!tpu.dma_semaphore, #tpu.memory_space<semaphore_mem>>)
    %dma_wait3A_847 = arith.constant 2 : i32
    %dma_wait3A_848 = arith.constant 0 : i32
    %dma_wait3A_849 = arith.constant 0 : i32
    %dma_wait3A_850 = tpu.memref_slice %arg6[%dma_wait3A_847, %dma_wait3A_848, %dma_wait3A_849] : memref<3x512x64xf32, #tpu.memory_space<vmem>> -> memref<1x512x64xf32, #tpu.memory_space<vmem>>
    %dma_wait3A_851 = tpu.memref_squeeze %dma_wait3A_850 : memref<1x512x64xf32, #tpu.memory_space<vmem>> -> memref<512x64xf32, #tpu.memory_space<vmem>>
    %dma_wait3A_852 = arith.constant 8704 : i32
    %dma_wait3A_853 = tpu.memref_slice %arg5[%dma_wait3A_852] : memref<10240xi32, #tpu.memory_space<vmem>> -> memref<512xi32, #tpu.memory_space<vmem>>
    %dma_wait3A_854 = arith.constant 0 : i32
    %dma_wait3A_855 = arith.constant 0 : i32
    %dma_wait3A_856 = tpu.memref_slice %arg3[%dma_wait3A_854, %dma_wait3A_855] : memref<1000000x64xf32, #tpu.memory_space<hbm>> -> memref<1000000x64xf32, #tpu.memory_space<hbm>>
    tpu.wait_indirect_dma semaphore(%arg9 : memref<!tpu.dma_semaphore, #tpu.memory_space<semaphore_mem>>) src(%dma_wait3A_856 : memref<1000000x64xf32, #tpu.memory_space<hbm>>) dst(%dma_wait3A_851 : memref<512x64xf32, #tpu.memory_space<vmem>>)
    %add3A_857 = arith.constant 8704 : i32
    %add3A_858 = arith.addi %mul3A_2, %add3A_857 : i32
    %dma_start3A_859 = arith.constant 2 : i32
    %dma_start3A_860 = arith.constant 0 : i32
    %dma_start3A_861 = arith.constant 0 : i32
    %dma_start3A_862 = tpu.memref_slice %arg6[%dma_start3A_859, %dma_start3A_860, %dma_start3A_861] : memref<3x512x64xf32, #tpu.memory_space<vmem>> -> memref<1x512x64xf32, #tpu.memory_space<vmem>>
    %dma_start3A_863 = tpu.memref_squeeze %dma_start3A_862 : memref<1x512x64xf32, #tpu.memory_space<vmem>> -> memref<512x64xf32, #tpu.memory_space<vmem>>
    %dma_start3A_864 = arith.constant 0 : i32
    %dma_start3A_865 = tpu.memref_slice %arg4[%add3A_858, %dma_start3A_864] : memref<327680x64xf32, #tpu.memory_space<hbm>> -> memref<512x64xf32, #tpu.memory_space<hbm>>
    %dma_start3A_866 = arith.constant 0 : i32
    %dma_start3A_867 = tpu.memref_slice %arg4[%add3A_858, %dma_start3A_866] : memref<327680x64xf32, #tpu.memory_space<hbm>> -> memref<512x64xf32, #tpu.memory_space<hbm>>
    %dma_start3A_868 = arith.constant 0 : i32
    %dma_start3A_869 = arith.constant 0 : i32
    %dma_start3A_870 = tpu.memref_slice %arg6[%dma_start3A_859, %dma_start3A_868, %dma_start3A_869] : memref<3x512x64xf32, #tpu.memory_space<vmem>> -> memref<1x512x64xf32, #tpu.memory_space<vmem>>
    %dma_start3A_871 = tpu.memref_squeeze %dma_start3A_870 : memref<1x512x64xf32, #tpu.memory_space<vmem>> -> memref<512x64xf32, #tpu.memory_space<vmem>>
    tpu.enqueue_dma source(%dma_start3A_871 : memref<512x64xf32, #tpu.memory_space<vmem>>) target(%dma_start3A_867 : memref<512x64xf32, #tpu.memory_space<hbm>>) target_semaphore(%arg12 : memref<!tpu.dma_semaphore, #tpu.memory_space<semaphore_mem>>)
    %dma_wait3A_872 = arith.constant 0 : i32
    %dma_wait3A_873 = arith.constant 0 : i32
    %dma_wait3A_874 = arith.constant 0 : i32
    %dma_wait3A_875 = tpu.memref_slice %arg6[%dma_wait3A_872, %dma_wait3A_873, %dma_wait3A_874] : memref<3x512x64xf32, #tpu.memory_space<vmem>> -> memref<1x512x64xf32, #tpu.memory_space<vmem>>
    %dma_wait3A_876 = tpu.memref_squeeze %dma_wait3A_875 : memref<1x512x64xf32, #tpu.memory_space<vmem>> -> memref<512x64xf32, #tpu.memory_space<vmem>>
    %dma_wait3A_877 = arith.constant 9216 : i32
    %dma_wait3A_878 = tpu.memref_slice %arg5[%dma_wait3A_877] : memref<10240xi32, #tpu.memory_space<vmem>> -> memref<512xi32, #tpu.memory_space<vmem>>
    %dma_wait3A_879 = arith.constant 0 : i32
    %dma_wait3A_880 = arith.constant 0 : i32
    %dma_wait3A_881 = tpu.memref_slice %arg3[%dma_wait3A_879, %dma_wait3A_880] : memref<1000000x64xf32, #tpu.memory_space<hbm>> -> memref<1000000x64xf32, #tpu.memory_space<hbm>>
    tpu.wait_indirect_dma semaphore(%arg7 : memref<!tpu.dma_semaphore, #tpu.memory_space<semaphore_mem>>) src(%dma_wait3A_881 : memref<1000000x64xf32, #tpu.memory_space<hbm>>) dst(%dma_wait3A_876 : memref<512x64xf32, #tpu.memory_space<vmem>>)
    %add3A_882 = arith.constant 9216 : i32
    %add3A_883 = arith.addi %mul3A_2, %add3A_882 : i32
    %dma_start3A_884 = arith.constant 0 : i32
    %dma_start3A_885 = arith.constant 0 : i32
    %dma_start3A_886 = arith.constant 0 : i32
    %dma_start3A_887 = tpu.memref_slice %arg6[%dma_start3A_884, %dma_start3A_885, %dma_start3A_886] : memref<3x512x64xf32, #tpu.memory_space<vmem>> -> memref<1x512x64xf32, #tpu.memory_space<vmem>>
    %dma_start3A_888 = tpu.memref_squeeze %dma_start3A_887 : memref<1x512x64xf32, #tpu.memory_space<vmem>> -> memref<512x64xf32, #tpu.memory_space<vmem>>
    %dma_start3A_889 = arith.constant 0 : i32
    %dma_start3A_890 = tpu.memref_slice %arg4[%add3A_883, %dma_start3A_889] : memref<327680x64xf32, #tpu.memory_space<hbm>> -> memref<512x64xf32, #tpu.memory_space<hbm>>
    %dma_start3A_891 = arith.constant 0 : i32
    %dma_start3A_892 = tpu.memref_slice %arg4[%add3A_883, %dma_start3A_891] : memref<327680x64xf32, #tpu.memory_space<hbm>> -> memref<512x64xf32, #tpu.memory_space<hbm>>
    %dma_start3A_893 = arith.constant 0 : i32
    %dma_start3A_894 = arith.constant 0 : i32
    %dma_start3A_895 = tpu.memref_slice %arg6[%dma_start3A_884, %dma_start3A_893, %dma_start3A_894] : memref<3x512x64xf32, #tpu.memory_space<vmem>> -> memref<1x512x64xf32, #tpu.memory_space<vmem>>
    %dma_start3A_896 = tpu.memref_squeeze %dma_start3A_895 : memref<1x512x64xf32, #tpu.memory_space<vmem>> -> memref<512x64xf32, #tpu.memory_space<vmem>>
    tpu.enqueue_dma source(%dma_start3A_896 : memref<512x64xf32, #tpu.memory_space<vmem>>) target(%dma_start3A_892 : memref<512x64xf32, #tpu.memory_space<hbm>>) target_semaphore(%arg10 : memref<!tpu.dma_semaphore, #tpu.memory_space<semaphore_mem>>)
    %dma_wait3A_897 = arith.constant 1 : i32
    %dma_wait3A_898 = arith.constant 0 : i32
    %dma_wait3A_899 = arith.constant 0 : i32
    %dma_wait3A_900 = tpu.memref_slice %arg6[%dma_wait3A_897, %dma_wait3A_898, %dma_wait3A_899] : memref<3x512x64xf32, #tpu.memory_space<vmem>> -> memref<1x512x64xf32, #tpu.memory_space<vmem>>
    %dma_wait3A_901 = tpu.memref_squeeze %dma_wait3A_900 : memref<1x512x64xf32, #tpu.memory_space<vmem>> -> memref<512x64xf32, #tpu.memory_space<vmem>>
    %dma_wait3A_902 = arith.constant 9728 : i32
    %dma_wait3A_903 = tpu.memref_slice %arg5[%dma_wait3A_902] : memref<10240xi32, #tpu.memory_space<vmem>> -> memref<512xi32, #tpu.memory_space<vmem>>
    %dma_wait3A_904 = arith.constant 0 : i32
    %dma_wait3A_905 = arith.constant 0 : i32
    %dma_wait3A_906 = tpu.memref_slice %arg3[%dma_wait3A_904, %dma_wait3A_905] : memref<1000000x64xf32, #tpu.memory_space<hbm>> -> memref<1000000x64xf32, #tpu.memory_space<hbm>>
    tpu.wait_indirect_dma semaphore(%arg8 : memref<!tpu.dma_semaphore, #tpu.memory_space<semaphore_mem>>) src(%dma_wait3A_906 : memref<1000000x64xf32, #tpu.memory_space<hbm>>) dst(%dma_wait3A_901 : memref<512x64xf32, #tpu.memory_space<vmem>>)
    %add3A_907 = arith.constant 9728 : i32
    %add3A_908 = arith.addi %mul3A_2, %add3A_907 : i32
    %dma_start3A_909 = arith.constant 1 : i32
    %dma_start3A_910 = arith.constant 0 : i32
    %dma_start3A_911 = arith.constant 0 : i32
    %dma_start3A_912 = tpu.memref_slice %arg6[%dma_start3A_909, %dma_start3A_910, %dma_start3A_911] : memref<3x512x64xf32, #tpu.memory_space<vmem>> -> memref<1x512x64xf32, #tpu.memory_space<vmem>>
    %dma_start3A_913 = tpu.memref_squeeze %dma_start3A_912 : memref<1x512x64xf32, #tpu.memory_space<vmem>> -> memref<512x64xf32, #tpu.memory_space<vmem>>
    %dma_start3A_914 = arith.constant 0 : i32
    %dma_start3A_915 = tpu.memref_slice %arg4[%add3A_908, %dma_start3A_914] : memref<327680x64xf32, #tpu.memory_space<hbm>> -> memref<512x64xf32, #tpu.memory_space<hbm>>
    %dma_start3A_916 = arith.constant 0 : i32
    %dma_start3A_917 = tpu.memref_slice %arg4[%add3A_908, %dma_start3A_916] : memref<327680x64xf32, #tpu.memory_space<hbm>> -> memref<512x64xf32, #tpu.memory_space<hbm>>
    %dma_start3A_918 = arith.constant 0 : i32
    %dma_start3A_919 = arith.constant 0 : i32
    %dma_start3A_920 = tpu.memref_slice %arg6[%dma_start3A_909, %dma_start3A_918, %dma_start3A_919] : memref<3x512x64xf32, #tpu.memory_space<vmem>> -> memref<1x512x64xf32, #tpu.memory_space<vmem>>
    %dma_start3A_921 = tpu.memref_squeeze %dma_start3A_920 : memref<1x512x64xf32, #tpu.memory_space<vmem>> -> memref<512x64xf32, #tpu.memory_space<vmem>>
    tpu.enqueue_dma source(%dma_start3A_921 : memref<512x64xf32, #tpu.memory_space<vmem>>) target(%dma_start3A_917 : memref<512x64xf32, #tpu.memory_space<hbm>>) target_semaphore(%arg11 : memref<!tpu.dma_semaphore, #tpu.memory_space<semaphore_mem>>)
    %dma_wait3A_922 = arith.constant 0 : i32
    %dma_wait3A_923 = arith.constant 0 : i32
    %dma_wait3A_924 = arith.constant 0 : i32
    %dma_wait3A_925 = tpu.memref_slice %arg6[%dma_wait3A_922, %dma_wait3A_923, %dma_wait3A_924] : memref<3x512x64xf32, #tpu.memory_space<vmem>> -> memref<1x512x64xf32, #tpu.memory_space<vmem>>
    %dma_wait3A_926 = tpu.memref_squeeze %dma_wait3A_925 : memref<1x512x64xf32, #tpu.memory_space<vmem>> -> memref<512x64xf32, #tpu.memory_space<vmem>>
    %dma_wait3A_927 = arith.constant 0 : i32
    %dma_wait3A_928 = tpu.memref_slice %arg4[%add3A_883, %dma_wait3A_927] : memref<327680x64xf32, #tpu.memory_space<hbm>> -> memref<512x64xf32, #tpu.memory_space<hbm>>
    %dma_wait3A_929 = arith.constant 0 : i32
    %dma_wait3A_930 = tpu.memref_slice %arg4[%add3A_883, %dma_wait3A_929] : memref<327680x64xf32, #tpu.memory_space<hbm>> -> memref<512x64xf32, #tpu.memory_space<hbm>>
    %dma_wait3A_931 = arith.constant 0 : i32
    %dma_wait3A_932 = arith.constant 0 : i32
    %dma_wait3A_933 = tpu.memref_slice %arg6[%dma_wait3A_922, %dma_wait3A_931, %dma_wait3A_932] : memref<3x512x64xf32, #tpu.memory_space<vmem>> -> memref<1x512x64xf32, #tpu.memory_space<vmem>>
    %dma_wait3A_934 = tpu.memref_squeeze %dma_wait3A_933 : memref<1x512x64xf32, #tpu.memory_space<vmem>> -> memref<512x64xf32, #tpu.memory_space<vmem>>
    tpu.wait_dma2 semaphore(%arg10 : memref<!tpu.dma_semaphore, #tpu.memory_space<semaphore_mem>>) src(%dma_wait3A_934 : memref<512x64xf32, #tpu.memory_space<vmem>>) dst(%dma_wait3A_930 : memref<512x64xf32, #tpu.memory_space<hbm>>)
    %dma_wait3A_935 = arith.constant 1 : i32
    %dma_wait3A_936 = arith.constant 0 : i32
    %dma_wait3A_937 = arith.constant 0 : i32
    %dma_wait3A_938 = tpu.memref_slice %arg6[%dma_wait3A_935, %dma_wait3A_936, %dma_wait3A_937] : memref<3x512x64xf32, #tpu.memory_space<vmem>> -> memref<1x512x64xf32, #tpu.memory_space<vmem>>
    %dma_wait3A_939 = tpu.memref_squeeze %dma_wait3A_938 : memref<1x512x64xf32, #tpu.memory_space<vmem>> -> memref<512x64xf32, #tpu.memory_space<vmem>>
    %dma_wait3A_940 = arith.constant 0 : i32
    %dma_wait3A_941 = tpu.memref_slice %arg4[%add3A_908, %dma_wait3A_940] : memref<327680x64xf32, #tpu.memory_space<hbm>> -> memref<512x64xf32, #tpu.memory_space<hbm>>
    %dma_wait3A_942 = arith.constant 0 : i32
    %dma_wait3A_943 = tpu.memref_slice %arg4[%add3A_908, %dma_wait3A_942] : memref<327680x64xf32, #tpu.memory_space<hbm>> -> memref<512x64xf32, #tpu.memory_space<hbm>>
    %dma_wait3A_944 = arith.constant 0 : i32
    %dma_wait3A_945 = arith.constant 0 : i32
    %dma_wait3A_946 = tpu.memref_slice %arg6[%dma_wait3A_935, %dma_wait3A_944, %dma_wait3A_945] : memref<3x512x64xf32, #tpu.memory_space<vmem>> -> memref<1x512x64xf32, #tpu.memory_space<vmem>>
    %dma_wait3A_947 = tpu.memref_squeeze %dma_wait3A_946 : memref<1x512x64xf32, #tpu.memory_space<vmem>> -> memref<512x64xf32, #tpu.memory_space<vmem>>
    tpu.wait_dma2 semaphore(%arg11 : memref<!tpu.dma_semaphore, #tpu.memory_space<semaphore_mem>>) src(%dma_wait3A_947 : memref<512x64xf32, #tpu.memory_space<vmem>>) dst(%dma_wait3A_943 : memref<512x64xf32, #tpu.memory_space<hbm>>)
    %dma_wait3A_948 = arith.constant 2 : i32
    %dma_wait3A_949 = arith.constant 0 : i32
    %dma_wait3A_950 = arith.constant 0 : i32
    %dma_wait3A_951 = tpu.memref_slice %arg6[%dma_wait3A_948, %dma_wait3A_949, %dma_wait3A_950] : memref<3x512x64xf32, #tpu.memory_space<vmem>> -> memref<1x512x64xf32, #tpu.memory_space<vmem>>
    %dma_wait3A_952 = tpu.memref_squeeze %dma_wait3A_951 : memref<1x512x64xf32, #tpu.memory_space<vmem>> -> memref<512x64xf32, #tpu.memory_space<vmem>>
    %dma_wait3A_953 = arith.constant 0 : i32
    %dma_wait3A_954 = tpu.memref_slice %arg4[%add3A_858, %dma_wait3A_953] : memref<327680x64xf32, #tpu.memory_space<hbm>> -> memref<512x64xf32, #tpu.memory_space<hbm>>
    %dma_wait3A_955 = arith.constant 0 : i32
    %dma_wait3A_956 = tpu.memref_slice %arg4[%add3A_858, %dma_wait3A_955] : memref<327680x64xf32, #tpu.memory_space<hbm>> -> memref<512x64xf32, #tpu.memory_space<hbm>>
    %dma_wait3A_957 = arith.constant 0 : i32
    %dma_wait3A_958 = arith.constant 0 : i32
    %dma_wait3A_959 = tpu.memref_slice %arg6[%dma_wait3A_948, %dma_wait3A_957, %dma_wait3A_958] : memref<3x512x64xf32, #tpu.memory_space<vmem>> -> memref<1x512x64xf32, #tpu.memory_space<vmem>>
    %dma_wait3A_960 = tpu.memref_squeeze %dma_wait3A_959 : memref<1x512x64xf32, #tpu.memory_space<vmem>> -> memref<512x64xf32, #tpu.memory_space<vmem>>
    tpu.wait_dma2 semaphore(%arg12 : memref<!tpu.dma_semaphore, #tpu.memory_space<semaphore_mem>>) src(%dma_wait3A_960 : memref<512x64xf32, #tpu.memory_space<vmem>>) dst(%dma_wait3A_956 : memref<512x64xf32, #tpu.memory_space<hbm>>)
    return
  }
}

#map = affine_map<(d0, d1) -> (0, 0)>
#map1 = affine_map<(d0, d1) -> (0, 0, 0)>
module attributes {stable_mosaic.version = 14 : i64} {
  func.func @_format_body(%arg0: i32, %arg1: i32, %arg2: memref<163840x128xf32, #tpu.memory_space<hbm>>, %arg3: memref<20x64x16384xf32, #tpu.memory_space<hbm>>, %arg4: memref<128xi32, #tpu.memory_space<vmem>>, %arg5: memref<128x128xf32, #tpu.memory_space<vmem>>, %arg6: memref<128x128xf32, #tpu.memory_space<vmem>>, %arg7: memref<1x64x128xf32, #tpu.memory_space<vmem>>, %arg8: memref<1x64x128xf32, #tpu.memory_space<vmem>>, %arg9: memref<16512xf32, #tpu.memory_space<vmem>>, %arg10: memref<!tpu.dma_semaphore, #tpu.memory_space<semaphore_mem>>, %arg11: memref<!tpu.dma_semaphore, #tpu.memory_space<semaphore_mem>>, %arg12: memref<!tpu.dma_semaphore, #tpu.memory_space<semaphore_mem>>, %arg13: memref<!tpu.dma_semaphore, #tpu.memory_space<semaphore_mem>>) attributes {dimension_semantics = [#tpu.dimension_semantics<core_parallel>, #tpu.dimension_semantics<subcore_parallel>], iteration_bounds = array<i64: 2, 16>, scalar_prefetch = 0 : i64, scratch_operands = 10 : i64, tpu.core_type = #tpu.core_type<sc_vector_subcore>, window_params = [{transform_indices = #map}, {transform_indices = #map1}]} {
    %mul3A = arith.constant 2 : i32
    %mul3A_0 = arith.muli %arg1, %mul3A : i32
    %add3A = arith.addi %mul3A_0, %arg0 : i32
    %mul3A_1 = arith.constant 40 : i32
    %mul3A_2 = arith.muli %add3A, %mul3A_1 : i32
    %iota3A = tpu.iota {dimensions = array<i32: 0>} : vector<16xi32>
    %broadcast_in_dim3A = arith.constant 0 : i32
    %broadcast_in_dim3A_3 = vector.broadcast %broadcast_in_dim3A : i32 to vector<16xi32>
    %add3A_4 = arith.constant 0 : i32
    %add3A_5 = arith.addi %mul3A_2, %add3A_4 : i32
    %jit3A = arith.constant 128 : i32
    %div3A = arith.divsi %add3A_5, %jit3A : i32
    %sign3A = arith.constant 0 : i32
    %sign3A_6 = arith.cmpi sgt, %add3A_5, %sign3A : i32
    %sign3A_7 = arith.extui %sign3A_6 : i1 to i32
    %sign3A_8 = arith.constant 0 : i32
    %sign3A_9 = arith.cmpi slt, %add3A_5, %sign3A_8 : i32
    %sign3A_10 = arith.extui %sign3A_9 : i1 to i32
    %sign3A_11 = arith.subi %sign3A_7, %sign3A_10 : i32
    %sign3A_12 = arith.constant 0 : i32
    %sign3A_13 = arith.cmpi sgt, %jit3A, %sign3A_12 : i32
    %sign3A_14 = arith.extui %sign3A_13 : i1 to i32
    %sign3A_15 = arith.constant 0 : i32
    %sign3A_16 = arith.cmpi slt, %jit3A, %sign3A_15 : i32
    %sign3A_17 = arith.extui %sign3A_16 : i1 to i32
    %sign3A_18 = arith.subi %sign3A_14, %sign3A_17 : i32
    %ne3A = arith.cmpi ne, %sign3A_11, %sign3A_18 : i32
    %rem3A = arith.remsi %add3A_5, %jit3A : i32
    %ne3A_19 = arith.constant 0 : i32
    %ne3A_20 = arith.cmpi ne, %rem3A, %ne3A_19 : i32
    %and3A = arith.andi %ne3A, %ne3A_20 : i1
    %sub3A = arith.constant 1 : i32
    %sub3A_21 = arith.subi %div3A, %sub3A : i32
    %select_n3A = arith.select %and3A, %sub3A_21, %div3A : i32
    %jit3A_22 = arith.constant 128 : i32
    %eq3A = arith.constant 0 : i32
    %eq3A_23 = arith.cmpi eq, %jit3A_22, %eq3A : i32
    %jit3A_24 = arith.constant 1 : i32
    %select_n3A_25 = arith.select %eq3A_23, %jit3A_24, %jit3A_22 : i32
    %rem3A_26 = arith.remsi %add3A_5, %select_n3A_25 : i32
    %ne3A_27 = arith.constant 0 : i32
    %ne3A_28 = arith.cmpi ne, %rem3A_26, %ne3A_27 : i32
    %lt3A = arith.constant 0 : i32
    %lt3A_29 = arith.cmpi slt, %rem3A_26, %lt3A : i32
    %lt3A_30 = arith.constant 0 : i32
    %lt3A_31 = arith.cmpi slt, %select_n3A_25, %lt3A_30 : i32
    %ne3A_32 = arith.xori %lt3A_29, %lt3A_31 : i1
    %and3A_33 = arith.andi %ne3A_32, %ne3A_28 : i1
    %add3A_34 = arith.addi %rem3A_26, %select_n3A_25 : i32
    %select_n3A_35 = arith.select %and3A_33, %add3A_34, %rem3A_26 : i32
    %add3A_36 = arith.constant 0 : i32
    %add3A_37 = vector.broadcast %add3A_36 : i32 to vector<16xi32>
    %add3A_38 = arith.addi %iota3A, %add3A_37 : vector<16xi32>
    %mul3A_39 = arith.constant 128 : i32
    %mul3A_40 = arith.muli %select_n3A_35, %mul3A_39 : i32
    %add3A_41 = vector.broadcast %mul3A_40 : i32 to vector<16xi32>
    %add3A_42 = arith.addi %add3A_38, %add3A_41 : vector<16xi32>
    %mul3A_43 = arith.constant 10 : i32
    %mul3A_44 = vector.broadcast %mul3A_43 : i32 to vector<16xi32>
    %mul3A_45 = arith.muli %add3A_42, %mul3A_44 : vector<16xi32>
    %add3A_46 = vector.broadcast %select_n3A : i32 to vector<16xi32>
    %add3A_47 = arith.addi %mul3A_45, %add3A_46 : vector<16xi32>
    %swap3A = arith.constant 0 : index
    %swap3A_48 = tpu.vector_load %arg4[%swap3A] {strides = array<i32>} : memref<128xi32, #tpu.memory_space<vmem>>, vector<16xi32>,
    tpu.vector_store %arg4[%swap3A], %add3A_47 {strides = array<i32>} : memref<128xi32, #tpu.memory_space<vmem>>, vector<16xi32>,
    %add3A_49 = arith.constant 16 : i32
    %add3A_50 = vector.broadcast %add3A_49 : i32 to vector<16xi32>
    %add3A_51 = arith.addi %iota3A, %add3A_50 : vector<16xi32>
    %mul3A_52 = arith.constant 128 : i32
    %mul3A_53 = arith.muli %select_n3A_35, %mul3A_52 : i32
    %add3A_54 = vector.broadcast %mul3A_53 : i32 to vector<16xi32>
    %add3A_55 = arith.addi %add3A_51, %add3A_54 : vector<16xi32>
    %mul3A_56 = arith.constant 10 : i32
    %mul3A_57 = vector.broadcast %mul3A_56 : i32 to vector<16xi32>
    %mul3A_58 = arith.muli %add3A_55, %mul3A_57 : vector<16xi32>
    %add3A_59 = vector.broadcast %select_n3A : i32 to vector<16xi32>
    %add3A_60 = arith.addi %mul3A_58, %add3A_59 : vector<16xi32>
    %swap3A_61 = arith.constant 16 : index
    %swap3A_62 = tpu.vector_load %arg4[%swap3A_61] {strides = array<i32>} : memref<128xi32, #tpu.memory_space<vmem>>, vector<16xi32>,
    tpu.vector_store %arg4[%swap3A_61], %add3A_60 {strides = array<i32>} : memref<128xi32, #tpu.memory_space<vmem>>, vector<16xi32>,
    %add3A_63 = arith.constant 32 : i32
    %add3A_64 = vector.broadcast %add3A_63 : i32 to vector<16xi32>
    %add3A_65 = arith.addi %iota3A, %add3A_64 : vector<16xi32>
    %mul3A_66 = arith.constant 128 : i32
    %mul3A_67 = arith.muli %select_n3A_35, %mul3A_66 : i32
    %add3A_68 = vector.broadcast %mul3A_67 : i32 to vector<16xi32>
    %add3A_69 = arith.addi %add3A_65, %add3A_68 : vector<16xi32>
    %mul3A_70 = arith.constant 10 : i32
    %mul3A_71 = vector.broadcast %mul3A_70 : i32 to vector<16xi32>
    %mul3A_72 = arith.muli %add3A_69, %mul3A_71 : vector<16xi32>
    %add3A_73 = vector.broadcast %select_n3A : i32 to vector<16xi32>
    %add3A_74 = arith.addi %mul3A_72, %add3A_73 : vector<16xi32>
    %swap3A_75 = arith.constant 32 : index
    %swap3A_76 = tpu.vector_load %arg4[%swap3A_75] {strides = array<i32>} : memref<128xi32, #tpu.memory_space<vmem>>, vector<16xi32>,
    tpu.vector_store %arg4[%swap3A_75], %add3A_74 {strides = array<i32>} : memref<128xi32, #tpu.memory_space<vmem>>, vector<16xi32>,
    %add3A_77 = arith.constant 48 : i32
    %add3A_78 = vector.broadcast %add3A_77 : i32 to vector<16xi32>
    %add3A_79 = arith.addi %iota3A, %add3A_78 : vector<16xi32>
    %mul3A_80 = arith.constant 128 : i32
    %mul3A_81 = arith.muli %select_n3A_35, %mul3A_80 : i32
    %add3A_82 = vector.broadcast %mul3A_81 : i32 to vector<16xi32>
    %add3A_83 = arith.addi %add3A_79, %add3A_82 : vector<16xi32>
    %mul3A_84 = arith.constant 10 : i32
    %mul3A_85 = vector.broadcast %mul3A_84 : i32 to vector<16xi32>
    %mul3A_86 = arith.muli %add3A_83, %mul3A_85 : vector<16xi32>
    %add3A_87 = vector.broadcast %select_n3A : i32 to vector<16xi32>
    %add3A_88 = arith.addi %mul3A_86, %add3A_87 : vector<16xi32>
    %swap3A_89 = arith.constant 48 : index
    %swap3A_90 = tpu.vector_load %arg4[%swap3A_89] {strides = array<i32>} : memref<128xi32, #tpu.memory_space<vmem>>, vector<16xi32>,
    tpu.vector_store %arg4[%swap3A_89], %add3A_88 {strides = array<i32>} : memref<128xi32, #tpu.memory_space<vmem>>, vector<16xi32>,
    %add3A_91 = arith.constant 64 : i32
    %add3A_92 = vector.broadcast %add3A_91 : i32 to vector<16xi32>
    %add3A_93 = arith.addi %iota3A, %add3A_92 : vector<16xi32>
    %mul3A_94 = arith.constant 128 : i32
    %mul3A_95 = arith.muli %select_n3A_35, %mul3A_94 : i32
    %add3A_96 = vector.broadcast %mul3A_95 : i32 to vector<16xi32>
    %add3A_97 = arith.addi %add3A_93, %add3A_96 : vector<16xi32>
    %mul3A_98 = arith.constant 10 : i32
    %mul3A_99 = vector.broadcast %mul3A_98 : i32 to vector<16xi32>
    %mul3A_100 = arith.muli %add3A_97, %mul3A_99 : vector<16xi32>
    %add3A_101 = vector.broadcast %select_n3A : i32 to vector<16xi32>
    %add3A_102 = arith.addi %mul3A_100, %add3A_101 : vector<16xi32>
    %swap3A_103 = arith.constant 64 : index
    %swap3A_104 = tpu.vector_load %arg4[%swap3A_103] {strides = array<i32>} : memref<128xi32, #tpu.memory_space<vmem>>, vector<16xi32>,
    tpu.vector_store %arg4[%swap3A_103], %add3A_102 {strides = array<i32>} : memref<128xi32, #tpu.memory_space<vmem>>, vector<16xi32>,
    %add3A_105 = arith.constant 80 : i32
    %add3A_106 = vector.broadcast %add3A_105 : i32 to vector<16xi32>
    %add3A_107 = arith.addi %iota3A, %add3A_106 : vector<16xi32>
    %mul3A_108 = arith.constant 128 : i32
    %mul3A_109 = arith.muli %select_n3A_35, %mul3A_108 : i32
    %add3A_110 = vector.broadcast %mul3A_109 : i32 to vector<16xi32>
    %add3A_111 = arith.addi %add3A_107, %add3A_110 : vector<16xi32>
    %mul3A_112 = arith.constant 10 : i32
    %mul3A_113 = vector.broadcast %mul3A_112 : i32 to vector<16xi32>
    %mul3A_114 = arith.muli %add3A_111, %mul3A_113 : vector<16xi32>
    %add3A_115 = vector.broadcast %select_n3A : i32 to vector<16xi32>
    %add3A_116 = arith.addi %mul3A_114, %add3A_115 : vector<16xi32>
    %swap3A_117 = arith.constant 80 : index
    %swap3A_118 = tpu.vector_load %arg4[%swap3A_117] {strides = array<i32>} : memref<128xi32, #tpu.memory_space<vmem>>, vector<16xi32>,
    tpu.vector_store %arg4[%swap3A_117], %add3A_116 {strides = array<i32>} : memref<128xi32, #tpu.memory_space<vmem>>, vector<16xi32>,
    %add3A_119 = arith.constant 96 : i32
    %add3A_120 = vector.broadcast %add3A_119 : i32 to vector<16xi32>
    %add3A_121 = arith.addi %iota3A, %add3A_120 : vector<16xi32>
    %mul3A_122 = arith.constant 128 : i32
    %mul3A_123 = arith.muli %select_n3A_35, %mul3A_122 : i32
    %add3A_124 = vector.broadcast %mul3A_123 : i32 to vector<16xi32>
    %add3A_125 = arith.addi %add3A_121, %add3A_124 : vector<16xi32>
    %mul3A_126 = arith.constant 10 : i32
    %mul3A_127 = vector.broadcast %mul3A_126 : i32 to vector<16xi32>
    %mul3A_128 = arith.muli %add3A_125, %mul3A_127 : vector<16xi32>
    %add3A_129 = vector.broadcast %select_n3A : i32 to vector<16xi32>
    %add3A_130 = arith.addi %mul3A_128, %add3A_129 : vector<16xi32>
    %swap3A_131 = arith.constant 96 : index
    %swap3A_132 = tpu.vector_load %arg4[%swap3A_131] {strides = array<i32>} : memref<128xi32, #tpu.memory_space<vmem>>, vector<16xi32>,
    tpu.vector_store %arg4[%swap3A_131], %add3A_130 {strides = array<i32>} : memref<128xi32, #tpu.memory_space<vmem>>, vector<16xi32>,
    %add3A_133 = arith.constant 112 : i32
    %add3A_134 = vector.broadcast %add3A_133 : i32 to vector<16xi32>
    %add3A_135 = arith.addi %iota3A, %add3A_134 : vector<16xi32>
    %mul3A_136 = arith.constant 128 : i32
    %mul3A_137 = arith.muli %select_n3A_35, %mul3A_136 : i32
    %add3A_138 = vector.broadcast %mul3A_137 : i32 to vector<16xi32>
    %add3A_139 = arith.addi %add3A_135, %add3A_138 : vector<16xi32>
    %mul3A_140 = arith.constant 10 : i32
    %mul3A_141 = vector.broadcast %mul3A_140 : i32 to vector<16xi32>
    %mul3A_142 = arith.muli %add3A_139, %mul3A_141 : vector<16xi32>
    %add3A_143 = vector.broadcast %select_n3A : i32 to vector<16xi32>
    %add3A_144 = arith.addi %mul3A_142, %add3A_143 : vector<16xi32>
    %swap3A_145 = arith.constant 112 : index
    %swap3A_146 = tpu.vector_load %arg4[%swap3A_145] {strides = array<i32>} : memref<128xi32, #tpu.memory_space<vmem>>, vector<16xi32>,
    tpu.vector_store %arg4[%swap3A_145], %add3A_144 {strides = array<i32>} : memref<128xi32, #tpu.memory_space<vmem>>, vector<16xi32>,
    %dma_start3A = arith.constant 0 : i32
    %dma_start3A_147 = arith.constant 0 : i32
    %dma_start3A_148 = tpu.memref_slice %arg2[%dma_start3A, %dma_start3A_147] : memref<163840x128xf32, #tpu.memory_space<hbm>> -> memref<163840x128xf32, #tpu.memory_space<hbm>>
    tpu.enqueue_indirect_dma source(%dma_start3A_148 : memref<163840x128xf32, #tpu.memory_space<hbm>>) target(%arg5 : memref<128x128xf32, #tpu.memory_space<vmem>>) offsets(%arg4 : memref<128xi32, #tpu.memory_space<vmem>>) semaphore(%arg10 : memref<!tpu.dma_semaphore, #tpu.memory_space<semaphore_mem>>)
    %scan3A = arith.constant 0 : i32
    %scan3A_149 = arith.constant 0 : i32
    %scan3A_150 = arith.constant 40 : i32
    %scan3A_151 = arith.addi %scan3A_149, %scan3A_150 : i32
    %scan3A_152 = arith.constant 1 : i32
    scf.for %scan3A_154 = %scan3A_149 to %scan3A_151 step %scan3A_152  : i32 {
      %rem3A_155 = arith.constant 2 : i32
      %rem3A_156 = arith.remsi %scan3A_154, %rem3A_155 : i32
      %eq3A_157 = arith.constant 0 : i32
      %eq3A_158 = arith.cmpi eq, %rem3A_156, %eq3A_157 : i32
      %lt3A_159 = arith.constant 40 : i32
      %lt3A_160 = arith.cmpi slt, %scan3A_154, %lt3A_159 : i32
      %and3A_161 = arith.andi %eq3A_158, %lt3A_160 : i1
      %convert_element_type3A = arith.extui %and3A_161 : i1 to i32
      %cond3A = arith.constant 0 : i32
      %cond3A_162 = arith.cmpi ne, %convert_element_type3A, %cond3A : i32
      scf.if %cond3A_162 {
        %add3A_173 = arith.addi %mul3A_2, %scan3A_154 : i32
        %jit3A_174 = arith.constant 128 : i32
        %div3A_175 = arith.divsi %add3A_173, %jit3A_174 : i32
        %sign3A_176 = arith.constant 0 : i32
        %sign3A_177 = arith.cmpi sgt, %add3A_173, %sign3A_176 : i32
        %sign3A_178 = arith.extui %sign3A_177 : i1 to i32
        %sign3A_179 = arith.constant 0 : i32
        %sign3A_180 = arith.cmpi slt, %add3A_173, %sign3A_179 : i32
        %sign3A_181 = arith.extui %sign3A_180 : i1 to i32
        %sign3A_182 = arith.subi %sign3A_178, %sign3A_181 : i32
        %sign3A_183 = arith.constant 0 : i32
        %sign3A_184 = arith.cmpi sgt, %jit3A_174, %sign3A_183 : i32
        %sign3A_185 = arith.extui %sign3A_184 : i1 to i32
        %sign3A_186 = arith.constant 0 : i32
        %sign3A_187 = arith.cmpi slt, %jit3A_174, %sign3A_186 : i32
        %sign3A_188 = arith.extui %sign3A_187 : i1 to i32
        %sign3A_189 = arith.subi %sign3A_185, %sign3A_188 : i32
        %ne3A_190 = arith.cmpi ne, %sign3A_182, %sign3A_189 : i32
        %rem3A_191 = arith.remsi %add3A_173, %jit3A_174 : i32
        %ne3A_192 = arith.constant 0 : i32
        %ne3A_193 = arith.cmpi ne, %rem3A_191, %ne3A_192 : i32
        %and3A_194 = arith.andi %ne3A_190, %ne3A_193 : i1
        %sub3A_195 = arith.constant 1 : i32
        %sub3A_196 = arith.subi %div3A_175, %sub3A_195 : i32
        %select_n3A_197 = arith.select %and3A_194, %sub3A_196, %div3A_175 : i32
        %jit3A_198 = arith.constant 128 : i32
        %eq3A_199 = arith.constant 0 : i32
        %eq3A_200 = arith.cmpi eq, %jit3A_198, %eq3A_199 : i32
        %jit3A_201 = arith.constant 1 : i32
        %select_n3A_202 = arith.select %eq3A_200, %jit3A_201, %jit3A_198 : i32
        %rem3A_203 = arith.remsi %add3A_173, %select_n3A_202 : i32
        %ne3A_204 = arith.constant 0 : i32
        %ne3A_205 = arith.cmpi ne, %rem3A_203, %ne3A_204 : i32
        %lt3A_206 = arith.constant 0 : i32
        %lt3A_207 = arith.cmpi slt, %rem3A_203, %lt3A_206 : i32
        %lt3A_208 = arith.constant 0 : i32
        %lt3A_209 = arith.cmpi slt, %select_n3A_202, %lt3A_208 : i32
        %ne3A_210 = arith.xori %lt3A_207, %lt3A_209 : i1
        %and3A_211 = arith.andi %ne3A_210, %ne3A_205 : i1
        %add3A_212 = arith.addi %rem3A_203, %select_n3A_202 : i32
        %select_n3A_213 = arith.select %and3A_211, %add3A_212, %rem3A_203 : i32
        %dma_wait3A = arith.constant 0 : i32
        %dma_wait3A_214 = arith.constant 0 : i32
        %dma_wait3A_215 = tpu.memref_slice %arg2[%dma_wait3A, %dma_wait3A_214] : memref<163840x128xf32, #tpu.memory_space<hbm>> -> memref<128x128xf32, #tpu.memory_space<hbm>>
        %dma_wait3A_216 = arith.constant 0 : i32
        %dma_wait3A_217 = arith.constant 0 : i32
        %dma_wait3A_218 = tpu.memref_slice %arg2[%dma_wait3A_216, %dma_wait3A_217] : memref<163840x128xf32, #tpu.memory_space<hbm>> -> memref<128x128xf32, #tpu.memory_space<hbm>>
        tpu.wait_dma2 semaphore(%arg10 : memref<!tpu.dma_semaphore, #tpu.memory_space<semaphore_mem>>) src(%dma_wait3A_218 : memref<128x128xf32, #tpu.memory_space<hbm>>) dst(%arg5 : memref<128x128xf32, #tpu.memory_space<vmem>>)
        %add3A_219 = arith.constant 1 : i32
        %add3A_220 = arith.addi %scan3A_154, %add3A_219 : i32
        %lt3A_221 = arith.constant 40 : i32
        %lt3A_222 = arith.cmpi slt, %add3A_220, %lt3A_221 : i32
        %convert_element_type3A_223 = arith.extui %lt3A_222 : i1 to i32
        %cond3A_224 = arith.constant 0 : i32
        %cond3A_225 = arith.cmpi ne, %convert_element_type3A_223, %cond3A_224 : i32
        scf.if %cond3A_225 {
          %add3A_262 = arith.constant 1 : i32
          %add3A_263 = arith.addi %scan3A_154, %add3A_262 : i32
          %add3A_264 = arith.addi %mul3A_2, %add3A_263 : i32
          %jit3A_265 = arith.constant 128 : i32
          %div3A_266 = arith.divsi %add3A_264, %jit3A_265 : i32
          %sign3A_267 = arith.constant 0 : i32
          %sign3A_268 = arith.cmpi sgt, %add3A_264, %sign3A_267 : i32
          %sign3A_269 = arith.extui %sign3A_268 : i1 to i32
          %sign3A_270 = arith.constant 0 : i32
          %sign3A_271 = arith.cmpi slt, %add3A_264, %sign3A_270 : i32
          %sign3A_272 = arith.extui %sign3A_271 : i1 to i32
          %sign3A_273 = arith.subi %sign3A_269, %sign3A_272 : i32
          %sign3A_274 = arith.constant 0 : i32
          %sign3A_275 = arith.cmpi sgt, %jit3A_265, %sign3A_274 : i32
          %sign3A_276 = arith.extui %sign3A_275 : i1 to i32
          %sign3A_277 = arith.constant 0 : i32
          %sign3A_278 = arith.cmpi slt, %jit3A_265, %sign3A_277 : i32
          %sign3A_279 = arith.extui %sign3A_278 : i1 to i32
          %sign3A_280 = arith.subi %sign3A_276, %sign3A_279 : i32
          %ne3A_281 = arith.cmpi ne, %sign3A_273, %sign3A_280 : i32
          %rem3A_282 = arith.remsi %add3A_264, %jit3A_265 : i32
          %ne3A_283 = arith.constant 0 : i32
          %ne3A_284 = arith.cmpi ne, %rem3A_282, %ne3A_283 : i32
          %and3A_285 = arith.andi %ne3A_281, %ne3A_284 : i1
          %sub3A_286 = arith.constant 1 : i32
          %sub3A_287 = arith.subi %div3A_266, %sub3A_286 : i32
          %select_n3A_288 = arith.select %and3A_285, %sub3A_287, %div3A_266 : i32
          %jit3A_289 = arith.constant 128 : i32
          %eq3A_290 = arith.constant 0 : i32
          %eq3A_291 = arith.cmpi eq, %jit3A_289, %eq3A_290 : i32
          %jit3A_292 = arith.constant 1 : i32
          %select_n3A_293 = arith.select %eq3A_291, %jit3A_292, %jit3A_289 : i32
          %rem3A_294 = arith.remsi %add3A_264, %select_n3A_293 : i32
          %ne3A_295 = arith.constant 0 : i32
          %ne3A_296 = arith.cmpi ne, %rem3A_294, %ne3A_295 : i32
          %lt3A_297 = arith.constant 0 : i32
          %lt3A_298 = arith.cmpi slt, %rem3A_294, %lt3A_297 : i32
          %lt3A_299 = arith.constant 0 : i32
          %lt3A_300 = arith.cmpi slt, %select_n3A_293, %lt3A_299 : i32
          %ne3A_301 = arith.xori %lt3A_298, %lt3A_300 : i1
          %and3A_302 = arith.andi %ne3A_301, %ne3A_296 : i1
          %add3A_303 = arith.addi %rem3A_294, %select_n3A_293 : i32
          %select_n3A_304 = arith.select %and3A_302, %add3A_303, %rem3A_294 : i32
          %add3A_305 = arith.constant 0 : i32
          %add3A_306 = vector.broadcast %add3A_305 : i32 to vector<16xi32>
          %add3A_307 = arith.addi %iota3A, %add3A_306 : vector<16xi32>
          %mul3A_308 = arith.constant 128 : i32
          %mul3A_309 = arith.muli %select_n3A_304, %mul3A_308 : i32
          %add3A_310 = vector.broadcast %mul3A_309 : i32 to vector<16xi32>
          %add3A_311 = arith.addi %add3A_307, %add3A_310 : vector<16xi32>
          %mul3A_312 = arith.constant 10 : i32
          %mul3A_313 = vector.broadcast %mul3A_312 : i32 to vector<16xi32>
          %mul3A_314 = arith.muli %add3A_311, %mul3A_313 : vector<16xi32>
          %add3A_315 = vector.broadcast %select_n3A_288 : i32 to vector<16xi32>
          %add3A_316 = arith.addi %mul3A_314, %add3A_315 : vector<16xi32>
          %swap3A_317 = arith.constant 0 : index
          %swap3A_318 = tpu.vector_load %arg4[%swap3A_317] {strides = array<i32>} : memref<128xi32, #tpu.memory_space<vmem>>, vector<16xi32>,
          tpu.vector_store %arg4[%swap3A_317], %add3A_316 {strides = array<i32>} : memref<128xi32, #tpu.memory_space<vmem>>, vector<16xi32>,
          %add3A_319 = arith.constant 16 : i32
          %add3A_320 = vector.broadcast %add3A_319 : i32 to vector<16xi32>
          %add3A_321 = arith.addi %iota3A, %add3A_320 : vector<16xi32>
          %mul3A_322 = arith.constant 128 : i32
          %mul3A_323 = arith.muli %select_n3A_304, %mul3A_322 : i32
          %add3A_324 = vector.broadcast %mul3A_323 : i32 to vector<16xi32>
          %add3A_325 = arith.addi %add3A_321, %add3A_324 : vector<16xi32>
          %mul3A_326 = arith.constant 10 : i32
          %mul3A_327 = vector.broadcast %mul3A_326 : i32 to vector<16xi32>
          %mul3A_328 = arith.muli %add3A_325, %mul3A_327 : vector<16xi32>
          %add3A_329 = vector.broadcast %select_n3A_288 : i32 to vector<16xi32>
          %add3A_330 = arith.addi %mul3A_328, %add3A_329 : vector<16xi32>
          %swap3A_331 = arith.constant 16 : index
          %swap3A_332 = tpu.vector_load %arg4[%swap3A_331] {strides = array<i32>} : memref<128xi32, #tpu.memory_space<vmem>>, vector<16xi32>,
          tpu.vector_store %arg4[%swap3A_331], %add3A_330 {strides = array<i32>} : memref<128xi32, #tpu.memory_space<vmem>>, vector<16xi32>,
          %add3A_333 = arith.constant 32 : i32
          %add3A_334 = vector.broadcast %add3A_333 : i32 to vector<16xi32>
          %add3A_335 = arith.addi %iota3A, %add3A_334 : vector<16xi32>
          %mul3A_336 = arith.constant 128 : i32
          %mul3A_337 = arith.muli %select_n3A_304, %mul3A_336 : i32
          %add3A_338 = vector.broadcast %mul3A_337 : i32 to vector<16xi32>
          %add3A_339 = arith.addi %add3A_335, %add3A_338 : vector<16xi32>
          %mul3A_340 = arith.constant 10 : i32
          %mul3A_341 = vector.broadcast %mul3A_340 : i32 to vector<16xi32>
          %mul3A_342 = arith.muli %add3A_339, %mul3A_341 : vector<16xi32>
          %add3A_343 = vector.broadcast %select_n3A_288 : i32 to vector<16xi32>
          %add3A_344 = arith.addi %mul3A_342, %add3A_343 : vector<16xi32>
          %swap3A_345 = arith.constant 32 : index
          %swap3A_346 = tpu.vector_load %arg4[%swap3A_345] {strides = array<i32>} : memref<128xi32, #tpu.memory_space<vmem>>, vector<16xi32>,
          tpu.vector_store %arg4[%swap3A_345], %add3A_344 {strides = array<i32>} : memref<128xi32, #tpu.memory_space<vmem>>, vector<16xi32>,
          %add3A_347 = arith.constant 48 : i32
          %add3A_348 = vector.broadcast %add3A_347 : i32 to vector<16xi32>
          %add3A_349 = arith.addi %iota3A, %add3A_348 : vector<16xi32>
          %mul3A_350 = arith.constant 128 : i32
          %mul3A_351 = arith.muli %select_n3A_304, %mul3A_350 : i32
          %add3A_352 = vector.broadcast %mul3A_351 : i32 to vector<16xi32>
          %add3A_353 = arith.addi %add3A_349, %add3A_352 : vector<16xi32>
          %mul3A_354 = arith.constant 10 : i32
          %mul3A_355 = vector.broadcast %mul3A_354 : i32 to vector<16xi32>
          %mul3A_356 = arith.muli %add3A_353, %mul3A_355 : vector<16xi32>
          %add3A_357 = vector.broadcast %select_n3A_288 : i32 to vector<16xi32>
          %add3A_358 = arith.addi %mul3A_356, %add3A_357 : vector<16xi32>
          %swap3A_359 = arith.constant 48 : index
          %swap3A_360 = tpu.vector_load %arg4[%swap3A_359] {strides = array<i32>} : memref<128xi32, #tpu.memory_space<vmem>>, vector<16xi32>,
          tpu.vector_store %arg4[%swap3A_359], %add3A_358 {strides = array<i32>} : memref<128xi32, #tpu.memory_space<vmem>>, vector<16xi32>,
          %add3A_361 = arith.constant 64 : i32
          %add3A_362 = vector.broadcast %add3A_361 : i32 to vector<16xi32>
          %add3A_363 = arith.addi %iota3A, %add3A_362 : vector<16xi32>
          %mul3A_364 = arith.constant 128 : i32
          %mul3A_365 = arith.muli %select_n3A_304, %mul3A_364 : i32
          %add3A_366 = vector.broadcast %mul3A_365 : i32 to vector<16xi32>
          %add3A_367 = arith.addi %add3A_363, %add3A_366 : vector<16xi32>
          %mul3A_368 = arith.constant 10 : i32
          %mul3A_369 = vector.broadcast %mul3A_368 : i32 to vector<16xi32>
          %mul3A_370 = arith.muli %add3A_367, %mul3A_369 : vector<16xi32>
          %add3A_371 = vector.broadcast %select_n3A_288 : i32 to vector<16xi32>
          %add3A_372 = arith.addi %mul3A_370, %add3A_371 : vector<16xi32>
          %swap3A_373 = arith.constant 64 : index
          %swap3A_374 = tpu.vector_load %arg4[%swap3A_373] {strides = array<i32>} : memref<128xi32, #tpu.memory_space<vmem>>, vector<16xi32>,
          tpu.vector_store %arg4[%swap3A_373], %add3A_372 {strides = array<i32>} : memref<128xi32, #tpu.memory_space<vmem>>, vector<16xi32>,
          %add3A_375 = arith.constant 80 : i32
          %add3A_376 = vector.broadcast %add3A_375 : i32 to vector<16xi32>
          %add3A_377 = arith.addi %iota3A, %add3A_376 : vector<16xi32>
          %mul3A_378 = arith.constant 128 : i32
          %mul3A_379 = arith.muli %select_n3A_304, %mul3A_378 : i32
          %add3A_380 = vector.broadcast %mul3A_379 : i32 to vector<16xi32>
          %add3A_381 = arith.addi %add3A_377, %add3A_380 : vector<16xi32>
          %mul3A_382 = arith.constant 10 : i32
          %mul3A_383 = vector.broadcast %mul3A_382 : i32 to vector<16xi32>
          %mul3A_384 = arith.muli %add3A_381, %mul3A_383 : vector<16xi32>
          %add3A_385 = vector.broadcast %select_n3A_288 : i32 to vector<16xi32>
          %add3A_386 = arith.addi %mul3A_384, %add3A_385 : vector<16xi32>
          %swap3A_387 = arith.constant 80 : index
          %swap3A_388 = tpu.vector_load %arg4[%swap3A_387] {strides = array<i32>} : memref<128xi32, #tpu.memory_space<vmem>>, vector<16xi32>,
          tpu.vector_store %arg4[%swap3A_387], %add3A_386 {strides = array<i32>} : memref<128xi32, #tpu.memory_space<vmem>>, vector<16xi32>,
          %add3A_389 = arith.constant 96 : i32
          %add3A_390 = vector.broadcast %add3A_389 : i32 to vector<16xi32>
          %add3A_391 = arith.addi %iota3A, %add3A_390 : vector<16xi32>
          %mul3A_392 = arith.constant 128 : i32
          %mul3A_393 = arith.muli %select_n3A_304, %mul3A_392 : i32
          %add3A_394 = vector.broadcast %mul3A_393 : i32 to vector<16xi32>
          %add3A_395 = arith.addi %add3A_391, %add3A_394 : vector<16xi32>
          %mul3A_396 = arith.constant 10 : i32
          %mul3A_397 = vector.broadcast %mul3A_396 : i32 to vector<16xi32>
          %mul3A_398 = arith.muli %add3A_395, %mul3A_397 : vector<16xi32>
          %add3A_399 = vector.broadcast %select_n3A_288 : i32 to vector<16xi32>
          %add3A_400 = arith.addi %mul3A_398, %add3A_399 : vector<16xi32>
          %swap3A_401 = arith.constant 96 : index
          %swap3A_402 = tpu.vector_load %arg4[%swap3A_401] {strides = array<i32>} : memref<128xi32, #tpu.memory_space<vmem>>, vector<16xi32>,
          tpu.vector_store %arg4[%swap3A_401], %add3A_400 {strides = array<i32>} : memref<128xi32, #tpu.memory_space<vmem>>, vector<16xi32>,
          %add3A_403 = arith.constant 112 : i32
          %add3A_404 = vector.broadcast %add3A_403 : i32 to vector<16xi32>
          %add3A_405 = arith.addi %iota3A, %add3A_404 : vector<16xi32>
          %mul3A_406 = arith.constant 128 : i32
          %mul3A_407 = arith.muli %select_n3A_304, %mul3A_406 : i32
          %add3A_408 = vector.broadcast %mul3A_407 : i32 to vector<16xi32>
          %add3A_409 = arith.addi %add3A_405, %add3A_408 : vector<16xi32>
          %mul3A_410 = arith.constant 10 : i32
          %mul3A_411 = vector.broadcast %mul3A_410 : i32 to vector<16xi32>
          %mul3A_412 = arith.muli %add3A_409, %mul3A_411 : vector<16xi32>
          %add3A_413 = vector.broadcast %select_n3A_288 : i32 to vector<16xi32>
          %add3A_414 = arith.addi %mul3A_412, %add3A_413 : vector<16xi32>
          %swap3A_415 = arith.constant 112 : index
          %swap3A_416 = tpu.vector_load %arg4[%swap3A_415] {strides = array<i32>} : memref<128xi32, #tpu.memory_space<vmem>>, vector<16xi32>,
          tpu.vector_store %arg4[%swap3A_415], %add3A_414 {strides = array<i32>} : memref<128xi32, #tpu.memory_space<vmem>>, vector<16xi32>,
          %dma_start3A_417 = arith.constant 0 : i32
          %dma_start3A_418 = arith.constant 0 : i32
          %dma_start3A_419 = tpu.memref_slice %arg2[%dma_start3A_417, %dma_start3A_418] : memref<163840x128xf32, #tpu.memory_space<hbm>> -> memref<163840x128xf32, #tpu.memory_space<hbm>>
          tpu.enqueue_indirect_dma source(%dma_start3A_419 : memref<163840x128xf32, #tpu.memory_space<hbm>>) target(%arg6 : memref<128x128xf32, #tpu.memory_space<vmem>>) offsets(%arg4 : memref<128xi32, #tpu.memory_space<vmem>>) semaphore(%arg11 : memref<!tpu.dma_semaphore, #tpu.memory_space<semaphore_mem>>)
        } else {
        }
        %parallel_loop3A = arith.constant 0 : i32
        %parallel_loop3A_226 = arith.constant 128 : i32
        %parallel_loop3A_227 = arith.constant 1 : i32
        scf.for %parallel_loop3A_262 = %parallel_loop3A to %parallel_loop3A_226 step %parallel_loop3A_227  : i32 {
          %parallel_loop3A_263 = vector.broadcast %parallel_loop3A_262 : i32 to vector<16xi32>
          %parallel_loop3A_264 = arith.constant 0 : i32
          %parallel_loop3A_265 = vector.broadcast %parallel_loop3A_264 : i32 to vector<16xi32>
          %parallel_loop3A_266 = arith.addi %iota3A, %parallel_loop3A_265 : vector<16xi32>
          %parallel_loop3A_267 = tpu.vector_load_idx %arg5[%parallel_loop3A_263, %parallel_loop3A_266] : memref<128x128xf32, #tpu.memory_space<vmem>>[vector<16xi32>, vector<16xi32>], vector<16xf32>,
          %parallel_loop3A_268 = arith.constant 129 : i32
          %parallel_loop3A_269 = arith.muli %parallel_loop3A_262, %parallel_loop3A_268 : i32
          %parallel_loop3A_270 = arith.constant 0 : i32
          %parallel_loop3A_271 = arith.addi %parallel_loop3A_269, %parallel_loop3A_270 : i32
          %parallel_loop3A_272 = arith.index_cast %parallel_loop3A_271 : i32 to index
          %parallel_loop3A_273 = tpu.vector_load %arg9[%parallel_loop3A_272] {strides = array<i32>} : memref<16512xf32, #tpu.memory_space<vmem>>, vector<16xf32>,
          tpu.vector_store %arg9[%parallel_loop3A_272], %parallel_loop3A_267 {strides = array<i32>} : memref<16512xf32, #tpu.memory_space<vmem>>, vector<16xf32>,
          %parallel_loop3A_274 = arith.constant 16 : i32
          %parallel_loop3A_275 = vector.broadcast %parallel_loop3A_274 : i32 to vector<16xi32>
          %parallel_loop3A_276 = arith.addi %iota3A, %parallel_loop3A_275 : vector<16xi32>
          %parallel_loop3A_277 = tpu.vector_load_idx %arg5[%parallel_loop3A_263, %parallel_loop3A_276] : memref<128x128xf32, #tpu.memory_space<vmem>>[vector<16xi32>, vector<16xi32>], vector<16xf32>,
          %parallel_loop3A_278 = arith.constant 129 : i32
          %parallel_loop3A_279 = arith.muli %parallel_loop3A_262, %parallel_loop3A_278 : i32
          %parallel_loop3A_280 = arith.constant 16 : i32
          %parallel_loop3A_281 = arith.addi %parallel_loop3A_279, %parallel_loop3A_280 : i32
          %parallel_loop3A_282 = arith.index_cast %parallel_loop3A_281 : i32 to index
          %parallel_loop3A_283 = tpu.vector_load %arg9[%parallel_loop3A_282] {strides = array<i32>} : memref<16512xf32, #tpu.memory_space<vmem>>, vector<16xf32>,
          tpu.vector_store %arg9[%parallel_loop3A_282], %parallel_loop3A_277 {strides = array<i32>} : memref<16512xf32, #tpu.memory_space<vmem>>, vector<16xf32>,
          %parallel_loop3A_284 = arith.constant 32 : i32
          %parallel_loop3A_285 = vector.broadcast %parallel_loop3A_284 : i32 to vector<16xi32>
          %parallel_loop3A_286 = arith.addi %iota3A, %parallel_loop3A_285 : vector<16xi32>
          %parallel_loop3A_287 = tpu.vector_load_idx %arg5[%parallel_loop3A_263, %parallel_loop3A_286] : memref<128x128xf32, #tpu.memory_space<vmem>>[vector<16xi32>, vector<16xi32>], vector<16xf32>,
          %parallel_loop3A_288 = arith.constant 129 : i32
          %parallel_loop3A_289 = arith.muli %parallel_loop3A_262, %parallel_loop3A_288 : i32
          %parallel_loop3A_290 = arith.constant 32 : i32
          %parallel_loop3A_291 = arith.addi %parallel_loop3A_289, %parallel_loop3A_290 : i32
          %parallel_loop3A_292 = arith.index_cast %parallel_loop3A_291 : i32 to index
          %parallel_loop3A_293 = tpu.vector_load %arg9[%parallel_loop3A_292] {strides = array<i32>} : memref<16512xf32, #tpu.memory_space<vmem>>, vector<16xf32>,
          tpu.vector_store %arg9[%parallel_loop3A_292], %parallel_loop3A_287 {strides = array<i32>} : memref<16512xf32, #tpu.memory_space<vmem>>, vector<16xf32>,
          %parallel_loop3A_294 = arith.constant 48 : i32
          %parallel_loop3A_295 = vector.broadcast %parallel_loop3A_294 : i32 to vector<16xi32>
          %parallel_loop3A_296 = arith.addi %iota3A, %parallel_loop3A_295 : vector<16xi32>
          %parallel_loop3A_297 = tpu.vector_load_idx %arg5[%parallel_loop3A_263, %parallel_loop3A_296] : memref<128x128xf32, #tpu.memory_space<vmem>>[vector<16xi32>, vector<16xi32>], vector<16xf32>,
          %parallel_loop3A_298 = arith.constant 129 : i32
          %parallel_loop3A_299 = arith.muli %parallel_loop3A_262, %parallel_loop3A_298 : i32
          %parallel_loop3A_300 = arith.constant 48 : i32
          %parallel_loop3A_301 = arith.addi %parallel_loop3A_299, %parallel_loop3A_300 : i32
          %parallel_loop3A_302 = arith.index_cast %parallel_loop3A_301 : i32 to index
          %parallel_loop3A_303 = tpu.vector_load %arg9[%parallel_loop3A_302] {strides = array<i32>} : memref<16512xf32, #tpu.memory_space<vmem>>, vector<16xf32>,
          tpu.vector_store %arg9[%parallel_loop3A_302], %parallel_loop3A_297 {strides = array<i32>} : memref<16512xf32, #tpu.memory_space<vmem>>, vector<16xf32>,
          %parallel_loop3A_304 = arith.constant 64 : i32
          %parallel_loop3A_305 = vector.broadcast %parallel_loop3A_304 : i32 to vector<16xi32>
          %parallel_loop3A_306 = arith.addi %iota3A, %parallel_loop3A_305 : vector<16xi32>
          %parallel_loop3A_307 = tpu.vector_load_idx %arg5[%parallel_loop3A_263, %parallel_loop3A_306] : memref<128x128xf32, #tpu.memory_space<vmem>>[vector<16xi32>, vector<16xi32>], vector<16xf32>,
          %parallel_loop3A_308 = arith.constant 129 : i32
          %parallel_loop3A_309 = arith.muli %parallel_loop3A_262, %parallel_loop3A_308 : i32
          %parallel_loop3A_310 = arith.constant 64 : i32
          %parallel_loop3A_311 = arith.addi %parallel_loop3A_309, %parallel_loop3A_310 : i32
          %parallel_loop3A_312 = arith.index_cast %parallel_loop3A_311 : i32 to index
          %parallel_loop3A_313 = tpu.vector_load %arg9[%parallel_loop3A_312] {strides = array<i32>} : memref<16512xf32, #tpu.memory_space<vmem>>, vector<16xf32>,
          tpu.vector_store %arg9[%parallel_loop3A_312], %parallel_loop3A_307 {strides = array<i32>} : memref<16512xf32, #tpu.memory_space<vmem>>, vector<16xf32>,
          %parallel_loop3A_314 = arith.constant 80 : i32
          %parallel_loop3A_315 = vector.broadcast %parallel_loop3A_314 : i32 to vector<16xi32>
          %parallel_loop3A_316 = arith.addi %iota3A, %parallel_loop3A_315 : vector<16xi32>
          %parallel_loop3A_317 = tpu.vector_load_idx %arg5[%parallel_loop3A_263, %parallel_loop3A_316] : memref<128x128xf32, #tpu.memory_space<vmem>>[vector<16xi32>, vector<16xi32>], vector<16xf32>,
          %parallel_loop3A_318 = arith.constant 129 : i32
          %parallel_loop3A_319 = arith.muli %parallel_loop3A_262, %parallel_loop3A_318 : i32
          %parallel_loop3A_320 = arith.constant 80 : i32
          %parallel_loop3A_321 = arith.addi %parallel_loop3A_319, %parallel_loop3A_320 : i32
          %parallel_loop3A_322 = arith.index_cast %parallel_loop3A_321 : i32 to index
          %parallel_loop3A_323 = tpu.vector_load %arg9[%parallel_loop3A_322] {strides = array<i32>} : memref<16512xf32, #tpu.memory_space<vmem>>, vector<16xf32>,
          tpu.vector_store %arg9[%parallel_loop3A_322], %parallel_loop3A_317 {strides = array<i32>} : memref<16512xf32, #tpu.memory_space<vmem>>, vector<16xf32>,
          %parallel_loop3A_324 = arith.constant 96 : i32
          %parallel_loop3A_325 = vector.broadcast %parallel_loop3A_324 : i32 to vector<16xi32>
          %parallel_loop3A_326 = arith.addi %iota3A, %parallel_loop3A_325 : vector<16xi32>
          %parallel_loop3A_327 = tpu.vector_load_idx %arg5[%parallel_loop3A_263, %parallel_loop3A_326] : memref<128x128xf32, #tpu.memory_space<vmem>>[vector<16xi32>, vector<16xi32>], vector<16xf32>,
          %parallel_loop3A_328 = arith.constant 129 : i32
          %parallel_loop3A_329 = arith.muli %parallel_loop3A_262, %parallel_loop3A_328 : i32
          %parallel_loop3A_330 = arith.constant 96 : i32
          %parallel_loop3A_331 = arith.addi %parallel_loop3A_329, %parallel_loop3A_330 : i32
          %parallel_loop3A_332 = arith.index_cast %parallel_loop3A_331 : i32 to index
          %parallel_loop3A_333 = tpu.vector_load %arg9[%parallel_loop3A_332] {strides = array<i32>} : memref<16512xf32, #tpu.memory_space<vmem>>, vector<16xf32>,
          tpu.vector_store %arg9[%parallel_loop3A_332], %parallel_loop3A_327 {strides = array<i32>} : memref<16512xf32, #tpu.memory_space<vmem>>, vector<16xf32>,
          %parallel_loop3A_334 = arith.constant 112 : i32
          %parallel_loop3A_335 = vector.broadcast %parallel_loop3A_334 : i32 to vector<16xi32>
          %parallel_loop3A_336 = arith.addi %iota3A, %parallel_loop3A_335 : vector<16xi32>
          %parallel_loop3A_337 = tpu.vector_load_idx %arg5[%parallel_loop3A_263, %parallel_loop3A_336] : memref<128x128xf32, #tpu.memory_space<vmem>>[vector<16xi32>, vector<16xi32>], vector<16xf32>,
          %parallel_loop3A_338 = arith.constant 129 : i32
          %parallel_loop3A_339 = arith.muli %parallel_loop3A_262, %parallel_loop3A_338 : i32
          %parallel_loop3A_340 = arith.constant 112 : i32
          %parallel_loop3A_341 = arith.addi %parallel_loop3A_339, %parallel_loop3A_340 : i32
          %parallel_loop3A_342 = arith.index_cast %parallel_loop3A_341 : i32 to index
          %parallel_loop3A_343 = tpu.vector_load %arg9[%parallel_loop3A_342] {strides = array<i32>} : memref<16512xf32, #tpu.memory_space<vmem>>, vector<16xf32>,
          tpu.vector_store %arg9[%parallel_loop3A_342], %parallel_loop3A_337 {strides = array<i32>} : memref<16512xf32, #tpu.memory_space<vmem>>, vector<16xf32>,
        } {sc.loop_unroll_factor = 1 : i64, sc.parallel_access}
        %parallel_loop3A_228 = arith.constant 0 : i32
        %parallel_loop3A_229 = arith.constant 64 : i32
        %parallel_loop3A_230 = arith.constant 1 : i32
        scf.for %parallel_loop3A_262 = %parallel_loop3A_228 to %parallel_loop3A_229 step %parallel_loop3A_230  : i32 {
          %parallel_loop3A_263 = arith.constant 0 : i32
          %parallel_loop3A_264 = vector.broadcast %parallel_loop3A_263 : i32 to vector<16xi32>
          %parallel_loop3A_265 = arith.addi %iota3A, %parallel_loop3A_264 : vector<16xi32>
          %parallel_loop3A_266 = arith.constant 129 : i32
          %parallel_loop3A_267 = vector.broadcast %parallel_loop3A_266 : i32 to vector<16xi32>
          %parallel_loop3A_268 = arith.muli %parallel_loop3A_265, %parallel_loop3A_267 : vector<16xi32>
          %parallel_loop3A_269 = arith.constant 0 : i32
          %parallel_loop3A_270 = vector.broadcast %parallel_loop3A_269 : i32 to vector<16xi32>
          %parallel_loop3A_271 = arith.addi %parallel_loop3A_268, %parallel_loop3A_270 : vector<16xi32>
          %parallel_loop3A_272 = vector.broadcast %parallel_loop3A_262 : i32 to vector<16xi32>
          %parallel_loop3A_273 = arith.addi %parallel_loop3A_271, %parallel_loop3A_272 : vector<16xi32>
          %parallel_loop3A_274 = tpu.vector_load_idx %arg9[%parallel_loop3A_273] : memref<16512xf32, #tpu.memory_space<vmem>>[vector<16xi32>], vector<16xf32>,
          %parallel_loop3A_275 = vector.broadcast %parallel_loop3A_262 : i32 to vector<16xi32>
          %parallel_loop3A_276 = arith.constant 0 : i32
          %parallel_loop3A_277 = vector.broadcast %parallel_loop3A_276 : i32 to vector<16xi32>
          %parallel_loop3A_278 = arith.addi %iota3A, %parallel_loop3A_277 : vector<16xi32>
          tpu.vector_store_idx %arg7[%broadcast_in_dim3A_3, %parallel_loop3A_275, %parallel_loop3A_278], %parallel_loop3A_274 : memref<1x64x128xf32, #tpu.memory_space<vmem>>[vector<16xi32>, vector<16xi32>, vector<16xi32>], vector<16xf32>,
          %parallel_loop3A_279 = arith.constant 16 : i32
          %parallel_loop3A_280 = vector.broadcast %parallel_loop3A_279 : i32 to vector<16xi32>
          %parallel_loop3A_281 = arith.addi %iota3A, %parallel_loop3A_280 : vector<16xi32>
          %parallel_loop3A_282 = arith.constant 129 : i32
          %parallel_loop3A_283 = vector.broadcast %parallel_loop3A_282 : i32 to vector<16xi32>
          %parallel_loop3A_284 = arith.muli %parallel_loop3A_281, %parallel_loop3A_283 : vector<16xi32>
          %parallel_loop3A_285 = arith.constant 0 : i32
          %parallel_loop3A_286 = vector.broadcast %parallel_loop3A_285 : i32 to vector<16xi32>
          %parallel_loop3A_287 = arith.addi %parallel_loop3A_284, %parallel_loop3A_286 : vector<16xi32>
          %parallel_loop3A_288 = vector.broadcast %parallel_loop3A_262 : i32 to vector<16xi32>
          %parallel_loop3A_289 = arith.addi %parallel_loop3A_287, %parallel_loop3A_288 : vector<16xi32>
          %parallel_loop3A_290 = tpu.vector_load_idx %arg9[%parallel_loop3A_289] : memref<16512xf32, #tpu.memory_space<vmem>>[vector<16xi32>], vector<16xf32>,
          %parallel_loop3A_291 = vector.broadcast %parallel_loop3A_262 : i32 to vector<16xi32>
          %parallel_loop3A_292 = arith.constant 16 : i32
          %parallel_loop3A_293 = vector.broadcast %parallel_loop3A_292 : i32 to vector<16xi32>
          %parallel_loop3A_294 = arith.addi %iota3A, %parallel_loop3A_293 : vector<16xi32>
          tpu.vector_store_idx %arg7[%broadcast_in_dim3A_3, %parallel_loop3A_291, %parallel_loop3A_294], %parallel_loop3A_290 : memref<1x64x128xf32, #tpu.memory_space<vmem>>[vector<16xi32>, vector<16xi32>, vector<16xi32>], vector<16xf32>,
          %parallel_loop3A_295 = arith.constant 32 : i32
          %parallel_loop3A_296 = vector.broadcast %parallel_loop3A_295 : i32 to vector<16xi32>
          %parallel_loop3A_297 = arith.addi %iota3A, %parallel_loop3A_296 : vector<16xi32>
          %parallel_loop3A_298 = arith.constant 129 : i32
          %parallel_loop3A_299 = vector.broadcast %parallel_loop3A_298 : i32 to vector<16xi32>
          %parallel_loop3A_300 = arith.muli %parallel_loop3A_297, %parallel_loop3A_299 : vector<16xi32>
          %parallel_loop3A_301 = arith.constant 0 : i32
          %parallel_loop3A_302 = vector.broadcast %parallel_loop3A_301 : i32 to vector<16xi32>
          %parallel_loop3A_303 = arith.addi %parallel_loop3A_300, %parallel_loop3A_302 : vector<16xi32>
          %parallel_loop3A_304 = vector.broadcast %parallel_loop3A_262 : i32 to vector<16xi32>
          %parallel_loop3A_305 = arith.addi %parallel_loop3A_303, %parallel_loop3A_304 : vector<16xi32>
          %parallel_loop3A_306 = tpu.vector_load_idx %arg9[%parallel_loop3A_305] : memref<16512xf32, #tpu.memory_space<vmem>>[vector<16xi32>], vector<16xf32>,
          %parallel_loop3A_307 = vector.broadcast %parallel_loop3A_262 : i32 to vector<16xi32>
          %parallel_loop3A_308 = arith.constant 32 : i32
          %parallel_loop3A_309 = vector.broadcast %parallel_loop3A_308 : i32 to vector<16xi32>
          %parallel_loop3A_310 = arith.addi %iota3A, %parallel_loop3A_309 : vector<16xi32>
          tpu.vector_store_idx %arg7[%broadcast_in_dim3A_3, %parallel_loop3A_307, %parallel_loop3A_310], %parallel_loop3A_306 : memref<1x64x128xf32, #tpu.memory_space<vmem>>[vector<16xi32>, vector<16xi32>, vector<16xi32>], vector<16xf32>,
          %parallel_loop3A_311 = arith.constant 48 : i32
          %parallel_loop3A_312 = vector.broadcast %parallel_loop3A_311 : i32 to vector<16xi32>
          %parallel_loop3A_313 = arith.addi %iota3A, %parallel_loop3A_312 : vector<16xi32>
          %parallel_loop3A_314 = arith.constant 129 : i32
          %parallel_loop3A_315 = vector.broadcast %parallel_loop3A_314 : i32 to vector<16xi32>
          %parallel_loop3A_316 = arith.muli %parallel_loop3A_313, %parallel_loop3A_315 : vector<16xi32>
          %parallel_loop3A_317 = arith.constant 0 : i32
          %parallel_loop3A_318 = vector.broadcast %parallel_loop3A_317 : i32 to vector<16xi32>
          %parallel_loop3A_319 = arith.addi %parallel_loop3A_316, %parallel_loop3A_318 : vector<16xi32>
          %parallel_loop3A_320 = vector.broadcast %parallel_loop3A_262 : i32 to vector<16xi32>
          %parallel_loop3A_321 = arith.addi %parallel_loop3A_319, %parallel_loop3A_320 : vector<16xi32>
          %parallel_loop3A_322 = tpu.vector_load_idx %arg9[%parallel_loop3A_321] : memref<16512xf32, #tpu.memory_space<vmem>>[vector<16xi32>], vector<16xf32>,
          %parallel_loop3A_323 = vector.broadcast %parallel_loop3A_262 : i32 to vector<16xi32>
          %parallel_loop3A_324 = arith.constant 48 : i32
          %parallel_loop3A_325 = vector.broadcast %parallel_loop3A_324 : i32 to vector<16xi32>
          %parallel_loop3A_326 = arith.addi %iota3A, %parallel_loop3A_325 : vector<16xi32>
          tpu.vector_store_idx %arg7[%broadcast_in_dim3A_3, %parallel_loop3A_323, %parallel_loop3A_326], %parallel_loop3A_322 : memref<1x64x128xf32, #tpu.memory_space<vmem>>[vector<16xi32>, vector<16xi32>, vector<16xi32>], vector<16xf32>,
          %parallel_loop3A_327 = arith.constant 64 : i32
          %parallel_loop3A_328 = vector.broadcast %parallel_loop3A_327 : i32 to vector<16xi32>
          %parallel_loop3A_329 = arith.addi %iota3A, %parallel_loop3A_328 : vector<16xi32>
          %parallel_loop3A_330 = arith.constant 129 : i32
          %parallel_loop3A_331 = vector.broadcast %parallel_loop3A_330 : i32 to vector<16xi32>
          %parallel_loop3A_332 = arith.muli %parallel_loop3A_329, %parallel_loop3A_331 : vector<16xi32>
          %parallel_loop3A_333 = arith.constant 0 : i32
          %parallel_loop3A_334 = vector.broadcast %parallel_loop3A_333 : i32 to vector<16xi32>
          %parallel_loop3A_335 = arith.addi %parallel_loop3A_332, %parallel_loop3A_334 : vector<16xi32>
          %parallel_loop3A_336 = vector.broadcast %parallel_loop3A_262 : i32 to vector<16xi32>
          %parallel_loop3A_337 = arith.addi %parallel_loop3A_335, %parallel_loop3A_336 : vector<16xi32>
          %parallel_loop3A_338 = tpu.vector_load_idx %arg9[%parallel_loop3A_337] : memref<16512xf32, #tpu.memory_space<vmem>>[vector<16xi32>], vector<16xf32>,
          %parallel_loop3A_339 = vector.broadcast %parallel_loop3A_262 : i32 to vector<16xi32>
          %parallel_loop3A_340 = arith.constant 64 : i32
          %parallel_loop3A_341 = vector.broadcast %parallel_loop3A_340 : i32 to vector<16xi32>
          %parallel_loop3A_342 = arith.addi %iota3A, %parallel_loop3A_341 : vector<16xi32>
          tpu.vector_store_idx %arg7[%broadcast_in_dim3A_3, %parallel_loop3A_339, %parallel_loop3A_342], %parallel_loop3A_338 : memref<1x64x128xf32, #tpu.memory_space<vmem>>[vector<16xi32>, vector<16xi32>, vector<16xi32>], vector<16xf32>,
          %parallel_loop3A_343 = arith.constant 80 : i32
          %parallel_loop3A_344 = vector.broadcast %parallel_loop3A_343 : i32 to vector<16xi32>
          %parallel_loop3A_345 = arith.addi %iota3A, %parallel_loop3A_344 : vector<16xi32>
          %parallel_loop3A_346 = arith.constant 129 : i32
          %parallel_loop3A_347 = vector.broadcast %parallel_loop3A_346 : i32 to vector<16xi32>
          %parallel_loop3A_348 = arith.muli %parallel_loop3A_345, %parallel_loop3A_347 : vector<16xi32>
          %parallel_loop3A_349 = arith.constant 0 : i32
          %parallel_loop3A_350 = vector.broadcast %parallel_loop3A_349 : i32 to vector<16xi32>
          %parallel_loop3A_351 = arith.addi %parallel_loop3A_348, %parallel_loop3A_350 : vector<16xi32>
          %parallel_loop3A_352 = vector.broadcast %parallel_loop3A_262 : i32 to vector<16xi32>
          %parallel_loop3A_353 = arith.addi %parallel_loop3A_351, %parallel_loop3A_352 : vector<16xi32>
          %parallel_loop3A_354 = tpu.vector_load_idx %arg9[%parallel_loop3A_353] : memref<16512xf32, #tpu.memory_space<vmem>>[vector<16xi32>], vector<16xf32>,
          %parallel_loop3A_355 = vector.broadcast %parallel_loop3A_262 : i32 to vector<16xi32>
          %parallel_loop3A_356 = arith.constant 80 : i32
          %parallel_loop3A_357 = vector.broadcast %parallel_loop3A_356 : i32 to vector<16xi32>
          %parallel_loop3A_358 = arith.addi %iota3A, %parallel_loop3A_357 : vector<16xi32>
          tpu.vector_store_idx %arg7[%broadcast_in_dim3A_3, %parallel_loop3A_355, %parallel_loop3A_358], %parallel_loop3A_354 : memref<1x64x128xf32, #tpu.memory_space<vmem>>[vector<16xi32>, vector<16xi32>, vector<16xi32>], vector<16xf32>,
          %parallel_loop3A_359 = arith.constant 96 : i32
          %parallel_loop3A_360 = vector.broadcast %parallel_loop3A_359 : i32 to vector<16xi32>
          %parallel_loop3A_361 = arith.addi %iota3A, %parallel_loop3A_360 : vector<16xi32>
          %parallel_loop3A_362 = arith.constant 129 : i32
          %parallel_loop3A_363 = vector.broadcast %parallel_loop3A_362 : i32 to vector<16xi32>
          %parallel_loop3A_364 = arith.muli %parallel_loop3A_361, %parallel_loop3A_363 : vector<16xi32>
          %parallel_loop3A_365 = arith.constant 0 : i32
          %parallel_loop3A_366 = vector.broadcast %parallel_loop3A_365 : i32 to vector<16xi32>
          %parallel_loop3A_367 = arith.addi %parallel_loop3A_364, %parallel_loop3A_366 : vector<16xi32>
          %parallel_loop3A_368 = vector.broadcast %parallel_loop3A_262 : i32 to vector<16xi32>
          %parallel_loop3A_369 = arith.addi %parallel_loop3A_367, %parallel_loop3A_368 : vector<16xi32>
          %parallel_loop3A_370 = tpu.vector_load_idx %arg9[%parallel_loop3A_369] : memref<16512xf32, #tpu.memory_space<vmem>>[vector<16xi32>], vector<16xf32>,
          %parallel_loop3A_371 = vector.broadcast %parallel_loop3A_262 : i32 to vector<16xi32>
          %parallel_loop3A_372 = arith.constant 96 : i32
          %parallel_loop3A_373 = vector.broadcast %parallel_loop3A_372 : i32 to vector<16xi32>
          %parallel_loop3A_374 = arith.addi %iota3A, %parallel_loop3A_373 : vector<16xi32>
          tpu.vector_store_idx %arg7[%broadcast_in_dim3A_3, %parallel_loop3A_371, %parallel_loop3A_374], %parallel_loop3A_370 : memref<1x64x128xf32, #tpu.memory_space<vmem>>[vector<16xi32>, vector<16xi32>, vector<16xi32>], vector<16xf32>,
          %parallel_loop3A_375 = arith.constant 112 : i32
          %parallel_loop3A_376 = vector.broadcast %parallel_loop3A_375 : i32 to vector<16xi32>
          %parallel_loop3A_377 = arith.addi %iota3A, %parallel_loop3A_376 : vector<16xi32>
          %parallel_loop3A_378 = arith.constant 129 : i32
          %parallel_loop3A_379 = vector.broadcast %parallel_loop3A_378 : i32 to vector<16xi32>
          %parallel_loop3A_380 = arith.muli %parallel_loop3A_377, %parallel_loop3A_379 : vector<16xi32>
          %parallel_loop3A_381 = arith.constant 0 : i32
          %parallel_loop3A_382 = vector.broadcast %parallel_loop3A_381 : i32 to vector<16xi32>
          %parallel_loop3A_383 = arith.addi %parallel_loop3A_380, %parallel_loop3A_382 : vector<16xi32>
          %parallel_loop3A_384 = vector.broadcast %parallel_loop3A_262 : i32 to vector<16xi32>
          %parallel_loop3A_385 = arith.addi %parallel_loop3A_383, %parallel_loop3A_384 : vector<16xi32>
          %parallel_loop3A_386 = tpu.vector_load_idx %arg9[%parallel_loop3A_385] : memref<16512xf32, #tpu.memory_space<vmem>>[vector<16xi32>], vector<16xf32>,
          %parallel_loop3A_387 = vector.broadcast %parallel_loop3A_262 : i32 to vector<16xi32>
          %parallel_loop3A_388 = arith.constant 112 : i32
          %parallel_loop3A_389 = vector.broadcast %parallel_loop3A_388 : i32 to vector<16xi32>
          %parallel_loop3A_390 = arith.addi %iota3A, %parallel_loop3A_389 : vector<16xi32>
          tpu.vector_store_idx %arg7[%broadcast_in_dim3A_3, %parallel_loop3A_387, %parallel_loop3A_390], %parallel_loop3A_386 : memref<1x64x128xf32, #tpu.memory_space<vmem>>[vector<16xi32>, vector<16xi32>, vector<16xi32>], vector<16xf32>,
        } {sc.loop_unroll_factor = 1 : i64, sc.parallel_access}
        %mul3A_231 = arith.constant 2 : i32
        %mul3A_232 = arith.muli %mul3A_231, %select_n3A_197 : i32
        %add3A_233 = arith.constant 0 : i32
        %add3A_234 = arith.addi %mul3A_232, %add3A_233 : i32
        %mul3A_235 = arith.constant 128 : i32
        %mul3A_236 = arith.muli %select_n3A_213, %mul3A_235 : i32
        %dma_start3A_237 = arith.constant 0 : i32
        %dma_start3A_238 = tpu.memref_slice %arg3[%add3A_234, %dma_start3A_237, %mul3A_236] : memref<20x64x16384xf32, #tpu.memory_space<hbm>> -> memref<1x64x128xf32, #tpu.memory_space<hbm>>
        %dma_start3A_239 = arith.constant 0 : i32
        %dma_start3A_240 = tpu.memref_slice %arg3[%add3A_234, %dma_start3A_239, %mul3A_236] : memref<20x64x16384xf32, #tpu.memory_space<hbm>> -> memref<1x64x128xf32, #tpu.memory_space<hbm>>
        tpu.enqueue_dma source(%arg7 : memref<1x64x128xf32, #tpu.memory_space<vmem>>) target(%dma_start3A_240 : memref<1x64x128xf32, #tpu.memory_space<hbm>>) target_semaphore(%arg12 : memref<!tpu.dma_semaphore, #tpu.memory_space<semaphore_mem>>)
        %dma_wait3A_241 = arith.constant 0 : i32
        %dma_wait3A_242 = tpu.memref_slice %arg3[%add3A_234, %dma_wait3A_241, %mul3A_236] : memref<20x64x16384xf32, #tpu.memory_space<hbm>> -> memref<1x64x128xf32, #tpu.memory_space<hbm>>
        %dma_wait3A_243 = arith.constant 0 : i32
        %dma_wait3A_244 = tpu.memref_slice %arg3[%add3A_234, %dma_wait3A_243, %mul3A_236] : memref<20x64x16384xf32, #tpu.memory_space<hbm>> -> memref<1x64x128xf32, #tpu.memory_space<hbm>>
        tpu.wait_dma2 semaphore(%arg12 : memref<!tpu.dma_semaphore, #tpu.memory_space<semaphore_mem>>) src(%arg7 : memref<1x64x128xf32, #tpu.memory_space<vmem>>) dst(%dma_wait3A_244 : memref<1x64x128xf32, #tpu.memory_space<hbm>>)
        %parallel_loop3A_245 = arith.constant 0 : i32
        %parallel_loop3A_246 = arith.constant 64 : i32
        %parallel_loop3A_247 = arith.constant 1 : i32
        scf.for %parallel_loop3A_262 = %parallel_loop3A_245 to %parallel_loop3A_246 step %parallel_loop3A_247  : i32 {
          %parallel_loop3A_263 = arith.constant 0 : i32
          %parallel_loop3A_264 = vector.broadcast %parallel_loop3A_263 : i32 to vector<16xi32>
          %parallel_loop3A_265 = arith.addi %iota3A, %parallel_loop3A_264 : vector<16xi32>
          %parallel_loop3A_266 = arith.constant 129 : i32
          %parallel_loop3A_267 = vector.broadcast %parallel_loop3A_266 : i32 to vector<16xi32>
          %parallel_loop3A_268 = arith.muli %parallel_loop3A_265, %parallel_loop3A_267 : vector<16xi32>
          %parallel_loop3A_269 = arith.constant 64 : i32
          %parallel_loop3A_270 = vector.broadcast %parallel_loop3A_269 : i32 to vector<16xi32>
          %parallel_loop3A_271 = arith.addi %parallel_loop3A_268, %parallel_loop3A_270 : vector<16xi32>
          %parallel_loop3A_272 = vector.broadcast %parallel_loop3A_262 : i32 to vector<16xi32>
          %parallel_loop3A_273 = arith.addi %parallel_loop3A_271, %parallel_loop3A_272 : vector<16xi32>
          %parallel_loop3A_274 = tpu.vector_load_idx %arg9[%parallel_loop3A_273] : memref<16512xf32, #tpu.memory_space<vmem>>[vector<16xi32>], vector<16xf32>,
          %parallel_loop3A_275 = vector.broadcast %parallel_loop3A_262 : i32 to vector<16xi32>
          %parallel_loop3A_276 = arith.constant 0 : i32
          %parallel_loop3A_277 = vector.broadcast %parallel_loop3A_276 : i32 to vector<16xi32>
          %parallel_loop3A_278 = arith.addi %iota3A, %parallel_loop3A_277 : vector<16xi32>
          tpu.vector_store_idx %arg8[%broadcast_in_dim3A_3, %parallel_loop3A_275, %parallel_loop3A_278], %parallel_loop3A_274 : memref<1x64x128xf32, #tpu.memory_space<vmem>>[vector<16xi32>, vector<16xi32>, vector<16xi32>], vector<16xf32>,
          %parallel_loop3A_279 = arith.constant 16 : i32
          %parallel_loop3A_280 = vector.broadcast %parallel_loop3A_279 : i32 to vector<16xi32>
          %parallel_loop3A_281 = arith.addi %iota3A, %parallel_loop3A_280 : vector<16xi32>
          %parallel_loop3A_282 = arith.constant 129 : i32
          %parallel_loop3A_283 = vector.broadcast %parallel_loop3A_282 : i32 to vector<16xi32>
          %parallel_loop3A_284 = arith.muli %parallel_loop3A_281, %parallel_loop3A_283 : vector<16xi32>
          %parallel_loop3A_285 = arith.constant 64 : i32
          %parallel_loop3A_286 = vector.broadcast %parallel_loop3A_285 : i32 to vector<16xi32>
          %parallel_loop3A_287 = arith.addi %parallel_loop3A_284, %parallel_loop3A_286 : vector<16xi32>
          %parallel_loop3A_288 = vector.broadcast %parallel_loop3A_262 : i32 to vector<16xi32>
          %parallel_loop3A_289 = arith.addi %parallel_loop3A_287, %parallel_loop3A_288 : vector<16xi32>
          %parallel_loop3A_290 = tpu.vector_load_idx %arg9[%parallel_loop3A_289] : memref<16512xf32, #tpu.memory_space<vmem>>[vector<16xi32>], vector<16xf32>,
          %parallel_loop3A_291 = vector.broadcast %parallel_loop3A_262 : i32 to vector<16xi32>
          %parallel_loop3A_292 = arith.constant 16 : i32
          %parallel_loop3A_293 = vector.broadcast %parallel_loop3A_292 : i32 to vector<16xi32>
          %parallel_loop3A_294 = arith.addi %iota3A, %parallel_loop3A_293 : vector<16xi32>
          tpu.vector_store_idx %arg8[%broadcast_in_dim3A_3, %parallel_loop3A_291, %parallel_loop3A_294], %parallel_loop3A_290 : memref<1x64x128xf32, #tpu.memory_space<vmem>>[vector<16xi32>, vector<16xi32>, vector<16xi32>], vector<16xf32>,
          %parallel_loop3A_295 = arith.constant 32 : i32
          %parallel_loop3A_296 = vector.broadcast %parallel_loop3A_295 : i32 to vector<16xi32>
          %parallel_loop3A_297 = arith.addi %iota3A, %parallel_loop3A_296 : vector<16xi32>
          %parallel_loop3A_298 = arith.constant 129 : i32
          %parallel_loop3A_299 = vector.broadcast %parallel_loop3A_298 : i32 to vector<16xi32>
          %parallel_loop3A_300 = arith.muli %parallel_loop3A_297, %parallel_loop3A_299 : vector<16xi32>
          %parallel_loop3A_301 = arith.constant 64 : i32
          %parallel_loop3A_302 = vector.broadcast %parallel_loop3A_301 : i32 to vector<16xi32>
          %parallel_loop3A_303 = arith.addi %parallel_loop3A_300, %parallel_loop3A_302 : vector<16xi32>
          %parallel_loop3A_304 = vector.broadcast %parallel_loop3A_262 : i32 to vector<16xi32>
          %parallel_loop3A_305 = arith.addi %parallel_loop3A_303, %parallel_loop3A_304 : vector<16xi32>
          %parallel_loop3A_306 = tpu.vector_load_idx %arg9[%parallel_loop3A_305] : memref<16512xf32, #tpu.memory_space<vmem>>[vector<16xi32>], vector<16xf32>,
          %parallel_loop3A_307 = vector.broadcast %parallel_loop3A_262 : i32 to vector<16xi32>
          %parallel_loop3A_308 = arith.constant 32 : i32
          %parallel_loop3A_309 = vector.broadcast %parallel_loop3A_308 : i32 to vector<16xi32>
          %parallel_loop3A_310 = arith.addi %iota3A, %parallel_loop3A_309 : vector<16xi32>
          tpu.vector_store_idx %arg8[%broadcast_in_dim3A_3, %parallel_loop3A_307, %parallel_loop3A_310], %parallel_loop3A_306 : memref<1x64x128xf32, #tpu.memory_space<vmem>>[vector<16xi32>, vector<16xi32>, vector<16xi32>], vector<16xf32>,
          %parallel_loop3A_311 = arith.constant 48 : i32
          %parallel_loop3A_312 = vector.broadcast %parallel_loop3A_311 : i32 to vector<16xi32>
          %parallel_loop3A_313 = arith.addi %iota3A, %parallel_loop3A_312 : vector<16xi32>
          %parallel_loop3A_314 = arith.constant 129 : i32
          %parallel_loop3A_315 = vector.broadcast %parallel_loop3A_314 : i32 to vector<16xi32>
          %parallel_loop3A_316 = arith.muli %parallel_loop3A_313, %parallel_loop3A_315 : vector<16xi32>
          %parallel_loop3A_317 = arith.constant 64 : i32
          %parallel_loop3A_318 = vector.broadcast %parallel_loop3A_317 : i32 to vector<16xi32>
          %parallel_loop3A_319 = arith.addi %parallel_loop3A_316, %parallel_loop3A_318 : vector<16xi32>
          %parallel_loop3A_320 = vector.broadcast %parallel_loop3A_262 : i32 to vector<16xi32>
          %parallel_loop3A_321 = arith.addi %parallel_loop3A_319, %parallel_loop3A_320 : vector<16xi32>
          %parallel_loop3A_322 = tpu.vector_load_idx %arg9[%parallel_loop3A_321] : memref<16512xf32, #tpu.memory_space<vmem>>[vector<16xi32>], vector<16xf32>,
          %parallel_loop3A_323 = vector.broadcast %parallel_loop3A_262 : i32 to vector<16xi32>
          %parallel_loop3A_324 = arith.constant 48 : i32
          %parallel_loop3A_325 = vector.broadcast %parallel_loop3A_324 : i32 to vector<16xi32>
          %parallel_loop3A_326 = arith.addi %iota3A, %parallel_loop3A_325 : vector<16xi32>
          tpu.vector_store_idx %arg8[%broadcast_in_dim3A_3, %parallel_loop3A_323, %parallel_loop3A_326], %parallel_loop3A_322 : memref<1x64x128xf32, #tpu.memory_space<vmem>>[vector<16xi32>, vector<16xi32>, vector<16xi32>], vector<16xf32>,
          %parallel_loop3A_327 = arith.constant 64 : i32
          %parallel_loop3A_328 = vector.broadcast %parallel_loop3A_327 : i32 to vector<16xi32>
          %parallel_loop3A_329 = arith.addi %iota3A, %parallel_loop3A_328 : vector<16xi32>
          %parallel_loop3A_330 = arith.constant 129 : i32
          %parallel_loop3A_331 = vector.broadcast %parallel_loop3A_330 : i32 to vector<16xi32>
          %parallel_loop3A_332 = arith.muli %parallel_loop3A_329, %parallel_loop3A_331 : vector<16xi32>
          %parallel_loop3A_333 = arith.constant 64 : i32
          %parallel_loop3A_334 = vector.broadcast %parallel_loop3A_333 : i32 to vector<16xi32>
          %parallel_loop3A_335 = arith.addi %parallel_loop3A_332, %parallel_loop3A_334 : vector<16xi32>
          %parallel_loop3A_336 = vector.broadcast %parallel_loop3A_262 : i32 to vector<16xi32>
          %parallel_loop3A_337 = arith.addi %parallel_loop3A_335, %parallel_loop3A_336 : vector<16xi32>
          %parallel_loop3A_338 = tpu.vector_load_idx %arg9[%parallel_loop3A_337] : memref<16512xf32, #tpu.memory_space<vmem>>[vector<16xi32>], vector<16xf32>,
          %parallel_loop3A_339 = vector.broadcast %parallel_loop3A_262 : i32 to vector<16xi32>
          %parallel_loop3A_340 = arith.constant 64 : i32
          %parallel_loop3A_341 = vector.broadcast %parallel_loop3A_340 : i32 to vector<16xi32>
          %parallel_loop3A_342 = arith.addi %iota3A, %parallel_loop3A_341 : vector<16xi32>
          tpu.vector_store_idx %arg8[%broadcast_in_dim3A_3, %parallel_loop3A_339, %parallel_loop3A_342], %parallel_loop3A_338 : memref<1x64x128xf32, #tpu.memory_space<vmem>>[vector<16xi32>, vector<16xi32>, vector<16xi32>], vector<16xf32>,
          %parallel_loop3A_343 = arith.constant 80 : i32
          %parallel_loop3A_344 = vector.broadcast %parallel_loop3A_343 : i32 to vector<16xi32>
          %parallel_loop3A_345 = arith.addi %iota3A, %parallel_loop3A_344 : vector<16xi32>
          %parallel_loop3A_346 = arith.constant 129 : i32
          %parallel_loop3A_347 = vector.broadcast %parallel_loop3A_346 : i32 to vector<16xi32>
          %parallel_loop3A_348 = arith.muli %parallel_loop3A_345, %parallel_loop3A_347 : vector<16xi32>
          %parallel_loop3A_349 = arith.constant 64 : i32
          %parallel_loop3A_350 = vector.broadcast %parallel_loop3A_349 : i32 to vector<16xi32>
          %parallel_loop3A_351 = arith.addi %parallel_loop3A_348, %parallel_loop3A_350 : vector<16xi32>
          %parallel_loop3A_352 = vector.broadcast %parallel_loop3A_262 : i32 to vector<16xi32>
          %parallel_loop3A_353 = arith.addi %parallel_loop3A_351, %parallel_loop3A_352 : vector<16xi32>
          %parallel_loop3A_354 = tpu.vector_load_idx %arg9[%parallel_loop3A_353] : memref<16512xf32, #tpu.memory_space<vmem>>[vector<16xi32>], vector<16xf32>,
          %parallel_loop3A_355 = vector.broadcast %parallel_loop3A_262 : i32 to vector<16xi32>
          %parallel_loop3A_356 = arith.constant 80 : i32
          %parallel_loop3A_357 = vector.broadcast %parallel_loop3A_356 : i32 to vector<16xi32>
          %parallel_loop3A_358 = arith.addi %iota3A, %parallel_loop3A_357 : vector<16xi32>
          tpu.vector_store_idx %arg8[%broadcast_in_dim3A_3, %parallel_loop3A_355, %parallel_loop3A_358], %parallel_loop3A_354 : memref<1x64x128xf32, #tpu.memory_space<vmem>>[vector<16xi32>, vector<16xi32>, vector<16xi32>], vector<16xf32>,
          %parallel_loop3A_359 = arith.constant 96 : i32
          %parallel_loop3A_360 = vector.broadcast %parallel_loop3A_359 : i32 to vector<16xi32>
          %parallel_loop3A_361 = arith.addi %iota3A, %parallel_loop3A_360 : vector<16xi32>
          %parallel_loop3A_362 = arith.constant 129 : i32
          %parallel_loop3A_363 = vector.broadcast %parallel_loop3A_362 : i32 to vector<16xi32>
          %parallel_loop3A_364 = arith.muli %parallel_loop3A_361, %parallel_loop3A_363 : vector<16xi32>
          %parallel_loop3A_365 = arith.constant 64 : i32
          %parallel_loop3A_366 = vector.broadcast %parallel_loop3A_365 : i32 to vector<16xi32>
          %parallel_loop3A_367 = arith.addi %parallel_loop3A_364, %parallel_loop3A_366 : vector<16xi32>
          %parallel_loop3A_368 = vector.broadcast %parallel_loop3A_262 : i32 to vector<16xi32>
          %parallel_loop3A_369 = arith.addi %parallel_loop3A_367, %parallel_loop3A_368 : vector<16xi32>
          %parallel_loop3A_370 = tpu.vector_load_idx %arg9[%parallel_loop3A_369] : memref<16512xf32, #tpu.memory_space<vmem>>[vector<16xi32>], vector<16xf32>,
          %parallel_loop3A_371 = vector.broadcast %parallel_loop3A_262 : i32 to vector<16xi32>
          %parallel_loop3A_372 = arith.constant 96 : i32
          %parallel_loop3A_373 = vector.broadcast %parallel_loop3A_372 : i32 to vector<16xi32>
          %parallel_loop3A_374 = arith.addi %iota3A, %parallel_loop3A_373 : vector<16xi32>
          tpu.vector_store_idx %arg8[%broadcast_in_dim3A_3, %parallel_loop3A_371, %parallel_loop3A_374], %parallel_loop3A_370 : memref<1x64x128xf32, #tpu.memory_space<vmem>>[vector<16xi32>, vector<16xi32>, vector<16xi32>], vector<16xf32>,
          %parallel_loop3A_375 = arith.constant 112 : i32
          %parallel_loop3A_376 = vector.broadcast %parallel_loop3A_375 : i32 to vector<16xi32>
          %parallel_loop3A_377 = arith.addi %iota3A, %parallel_loop3A_376 : vector<16xi32>
          %parallel_loop3A_378 = arith.constant 129 : i32
          %parallel_loop3A_379 = vector.broadcast %parallel_loop3A_378 : i32 to vector<16xi32>
          %parallel_loop3A_380 = arith.muli %parallel_loop3A_377, %parallel_loop3A_379 : vector<16xi32>
          %parallel_loop3A_381 = arith.constant 64 : i32
          %parallel_loop3A_382 = vector.broadcast %parallel_loop3A_381 : i32 to vector<16xi32>
          %parallel_loop3A_383 = arith.addi %parallel_loop3A_380, %parallel_loop3A_382 : vector<16xi32>
          %parallel_loop3A_384 = vector.broadcast %parallel_loop3A_262 : i32 to vector<16xi32>
          %parallel_loop3A_385 = arith.addi %parallel_loop3A_383, %parallel_loop3A_384 : vector<16xi32>
          %parallel_loop3A_386 = tpu.vector_load_idx %arg9[%parallel_loop3A_385] : memref<16512xf32, #tpu.memory_space<vmem>>[vector<16xi32>], vector<16xf32>,
          %parallel_loop3A_387 = vector.broadcast %parallel_loop3A_262 : i32 to vector<16xi32>
          %parallel_loop3A_388 = arith.constant 112 : i32
          %parallel_loop3A_389 = vector.broadcast %parallel_loop3A_388 : i32 to vector<16xi32>
          %parallel_loop3A_390 = arith.addi %iota3A, %parallel_loop3A_389 : vector<16xi32>
          tpu.vector_store_idx %arg8[%broadcast_in_dim3A_3, %parallel_loop3A_387, %parallel_loop3A_390], %parallel_loop3A_386 : memref<1x64x128xf32, #tpu.memory_space<vmem>>[vector<16xi32>, vector<16xi32>, vector<16xi32>], vector<16xf32>,
        } {sc.loop_unroll_factor = 1 : i64, sc.parallel_access}
        %mul3A_248 = arith.constant 2 : i32
        %mul3A_249 = arith.muli %mul3A_248, %select_n3A_197 : i32
        %add3A_250 = arith.constant 1 : i32
        %add3A_251 = arith.addi %mul3A_249, %add3A_250 : i32
        %mul3A_252 = arith.constant 128 : i32
        %mul3A_253 = arith.muli %select_n3A_213, %mul3A_252 : i32
        %dma_start3A_254 = arith.constant 0 : i32
        %dma_start3A_255 = tpu.memref_slice %arg3[%add3A_251, %dma_start3A_254, %mul3A_253] : memref<20x64x16384xf32, #tpu.memory_space<hbm>> -> memref<1x64x128xf32, #tpu.memory_space<hbm>>
        %dma_start3A_256 = arith.constant 0 : i32
        %dma_start3A_257 = tpu.memref_slice %arg3[%add3A_251, %dma_start3A_256, %mul3A_253] : memref<20x64x16384xf32, #tpu.memory_space<hbm>> -> memref<1x64x128xf32, #tpu.memory_space<hbm>>
        tpu.enqueue_dma source(%arg8 : memref<1x64x128xf32, #tpu.memory_space<vmem>>) target(%dma_start3A_257 : memref<1x64x128xf32, #tpu.memory_space<hbm>>) target_semaphore(%arg13 : memref<!tpu.dma_semaphore, #tpu.memory_space<semaphore_mem>>)
        %dma_wait3A_258 = arith.constant 0 : i32
        %dma_wait3A_259 = tpu.memref_slice %arg3[%add3A_251, %dma_wait3A_258, %mul3A_253] : memref<20x64x16384xf32, #tpu.memory_space<hbm>> -> memref<1x64x128xf32, #tpu.memory_space<hbm>>
        %dma_wait3A_260 = arith.constant 0 : i32
        %dma_wait3A_261 = tpu.memref_slice %arg3[%add3A_251, %dma_wait3A_260, %mul3A_253] : memref<20x64x16384xf32, #tpu.memory_space<hbm>> -> memref<1x64x128xf32, #tpu.memory_space<hbm>>
        tpu.wait_dma2 semaphore(%arg13 : memref<!tpu.dma_semaphore, #tpu.memory_space<semaphore_mem>>) src(%arg8 : memref<1x64x128xf32, #tpu.memory_space<vmem>>) dst(%dma_wait3A_261 : memref<1x64x128xf32, #tpu.memory_space<hbm>>)
      } else {
      }
      %rem3A_163 = arith.constant 2 : i32
      %rem3A_164 = arith.remsi %scan3A_154, %rem3A_163 : i32
      %eq3A_165 = arith.constant 1 : i32
      %eq3A_166 = arith.cmpi eq, %rem3A_164, %eq3A_165 : i32
      %lt3A_167 = arith.constant 40 : i32
      %lt3A_168 = arith.cmpi slt, %scan3A_154, %lt3A_167 : i32
      %and3A_169 = arith.andi %eq3A_166, %lt3A_168 : i1
      %convert_element_type3A_170 = arith.extui %and3A_169 : i1 to i32
      %cond3A_171 = arith.constant 0 : i32
      %cond3A_172 = arith.cmpi ne, %convert_element_type3A_170, %cond3A_171 : i32
      scf.if %cond3A_172 {
        %add3A_173 = arith.addi %mul3A_2, %scan3A_154 : i32
        %jit3A_174 = arith.constant 128 : i32
        %div3A_175 = arith.divsi %add3A_173, %jit3A_174 : i32
        %sign3A_176 = arith.constant 0 : i32
        %sign3A_177 = arith.cmpi sgt, %add3A_173, %sign3A_176 : i32
        %sign3A_178 = arith.extui %sign3A_177 : i1 to i32
        %sign3A_179 = arith.constant 0 : i32
        %sign3A_180 = arith.cmpi slt, %add3A_173, %sign3A_179 : i32
        %sign3A_181 = arith.extui %sign3A_180 : i1 to i32
        %sign3A_182 = arith.subi %sign3A_178, %sign3A_181 : i32
        %sign3A_183 = arith.constant 0 : i32
        %sign3A_184 = arith.cmpi sgt, %jit3A_174, %sign3A_183 : i32
        %sign3A_185 = arith.extui %sign3A_184 : i1 to i32
        %sign3A_186 = arith.constant 0 : i32
        %sign3A_187 = arith.cmpi slt, %jit3A_174, %sign3A_186 : i32
        %sign3A_188 = arith.extui %sign3A_187 : i1 to i32
        %sign3A_189 = arith.subi %sign3A_185, %sign3A_188 : i32
        %ne3A_190 = arith.cmpi ne, %sign3A_182, %sign3A_189 : i32
        %rem3A_191 = arith.remsi %add3A_173, %jit3A_174 : i32
        %ne3A_192 = arith.constant 0 : i32
        %ne3A_193 = arith.cmpi ne, %rem3A_191, %ne3A_192 : i32
        %and3A_194 = arith.andi %ne3A_190, %ne3A_193 : i1
        %sub3A_195 = arith.constant 1 : i32
        %sub3A_196 = arith.subi %div3A_175, %sub3A_195 : i32
        %select_n3A_197 = arith.select %and3A_194, %sub3A_196, %div3A_175 : i32
        %jit3A_198 = arith.constant 128 : i32
        %eq3A_199 = arith.constant 0 : i32
        %eq3A_200 = arith.cmpi eq, %jit3A_198, %eq3A_199 : i32
        %jit3A_201 = arith.constant 1 : i32
        %select_n3A_202 = arith.select %eq3A_200, %jit3A_201, %jit3A_198 : i32
        %rem3A_203 = arith.remsi %add3A_173, %select_n3A_202 : i32
        %ne3A_204 = arith.constant 0 : i32
        %ne3A_205 = arith.cmpi ne, %rem3A_203, %ne3A_204 : i32
        %lt3A_206 = arith.constant 0 : i32
        %lt3A_207 = arith.cmpi slt, %rem3A_203, %lt3A_206 : i32
        %lt3A_208 = arith.constant 0 : i32
        %lt3A_209 = arith.cmpi slt, %select_n3A_202, %lt3A_208 : i32
        %ne3A_210 = arith.xori %lt3A_207, %lt3A_209 : i1
        %and3A_211 = arith.andi %ne3A_210, %ne3A_205 : i1
        %add3A_212 = arith.addi %rem3A_203, %select_n3A_202 : i32
        %select_n3A_213 = arith.select %and3A_211, %add3A_212, %rem3A_203 : i32
        %dma_wait3A = arith.constant 0 : i32
        %dma_wait3A_214 = arith.constant 0 : i32
        %dma_wait3A_215 = tpu.memref_slice %arg2[%dma_wait3A, %dma_wait3A_214] : memref<163840x128xf32, #tpu.memory_space<hbm>> -> memref<128x128xf32, #tpu.memory_space<hbm>>
        %dma_wait3A_216 = arith.constant 0 : i32
        %dma_wait3A_217 = arith.constant 0 : i32
        %dma_wait3A_218 = tpu.memref_slice %arg2[%dma_wait3A_216, %dma_wait3A_217] : memref<163840x128xf32, #tpu.memory_space<hbm>> -> memref<128x128xf32, #tpu.memory_space<hbm>>
        tpu.wait_dma2 semaphore(%arg11 : memref<!tpu.dma_semaphore, #tpu.memory_space<semaphore_mem>>) src(%dma_wait3A_218 : memref<128x128xf32, #tpu.memory_space<hbm>>) dst(%arg6 : memref<128x128xf32, #tpu.memory_space<vmem>>)
        %add3A_219 = arith.constant 1 : i32
        %add3A_220 = arith.addi %scan3A_154, %add3A_219 : i32
        %lt3A_221 = arith.constant 40 : i32
        %lt3A_222 = arith.cmpi slt, %add3A_220, %lt3A_221 : i32
        %convert_element_type3A_223 = arith.extui %lt3A_222 : i1 to i32
        %cond3A_224 = arith.constant 0 : i32
        %cond3A_225 = arith.cmpi ne, %convert_element_type3A_223, %cond3A_224 : i32
        scf.if %cond3A_225 {
          %add3A_262 = arith.constant 1 : i32
          %add3A_263 = arith.addi %scan3A_154, %add3A_262 : i32
          %add3A_264 = arith.addi %mul3A_2, %add3A_263 : i32
          %jit3A_265 = arith.constant 128 : i32
          %div3A_266 = arith.divsi %add3A_264, %jit3A_265 : i32
          %sign3A_267 = arith.constant 0 : i32
          %sign3A_268 = arith.cmpi sgt, %add3A_264, %sign3A_267 : i32
          %sign3A_269 = arith.extui %sign3A_268 : i1 to i32
          %sign3A_270 = arith.constant 0 : i32
          %sign3A_271 = arith.cmpi slt, %add3A_264, %sign3A_270 : i32
          %sign3A_272 = arith.extui %sign3A_271 : i1 to i32
          %sign3A_273 = arith.subi %sign3A_269, %sign3A_272 : i32
          %sign3A_274 = arith.constant 0 : i32
          %sign3A_275 = arith.cmpi sgt, %jit3A_265, %sign3A_274 : i32
          %sign3A_276 = arith.extui %sign3A_275 : i1 to i32
          %sign3A_277 = arith.constant 0 : i32
          %sign3A_278 = arith.cmpi slt, %jit3A_265, %sign3A_277 : i32
          %sign3A_279 = arith.extui %sign3A_278 : i1 to i32
          %sign3A_280 = arith.subi %sign3A_276, %sign3A_279 : i32
          %ne3A_281 = arith.cmpi ne, %sign3A_273, %sign3A_280 : i32
          %rem3A_282 = arith.remsi %add3A_264, %jit3A_265 : i32
          %ne3A_283 = arith.constant 0 : i32
          %ne3A_284 = arith.cmpi ne, %rem3A_282, %ne3A_283 : i32
          %and3A_285 = arith.andi %ne3A_281, %ne3A_284 : i1
          %sub3A_286 = arith.constant 1 : i32
          %sub3A_287 = arith.subi %div3A_266, %sub3A_286 : i32
          %select_n3A_288 = arith.select %and3A_285, %sub3A_287, %div3A_266 : i32
          %jit3A_289 = arith.constant 128 : i32
          %eq3A_290 = arith.constant 0 : i32
          %eq3A_291 = arith.cmpi eq, %jit3A_289, %eq3A_290 : i32
          %jit3A_292 = arith.constant 1 : i32
          %select_n3A_293 = arith.select %eq3A_291, %jit3A_292, %jit3A_289 : i32
          %rem3A_294 = arith.remsi %add3A_264, %select_n3A_293 : i32
          %ne3A_295 = arith.constant 0 : i32
          %ne3A_296 = arith.cmpi ne, %rem3A_294, %ne3A_295 : i32
          %lt3A_297 = arith.constant 0 : i32
          %lt3A_298 = arith.cmpi slt, %rem3A_294, %lt3A_297 : i32
          %lt3A_299 = arith.constant 0 : i32
          %lt3A_300 = arith.cmpi slt, %select_n3A_293, %lt3A_299 : i32
          %ne3A_301 = arith.xori %lt3A_298, %lt3A_300 : i1
          %and3A_302 = arith.andi %ne3A_301, %ne3A_296 : i1
          %add3A_303 = arith.addi %rem3A_294, %select_n3A_293 : i32
          %select_n3A_304 = arith.select %and3A_302, %add3A_303, %rem3A_294 : i32
          %add3A_305 = arith.constant 0 : i32
          %add3A_306 = vector.broadcast %add3A_305 : i32 to vector<16xi32>
          %add3A_307 = arith.addi %iota3A, %add3A_306 : vector<16xi32>
          %mul3A_308 = arith.constant 128 : i32
          %mul3A_309 = arith.muli %select_n3A_304, %mul3A_308 : i32
          %add3A_310 = vector.broadcast %mul3A_309 : i32 to vector<16xi32>
          %add3A_311 = arith.addi %add3A_307, %add3A_310 : vector<16xi32>
          %mul3A_312 = arith.constant 10 : i32
          %mul3A_313 = vector.broadcast %mul3A_312 : i32 to vector<16xi32>
          %mul3A_314 = arith.muli %add3A_311, %mul3A_313 : vector<16xi32>
          %add3A_315 = vector.broadcast %select_n3A_288 : i32 to vector<16xi32>
          %add3A_316 = arith.addi %mul3A_314, %add3A_315 : vector<16xi32>
          %swap3A_317 = arith.constant 0 : index
          %swap3A_318 = tpu.vector_load %arg4[%swap3A_317] {strides = array<i32>} : memref<128xi32, #tpu.memory_space<vmem>>, vector<16xi32>,
          tpu.vector_store %arg4[%swap3A_317], %add3A_316 {strides = array<i32>} : memref<128xi32, #tpu.memory_space<vmem>>, vector<16xi32>,
          %add3A_319 = arith.constant 16 : i32
          %add3A_320 = vector.broadcast %add3A_319 : i32 to vector<16xi32>
          %add3A_321 = arith.addi %iota3A, %add3A_320 : vector<16xi32>
          %mul3A_322 = arith.constant 128 : i32
          %mul3A_323 = arith.muli %select_n3A_304, %mul3A_322 : i32
          %add3A_324 = vector.broadcast %mul3A_323 : i32 to vector<16xi32>
          %add3A_325 = arith.addi %add3A_321, %add3A_324 : vector<16xi32>
          %mul3A_326 = arith.constant 10 : i32
          %mul3A_327 = vector.broadcast %mul3A_326 : i32 to vector<16xi32>
          %mul3A_328 = arith.muli %add3A_325, %mul3A_327 : vector<16xi32>
          %add3A_329 = vector.broadcast %select_n3A_288 : i32 to vector<16xi32>
          %add3A_330 = arith.addi %mul3A_328, %add3A_329 : vector<16xi32>
          %swap3A_331 = arith.constant 16 : index
          %swap3A_332 = tpu.vector_load %arg4[%swap3A_331] {strides = array<i32>} : memref<128xi32, #tpu.memory_space<vmem>>, vector<16xi32>,
          tpu.vector_store %arg4[%swap3A_331], %add3A_330 {strides = array<i32>} : memref<128xi32, #tpu.memory_space<vmem>>, vector<16xi32>,
          %add3A_333 = arith.constant 32 : i32
          %add3A_334 = vector.broadcast %add3A_333 : i32 to vector<16xi32>
          %add3A_335 = arith.addi %iota3A, %add3A_334 : vector<16xi32>
          %mul3A_336 = arith.constant 128 : i32
          %mul3A_337 = arith.muli %select_n3A_304, %mul3A_336 : i32
          %add3A_338 = vector.broadcast %mul3A_337 : i32 to vector<16xi32>
          %add3A_339 = arith.addi %add3A_335, %add3A_338 : vector<16xi32>
          %mul3A_340 = arith.constant 10 : i32
          %mul3A_341 = vector.broadcast %mul3A_340 : i32 to vector<16xi32>
          %mul3A_342 = arith.muli %add3A_339, %mul3A_341 : vector<16xi32>
          %add3A_343 = vector.broadcast %select_n3A_288 : i32 to vector<16xi32>
          %add3A_344 = arith.addi %mul3A_342, %add3A_343 : vector<16xi32>
          %swap3A_345 = arith.constant 32 : index
          %swap3A_346 = tpu.vector_load %arg4[%swap3A_345] {strides = array<i32>} : memref<128xi32, #tpu.memory_space<vmem>>, vector<16xi32>,
          tpu.vector_store %arg4[%swap3A_345], %add3A_344 {strides = array<i32>} : memref<128xi32, #tpu.memory_space<vmem>>, vector<16xi32>,
          %add3A_347 = arith.constant 48 : i32
          %add3A_348 = vector.broadcast %add3A_347 : i32 to vector<16xi32>
          %add3A_349 = arith.addi %iota3A, %add3A_348 : vector<16xi32>
          %mul3A_350 = arith.constant 128 : i32
          %mul3A_351 = arith.muli %select_n3A_304, %mul3A_350 : i32
          %add3A_352 = vector.broadcast %mul3A_351 : i32 to vector<16xi32>
          %add3A_353 = arith.addi %add3A_349, %add3A_352 : vector<16xi32>
          %mul3A_354 = arith.constant 10 : i32
          %mul3A_355 = vector.broadcast %mul3A_354 : i32 to vector<16xi32>
          %mul3A_356 = arith.muli %add3A_353, %mul3A_355 : vector<16xi32>
          %add3A_357 = vector.broadcast %select_n3A_288 : i32 to vector<16xi32>
          %add3A_358 = arith.addi %mul3A_356, %add3A_357 : vector<16xi32>
          %swap3A_359 = arith.constant 48 : index
          %swap3A_360 = tpu.vector_load %arg4[%swap3A_359] {strides = array<i32>} : memref<128xi32, #tpu.memory_space<vmem>>, vector<16xi32>,
          tpu.vector_store %arg4[%swap3A_359], %add3A_358 {strides = array<i32>} : memref<128xi32, #tpu.memory_space<vmem>>, vector<16xi32>,
          %add3A_361 = arith.constant 64 : i32
          %add3A_362 = vector.broadcast %add3A_361 : i32 to vector<16xi32>
          %add3A_363 = arith.addi %iota3A, %add3A_362 : vector<16xi32>
          %mul3A_364 = arith.constant 128 : i32
          %mul3A_365 = arith.muli %select_n3A_304, %mul3A_364 : i32
          %add3A_366 = vector.broadcast %mul3A_365 : i32 to vector<16xi32>
          %add3A_367 = arith.addi %add3A_363, %add3A_366 : vector<16xi32>
          %mul3A_368 = arith.constant 10 : i32
          %mul3A_369 = vector.broadcast %mul3A_368 : i32 to vector<16xi32>
          %mul3A_370 = arith.muli %add3A_367, %mul3A_369 : vector<16xi32>
          %add3A_371 = vector.broadcast %select_n3A_288 : i32 to vector<16xi32>
          %add3A_372 = arith.addi %mul3A_370, %add3A_371 : vector<16xi32>
          %swap3A_373 = arith.constant 64 : index
          %swap3A_374 = tpu.vector_load %arg4[%swap3A_373] {strides = array<i32>} : memref<128xi32, #tpu.memory_space<vmem>>, vector<16xi32>,
          tpu.vector_store %arg4[%swap3A_373], %add3A_372 {strides = array<i32>} : memref<128xi32, #tpu.memory_space<vmem>>, vector<16xi32>,
          %add3A_375 = arith.constant 80 : i32
          %add3A_376 = vector.broadcast %add3A_375 : i32 to vector<16xi32>
          %add3A_377 = arith.addi %iota3A, %add3A_376 : vector<16xi32>
          %mul3A_378 = arith.constant 128 : i32
          %mul3A_379 = arith.muli %select_n3A_304, %mul3A_378 : i32
          %add3A_380 = vector.broadcast %mul3A_379 : i32 to vector<16xi32>
          %add3A_381 = arith.addi %add3A_377, %add3A_380 : vector<16xi32>
          %mul3A_382 = arith.constant 10 : i32
          %mul3A_383 = vector.broadcast %mul3A_382 : i32 to vector<16xi32>
          %mul3A_384 = arith.muli %add3A_381, %mul3A_383 : vector<16xi32>
          %add3A_385 = vector.broadcast %select_n3A_288 : i32 to vector<16xi32>
          %add3A_386 = arith.addi %mul3A_384, %add3A_385 : vector<16xi32>
          %swap3A_387 = arith.constant 80 : index
          %swap3A_388 = tpu.vector_load %arg4[%swap3A_387] {strides = array<i32>} : memref<128xi32, #tpu.memory_space<vmem>>, vector<16xi32>,
          tpu.vector_store %arg4[%swap3A_387], %add3A_386 {strides = array<i32>} : memref<128xi32, #tpu.memory_space<vmem>>, vector<16xi32>,
          %add3A_389 = arith.constant 96 : i32
          %add3A_390 = vector.broadcast %add3A_389 : i32 to vector<16xi32>
          %add3A_391 = arith.addi %iota3A, %add3A_390 : vector<16xi32>
          %mul3A_392 = arith.constant 128 : i32
          %mul3A_393 = arith.muli %select_n3A_304, %mul3A_392 : i32
          %add3A_394 = vector.broadcast %mul3A_393 : i32 to vector<16xi32>
          %add3A_395 = arith.addi %add3A_391, %add3A_394 : vector<16xi32>
          %mul3A_396 = arith.constant 10 : i32
          %mul3A_397 = vector.broadcast %mul3A_396 : i32 to vector<16xi32>
          %mul3A_398 = arith.muli %add3A_395, %mul3A_397 : vector<16xi32>
          %add3A_399 = vector.broadcast %select_n3A_288 : i32 to vector<16xi32>
          %add3A_400 = arith.addi %mul3A_398, %add3A_399 : vector<16xi32>
          %swap3A_401 = arith.constant 96 : index
          %swap3A_402 = tpu.vector_load %arg4[%swap3A_401] {strides = array<i32>} : memref<128xi32, #tpu.memory_space<vmem>>, vector<16xi32>,
          tpu.vector_store %arg4[%swap3A_401], %add3A_400 {strides = array<i32>} : memref<128xi32, #tpu.memory_space<vmem>>, vector<16xi32>,
          %add3A_403 = arith.constant 112 : i32
          %add3A_404 = vector.broadcast %add3A_403 : i32 to vector<16xi32>
          %add3A_405 = arith.addi %iota3A, %add3A_404 : vector<16xi32>
          %mul3A_406 = arith.constant 128 : i32
          %mul3A_407 = arith.muli %select_n3A_304, %mul3A_406 : i32
          %add3A_408 = vector.broadcast %mul3A_407 : i32 to vector<16xi32>
          %add3A_409 = arith.addi %add3A_405, %add3A_408 : vector<16xi32>
          %mul3A_410 = arith.constant 10 : i32
          %mul3A_411 = vector.broadcast %mul3A_410 : i32 to vector<16xi32>
          %mul3A_412 = arith.muli %add3A_409, %mul3A_411 : vector<16xi32>
          %add3A_413 = vector.broadcast %select_n3A_288 : i32 to vector<16xi32>
          %add3A_414 = arith.addi %mul3A_412, %add3A_413 : vector<16xi32>
          %swap3A_415 = arith.constant 112 : index
          %swap3A_416 = tpu.vector_load %arg4[%swap3A_415] {strides = array<i32>} : memref<128xi32, #tpu.memory_space<vmem>>, vector<16xi32>,
          tpu.vector_store %arg4[%swap3A_415], %add3A_414 {strides = array<i32>} : memref<128xi32, #tpu.memory_space<vmem>>, vector<16xi32>,
          %dma_start3A_417 = arith.constant 0 : i32
          %dma_start3A_418 = arith.constant 0 : i32
          %dma_start3A_419 = tpu.memref_slice %arg2[%dma_start3A_417, %dma_start3A_418] : memref<163840x128xf32, #tpu.memory_space<hbm>> -> memref<163840x128xf32, #tpu.memory_space<hbm>>
          tpu.enqueue_indirect_dma source(%dma_start3A_419 : memref<163840x128xf32, #tpu.memory_space<hbm>>) target(%arg5 : memref<128x128xf32, #tpu.memory_space<vmem>>) offsets(%arg4 : memref<128xi32, #tpu.memory_space<vmem>>) semaphore(%arg10 : memref<!tpu.dma_semaphore, #tpu.memory_space<semaphore_mem>>)
        } else {
        }
        %parallel_loop3A = arith.constant 0 : i32
        %parallel_loop3A_226 = arith.constant 128 : i32
        %parallel_loop3A_227 = arith.constant 1 : i32
        scf.for %parallel_loop3A_262 = %parallel_loop3A to %parallel_loop3A_226 step %parallel_loop3A_227  : i32 {
          %parallel_loop3A_263 = vector.broadcast %parallel_loop3A_262 : i32 to vector<16xi32>
          %parallel_loop3A_264 = arith.constant 0 : i32
          %parallel_loop3A_265 = vector.broadcast %parallel_loop3A_264 : i32 to vector<16xi32>
          %parallel_loop3A_266 = arith.addi %iota3A, %parallel_loop3A_265 : vector<16xi32>
          %parallel_loop3A_267 = tpu.vector_load_idx %arg6[%parallel_loop3A_263, %parallel_loop3A_266] : memref<128x128xf32, #tpu.memory_space<vmem>>[vector<16xi32>, vector<16xi32>], vector<16xf32>,
          %parallel_loop3A_268 = arith.constant 129 : i32
          %parallel_loop3A_269 = arith.muli %parallel_loop3A_262, %parallel_loop3A_268 : i32
          %parallel_loop3A_270 = arith.constant 0 : i32
          %parallel_loop3A_271 = arith.addi %parallel_loop3A_269, %parallel_loop3A_270 : i32
          %parallel_loop3A_272 = arith.index_cast %parallel_loop3A_271 : i32 to index
          %parallel_loop3A_273 = tpu.vector_load %arg9[%parallel_loop3A_272] {strides = array<i32>} : memref<16512xf32, #tpu.memory_space<vmem>>, vector<16xf32>,
          tpu.vector_store %arg9[%parallel_loop3A_272], %parallel_loop3A_267 {strides = array<i32>} : memref<16512xf32, #tpu.memory_space<vmem>>, vector<16xf32>,
          %parallel_loop3A_274 = arith.constant 16 : i32
          %parallel_loop3A_275 = vector.broadcast %parallel_loop3A_274 : i32 to vector<16xi32>
          %parallel_loop3A_276 = arith.addi %iota3A, %parallel_loop3A_275 : vector<16xi32>
          %parallel_loop3A_277 = tpu.vector_load_idx %arg6[%parallel_loop3A_263, %parallel_loop3A_276] : memref<128x128xf32, #tpu.memory_space<vmem>>[vector<16xi32>, vector<16xi32>], vector<16xf32>,
          %parallel_loop3A_278 = arith.constant 129 : i32
          %parallel_loop3A_279 = arith.muli %parallel_loop3A_262, %parallel_loop3A_278 : i32
          %parallel_loop3A_280 = arith.constant 16 : i32
          %parallel_loop3A_281 = arith.addi %parallel_loop3A_279, %parallel_loop3A_280 : i32
          %parallel_loop3A_282 = arith.index_cast %parallel_loop3A_281 : i32 to index
          %parallel_loop3A_283 = tpu.vector_load %arg9[%parallel_loop3A_282] {strides = array<i32>} : memref<16512xf32, #tpu.memory_space<vmem>>, vector<16xf32>,
          tpu.vector_store %arg9[%parallel_loop3A_282], %parallel_loop3A_277 {strides = array<i32>} : memref<16512xf32, #tpu.memory_space<vmem>>, vector<16xf32>,
          %parallel_loop3A_284 = arith.constant 32 : i32
          %parallel_loop3A_285 = vector.broadcast %parallel_loop3A_284 : i32 to vector<16xi32>
          %parallel_loop3A_286 = arith.addi %iota3A, %parallel_loop3A_285 : vector<16xi32>
          %parallel_loop3A_287 = tpu.vector_load_idx %arg6[%parallel_loop3A_263, %parallel_loop3A_286] : memref<128x128xf32, #tpu.memory_space<vmem>>[vector<16xi32>, vector<16xi32>], vector<16xf32>,
          %parallel_loop3A_288 = arith.constant 129 : i32
          %parallel_loop3A_289 = arith.muli %parallel_loop3A_262, %parallel_loop3A_288 : i32
          %parallel_loop3A_290 = arith.constant 32 : i32
          %parallel_loop3A_291 = arith.addi %parallel_loop3A_289, %parallel_loop3A_290 : i32
          %parallel_loop3A_292 = arith.index_cast %parallel_loop3A_291 : i32 to index
          %parallel_loop3A_293 = tpu.vector_load %arg9[%parallel_loop3A_292] {strides = array<i32>} : memref<16512xf32, #tpu.memory_space<vmem>>, vector<16xf32>,
          tpu.vector_store %arg9[%parallel_loop3A_292], %parallel_loop3A_287 {strides = array<i32>} : memref<16512xf32, #tpu.memory_space<vmem>>, vector<16xf32>,
          %parallel_loop3A_294 = arith.constant 48 : i32
          %parallel_loop3A_295 = vector.broadcast %parallel_loop3A_294 : i32 to vector<16xi32>
          %parallel_loop3A_296 = arith.addi %iota3A, %parallel_loop3A_295 : vector<16xi32>
          %parallel_loop3A_297 = tpu.vector_load_idx %arg6[%parallel_loop3A_263, %parallel_loop3A_296] : memref<128x128xf32, #tpu.memory_space<vmem>>[vector<16xi32>, vector<16xi32>], vector<16xf32>,
          %parallel_loop3A_298 = arith.constant 129 : i32
          %parallel_loop3A_299 = arith.muli %parallel_loop3A_262, %parallel_loop3A_298 : i32
          %parallel_loop3A_300 = arith.constant 48 : i32
          %parallel_loop3A_301 = arith.addi %parallel_loop3A_299, %parallel_loop3A_300 : i32
          %parallel_loop3A_302 = arith.index_cast %parallel_loop3A_301 : i32 to index
          %parallel_loop3A_303 = tpu.vector_load %arg9[%parallel_loop3A_302] {strides = array<i32>} : memref<16512xf32, #tpu.memory_space<vmem>>, vector<16xf32>,
          tpu.vector_store %arg9[%parallel_loop3A_302], %parallel_loop3A_297 {strides = array<i32>} : memref<16512xf32, #tpu.memory_space<vmem>>, vector<16xf32>,
          %parallel_loop3A_304 = arith.constant 64 : i32
          %parallel_loop3A_305 = vector.broadcast %parallel_loop3A_304 : i32 to vector<16xi32>
          %parallel_loop3A_306 = arith.addi %iota3A, %parallel_loop3A_305 : vector<16xi32>
          %parallel_loop3A_307 = tpu.vector_load_idx %arg6[%parallel_loop3A_263, %parallel_loop3A_306] : memref<128x128xf32, #tpu.memory_space<vmem>>[vector<16xi32>, vector<16xi32>], vector<16xf32>,
          %parallel_loop3A_308 = arith.constant 129 : i32
          %parallel_loop3A_309 = arith.muli %parallel_loop3A_262, %parallel_loop3A_308 : i32
          %parallel_loop3A_310 = arith.constant 64 : i32
          %parallel_loop3A_311 = arith.addi %parallel_loop3A_309, %parallel_loop3A_310 : i32
          %parallel_loop3A_312 = arith.index_cast %parallel_loop3A_311 : i32 to index
          %parallel_loop3A_313 = tpu.vector_load %arg9[%parallel_loop3A_312] {strides = array<i32>} : memref<16512xf32, #tpu.memory_space<vmem>>, vector<16xf32>,
          tpu.vector_store %arg9[%parallel_loop3A_312], %parallel_loop3A_307 {strides = array<i32>} : memref<16512xf32, #tpu.memory_space<vmem>>, vector<16xf32>,
          %parallel_loop3A_314 = arith.constant 80 : i32
          %parallel_loop3A_315 = vector.broadcast %parallel_loop3A_314 : i32 to vector<16xi32>
          %parallel_loop3A_316 = arith.addi %iota3A, %parallel_loop3A_315 : vector<16xi32>
          %parallel_loop3A_317 = tpu.vector_load_idx %arg6[%parallel_loop3A_263, %parallel_loop3A_316] : memref<128x128xf32, #tpu.memory_space<vmem>>[vector<16xi32>, vector<16xi32>], vector<16xf32>,
          %parallel_loop3A_318 = arith.constant 129 : i32
          %parallel_loop3A_319 = arith.muli %parallel_loop3A_262, %parallel_loop3A_318 : i32
          %parallel_loop3A_320 = arith.constant 80 : i32
          %parallel_loop3A_321 = arith.addi %parallel_loop3A_319, %parallel_loop3A_320 : i32
          %parallel_loop3A_322 = arith.index_cast %parallel_loop3A_321 : i32 to index
          %parallel_loop3A_323 = tpu.vector_load %arg9[%parallel_loop3A_322] {strides = array<i32>} : memref<16512xf32, #tpu.memory_space<vmem>>, vector<16xf32>,
          tpu.vector_store %arg9[%parallel_loop3A_322], %parallel_loop3A_317 {strides = array<i32>} : memref<16512xf32, #tpu.memory_space<vmem>>, vector<16xf32>,
          %parallel_loop3A_324 = arith.constant 96 : i32
          %parallel_loop3A_325 = vector.broadcast %parallel_loop3A_324 : i32 to vector<16xi32>
          %parallel_loop3A_326 = arith.addi %iota3A, %parallel_loop3A_325 : vector<16xi32>
          %parallel_loop3A_327 = tpu.vector_load_idx %arg6[%parallel_loop3A_263, %parallel_loop3A_326] : memref<128x128xf32, #tpu.memory_space<vmem>>[vector<16xi32>, vector<16xi32>], vector<16xf32>,
          %parallel_loop3A_328 = arith.constant 129 : i32
          %parallel_loop3A_329 = arith.muli %parallel_loop3A_262, %parallel_loop3A_328 : i32
          %parallel_loop3A_330 = arith.constant 96 : i32
          %parallel_loop3A_331 = arith.addi %parallel_loop3A_329, %parallel_loop3A_330 : i32
          %parallel_loop3A_332 = arith.index_cast %parallel_loop3A_331 : i32 to index
          %parallel_loop3A_333 = tpu.vector_load %arg9[%parallel_loop3A_332] {strides = array<i32>} : memref<16512xf32, #tpu.memory_space<vmem>>, vector<16xf32>,
          tpu.vector_store %arg9[%parallel_loop3A_332], %parallel_loop3A_327 {strides = array<i32>} : memref<16512xf32, #tpu.memory_space<vmem>>, vector<16xf32>,
          %parallel_loop3A_334 = arith.constant 112 : i32
          %parallel_loop3A_335 = vector.broadcast %parallel_loop3A_334 : i32 to vector<16xi32>
          %parallel_loop3A_336 = arith.addi %iota3A, %parallel_loop3A_335 : vector<16xi32>
          %parallel_loop3A_337 = tpu.vector_load_idx %arg6[%parallel_loop3A_263, %parallel_loop3A_336] : memref<128x128xf32, #tpu.memory_space<vmem>>[vector<16xi32>, vector<16xi32>], vector<16xf32>,
          %parallel_loop3A_338 = arith.constant 129 : i32
          %parallel_loop3A_339 = arith.muli %parallel_loop3A_262, %parallel_loop3A_338 : i32
          %parallel_loop3A_340 = arith.constant 112 : i32
          %parallel_loop3A_341 = arith.addi %parallel_loop3A_339, %parallel_loop3A_340 : i32
          %parallel_loop3A_342 = arith.index_cast %parallel_loop3A_341 : i32 to index
          %parallel_loop3A_343 = tpu.vector_load %arg9[%parallel_loop3A_342] {strides = array<i32>} : memref<16512xf32, #tpu.memory_space<vmem>>, vector<16xf32>,
          tpu.vector_store %arg9[%parallel_loop3A_342], %parallel_loop3A_337 {strides = array<i32>} : memref<16512xf32, #tpu.memory_space<vmem>>, vector<16xf32>,
        } {sc.loop_unroll_factor = 1 : i64, sc.parallel_access}
        %parallel_loop3A_228 = arith.constant 0 : i32
        %parallel_loop3A_229 = arith.constant 64 : i32
        %parallel_loop3A_230 = arith.constant 1 : i32
        scf.for %parallel_loop3A_262 = %parallel_loop3A_228 to %parallel_loop3A_229 step %parallel_loop3A_230  : i32 {
          %parallel_loop3A_263 = arith.constant 0 : i32
          %parallel_loop3A_264 = vector.broadcast %parallel_loop3A_263 : i32 to vector<16xi32>
          %parallel_loop3A_265 = arith.addi %iota3A, %parallel_loop3A_264 : vector<16xi32>
          %parallel_loop3A_266 = arith.constant 129 : i32
          %parallel_loop3A_267 = vector.broadcast %parallel_loop3A_266 : i32 to vector<16xi32>
          %parallel_loop3A_268 = arith.muli %parallel_loop3A_265, %parallel_loop3A_267 : vector<16xi32>
          %parallel_loop3A_269 = arith.constant 0 : i32
          %parallel_loop3A_270 = vector.broadcast %parallel_loop3A_269 : i32 to vector<16xi32>
          %parallel_loop3A_271 = arith.addi %parallel_loop3A_268, %parallel_loop3A_270 : vector<16xi32>
          %parallel_loop3A_272 = vector.broadcast %parallel_loop3A_262 : i32 to vector<16xi32>
          %parallel_loop3A_273 = arith.addi %parallel_loop3A_271, %parallel_loop3A_272 : vector<16xi32>
          %parallel_loop3A_274 = tpu.vector_load_idx %arg9[%parallel_loop3A_273] : memref<16512xf32, #tpu.memory_space<vmem>>[vector<16xi32>], vector<16xf32>,
          %parallel_loop3A_275 = vector.broadcast %parallel_loop3A_262 : i32 to vector<16xi32>
          %parallel_loop3A_276 = arith.constant 0 : i32
          %parallel_loop3A_277 = vector.broadcast %parallel_loop3A_276 : i32 to vector<16xi32>
          %parallel_loop3A_278 = arith.addi %iota3A, %parallel_loop3A_277 : vector<16xi32>
          tpu.vector_store_idx %arg7[%broadcast_in_dim3A_3, %parallel_loop3A_275, %parallel_loop3A_278], %parallel_loop3A_274 : memref<1x64x128xf32, #tpu.memory_space<vmem>>[vector<16xi32>, vector<16xi32>, vector<16xi32>], vector<16xf32>,
          %parallel_loop3A_279 = arith.constant 16 : i32
          %parallel_loop3A_280 = vector.broadcast %parallel_loop3A_279 : i32 to vector<16xi32>
          %parallel_loop3A_281 = arith.addi %iota3A, %parallel_loop3A_280 : vector<16xi32>
          %parallel_loop3A_282 = arith.constant 129 : i32
          %parallel_loop3A_283 = vector.broadcast %parallel_loop3A_282 : i32 to vector<16xi32>
          %parallel_loop3A_284 = arith.muli %parallel_loop3A_281, %parallel_loop3A_283 : vector<16xi32>
          %parallel_loop3A_285 = arith.constant 0 : i32
          %parallel_loop3A_286 = vector.broadcast %parallel_loop3A_285 : i32 to vector<16xi32>
          %parallel_loop3A_287 = arith.addi %parallel_loop3A_284, %parallel_loop3A_286 : vector<16xi32>
          %parallel_loop3A_288 = vector.broadcast %parallel_loop3A_262 : i32 to vector<16xi32>
          %parallel_loop3A_289 = arith.addi %parallel_loop3A_287, %parallel_loop3A_288 : vector<16xi32>
          %parallel_loop3A_290 = tpu.vector_load_idx %arg9[%parallel_loop3A_289] : memref<16512xf32, #tpu.memory_space<vmem>>[vector<16xi32>], vector<16xf32>,
          %parallel_loop3A_291 = vector.broadcast %parallel_loop3A_262 : i32 to vector<16xi32>
          %parallel_loop3A_292 = arith.constant 16 : i32
          %parallel_loop3A_293 = vector.broadcast %parallel_loop3A_292 : i32 to vector<16xi32>
          %parallel_loop3A_294 = arith.addi %iota3A, %parallel_loop3A_293 : vector<16xi32>
          tpu.vector_store_idx %arg7[%broadcast_in_dim3A_3, %parallel_loop3A_291, %parallel_loop3A_294], %parallel_loop3A_290 : memref<1x64x128xf32, #tpu.memory_space<vmem>>[vector<16xi32>, vector<16xi32>, vector<16xi32>], vector<16xf32>,
          %parallel_loop3A_295 = arith.constant 32 : i32
          %parallel_loop3A_296 = vector.broadcast %parallel_loop3A_295 : i32 to vector<16xi32>
          %parallel_loop3A_297 = arith.addi %iota3A, %parallel_loop3A_296 : vector<16xi32>
          %parallel_loop3A_298 = arith.constant 129 : i32
          %parallel_loop3A_299 = vector.broadcast %parallel_loop3A_298 : i32 to vector<16xi32>
          %parallel_loop3A_300 = arith.muli %parallel_loop3A_297, %parallel_loop3A_299 : vector<16xi32>
          %parallel_loop3A_301 = arith.constant 0 : i32
          %parallel_loop3A_302 = vector.broadcast %parallel_loop3A_301 : i32 to vector<16xi32>
          %parallel_loop3A_303 = arith.addi %parallel_loop3A_300, %parallel_loop3A_302 : vector<16xi32>
          %parallel_loop3A_304 = vector.broadcast %parallel_loop3A_262 : i32 to vector<16xi32>
          %parallel_loop3A_305 = arith.addi %parallel_loop3A_303, %parallel_loop3A_304 : vector<16xi32>
          %parallel_loop3A_306 = tpu.vector_load_idx %arg9[%parallel_loop3A_305] : memref<16512xf32, #tpu.memory_space<vmem>>[vector<16xi32>], vector<16xf32>,
          %parallel_loop3A_307 = vector.broadcast %parallel_loop3A_262 : i32 to vector<16xi32>
          %parallel_loop3A_308 = arith.constant 32 : i32
          %parallel_loop3A_309 = vector.broadcast %parallel_loop3A_308 : i32 to vector<16xi32>
          %parallel_loop3A_310 = arith.addi %iota3A, %parallel_loop3A_309 : vector<16xi32>
          tpu.vector_store_idx %arg7[%broadcast_in_dim3A_3, %parallel_loop3A_307, %parallel_loop3A_310], %parallel_loop3A_306 : memref<1x64x128xf32, #tpu.memory_space<vmem>>[vector<16xi32>, vector<16xi32>, vector<16xi32>], vector<16xf32>,
          %parallel_loop3A_311 = arith.constant 48 : i32
          %parallel_loop3A_312 = vector.broadcast %parallel_loop3A_311 : i32 to vector<16xi32>
          %parallel_loop3A_313 = arith.addi %iota3A, %parallel_loop3A_312 : vector<16xi32>
          %parallel_loop3A_314 = arith.constant 129 : i32
          %parallel_loop3A_315 = vector.broadcast %parallel_loop3A_314 : i32 to vector<16xi32>
          %parallel_loop3A_316 = arith.muli %parallel_loop3A_313, %parallel_loop3A_315 : vector<16xi32>
          %parallel_loop3A_317 = arith.constant 0 : i32
          %parallel_loop3A_318 = vector.broadcast %parallel_loop3A_317 : i32 to vector<16xi32>
          %parallel_loop3A_319 = arith.addi %parallel_loop3A_316, %parallel_loop3A_318 : vector<16xi32>
          %parallel_loop3A_320 = vector.broadcast %parallel_loop3A_262 : i32 to vector<16xi32>
          %parallel_loop3A_321 = arith.addi %parallel_loop3A_319, %parallel_loop3A_320 : vector<16xi32>
          %parallel_loop3A_322 = tpu.vector_load_idx %arg9[%parallel_loop3A_321] : memref<16512xf32, #tpu.memory_space<vmem>>[vector<16xi32>], vector<16xf32>,
          %parallel_loop3A_323 = vector.broadcast %parallel_loop3A_262 : i32 to vector<16xi32>
          %parallel_loop3A_324 = arith.constant 48 : i32
          %parallel_loop3A_325 = vector.broadcast %parallel_loop3A_324 : i32 to vector<16xi32>
          %parallel_loop3A_326 = arith.addi %iota3A, %parallel_loop3A_325 : vector<16xi32>
          tpu.vector_store_idx %arg7[%broadcast_in_dim3A_3, %parallel_loop3A_323, %parallel_loop3A_326], %parallel_loop3A_322 : memref<1x64x128xf32, #tpu.memory_space<vmem>>[vector<16xi32>, vector<16xi32>, vector<16xi32>], vector<16xf32>,
          %parallel_loop3A_327 = arith.constant 64 : i32
          %parallel_loop3A_328 = vector.broadcast %parallel_loop3A_327 : i32 to vector<16xi32>
          %parallel_loop3A_329 = arith.addi %iota3A, %parallel_loop3A_328 : vector<16xi32>
          %parallel_loop3A_330 = arith.constant 129 : i32
          %parallel_loop3A_331 = vector.broadcast %parallel_loop3A_330 : i32 to vector<16xi32>
          %parallel_loop3A_332 = arith.muli %parallel_loop3A_329, %parallel_loop3A_331 : vector<16xi32>
          %parallel_loop3A_333 = arith.constant 0 : i32
          %parallel_loop3A_334 = vector.broadcast %parallel_loop3A_333 : i32 to vector<16xi32>
          %parallel_loop3A_335 = arith.addi %parallel_loop3A_332, %parallel_loop3A_334 : vector<16xi32>
          %parallel_loop3A_336 = vector.broadcast %parallel_loop3A_262 : i32 to vector<16xi32>
          %parallel_loop3A_337 = arith.addi %parallel_loop3A_335, %parallel_loop3A_336 : vector<16xi32>
          %parallel_loop3A_338 = tpu.vector_load_idx %arg9[%parallel_loop3A_337] : memref<16512xf32, #tpu.memory_space<vmem>>[vector<16xi32>], vector<16xf32>,
          %parallel_loop3A_339 = vector.broadcast %parallel_loop3A_262 : i32 to vector<16xi32>
          %parallel_loop3A_340 = arith.constant 64 : i32
          %parallel_loop3A_341 = vector.broadcast %parallel_loop3A_340 : i32 to vector<16xi32>
          %parallel_loop3A_342 = arith.addi %iota3A, %parallel_loop3A_341 : vector<16xi32>
          tpu.vector_store_idx %arg7[%broadcast_in_dim3A_3, %parallel_loop3A_339, %parallel_loop3A_342], %parallel_loop3A_338 : memref<1x64x128xf32, #tpu.memory_space<vmem>>[vector<16xi32>, vector<16xi32>, vector<16xi32>], vector<16xf32>,
          %parallel_loop3A_343 = arith.constant 80 : i32
          %parallel_loop3A_344 = vector.broadcast %parallel_loop3A_343 : i32 to vector<16xi32>
          %parallel_loop3A_345 = arith.addi %iota3A, %parallel_loop3A_344 : vector<16xi32>
          %parallel_loop3A_346 = arith.constant 129 : i32
          %parallel_loop3A_347 = vector.broadcast %parallel_loop3A_346 : i32 to vector<16xi32>
          %parallel_loop3A_348 = arith.muli %parallel_loop3A_345, %parallel_loop3A_347 : vector<16xi32>
          %parallel_loop3A_349 = arith.constant 0 : i32
          %parallel_loop3A_350 = vector.broadcast %parallel_loop3A_349 : i32 to vector<16xi32>
          %parallel_loop3A_351 = arith.addi %parallel_loop3A_348, %parallel_loop3A_350 : vector<16xi32>
          %parallel_loop3A_352 = vector.broadcast %parallel_loop3A_262 : i32 to vector<16xi32>
          %parallel_loop3A_353 = arith.addi %parallel_loop3A_351, %parallel_loop3A_352 : vector<16xi32>
          %parallel_loop3A_354 = tpu.vector_load_idx %arg9[%parallel_loop3A_353] : memref<16512xf32, #tpu.memory_space<vmem>>[vector<16xi32>], vector<16xf32>,
          %parallel_loop3A_355 = vector.broadcast %parallel_loop3A_262 : i32 to vector<16xi32>
          %parallel_loop3A_356 = arith.constant 80 : i32
          %parallel_loop3A_357 = vector.broadcast %parallel_loop3A_356 : i32 to vector<16xi32>
          %parallel_loop3A_358 = arith.addi %iota3A, %parallel_loop3A_357 : vector<16xi32>
          tpu.vector_store_idx %arg7[%broadcast_in_dim3A_3, %parallel_loop3A_355, %parallel_loop3A_358], %parallel_loop3A_354 : memref<1x64x128xf32, #tpu.memory_space<vmem>>[vector<16xi32>, vector<16xi32>, vector<16xi32>], vector<16xf32>,
          %parallel_loop3A_359 = arith.constant 96 : i32
          %parallel_loop3A_360 = vector.broadcast %parallel_loop3A_359 : i32 to vector<16xi32>
          %parallel_loop3A_361 = arith.addi %iota3A, %parallel_loop3A_360 : vector<16xi32>
          %parallel_loop3A_362 = arith.constant 129 : i32
          %parallel_loop3A_363 = vector.broadcast %parallel_loop3A_362 : i32 to vector<16xi32>
          %parallel_loop3A_364 = arith.muli %parallel_loop3A_361, %parallel_loop3A_363 : vector<16xi32>
          %parallel_loop3A_365 = arith.constant 0 : i32
          %parallel_loop3A_366 = vector.broadcast %parallel_loop3A_365 : i32 to vector<16xi32>
          %parallel_loop3A_367 = arith.addi %parallel_loop3A_364, %parallel_loop3A_366 : vector<16xi32>
          %parallel_loop3A_368 = vector.broadcast %parallel_loop3A_262 : i32 to vector<16xi32>
          %parallel_loop3A_369 = arith.addi %parallel_loop3A_367, %parallel_loop3A_368 : vector<16xi32>
          %parallel_loop3A_370 = tpu.vector_load_idx %arg9[%parallel_loop3A_369] : memref<16512xf32, #tpu.memory_space<vmem>>[vector<16xi32>], vector<16xf32>,
          %parallel_loop3A_371 = vector.broadcast %parallel_loop3A_262 : i32 to vector<16xi32>
          %parallel_loop3A_372 = arith.constant 96 : i32
          %parallel_loop3A_373 = vector.broadcast %parallel_loop3A_372 : i32 to vector<16xi32>
          %parallel_loop3A_374 = arith.addi %iota3A, %parallel_loop3A_373 : vector<16xi32>
          tpu.vector_store_idx %arg7[%broadcast_in_dim3A_3, %parallel_loop3A_371, %parallel_loop3A_374], %parallel_loop3A_370 : memref<1x64x128xf32, #tpu.memory_space<vmem>>[vector<16xi32>, vector<16xi32>, vector<16xi32>], vector<16xf32>,
          %parallel_loop3A_375 = arith.constant 112 : i32
          %parallel_loop3A_376 = vector.broadcast %parallel_loop3A_375 : i32 to vector<16xi32>
          %parallel_loop3A_377 = arith.addi %iota3A, %parallel_loop3A_376 : vector<16xi32>
          %parallel_loop3A_378 = arith.constant 129 : i32
          %parallel_loop3A_379 = vector.broadcast %parallel_loop3A_378 : i32 to vector<16xi32>
          %parallel_loop3A_380 = arith.muli %parallel_loop3A_377, %parallel_loop3A_379 : vector<16xi32>
          %parallel_loop3A_381 = arith.constant 0 : i32
          %parallel_loop3A_382 = vector.broadcast %parallel_loop3A_381 : i32 to vector<16xi32>
          %parallel_loop3A_383 = arith.addi %parallel_loop3A_380, %parallel_loop3A_382 : vector<16xi32>
          %parallel_loop3A_384 = vector.broadcast %parallel_loop3A_262 : i32 to vector<16xi32>
          %parallel_loop3A_385 = arith.addi %parallel_loop3A_383, %parallel_loop3A_384 : vector<16xi32>
          %parallel_loop3A_386 = tpu.vector_load_idx %arg9[%parallel_loop3A_385] : memref<16512xf32, #tpu.memory_space<vmem>>[vector<16xi32>], vector<16xf32>,
          %parallel_loop3A_387 = vector.broadcast %parallel_loop3A_262 : i32 to vector<16xi32>
          %parallel_loop3A_388 = arith.constant 112 : i32
          %parallel_loop3A_389 = vector.broadcast %parallel_loop3A_388 : i32 to vector<16xi32>
          %parallel_loop3A_390 = arith.addi %iota3A, %parallel_loop3A_389 : vector<16xi32>
          tpu.vector_store_idx %arg7[%broadcast_in_dim3A_3, %parallel_loop3A_387, %parallel_loop3A_390], %parallel_loop3A_386 : memref<1x64x128xf32, #tpu.memory_space<vmem>>[vector<16xi32>, vector<16xi32>, vector<16xi32>], vector<16xf32>,
        } {sc.loop_unroll_factor = 1 : i64, sc.parallel_access}
        %mul3A_231 = arith.constant 2 : i32
        %mul3A_232 = arith.muli %mul3A_231, %select_n3A_197 : i32
        %add3A_233 = arith.constant 0 : i32
        %add3A_234 = arith.addi %mul3A_232, %add3A_233 : i32
        %mul3A_235 = arith.constant 128 : i32
        %mul3A_236 = arith.muli %select_n3A_213, %mul3A_235 : i32
        %dma_start3A_237 = arith.constant 0 : i32
        %dma_start3A_238 = tpu.memref_slice %arg3[%add3A_234, %dma_start3A_237, %mul3A_236] : memref<20x64x16384xf32, #tpu.memory_space<hbm>> -> memref<1x64x128xf32, #tpu.memory_space<hbm>>
        %dma_start3A_239 = arith.constant 0 : i32
        %dma_start3A_240 = tpu.memref_slice %arg3[%add3A_234, %dma_start3A_239, %mul3A_236] : memref<20x64x16384xf32, #tpu.memory_space<hbm>> -> memref<1x64x128xf32, #tpu.memory_space<hbm>>
        tpu.enqueue_dma source(%arg7 : memref<1x64x128xf32, #tpu.memory_space<vmem>>) target(%dma_start3A_240 : memref<1x64x128xf32, #tpu.memory_space<hbm>>) target_semaphore(%arg12 : memref<!tpu.dma_semaphore, #tpu.memory_space<semaphore_mem>>)
        %dma_wait3A_241 = arith.constant 0 : i32
        %dma_wait3A_242 = tpu.memref_slice %arg3[%add3A_234, %dma_wait3A_241, %mul3A_236] : memref<20x64x16384xf32, #tpu.memory_space<hbm>> -> memref<1x64x128xf32, #tpu.memory_space<hbm>>
        %dma_wait3A_243 = arith.constant 0 : i32
        %dma_wait3A_244 = tpu.memref_slice %arg3[%add3A_234, %dma_wait3A_243, %mul3A_236] : memref<20x64x16384xf32, #tpu.memory_space<hbm>> -> memref<1x64x128xf32, #tpu.memory_space<hbm>>
        tpu.wait_dma2 semaphore(%arg12 : memref<!tpu.dma_semaphore, #tpu.memory_space<semaphore_mem>>) src(%arg7 : memref<1x64x128xf32, #tpu.memory_space<vmem>>) dst(%dma_wait3A_244 : memref<1x64x128xf32, #tpu.memory_space<hbm>>)
        %parallel_loop3A_245 = arith.constant 0 : i32
        %parallel_loop3A_246 = arith.constant 64 : i32
        %parallel_loop3A_247 = arith.constant 1 : i32
        scf.for %parallel_loop3A_262 = %parallel_loop3A_245 to %parallel_loop3A_246 step %parallel_loop3A_247  : i32 {
          %parallel_loop3A_263 = arith.constant 0 : i32
          %parallel_loop3A_264 = vector.broadcast %parallel_loop3A_263 : i32 to vector<16xi32>
          %parallel_loop3A_265 = arith.addi %iota3A, %parallel_loop3A_264 : vector<16xi32>
          %parallel_loop3A_266 = arith.constant 129 : i32
          %parallel_loop3A_267 = vector.broadcast %parallel_loop3A_266 : i32 to vector<16xi32>
          %parallel_loop3A_268 = arith.muli %parallel_loop3A_265, %parallel_loop3A_267 : vector<16xi32>
          %parallel_loop3A_269 = arith.constant 64 : i32
          %parallel_loop3A_270 = vector.broadcast %parallel_loop3A_269 : i32 to vector<16xi32>
          %parallel_loop3A_271 = arith.addi %parallel_loop3A_268, %parallel_loop3A_270 : vector<16xi32>
          %parallel_loop3A_272 = vector.broadcast %parallel_loop3A_262 : i32 to vector<16xi32>
          %parallel_loop3A_273 = arith.addi %parallel_loop3A_271, %parallel_loop3A_272 : vector<16xi32>
          %parallel_loop3A_274 = tpu.vector_load_idx %arg9[%parallel_loop3A_273] : memref<16512xf32, #tpu.memory_space<vmem>>[vector<16xi32>], vector<16xf32>,
          %parallel_loop3A_275 = vector.broadcast %parallel_loop3A_262 : i32 to vector<16xi32>
          %parallel_loop3A_276 = arith.constant 0 : i32
          %parallel_loop3A_277 = vector.broadcast %parallel_loop3A_276 : i32 to vector<16xi32>
          %parallel_loop3A_278 = arith.addi %iota3A, %parallel_loop3A_277 : vector<16xi32>
          tpu.vector_store_idx %arg8[%broadcast_in_dim3A_3, %parallel_loop3A_275, %parallel_loop3A_278], %parallel_loop3A_274 : memref<1x64x128xf32, #tpu.memory_space<vmem>>[vector<16xi32>, vector<16xi32>, vector<16xi32>], vector<16xf32>,
          %parallel_loop3A_279 = arith.constant 16 : i32
          %parallel_loop3A_280 = vector.broadcast %parallel_loop3A_279 : i32 to vector<16xi32>
          %parallel_loop3A_281 = arith.addi %iota3A, %parallel_loop3A_280 : vector<16xi32>
          %parallel_loop3A_282 = arith.constant 129 : i32
          %parallel_loop3A_283 = vector.broadcast %parallel_loop3A_282 : i32 to vector<16xi32>
          %parallel_loop3A_284 = arith.muli %parallel_loop3A_281, %parallel_loop3A_283 : vector<16xi32>
          %parallel_loop3A_285 = arith.constant 64 : i32
          %parallel_loop3A_286 = vector.broadcast %parallel_loop3A_285 : i32 to vector<16xi32>
          %parallel_loop3A_287 = arith.addi %parallel_loop3A_284, %parallel_loop3A_286 : vector<16xi32>
          %parallel_loop3A_288 = vector.broadcast %parallel_loop3A_262 : i32 to vector<16xi32>
          %parallel_loop3A_289 = arith.addi %parallel_loop3A_287, %parallel_loop3A_288 : vector<16xi32>
          %parallel_loop3A_290 = tpu.vector_load_idx %arg9[%parallel_loop3A_289] : memref<16512xf32, #tpu.memory_space<vmem>>[vector<16xi32>], vector<16xf32>,
          %parallel_loop3A_291 = vector.broadcast %parallel_loop3A_262 : i32 to vector<16xi32>
          %parallel_loop3A_292 = arith.constant 16 : i32
          %parallel_loop3A_293 = vector.broadcast %parallel_loop3A_292 : i32 to vector<16xi32>
          %parallel_loop3A_294 = arith.addi %iota3A, %parallel_loop3A_293 : vector<16xi32>
          tpu.vector_store_idx %arg8[%broadcast_in_dim3A_3, %parallel_loop3A_291, %parallel_loop3A_294], %parallel_loop3A_290 : memref<1x64x128xf32, #tpu.memory_space<vmem>>[vector<16xi32>, vector<16xi32>, vector<16xi32>], vector<16xf32>,
          %parallel_loop3A_295 = arith.constant 32 : i32
          %parallel_loop3A_296 = vector.broadcast %parallel_loop3A_295 : i32 to vector<16xi32>
          %parallel_loop3A_297 = arith.addi %iota3A, %parallel_loop3A_296 : vector<16xi32>
          %parallel_loop3A_298 = arith.constant 129 : i32
          %parallel_loop3A_299 = vector.broadcast %parallel_loop3A_298 : i32 to vector<16xi32>
          %parallel_loop3A_300 = arith.muli %parallel_loop3A_297, %parallel_loop3A_299 : vector<16xi32>
          %parallel_loop3A_301 = arith.constant 64 : i32
          %parallel_loop3A_302 = vector.broadcast %parallel_loop3A_301 : i32 to vector<16xi32>
          %parallel_loop3A_303 = arith.addi %parallel_loop3A_300, %parallel_loop3A_302 : vector<16xi32>
          %parallel_loop3A_304 = vector.broadcast %parallel_loop3A_262 : i32 to vector<16xi32>
          %parallel_loop3A_305 = arith.addi %parallel_loop3A_303, %parallel_loop3A_304 : vector<16xi32>
          %parallel_loop3A_306 = tpu.vector_load_idx %arg9[%parallel_loop3A_305] : memref<16512xf32, #tpu.memory_space<vmem>>[vector<16xi32>], vector<16xf32>,
          %parallel_loop3A_307 = vector.broadcast %parallel_loop3A_262 : i32 to vector<16xi32>
          %parallel_loop3A_308 = arith.constant 32 : i32
          %parallel_loop3A_309 = vector.broadcast %parallel_loop3A_308 : i32 to vector<16xi32>
          %parallel_loop3A_310 = arith.addi %iota3A, %parallel_loop3A_309 : vector<16xi32>
          tpu.vector_store_idx %arg8[%broadcast_in_dim3A_3, %parallel_loop3A_307, %parallel_loop3A_310], %parallel_loop3A_306 : memref<1x64x128xf32, #tpu.memory_space<vmem>>[vector<16xi32>, vector<16xi32>, vector<16xi32>], vector<16xf32>,
          %parallel_loop3A_311 = arith.constant 48 : i32
          %parallel_loop3A_312 = vector.broadcast %parallel_loop3A_311 : i32 to vector<16xi32>
          %parallel_loop3A_313 = arith.addi %iota3A, %parallel_loop3A_312 : vector<16xi32>
          %parallel_loop3A_314 = arith.constant 129 : i32
          %parallel_loop3A_315 = vector.broadcast %parallel_loop3A_314 : i32 to vector<16xi32>
          %parallel_loop3A_316 = arith.muli %parallel_loop3A_313, %parallel_loop3A_315 : vector<16xi32>
          %parallel_loop3A_317 = arith.constant 64 : i32
          %parallel_loop3A_318 = vector.broadcast %parallel_loop3A_317 : i32 to vector<16xi32>
          %parallel_loop3A_319 = arith.addi %parallel_loop3A_316, %parallel_loop3A_318 : vector<16xi32>
          %parallel_loop3A_320 = vector.broadcast %parallel_loop3A_262 : i32 to vector<16xi32>
          %parallel_loop3A_321 = arith.addi %parallel_loop3A_319, %parallel_loop3A_320 : vector<16xi32>
          %parallel_loop3A_322 = tpu.vector_load_idx %arg9[%parallel_loop3A_321] : memref<16512xf32, #tpu.memory_space<vmem>>[vector<16xi32>], vector<16xf32>,
          %parallel_loop3A_323 = vector.broadcast %parallel_loop3A_262 : i32 to vector<16xi32>
          %parallel_loop3A_324 = arith.constant 48 : i32
          %parallel_loop3A_325 = vector.broadcast %parallel_loop3A_324 : i32 to vector<16xi32>
          %parallel_loop3A_326 = arith.addi %iota3A, %parallel_loop3A_325 : vector<16xi32>
          tpu.vector_store_idx %arg8[%broadcast_in_dim3A_3, %parallel_loop3A_323, %parallel_loop3A_326], %parallel_loop3A_322 : memref<1x64x128xf32, #tpu.memory_space<vmem>>[vector<16xi32>, vector<16xi32>, vector<16xi32>], vector<16xf32>,
          %parallel_loop3A_327 = arith.constant 64 : i32
          %parallel_loop3A_328 = vector.broadcast %parallel_loop3A_327 : i32 to vector<16xi32>
          %parallel_loop3A_329 = arith.addi %iota3A, %parallel_loop3A_328 : vector<16xi32>
          %parallel_loop3A_330 = arith.constant 129 : i32
          %parallel_loop3A_331 = vector.broadcast %parallel_loop3A_330 : i32 to vector<16xi32>
          %parallel_loop3A_332 = arith.muli %parallel_loop3A_329, %parallel_loop3A_331 : vector<16xi32>
          %parallel_loop3A_333 = arith.constant 64 : i32
          %parallel_loop3A_334 = vector.broadcast %parallel_loop3A_333 : i32 to vector<16xi32>
          %parallel_loop3A_335 = arith.addi %parallel_loop3A_332, %parallel_loop3A_334 : vector<16xi32>
          %parallel_loop3A_336 = vector.broadcast %parallel_loop3A_262 : i32 to vector<16xi32>
          %parallel_loop3A_337 = arith.addi %parallel_loop3A_335, %parallel_loop3A_336 : vector<16xi32>
          %parallel_loop3A_338 = tpu.vector_load_idx %arg9[%parallel_loop3A_337] : memref<16512xf32, #tpu.memory_space<vmem>>[vector<16xi32>], vector<16xf32>,
          %parallel_loop3A_339 = vector.broadcast %parallel_loop3A_262 : i32 to vector<16xi32>
          %parallel_loop3A_340 = arith.constant 64 : i32
          %parallel_loop3A_341 = vector.broadcast %parallel_loop3A_340 : i32 to vector<16xi32>
          %parallel_loop3A_342 = arith.addi %iota3A, %parallel_loop3A_341 : vector<16xi32>
          tpu.vector_store_idx %arg8[%broadcast_in_dim3A_3, %parallel_loop3A_339, %parallel_loop3A_342], %parallel_loop3A_338 : memref<1x64x128xf32, #tpu.memory_space<vmem>>[vector<16xi32>, vector<16xi32>, vector<16xi32>], vector<16xf32>,
          %parallel_loop3A_343 = arith.constant 80 : i32
          %parallel_loop3A_344 = vector.broadcast %parallel_loop3A_343 : i32 to vector<16xi32>
          %parallel_loop3A_345 = arith.addi %iota3A, %parallel_loop3A_344 : vector<16xi32>
          %parallel_loop3A_346 = arith.constant 129 : i32
          %parallel_loop3A_347 = vector.broadcast %parallel_loop3A_346 : i32 to vector<16xi32>
          %parallel_loop3A_348 = arith.muli %parallel_loop3A_345, %parallel_loop3A_347 : vector<16xi32>
          %parallel_loop3A_349 = arith.constant 64 : i32
          %parallel_loop3A_350 = vector.broadcast %parallel_loop3A_349 : i32 to vector<16xi32>
          %parallel_loop3A_351 = arith.addi %parallel_loop3A_348, %parallel_loop3A_350 : vector<16xi32>
          %parallel_loop3A_352 = vector.broadcast %parallel_loop3A_262 : i32 to vector<16xi32>
          %parallel_loop3A_353 = arith.addi %parallel_loop3A_351, %parallel_loop3A_352 : vector<16xi32>
          %parallel_loop3A_354 = tpu.vector_load_idx %arg9[%parallel_loop3A_353] : memref<16512xf32, #tpu.memory_space<vmem>>[vector<16xi32>], vector<16xf32>,
          %parallel_loop3A_355 = vector.broadcast %parallel_loop3A_262 : i32 to vector<16xi32>
          %parallel_loop3A_356 = arith.constant 80 : i32
          %parallel_loop3A_357 = vector.broadcast %parallel_loop3A_356 : i32 to vector<16xi32>
          %parallel_loop3A_358 = arith.addi %iota3A, %parallel_loop3A_357 : vector<16xi32>
          tpu.vector_store_idx %arg8[%broadcast_in_dim3A_3, %parallel_loop3A_355, %parallel_loop3A_358], %parallel_loop3A_354 : memref<1x64x128xf32, #tpu.memory_space<vmem>>[vector<16xi32>, vector<16xi32>, vector<16xi32>], vector<16xf32>,
          %parallel_loop3A_359 = arith.constant 96 : i32
          %parallel_loop3A_360 = vector.broadcast %parallel_loop3A_359 : i32 to vector<16xi32>
          %parallel_loop3A_361 = arith.addi %iota3A, %parallel_loop3A_360 : vector<16xi32>
          %parallel_loop3A_362 = arith.constant 129 : i32
          %parallel_loop3A_363 = vector.broadcast %parallel_loop3A_362 : i32 to vector<16xi32>
          %parallel_loop3A_364 = arith.muli %parallel_loop3A_361, %parallel_loop3A_363 : vector<16xi32>
          %parallel_loop3A_365 = arith.constant 64 : i32
          %parallel_loop3A_366 = vector.broadcast %parallel_loop3A_365 : i32 to vector<16xi32>
          %parallel_loop3A_367 = arith.addi %parallel_loop3A_364, %parallel_loop3A_366 : vector<16xi32>
          %parallel_loop3A_368 = vector.broadcast %parallel_loop3A_262 : i32 to vector<16xi32>
          %parallel_loop3A_369 = arith.addi %parallel_loop3A_367, %parallel_loop3A_368 : vector<16xi32>
          %parallel_loop3A_370 = tpu.vector_load_idx %arg9[%parallel_loop3A_369] : memref<16512xf32, #tpu.memory_space<vmem>>[vector<16xi32>], vector<16xf32>,
          %parallel_loop3A_371 = vector.broadcast %parallel_loop3A_262 : i32 to vector<16xi32>
          %parallel_loop3A_372 = arith.constant 96 : i32
          %parallel_loop3A_373 = vector.broadcast %parallel_loop3A_372 : i32 to vector<16xi32>
          %parallel_loop3A_374 = arith.addi %iota3A, %parallel_loop3A_373 : vector<16xi32>
          tpu.vector_store_idx %arg8[%broadcast_in_dim3A_3, %parallel_loop3A_371, %parallel_loop3A_374], %parallel_loop3A_370 : memref<1x64x128xf32, #tpu.memory_space<vmem>>[vector<16xi32>, vector<16xi32>, vector<16xi32>], vector<16xf32>,
          %parallel_loop3A_375 = arith.constant 112 : i32
          %parallel_loop3A_376 = vector.broadcast %parallel_loop3A_375 : i32 to vector<16xi32>
          %parallel_loop3A_377 = arith.addi %iota3A, %parallel_loop3A_376 : vector<16xi32>
          %parallel_loop3A_378 = arith.constant 129 : i32
          %parallel_loop3A_379 = vector.broadcast %parallel_loop3A_378 : i32 to vector<16xi32>
          %parallel_loop3A_380 = arith.muli %parallel_loop3A_377, %parallel_loop3A_379 : vector<16xi32>
          %parallel_loop3A_381 = arith.constant 64 : i32
          %parallel_loop3A_382 = vector.broadcast %parallel_loop3A_381 : i32 to vector<16xi32>
          %parallel_loop3A_383 = arith.addi %parallel_loop3A_380, %parallel_loop3A_382 : vector<16xi32>
          %parallel_loop3A_384 = vector.broadcast %parallel_loop3A_262 : i32 to vector<16xi32>
          %parallel_loop3A_385 = arith.addi %parallel_loop3A_383, %parallel_loop3A_384 : vector<16xi32>
          %parallel_loop3A_386 = tpu.vector_load_idx %arg9[%parallel_loop3A_385] : memref<16512xf32, #tpu.memory_space<vmem>>[vector<16xi32>], vector<16xf32>,
          %parallel_loop3A_387 = vector.broadcast %parallel_loop3A_262 : i32 to vector<16xi32>
          %parallel_loop3A_388 = arith.constant 112 : i32
          %parallel_loop3A_389 = vector.broadcast %parallel_loop3A_388 : i32 to vector<16xi32>
          %parallel_loop3A_390 = arith.addi %iota3A, %parallel_loop3A_389 : vector<16xi32>
          tpu.vector_store_idx %arg8[%broadcast_in_dim3A_3, %parallel_loop3A_387, %parallel_loop3A_390], %parallel_loop3A_386 : memref<1x64x128xf32, #tpu.memory_space<vmem>>[vector<16xi32>, vector<16xi32>, vector<16xi32>], vector<16xf32>,
        } {sc.loop_unroll_factor = 1 : i64, sc.parallel_access}
        %mul3A_248 = arith.constant 2 : i32
        %mul3A_249 = arith.muli %mul3A_248, %select_n3A_197 : i32
        %add3A_250 = arith.constant 1 : i32
        %add3A_251 = arith.addi %mul3A_249, %add3A_250 : i32
        %mul3A_252 = arith.constant 128 : i32
        %mul3A_253 = arith.muli %select_n3A_213, %mul3A_252 : i32
        %dma_start3A_254 = arith.constant 0 : i32
        %dma_start3A_255 = tpu.memref_slice %arg3[%add3A_251, %dma_start3A_254, %mul3A_253] : memref<20x64x16384xf32, #tpu.memory_space<hbm>> -> memref<1x64x128xf32, #tpu.memory_space<hbm>>
        %dma_start3A_256 = arith.constant 0 : i32
        %dma_start3A_257 = tpu.memref_slice %arg3[%add3A_251, %dma_start3A_256, %mul3A_253] : memref<20x64x16384xf32, #tpu.memory_space<hbm>> -> memref<1x64x128xf32, #tpu.memory_space<hbm>>
        tpu.enqueue_dma source(%arg8 : memref<1x64x128xf32, #tpu.memory_space<vmem>>) target(%dma_start3A_257 : memref<1x64x128xf32, #tpu.memory_space<hbm>>) target_semaphore(%arg13 : memref<!tpu.dma_semaphore, #tpu.memory_space<semaphore_mem>>)
        %dma_wait3A_258 = arith.constant 0 : i32
        %dma_wait3A_259 = tpu.memref_slice %arg3[%add3A_251, %dma_wait3A_258, %mul3A_253] : memref<20x64x16384xf32, #tpu.memory_space<hbm>> -> memref<1x64x128xf32, #tpu.memory_space<hbm>>
        %dma_wait3A_260 = arith.constant 0 : i32
        %dma_wait3A_261 = tpu.memref_slice %arg3[%add3A_251, %dma_wait3A_260, %mul3A_253] : memref<20x64x16384xf32, #tpu.memory_space<hbm>> -> memref<1x64x128xf32, #tpu.memory_space<hbm>>
        tpu.wait_dma2 semaphore(%arg13 : memref<!tpu.dma_semaphore, #tpu.memory_space<semaphore_mem>>) src(%arg8 : memref<1x64x128xf32, #tpu.memory_space<vmem>>) dst(%dma_wait3A_261 : memref<1x64x128xf32, #tpu.memory_space<hbm>>)
      } else {
      }
    }
    %scan3A_153 = arith.constant 40 : i32
    return
  }
}

</mosaic_0001>

<sc_bundles>
// kernel: kernel.11.cloned.1.call-start
scs
__scs_entry_jumppad:
0x0: {  	(pc) =	sbr.rel $0x88, $3  }
0x1: {  	(tag) =	ssettag $0x0;
	lr =	simm.s32 $0x1  }
0x2: {  	[smem:$0x3F9F] =	sst lr;
	_ =	strace $0xD0000000  }
0x3: {  	_ = 	snop  }
0x4: {  	_ = 	snop  }
0x5: {  	_ = 	snop  }
0x6: {  	_ = 	snop  }
0x7: {  	_ = 	snop  }
__scs_overlays_trampoline_lowered:
0x8: {  	[smem:$0x3FAE] =	sst s0  }
0x9: {  	[smem:$0x3FAF] =	sst s1  }
0xa: {  	[smem:$0x3FB0] =	sst s2  }
0xb: {  	[smem:$0x3FB1] =	sst s3  }
0xc: {  	[smem:$0x3FB2] =	sst s4  }
0xd: {  	[smem:$0x3FB3] =	sst s5  }
0xe: {  	[smem:$0x3FB4] =	sst s6  }
0xf: {  	[smem:$0x3FB5] =	sst s7  }
0x10: {  	[smem:$0x3FB6] =	sst s8  }
0x11: {  	[smem:$0x3FB7] =	sst s9;
	s0 =	simm.s32 @!p0 $0x0  }
0x12: {  	s1 =	sld [smem:$0x3F9D];
	s0 =	simm.s32 @p0 $0x1  }
0x13: {  	[smem:$0x3FB8] =	sst s0;
	s0 =	simm.s32 @!p1 $0x0  }
0x14: {  	s2 =	sld [smem:$0x3F9C];
	s0 =	simm.s32 @p1 $0x1  }
0x15: {  	[smem:$0x3FB9] =	sst s0;
	s0 =	simm.s32 @!p2 $0x0  }
0x16: {  	s3 =	sld [smem:$0x3FDB];
	s0 =	simm.s32 @p2 $0x1  }
0x17: {  	s4 =	simm.s32 $0x1BF5;
	[smem:$0x3FBB] =	sst s0  }
0x18: {  	s0 =	sld [smem:$0x3F9E];
	_ =	swait.ge [sflag:s4], $0x0  }
0x19: {  	s7 =	sld [smem:$0x3F9F]  }
0x1a: {  	s8 =	sadd.s32 $0xFFFFE003, lr  }
0x1b: {  	s9 =	sadd.s32 $0xFFFFFEF7, lr;
	s5 =	simm.s32 $0xFFFFFFFF;
	p2 =	slt.u32 s8, $0xFFFFF086  }
0x1c: {  	p1 =	slt.u32 s9, $0xF7A;
	s5 =	simm.s32 @!p2 $0x0  }
0x1d: {  	s5 =	simm.s32 @p1 $0x1;
	p0 =	seq.s32 s7, s2  }
0x1e: {  	s7 =	smul.u32 @!p0 $0xF7A, s2;
	p2 =	seq.s32 @!p0 s5, $0x0  }
0x1f: {  	s9 =	smul.u32 $0xF7A, s1;
	s8 =	simm.s32 @!p0 $0x1BF5;
	p2 =	por !p2, p0  }
0x20: {  	[sflag:s8] =	ssyncset.s32 @!p0 $0xFFFFF086;
	s6 =	sadd.s32 @!p0 s3, s7;
	s7 =	simm.s32 @!p0 $0x108  }
0x21: {  	s3 =	sadd.s32 s3, s9;
	s6 =	sadd.s32 @!p0 $0x88, s6;
	s7 =	simm.s32 @p2 $0x1082  }
0x22: {  	[simem:s7], [sflag:s8] =	dma.local @!p0 [hbm:s6], $0xF7A  }
0x23: {  	s9 =	sor.u32 $0xD0000000, s2;
	s6 =	simm.s32 $0x108;
	_ =	swait.ge @!p0 [sflag:s8], $0x0  }
0x24: {  	s3 =	sadd.s32 $0x88, s3;
	s6 =	simm.s32 @!p1 $0x1082;
	[sflag:s4] =	ssyncset.s32 $0xFFFFF086  }
0x25: {  	[simem:s6], [sflag:s4] =	dma.local [hbm:s3], $0xF7A  }
0x26: {  	[smem:$0x3F9F] =	sst s1;
	(tag) =	ssettag s2;
	_ =	strace s9  }
0x27: {  	s1 =	sld [smem:$0x3FAF]  }
0x28: {  	s2 =	sld [smem:$0x3FB0]  }
0x29: {  	s4 =	sld [smem:$0x3FB2]  }
0x2a: {  	p0 =	seq.s32 s5, $0x0;
	s5 =	sld [smem:$0x3FB3]  }
0x2b: {  	s6 =	sld [smem:$0x3FB4]  }
0x2c: {  	s7 =	sld [smem:$0x3FB5]  }
0x2d: {  	s3 =	simm.s32 $0x108;
	s8 =	sld [smem:$0x3FB6]  }
0x2e: {  	s3 =	simm.s32 @!p0 $0x1082;
	s9 =	sld [smem:$0x3FB7]  }
0x2f: {  	lr =	sadd.s32 s0, s3;
	s0 =	sld [smem:$0x3FAE]  }
0x30: {  	s3 =	sld [smem:$0x3FB1]  }
0x31: {  	[smem:$0x3FBA] =	sst s10  }
0x32: {  	s10 =	sld [smem:$0x3FB8];
	_ =	sdelay $0x3  }
0x33: {  	p0 =	seq.s32 s10, $0x1;
	s10 =	sld [smem:$0x3FBA];
	_ =	sdelay $0x3  }
0x34: {  	[smem:$0x3FBA] =	sst s10  }
0x35: {  	s10 =	sld [smem:$0x3FB9];
	_ =	sdelay $0x3  }
0x36: {  	p1 =	seq.s32 s10, $0x1;
	s10 =	sld [smem:$0x3FBA];
	_ =	sdelay $0x3  }
0x37: {  	[smem:$0x3FBA] =	sst s10  }
0x38: {  	s10 =	sld [smem:$0x3FBB]  }
0x39: {  	_ = 	snop;
	(pc) =	sbr.ind lr, $3  }
0x3a: {  	_ = 	snop  }
0x3b: {  	_ = 	snop  }
0x3c: {  	p2 =	seq.s32 s10, $0x1;
	s10 =	sld [smem:$0x3FBA]  }
0x3d: {  	_ =	shalt  }
0x3e: {  	_ =	shalt  }
0x3f: {  	_ =	shalt  }
0x40: {  	_ =	shalt  }
0x41: {  	_ =	shalt  }
0x42: {  	_ =	shalt  }
0x43: {  	_ =	shalt  }
0x44: {  	_ =	shalt  }
0x45: {  	_ =	shalt  }
0x46: {  	_ =	shalt  }
0x47: {  	_ =	shalt  }
0x48: {  	_ =	shalt  }
0x49: {  	_ =	shalt  }
0x4a: {  	_ =	shalt  }
0x4b: {  	_ =	shalt  }
0x4c: {  	_ =	shalt  }
0x4d: {  	_ =	shalt  }
0x4e: {  	_ =	shalt  }
0x4f: {  	_ =	shalt  }
0x50: {  	_ =	shalt  }
0x51: {  	_ =	shalt  }
0x52: {  	_ =	shalt  }
0x53: {  	_ =	shalt  }
0x54: {  	_ =	shalt  }
0x55: {  	_ =	shalt  }
0x56: {  	_ =	shalt  }
0x57: {  	_ =	shalt  }
0x58: {  	_ =	shalt  }
0x59: {  	_ =	shalt  }
0x5a: {  	_ =	shalt  }
0x5b: {  	_ =	shalt  }
0x5c: {  	_ =	shalt  }
0x5d: {  	_ =	shalt  }
0x5e: {  	_ =	shalt  }
0x5f: {  	_ =	shalt  }
0x60: {  	_ =	shalt  }
0x61: {  	_ =	shalt  }
0x62: {  	_ =	shalt  }
0x63: {  	_ =	shalt  }
0x64: {  	_ =	shalt  }
0x65: {  	_ =	shalt  }
0x66: {  	_ =	shalt  }
0x67: {  	_ =	shalt  }
0x68: {  	_ =	shalt  }
0x69: {  	_ =	shalt  }
0x6a: {  	_ =	shalt  }
0x6b: {  	_ =	shalt  }
0x6c: {  	_ =	shalt  }
0x6d: {  	_ =	shalt  }
0x6e: {  	_ =	shalt  }
0x6f: {  	_ =	shalt  }
0x70: {  	_ =	shalt  }
0x71: {  	_ =	shalt  }
0x72: {  	_ =	shalt  }
0x73: {  	_ =	shalt  }
0x74: {  	_ =	shalt  }
0x75: {  	_ =	shalt  }
0x76: {  	_ =	shalt  }
0x77: {  	_ =	shalt  }
0x78: {  	_ =	shalt  }
0x79: {  	_ =	shalt  }
0x7a: {  	_ =	shalt  }
0x7b: {  	_ =	shalt  }
0x7c: {  	_ =	shalt  }
0x7d: {  	_ =	shalt  }
0x7e: {  	_ =	shalt  }
0x7f: {  	_ =	shalt  }
0x80: {  	_ =	shalt  }
0x81: {  	_ =	shalt  }
0x82: {  	_ =	shalt  }
0x83: {  	_ =	shalt  }
0x84: {  	_ =	shalt  }
0x85: {  	_ =	shalt  }
0x86: {  	_ =	shalt  }
0x87: {  	_ =	shalt  }
.Lfunc_end0:
.L_simem_size_0:
called_computation.2_lowered:
.L_overlay_start_0:
0x88: {  	s2 =	sld [smem:$0x3FD9]  }
0x89: {  	s3 =	sld [smem:$0x3FFE];
	_ =	sdelay $0x1  }
0x8a: {  	s1 =	srdreg.scid  }
0x8b: {  	s0 =	sand.u32 $0x1, s1  }
0x8c: {  	s17 =	sshll.u32 s0, $0xA;
	s2 =	sadd.s32 s3, s2  }
0x8d: {  	s2 =	sadd.s32 s2, s17  }
0x8e: {  	[smem:$0x3FC6] =	sst s2  }
0x8f: {  	_ = 	snop  }
0x90: {  	s2 =	sld [smem:$0x3FD0];
	(tm) =	ssettm $0x1  }
0x91: {  	s18 =	sld [smem:$0x3FFB];
	_ =	sdelay $0x3  }
0x92: {  	_ =	strace s18  }
0x93: {  	s3 =	sld [smem:$0x3FFC];
	_ =	sdelay $0x3  }
0x94: {  	_ =	strace s3  }
0x95: {  	s3 =	sld [smem:$0x3FFD];
	_ =	sdelay $0x3  }
0x96: {  	_ =	strace s3  }
0x97: {  	_ =	strace $0x8FFFFFFF  }
0x98: {  	s19 =	sld [smem:$0x3FDB];
	_ =	sdelay $0x1  }
0x99: {  	s4 =	simm.s32 $_scs_section_size  }
0x9a: {  	s5 =	simm.s32 $_size__tile_overlayer_lowered;
	s6 =	simm.s32 $_tile_overlayer_lowered  }
0x9b: {  	s22 =	simm.s32 $0x1BFF;
	s21 =	sshll.u32 s6, $0x1;
	s3 =	sadd.s32 s4, s19  }
0x9c: {  	s7 =	simm.s32 $0x0;
	s20 =	sshll.u32 s5, $0x1;
	s5 =	sadd.s32 s21, s3  }
0x9d: {  	[timem:s7], [sflag:s22] =	dma.local [hbm:s5], s20  }
0x9e: {  	_ =	swait.ge [sflag:s22], s20  }
0x9f: {  	s4 =	ssub.s32 $0x0, s20;
	[sflag:s22] =	ssyncset.done $0x0  }
0xa0: {  	[sflag:s22] =	ssyncadd.s32 s4;
	_ =	sdelay $0x1  }
0xa1: {  	s23 =	simm.s32 $0x1B8B  }
0xa2: {  	_ =	swait.ge [sflag:s23], $0x1  }
0xa3: {  	[sflag:s23] =	ssyncset.done $0x0  }
0xa4: {  	s25 =	simm.s32 $0x1B8E;
	s24 =	sld [smem:$0x3FFE];
	[sflag:s23] =	ssyncadd.s32 $0xFFFFFFFF  }
0xa5: {  	s26 =	simm.s32 $execute0_lowered;
	[smem:$0x3FD2] =	sst s25  }
0xa6: {  	s5 =	sshll.u32 s26, $0x1;
	_ =	strace $0x8000004C;
	[dreg:$0x1] =	wrdreg $0xFFFFFFFF  }
0xa7: {  	s28 =	simm.s32 $_size_execute0_lowered;
	s3 =	sadd.s32 s3, s5;
	[dreg:$0x0] =	wrdreg $0x0  }
0xa8: {  	s5 =	sshll.u32 s28, $0x1;
	[dreg:$0x2] =	wrdreg s3  }
0xa9: {  	[dreg:$0x3] =	wrdreg s5  }
0xaa: {  	[dreg:$0x4] =	wrdreg $0xC0  }
0xab: {  	_ =	task [dreg:s7], $0x5FFFF  }
0xac: {  	[dreg:$0x1] =	wrdreg $0xFFFFFFFF  }
0xad: {  	[dreg:$0x0] =	wrdreg $0x60  }
0xae: {  	[dreg:$0x2] =	wrdreg s24  }
0xaf: {  	[dreg:$0x3] =	wrdreg s2  }
0xb0: {  	[dreg:$0x4] =	wrdreg $0x9  }
0xb1: {  	_ =	task.clear_ibuf [dreg:s7], $0x5FFFF;
	_ =	strace $0x9000004C  }
0xb2: {  	s29 =	simm.s32 $0x9;
	_ =	strace $0x8000004E  }
0xb3: {  	_ =	swait.ge [sflag:s29], $0x1  }
0xb4: {  	[sflag:s29] =	ssyncadd.s32 $0xFFFFFFFF  }
0xb5: {  	_ =	strace $0x9000004E  }
0xb6: {  	_ =	sfence  }
0xb7: {  	s30 =	sld [smem:$0x0];
	_ =	sdelay $0x2  }
0xb8: {  	s31 =	sshll.u32 s1, $0xD;
	s1 =	sshrl.u32 s1, $0x2  }
0xb9: {  	s3 =	sand.u32 $0x4000, s31;
	s1 =	sadd.s32 s1, s30  }
0xba: {  	s0 =	sor.u32 s3, s0;
	s1 =	sshll.u32 s1, $0x11  }
0xbb: {  	s0 =	sor.u32 s1, s0  }
0xbc: {  	s0 =	sadd.s32 $0x8F2B, s0  }
0xbd: {  	[sflag:s0] =	ssyncadd.remote.s32 $0x1  }
0xbe: {  	_ =	sfence.sel $0xFFFF  }
0xbf: {  	[dreg:$0x0] =	wrdreg $0xFFFFFFFF;
	(pc) =	sbr.abs _section_cstart, $3  }
0xc0: {  	[dreg:$0x1] =	wrdreg $0xFFFFFFFF  }
0xc1: {  	_ =	task.clear_ibuf [dreg:s7], $0x2FFFF;
	_ =	strace $0x9FFFFFFF  }
0xc2: {  	(tm) =	ssettm $0x7FFFFFFF  }
0xc3: {  	_ =	shalt  }
tec
execute0_lowered:
.L_overlay_start_1:
0x0: {  	(tag) =	ssettag $0x1  }
0x1: {  	s0 =	srdreg.scid;
	s1 =	stileid.u32  }
0x2: {  	s0 =	sand.u32 $0x1, s0;
	s1 =	sshll.u32 s1, $0x1  }
0x3: {  	s1 =	sor.u32 s0, s1  }
0x4: {  	s2 =	smul.u32 $0x1400, s1;
	_ =	sdelay $0x1  }
0x5: {  	s2 =	sand.u32 $0x3C00, s2  }
0x6: {  	v0 =	vmov s2  }
0x7: {  	v0 =	vmul.u32 $0xA, v0  }
0x8: {  	s16 =	smul.u32 $0x28, s1  }
0x9: {  	v2 =	vbroadcast v0, $0x0;
	v0 =	vlaneseq.u32  }
0xa: {  	s1 =	sshrl.u32 s16, $0x7;
	v1 =	vmul.u32 $0xA, v0  }
0xb: {  	v17 =	vor.u32 $0x10, v0;
	v18 =	vor.u32 $0x20, v0;
	v16 =	vor.u32 s1, v2  }
0xc: {  	v19 =	vor.u32 $0x30, v0;
	v2 =	vadd.s32 v1, v16;
	v3 =	vadd.s32 $0xA0, v1  }
0xd: {  	v20 =	vor.u32 $0x40, v0;
	v5 =	vadd.s32 $0x140, v1;
	[tilespmem:$0x1FF90] =	vst v2;
	v2 =	vadd.s32 v3, v16  }
0xe: {  	v21 =	vmul.u32 $0x81, v0;
	v6 =	vadd.s32 $0x1E0, v1;
	[tilespmem:$0x1FFA0] =	vst v2;
	v2 =	vadd.s32 v5, v16  }
0xf: {  	s26 =	rddreg [dreg:$0x0];
	v22 =	vor.u32 $0x50, v0;
	v9 =	vadd.s32 $0x280, v1;
	[tilespmem:$0x1FFB0] =	vst v2;
	v2 =	vadd.s32 v6, v16  }
0x10: {  	s3 =	rddreg [dreg:$0x1];
	v23 =	vor.u32 $0x60, v0;
	v11 =	vadd.s32 $0x320, v1;
	[tilespmem:$0x1FFC0] =	vst v2;
	v2 =	vadd.s32 v9, v16  }
0x11: {  	s28 =	simm.s32 $0x0;
	s9 =	simm.s32 $0x80;
	s11 =	simm.s32 $0x4080;
	v24 =	vor.u32 $0x70, v0;
	v12 =	vadd.s32 $0x3C0, v1;
	[tilespmem:$0x1FFD0] =	vst v2;
	v2 =	vadd.s32 v11, v16  }
0x12: {  	[smem:$0x7FF] =	sst s28;
	s31 =	sadd.s32 $0x20000, s3;
	s0 =	ssub.s32 $0x2, s0;
	v15 =	vadd.s32 $0x460, v1;
	v25 =	vadd.s32 $0x810, v21;
	[tilespmem:$0x1FFE0] =	vst v2;
	v2 =	vadd.s32 v12, v16  }
.Ltmp0:
0x13: {  	s29 =	sshrl.u32 s0, $0x1;
	s30 =	sor.u32 $0x1, s16;
	v26 =	vadd.s32 $0x1020, v21;
	v27 =	vadd.s32 $0x1830, v21;
	v28 =	vadd.s32 $0x2040, v21;
	[tilespmem:$0x1FFF0] =	vst v2;
	(pc) =	sbr.rel .LBB2_1-.Ltmp0, $4  }
0x14: {  	s0 =	ssub.s32 s0, s29;
	v29 =	vadd.s32 $0x2850, v21;
	v30 =	vadd.s32 $0x3060, v21;
	v31 =	vadd.s32 $0x3870, v21;
	_ =	strace $0x8000004D;
	[dreg:$0x4] =	wrdreg s30  }
0x15: {  	s12 =	simm.s32 $0xC080;
	s0 =	smax.u32 s0, $0x1;
	v32 =	vadd.s32 $0x40, v21;
	v33 =	vadd.s32 $0x850, v21;
	v34 =	vadd.s32 $0x1060, v21;
	[dreg:$0x5] =	wrdreg s31  }
0x16: {  	s13 =	simm.s32 $0x8080;
	s18 =	sadd.s32 $0x7A2200, s26;
	v35 =	vadd.s32 $0x1870, v21;
	v36 =	vadd.s32 $0x2080, v21;
	v37 =	vadd.s32 $0x2890, v21;
	[dreg:$0x6] =	wrdreg s0  }
0x17: {  	s17 =	simm.s32 $0xA080;
	s1 =	simm.s32 $0x0;
	v38 =	vadd.s32 $0x30A0, v21;
	v39 =	vadd.s32 $0x38B0, v21;
	v16 =	vadd.s32 v15, v16;
	[dreg:$0x3] =	wrdreg s18  }
.LBB2_18:
0x18: {  	s1 =	rddreg [dreg:$0x7]  }
0x19: {  	s0 =	rddreg [dreg:$0x6];
	s1 =	sadd.s32 $0x1, s1  }
0x1a: {  	p0 =	sne.s32 s1, s0  }
.Ltmp1:
0x1b: {  	_ = 	snop;
	(pc) =	sbr.rel @!p0 .LBB2_19-.Ltmp1, $1  }
0x1c: {  	_ =	sdelay $0x3  }
.LBB2_1:
0x1d: {  	v2 =	vld [tilespmem:$0x1FF90];
	_ =	sdelay $0x4  }
0x1e: {  	[tilespmem:$0x0] =	vst v2;
	v2 =	vld [tilespmem:$0x1FFA0];
	_ =	sdelay $0x4  }
0x1f: {  	[tilespmem:$0x10] =	vst v2;
	v2 =	vld [tilespmem:$0x1FFB0];
	_ =	sdelay $0x4  }
0x20: {  	[tilespmem:$0x20] =	vst v2;
	v2 =	vld [tilespmem:$0x1FFC0];
	_ =	sdelay $0x4  }
0x21: {  	[tilespmem:$0x30] =	vst v2;
	v2 =	vld [tilespmem:$0x1FFD0];
	_ =	sdelay $0x4  }
0x22: {  	[tilespmem:$0x40] =	vst v2;
	v2 =	vld [tilespmem:$0x1FFE0];
	_ =	sdelay $0x4  }
0x23: {  	[tilespmem:$0x50] =	vst v2;
	v2 =	vld [tilespmem:$0x1FFF0];
	_ =	sdelay $0x1  }
.Ltmp2:
0x24: {  	_ = 	snop;
	(pc) =	sbr.rel .LBB2_2-.Ltmp2, $4  }
0x25: {  	_ = 	snop  }
0x26: {  	[tilespmem:$0x70] =	vst v16  }
0x27: {  	[dreg:$0x7] =	wrdreg s1;
	s0 =	simm.s32 $0x0;
	s21 =	simm.s32 $0x0;
	[tilespmem:$0x60] =	vst v2  }
0x28: {  	[tilespmem:s9], [sflag:$0x1] =	stream.indirect.gather [hbm4b:s18+s9], $0x80, s0, s9, $0xb8;
	[tilespmem:$0x10100] =	vst v63  }
.LBB2_16:
0x29: {  	_ =	sdelay $0x1  }
0x2a: {  	v2 =	vmov s3  }
0x2b: {  	v46 =	vshll.u32 v2, $0x7  }
0x2c: {  	v2 =	vld.idx.msk [tilespmem:v62+s12+$0x0], $0xffff;
	v4 =	vor.u32 v0, v46  }
0x2d: {  	v7 =	vadd.s32 s3, v33;
	_ =	sdelay $0x2  }
0x2e: {  	[tilespmem:v60+s17+$0x0] =	vst.idx.msk $0xffff, v57  }
0x2f: {  	v10 =	vor.u32 v17, v45;
	v8 =	vld.idx.msk [tilespmem:v61+s12+$0x0], $0xffff;
	[tilespmem:v4+s17+$0x0] =	vst.idx.msk $0xffff, v2  }
0x30: {  	v2 =	vadd.s32 s0, v34;
	v4 =	vld.idx.msk [tilespmem:v7+s12+$0x0], $0xffff;
	v7 =	vor.u32 v17, v46  }
0x31: {  	v13 =	vadd.s32 s3, v34;
	_ =	sdelay $0x1  }
0x32: {  	[tilespmem:v58+s17+$0x0] =	vst.idx.msk $0xffff, v55  }
0x33: {  	v60 =	vor.u32 v18, v44;
	v14 =	vld.idx.msk [tilespmem:v59+s12+$0x0], $0xffff;
	[tilespmem:v10+s17+$0x0] =	vst.idx.msk $0xffff, v8  }
0x34: {  	v8 =	vadd.s32 s2, v35;
	v10 =	vor.u32 v18, v45;
	v2 =	vld.idx.msk [tilespmem:v2+s12+$0x0], $0xffff;
	[tilespmem:v7+s17+$0x0] =	vst.idx.msk $0xffff, v4  }
0x35: {  	v4 =	vadd.s32 s0, v35;
	v7 =	vld.idx.msk [tilespmem:v13+s12+$0x0], $0xffff;
	v13 =	vor.u32 v18, v46  }
0x36: {  	v61 =	vadd.s32 s3, v35  }
0x37: {  	[tilespmem:v54+s17+$0x0] =	vst.idx.msk $0xffff, v51  }
0x38: {  	v51 =	vld.idx.msk [tilespmem:v56+s12+$0x0], $0xffff;
	v62 =	vor.u32 v19, v43;
	[tilespmem:v60+s17+$0x0] =	vst.idx.msk $0xffff, v14  }
0x39: {  	v63 =	vor.u32 v19, v44;
	v14 =	vadd.s32 s25, v36;
	v8 =	vld.idx.msk [tilespmem:v8+s12+$0x0], $0xffff;
	[tilespmem:v10+s17+$0x0] =	vst.idx.msk $0xffff, v2  }
0x3a: {  	v2 =	vadd.s32 s2, v36;
	v10 =	vor.u32 v19, v45;
	v4 =	vld.idx.msk [tilespmem:v4+s12+$0x0], $0xffff;
	[tilespmem:v13+s17+$0x0] =	vst.idx.msk $0xffff, v7  }
0x3b: {  	[tilespmem:v52+s17+$0x0] =	vst.idx.msk $0xffff, v49;
	v49 =	vor.u32 v19, v46;
	v7 =	vadd.s32 s0, v36;
	v13 =	vld.idx.msk [tilespmem:v61+s12+$0x0], $0xffff  }
0x3c: {  	v52 =	vor.u32 v22, v40;
	[tilespmem:v53+s17+$0x0] =	vst.idx.msk $0xffff, v48;
	v48 =	vadd.s32 s3, v36  }
0x3d: {  	v50 =	vld.idx.msk [tilespmem:v50+s12+$0x0], $0xffff;
	v53 =	vadd.s32 s26, v39;
	v60 =	vor.u32 v20, v41;
	[tilespmem:v62+s17+$0x0] =	vst.idx.msk $0xffff, v51  }
0x3e: {  	v62 =	vor.u32 v20, v43;
	v14 =	vld.idx.msk [tilespmem:v14+s12+$0x0], $0xffff;
	[tilespmem:v63+s17+$0x0] =	vst.idx.msk $0xffff, v8;
	v61 =	vadd.s32 s24, v37  }
0x3f: {  	v8 =	vadd.s32 s25, v37;
	v63 =	vor.u32 v20, v44;
	v2 =	vld.idx.msk [tilespmem:v2+s12+$0x0], $0xffff;
	[tilespmem:v10+s17+$0x0] =	vst.idx.msk $0xffff, v4  }
0x40: {  	v4 =	vadd.s32 s2, v37;
	v10 =	vor.u32 v20, v45;
	v7 =	vld.idx.msk [tilespmem:v7+s12+$0x0], $0xffff;
	[tilespmem:v49+s17+$0x0] =	vst.idx.msk $0xffff, v13  }
0x41: {  	v57 =	vor.u32 v20, v46;
	[tilespmem:v52+s17+$0x0] =	vst.idx.msk $0xffff, v47;
	v13 =	vadd.s32 s0, v37;
	v47 =	vld.idx.msk [tilespmem:v48+s12+$0x0], $0xffff  }
0x42: {  	v42 =	vor.u32 v24, v42;
	v59 =	vadd.s32 s3, v37;
	v58 =	vld.idx.msk [tilespmem:v53+s12+$0x0], $0xffff;
	[tilespmem:v60+s17+$0x0] =	vst.idx.msk $0xffff, v50  }
0x43: {  	v60 =	vadd.s32 s23, v38;
	[tilespmem:v62+s17+$0x0] =	vst.idx.msk $0xffff, v14;
	v51 =	vld.idx.msk [tilespmem:v61+s12+$0x0], $0xffff;
	v61 =	vor.u32 v22, v41  }
0x44: {  	v14 =	vadd.s32 s24, v38;
	v62 =	vor.u32 v22, v43;
	v8 =	vld.idx.msk [tilespmem:v8+s12+$0x0], $0xffff;
	[tilespmem:v63+s17+$0x0] =	vst.idx.msk $0xffff, v2  }
0x45: {  	v2 =	vadd.s32 s25, v38;
	v63 =	vor.u32 v22, v44;
	v4 =	vld.idx.msk [tilespmem:v4+s12+$0x0], $0xffff;
	[tilespmem:v10+s17+$0x0] =	vst.idx.msk $0xffff, v7  }
0x46: {  	v7 =	vadd.s32 s2, v38;
	v10 =	vld.idx.msk [tilespmem:v13+s12+$0x0], $0xffff;
	v13 =	vor.u32 v22, v45;
	[tilespmem:v57+s17+$0x0] =	vst.idx.msk $0xffff, v47  }
0x47: {  	[tilespmem:v42+s17+$0x0] =	vst.idx.msk $0xffff, v58;
	v48 =	vor.u32 v22, v46;
	v57 =	vadd.s32 s0, v38;
	v47 =	vld.idx.msk [tilespmem:v59+s12+$0x0], $0xffff  }
0x48: {  	v58 =	vor.u32 v23, v40;
	v49 =	vld.idx.msk [tilespmem:v60+s12+$0x0], $0xffff;
	[tilespmem:v61+s17+$0x0] =	vst.idx.msk $0xffff, v51;
	v59 =	vadd.s32 s3, v38  }
0x49: {  	v60 =	vadd.s32 s23, v39;
	[tilespmem:v62+s17+$0x0] =	vst.idx.msk $0xffff, v8;
	v61 =	vor.u32 v23, v41;
	v14 =	vld.idx.msk [tilespmem:v14+s12+$0x0], $0xffff  }
0x4a: {  	v8 =	vadd.s32 s24, v39;
	v62 =	vor.u32 v23, v43;
	v2 =	vld.idx.msk [tilespmem:v2+s12+$0x0], $0xffff;
	[tilespmem:v63+s17+$0x0] =	vst.idx.msk $0xffff, v4  }
0x4b: {  	v4 =	vadd.s32 s25, v39;
	v63 =	vor.u32 v23, v44;
	v7 =	vld.idx.msk [tilespmem:v7+s12+$0x0], $0xffff;
	[tilespmem:v13+s17+$0x0] =	vst.idx.msk $0xffff, v10  }
0x4c: {  	v10 =	vadd.s32 s2, v39;
	v13 =	vld.idx.msk [tilespmem:v57+s12+$0x0], $0xffff;
	v57 =	vor.u32 v23, v45;
	[tilespmem:v48+s17+$0x0] =	vst.idx.msk $0xffff, v47  }
0x4d: {  	[tilespmem:v58+s17+$0x0] =	vst.idx.msk $0xffff, v49;
	v58 =	vadd.s32 s0, v39;
	v48 =	vld.idx.msk [tilespmem:v59+s12+$0x0], $0xffff;
	v59 =	vor.u32 v23, v46  }
0x4e: {  	v50 =	vld.idx.msk [tilespmem:v60+s12+$0x0], $0xffff;
	v60 =	vor.u32 v24, v40;
	[tilespmem:v61+s17+$0x0] =	vst.idx.msk $0xffff, v14;
	v14 =	vadd.s32 s3, v39  }
0x4f: {  	v61 =	vor.u32 v24, v41;
	v8 =	vld.idx.msk [tilespmem:v8+s12+$0x0], $0xffff;
	[tilespmem:v62+s17+$0x0] =	vst.idx.msk $0xffff, v2  }
0x50: {  	v2 =	vld.idx.msk [tilespmem:v4+s12+$0x0], $0xffff;
	v4 =	vor.u32 v24, v43;
	[tilespmem:v63+s17+$0x0] =	vst.idx.msk $0xffff, v7  }
0x51: {  	v7 =	vld.idx.msk [tilespmem:v10+s12+$0x0], $0xffff;
	v10 =	vor.u32 v24, v44;
	[tilespmem:v57+s17+$0x0] =	vst.idx.msk $0xffff, v13  }
0x52: {  	v62 =	vor.u32 v24, v45;
	v13 =	vld.idx.msk [tilespmem:v58+s12+$0x0], $0xffff;
	[tilespmem:v59+s17+$0x0] =	vst.idx.msk $0xffff, v48  }
0x53: {  	[tilespmem:v60+s17+$0x0] =	vst.idx.msk $0xffff, v50;
	v63 =	vor.u32 v24, v46;
	v14 =	vld.idx.msk [tilespmem:v14+s12+$0x0], $0xffff  }
0x54: {  	[tilespmem:v61+s17+$0x0] =	vst.idx.msk $0xffff, v8  }
0x55: {  	[tilespmem:v4+s17+$0x0] =	vst.idx.msk $0xffff, v2  }
0x56: {  	[tilespmem:v10+s17+$0x0] =	vst.idx.msk $0xffff, v7  }
0x57: {  	[tilespmem:v62+s17+$0x0] =	vst.idx.msk $0xffff, v13  }
0x58: {  	[tilespmem:v63+s17+$0x0] =	vst.idx.msk $0xffff, v14  }
0x59: {  	s18 =	rddreg [dreg:$0x3]  }
.LBB2_17:
0x5a: {  	s21 =	sadd.s32 $0x1, s21  }
0x5b: {  	s0 =	rddreg [dreg:$0x5];
	p0 =	sne.s32 s21, $0x28  }
.Ltmp3:
0x5c: {  	s31 =	simm.s32 $0x4;
	s0 =	sadd.s32 s22, s0;
	(pc) =	sbr.rel @!p0 .LBB2_18-.Ltmp3, $4  }
0x5d: {  	[hbm4b:s0+s4] =	stream.strided.scatter [tilespmem:s17], [sflag:$0x4], $0x2000, s5, s4, $0x38;
	[tilespmem:$0x10100] =	vst v63  }
0x5e: {  	_ =	swait.ge [sflag:s31], $0x2000  }
0x5f: {  	[sflag:s31] =	ssyncset.done $0x0  }
0x60: {  	[sflag:s31] =	ssyncadd.s32 $0xFFFFE000  }
.LBB2_2:
0x61: {  	s0 =	sand.u32 $0x1, s21  }
0x62: {  	p0 =	seq.s32 s0, $0x1  }
.Ltmp4:
0x63: {  	_ = 	snop;
	(pc) =	sbr.rel @p0 .LBB2_10-.Ltmp4, $1  }
0x64: {  	_ =	sdelay $0x3  }
0x65: {  	s0 =	sadd.s32 s21, s16  }
0x66: {  	s0 =	sadd.s32 $0x1, s0  }
0x67: {  	s1 =	sshll.u32 s0, $0x7  }
0x68: {  	s1 =	sand.u32 $0x3F80, s1  }
0x69: {  	v40 =	vmov s1  }
0x6a: {  	v40 =	vmul.u32 $0xA, v40  }
0x6b: {  	s0 =	sshrl.u32 s0, $0x7  }
0x6c: {  	s25 =	simm.s32 $0x1;
	v40 =	vadd.s32 s0, v40  }
0x6d: {  	_ =	swait.ge [sflag:s25], $0x4000;
	v40 =	vbroadcast v40, $0x0  }
0x6e: {  	[sflag:s25] =	ssyncset.done $0x0  }
0x6f: {  	[sflag:s25] =	ssyncadd.s32 $0xFFFFC000;
	v41 =	vadd.s32 v1, v40  }
0x70: {  	v61 =	vadd.s32 v3, v40;
	[tilespmem:$0x0] =	vst v41  }
0x71: {  	v62 =	vadd.s32 v5, v40;
	[tilespmem:$0x10] =	vst v61  }
0x72: {  	v63 =	vadd.s32 v6, v40;
	[tilespmem:$0x20] =	vst v62  }
0x73: {  	s26 =	simm.s32 $0x0;
	v44 =	vadd.s32 v9, v40;
	[tilespmem:$0x30] =	vst v63  }
0x74: {  	v42 =	vor.u32 s26, v0;
	v45 =	vadd.s32 v11, v40;
	[tilespmem:$0x40] =	vst v44  }
0x75: {  	v46 =	vadd.s32 v12, v40;
	[tilespmem:$0x50] =	vst v45  }
0x76: {  	v40 =	vadd.s32 v15, v40;
	[tilespmem:$0x60] =	vst v46  }
0x77: {  	s30 =	simm.s32 $0x0;
	[tilespmem:$0x70] =	vst v40  }
0x78: {  	[tilespmem:s11], [sflag:$0x2] =	stream.indirect.gather [hbm4b:s18+s9], $0x80, s30, s9, $0xb8;
	[tilespmem:$0x10100] =	vst v63  }
0x79: {  	v40 =	vld.idx.msk [tilespmem:v42+s9+$0x0], $0xffff  }
0x7a: {  	v47 =	vor.u32 s26, v17  }
0x7b: {  	s10 =	simm.s32 $0x80  }
0x7c: {  	v48 =	vor.u32 s10, v0  }
0x7d: {  	s14 =	simm.s32 $0xC0C0  }
0x7e: {  	[tilespmem:s14+$0xFFFFFFC0] =	vst v40  }
0x7f: {  	v40 =	vld.idx.msk [tilespmem:v47+s9+$0x0], $0xffff  }
0x80: {  	v50 =	vor.u32 s26, v18  }
0x81: {  	v49 =	vld.idx.msk [tilespmem:v48+s9+$0x0], $0xffff  }
0x82: {  	v43 =	vor.u32 s10, v17;
	s0 =	simm.s32 $0x100  }
0x83: {  	v44 =	vor.u32 s0, v0  }
0x84: {  	[tilespmem:s14+$0xFFFFFFD0] =	vst v40  }
0x85: {  	s20 =	simm.s32 $0xC141;
	v40 =	vld.idx.msk [tilespmem:v50+s9+$0x0], $0xffff  }
0x86: {  	s8 =	simm.s32 $0x180;
	v51 =	vor.u32 s26, v19;
	[tilespmem:s20+$0xFFFFFFC0] =	vst v49  }
0x87: {  	v46 =	vor.u32 s8, v0;
	v41 =	vld.idx.msk [tilespmem:v43+s9+$0x0], $0xffff  }
0x88: {  	v53 =	vor.u32 s10, v18;
	v52 =	vld.idx.msk [tilespmem:v44+s9+$0x0], $0xffff  }
0x89: {  	v45 =	vor.u32 s0, v17  }
0x8a: {  	[tilespmem:s14+$0xFFFFFFE0] =	vst v40  }
0x8b: {  	v40 =	vld.idx.msk [tilespmem:v51+s9+$0x0], $0xffff  }
0x8c: {  	s2 =	simm.s32 $0xC1C2;
	v54 =	vor.u32 s26, v20;
	v56 =	vld.idx.msk [tilespmem:v46+s9+$0x0], $0xffff;
	[tilespmem:s20+$0xFFFFFFD0] =	vst v41  }
0x8d: {  	v47 =	vor.u32 s8, v17;
	[tilespmem:s2+$0xFFFFFFC0] =	vst v52;
	v41 =	vld.idx.msk [tilespmem:v53+s9+$0x0], $0xffff  }
0x8e: {  	v55 =	vor.u32 s10, v19;
	v43 =	vld.idx.msk [tilespmem:v45+s9+$0x0], $0xffff  }
0x8f: {  	v57 =	vor.u32 s0, v18  }
0x90: {  	s6 =	simm.s32 $0x200;
	s4 =	simm.s32 $0xC243;
	[tilespmem:s14+$0xFFFFFFF0] =	vst v40  }
0x91: {  	v48 =	vor.u32 s6, v0;
	[tilespmem:s4+$0xFFFFFFC0] =	vst v56;
	v40 =	vld.idx.msk [tilespmem:v54+s9+$0x0], $0xffff  }
0x92: {  	v58 =	vor.u32 s26, v22;
	v45 =	vld.idx.msk [tilespmem:v47+s9+$0x0], $0xffff;
	[tilespmem:s20+$0xFFFFFFE0] =	vst v41  }
0x93: {  	v52 =	vor.u32 s8, v18;
	[tilespmem:s2+$0xFFFFFFD0] =	vst v43;
	v41 =	vld.idx.msk [tilespmem:v55+s9+$0x0], $0xffff  }
0x94: {  	v59 =	vor.u32 s10, v20;
	v43 =	vld.idx.msk [tilespmem:v57+s9+$0x0], $0xffff  }
0x95: {  	s19 =	simm.s32 $0x280;
	v60 =	vor.u32 s0, v19  }
0x96: {  	v61 =	vld.idx.msk [tilespmem:v48+s9+$0x0], $0xffff;
	v53 =	vor.u32 s19, v0;
	[tilespmem:s14+$0x0] =	vst v40  }
0x97: {  	v49 =	vor.u32 s6, v17;
	[tilespmem:s4+$0xFFFFFFD0] =	vst v45;
	v54 =	vld.idx.msk [tilespmem:v58+s9+$0x0], $0xffff  }
0x98: {  	s15 =	simm.s32 $0x300;
	v62 =	vor.u32 s26, v23;
	v57 =	vld.idx.msk [tilespmem:v52+s9+$0x0], $0xffff;
	[tilespmem:s20+$0xFFFFFFF0] =	vst v41  }
0x99: {  	v52 =	vor.u32 s15, v0;
	[tilespmem:s2+$0xFFFFFFE0] =	vst v43;
	v55 =	vld.idx.msk [tilespmem:v59+s9+$0x0], $0xffff  }
0x9a: {  	s3 =	simm.s32 $0xC2C4;
	v56 =	vor.u32 s10, v22;
	v63 =	vld.idx.msk [tilespmem:v60+s9+$0x0], $0xffff  }
0x9b: {  	[tilespmem:s3+$0xFFFFFFC0] =	vst v61;
	v50 =	vld.idx.msk [tilespmem:v53+s9+$0x0], $0xffff;
	v58 =	vor.u32 s0, v20  }
0x9c: {  	v60 =	vor.u32 s8, v19;
	v59 =	vld.idx.msk [tilespmem:v49+s9+$0x0], $0xffff;
	[tilespmem:s14+$0x10] =	vst v54  }
0x9d: {  	v51 =	vor.u32 s6, v18;
	[tilespmem:s4+$0xFFFFFFE0] =	vst v57;
	v43 =	vld.idx.msk [tilespmem:v62+s9+$0x0], $0xffff  }
0x9e: {  	v61 =	vor.u32 s19, v17;
	v48 =	vld.idx.msk [tilespmem:v52+s9+$0x0], $0xffff;
	[tilespmem:s20+$0x0] =	vst v55  }
0x9f: {  	s7 =	simm.s32 $0xC345;
	[tilespmem:s2+$0xFFFFFFF0] =	vst v63;
	v63 =	vor.u32 s26, v24;
	v62 =	vld.idx.msk [tilespmem:v56+s9+$0x0], $0xffff  }
0xa0: {  	[tilespmem:s7+$0xFFFFFFC0] =	vst v50;
	v53 =	vld.idx.msk [tilespmem:v58+s9+$0x0], $0xffff;
	v54 =	vor.u32 s10, v23  }
0xa1: {  	v41 =	vor.u32 s0, v22;
	[tilespmem:s3+$0xFFFFFFD0] =	vst v59;
	v40 =	vld.idx.msk [tilespmem:v60+s9+$0x0], $0xffff  }
0xa2: {  	s29 =	simm.s32 $0x1;
	v42 =	vld.idx.msk [tilespmem:v51+s9+$0x0], $0xffff;
	[tilespmem:s14+$0x20] =	vst v43;
	v43 =	vor.u32 s8, v20  }
0xa3: {  	s28 =	simm.s32 $0x3;
	s23 =	simm.s32 $0x4;
	s24 =	simm.s32 $0x5;
	v46 =	vor.u32 s6, v19;
	v45 =	vld.idx.msk [tilespmem:v61+s9+$0x0], $0xffff  }
0xa4: {  	s22 =	simm.s32 $0x7;
	s31 =	simm.s32 $0x380;
	s5 =	simm.s32 $0x8;
	v49 =	vor.u32 s19, v18;
	[tilespmem:s20+$0x10] =	vst v62;
	v47 =	vld.idx.msk [tilespmem:v63+s9+$0x0], $0xffff  }
0xa5: {  	s25 =	simm.s32 $0x6;
	s1 =	simm.s32 $0xC345;
	v50 =	vor.u32 s15, v17;
	s26 =	simm.s32 $0x2;
	[tilespmem:s2+$0x0] =	vst v53;
	v44 =	vld.idx.msk [tilespmem:v54+s9+$0x0], $0xffff  }
.LBB2_4:
0xa6: {  	p0 =	sne.s32 s5, $0x7F;
	v51 =	vor.u32 s31, v0;
	[tilespmem:s4+$0xFFFFFFF0] =	vst v40;
	v52 =	vld.idx.msk [tilespmem:v41+s9+$0x0], $0xffff  }
0xa7: {  	v54 =	vor.u32 s10, v24;
	s10 =	smov.u32 s0;
	s0 =	smov.u32 s8;
	s8 =	smov.u32 s6;
	[tilespmem:s3+$0xFFFFFFE0] =	vst v42;
	v53 =	vld.idx.msk [tilespmem:v43+s9+$0x0], $0xffff  }
0xa8: {  	s1 =	sadd.s32 $0x81, s1;
	s6 =	smov.u32 s19;
	s19 =	smov.u32 s15;
	v55 =	vor.u32 s10, v23;
	[tilespmem:s7+$0xFFFFFFD0] =	vst v45;
	v40 =	vld.idx.msk [tilespmem:v46+s9+$0x0], $0xffff  }
.Ltmp5:
0xa9: {  	s15 =	smov.u32 s31;
	v41 =	vor.u32 s0, v22;
	[tilespmem:s1+$0xFFFFFFC0] =	vst v48;
	v42 =	vld.idx.msk [tilespmem:v49+s9+$0x0], $0xffff;
	(pc) =	sbr.rel @p0 .LBB2_4-.Ltmp5, $4  }
0xaa: {  	v43 =	vor.u32 s8, v20;
	v45 =	vld.idx.msk [tilespmem:v50+s9+$0x0], $0xffff;
	[tilespmem:s14+$0x30] =	vst v47;
	s14 =	smov.u32 s20;
	s20 =	smov.u32 s2;
	s2 =	smov.u32 s4  }
0xab: {  	v46 =	vor.u32 s6, v19;
	s4 =	smov.u32 s3;
	s3 =	smov.u32 s7;
	s7 =	smov.u32 s1;
	v48 =	vld.idx.msk [tilespmem:v51+s9+$0x0], $0xffff;
	[tilespmem:s14+$0x20] =	vst v44  }
0xac: {  	v49 =	vor.u32 s19, v18;
	[tilespmem:s20+$0x10] =	vst v52;
	v47 =	vld.idx.msk [tilespmem:v54+s9+$0x0], $0xffff  }
0xad: {  	s31 =	sshll.u32 s5, $0x7;
	s5 =	sadd.s32 $0x1, s5;
	v50 =	vor.u32 s15, v17;
	[tilespmem:s2+$0x0] =	vst v53;
	v44 =	vld.idx.msk [tilespmem:v55+s9+$0x0], $0xffff  }
0xae: {  	v51 =	vor.u32 s31, v0;
	_ =	sdelay $0x4  }
0xaf: {  	v51 =	vld.idx.msk [tilespmem:v51+s9+$0x0], $0xffff  }
0xb0: {  	v52 =	vor.u32 s31, v17;
	_ =	sdelay $0x1  }
0xb1: {  	s5 =	sadd.s32 $0x81, s1  }
0xb2: {  	s1 =	sadd.s32 $0x81, s5;
	[tilespmem:s5+$0xFFFFFFC0] =	vst v48  }
0xb3: {  	v48 =	vld.idx.msk [tilespmem:v50+s9+$0x0], $0xffff;
	[tilespmem:s1+$0xFFFFFFC0] =	vst v51  }
0xb4: {  	v63 =	vor.u32 s15, v18;
	v51 =	vld.idx.msk [tilespmem:v52+s9+$0x0], $0xffff  }
0xb5: {  	v56 =	vor.u32 s31, v18  }
0xb6: {  	[tilespmem:s7+$0xFFFFFFD0] =	vst v45  }
0xb7: {  	v45 =	vld.idx.msk [tilespmem:v49+s9+$0x0], $0xffff  }
0xb8: {  	v57 =	vor.u32 s19, v19;
	[tilespmem:s5+$0xFFFFFFD0] =	vst v48  }
0xb9: {  	v58 =	vld.idx.msk [tilespmem:v63+s9+$0x0], $0xffff;
	[tilespmem:s1+$0xFFFFFFD0] =	vst v51  }
0xba: {  	v59 =	vor.u32 s15, v19;
	v51 =	vld.idx.msk [tilespmem:v56+s9+$0x0], $0xffff  }
0xbb: {  	v60 =	vor.u32 s31, v19;
	[tilespmem:s3+$0xFFFFFFE0] =	vst v42  }
0xbc: {  	[tilespmem:s7+$0xFFFFFFE0] =	vst v45  }
0xbd: {  	[tilespmem:s4+$0xFFFFFFF0] =	vst v40;
	v62 =	vld.idx.msk [tilespmem:v57+s9+$0x0], $0xffff  }
0xbe: {  	v42 =	vld.idx.msk [tilespmem:v46+s9+$0x0], $0xffff;
	v63 =	vor.u32 s19, v20;
	[tilespmem:s5+$0xFFFFFFE0] =	vst v58  }
0xbf: {  	v61 =	vor.u32 s6, v20;
	v49 =	vld.idx.msk [tilespmem:v59+s9+$0x0], $0xffff;
	[tilespmem:s1+$0xFFFFFFE0] =	vst v51  }
0xc0: {  	[tilespmem:s14+$0x30] =	vst v47;
	v52 =	vor.u32 s15, v20;
	v47 =	vld.idx.msk [tilespmem:v60+s9+$0x0], $0xffff  }
0xc1: {  	v53 =	vor.u32 s31, v20;
	v43 =	vld.idx.msk [tilespmem:v43+s9+$0x0], $0xffff;
	[tilespmem:s20+$0x20] =	vst v44  }
0xc2: {  	v41 =	vld.idx.msk [tilespmem:v41+s9+$0x0], $0xffff;
	v55 =	vor.u32 s8, v22;
	[tilespmem:s7+$0xFFFFFFF0] =	vst v62  }
0xc3: {  	v54 =	vor.u32 s10, v24;
	[tilespmem:s3+$0xFFFFFFF0] =	vst v42;
	v48 =	vld.idx.msk [tilespmem:v63+s9+$0x0], $0xffff  }
0xc4: {  	v45 =	vld.idx.msk [tilespmem:v61+s9+$0x0], $0xffff;
	v57 =	vor.u32 s19, v22;
	[tilespmem:s5+$0xFFFFFFF0] =	vst v49  }
0xc5: {  	v56 =	vor.u32 s6, v22;
	v40 =	vld.idx.msk [tilespmem:v52+s9+$0x0], $0xffff;
	[tilespmem:s1+$0xFFFFFFF0] =	vst v47  }
0xc6: {  	[tilespmem:s4+$0x0] =	vst v43;
	v58 =	vor.u32 s15, v22;
	v44 =	vld.idx.msk [tilespmem:v53+s9+$0x0], $0xffff  }
0xc7: {  	[tilespmem:s2+$0x10] =	vst v41;
	v42 =	vld.idx.msk [tilespmem:v55+s9+$0x0], $0xffff;
	v60 =	vor.u32 s31, v22  }
0xc8: {  	v62 =	vor.u32 s8, v23;
	v59 =	vld.idx.msk [tilespmem:v54+s9+$0x0], $0xffff;
	[tilespmem:s7+$0x0] =	vst v48  }
0xc9: {  	v61 =	vor.u32 s0, v23;
	[tilespmem:s3+$0x0] =	vst v45;
	v49 =	vld.idx.msk [tilespmem:v57+s9+$0x0], $0xffff  }
0xca: {  	v52 =	vor.u32 s19, v23;
	v46 =	vld.idx.msk [tilespmem:v56+s9+$0x0], $0xffff;
	[tilespmem:s5+$0x0] =	vst v40  }
0xcb: {  	v63 =	vor.u32 s6, v23;
	v41 =	vld.idx.msk [tilespmem:v58+s9+$0x0], $0xffff;
	[tilespmem:s1+$0x0] =	vst v44  }
0xcc: {  	[tilespmem:s4+$0x10] =	vst v42;
	v53 =	vor.u32 s15, v23;
	v43 =	vld.idx.msk [tilespmem:v60+s9+$0x0], $0xffff  }
0xcd: {  	v55 =	vor.u32 s31, v23;
	v45 =	vld.idx.msk [tilespmem:v62+s9+$0x0], $0xffff;
	[tilespmem:s20+$0x30] =	vst v59  }
0xce: {  	v54 =	vld.idx.msk [tilespmem:v61+s9+$0x0], $0xffff;
	v57 =	vor.u32 s8, v24;
	[tilespmem:s7+$0x10] =	vst v49  }
0xcf: {  	v56 =	vor.u32 s0, v24;
	v40 =	vld.idx.msk [tilespmem:v52+s9+$0x0], $0xffff;
	[tilespmem:s3+$0x10] =	vst v46  }
0xd0: {  	v59 =	vor.u32 s19, v24;
	v48 =	vld.idx.msk [tilespmem:v63+s9+$0x0], $0xffff;
	[tilespmem:s5+$0x10] =	vst v41  }
0xd1: {  	v58 =	vor.u32 s6, v24;
	v44 =	vld.idx.msk [tilespmem:v53+s9+$0x0], $0xffff;
	[tilespmem:s1+$0x10] =	vst v43  }
0xd2: {  	[tilespmem:s4+$0x20] =	vst v45;
	v60 =	vor.u32 s15, v24;
	v42 =	vld.idx.msk [tilespmem:v55+s9+$0x0], $0xffff  }
0xd3: {  	v61 =	vor.u32 s31, v24;
	[tilespmem:s2+$0x20] =	vst v54;
	v46 =	vld.idx.msk [tilespmem:v57+s9+$0x0], $0xffff  }
0xd4: {  	v47 =	vld.idx.msk [tilespmem:v56+s9+$0x0], $0xffff;
	[tilespmem:s7+$0x20] =	vst v40  }
0xd5: {  	v40 =	vld.idx.msk [tilespmem:v59+s9+$0x0], $0xffff;
	[tilespmem:s3+$0x20] =	vst v48  }
0xd6: {  	v48 =	vld.idx.msk [tilespmem:v58+s9+$0x0], $0xffff;
	[tilespmem:s5+$0x20] =	vst v44  }
0xd7: {  	v62 =	vld.idx.msk [tilespmem:v60+s9+$0x0], $0xffff;
	[tilespmem:s1+$0x20] =	vst v42  }
0xd8: {  	[tilespmem:s4+$0x30] =	vst v46;
	v42 =	vld.idx.msk [tilespmem:v61+s9+$0x0], $0xffff  }
0xd9: {  	v63 =	vadd.s32 s30, v21;
	[tilespmem:s2+$0x30] =	vst v47  }
0xda: {  	[tilespmem:s7+$0x30] =	vst v40  }
0xdb: {  	[tilespmem:s3+$0x30] =	vst v48  }
0xdc: {  	v48 =	vmov s30;
	[tilespmem:s5+$0x30] =	vst v62  }
0xdd: {  	v46 =	vshll.u32 v48, $0x7;
	[tilespmem:s1+$0x30] =	vst v42  }
0xde: {  	v50 =	vor.u32 v0, v46;
	v49 =	vld.idx.msk [tilespmem:v63+s12+$0x0], $0xffff  }
0xdf: {  	v51 =	vadd.s32 s30, v25  }
0xe0: {  	v52 =	vadd.s32 s29, v21;
	_ =	sdelay $0x2  }
0xe1: {  	v53 =	vmov s29;
	[tilespmem:v50+s13+$0x0] =	vst.idx.msk $0xffff, v49  }
0xe2: {  	v54 =	vor.u32 v17, v46;
	v42 =	vshll.u32 v53, $0x7;
	v41 =	vld.idx.msk [tilespmem:v51+s12+$0x0], $0xffff  }
0xe3: {  	v56 =	vadd.s32 s30, v26;
	v43 =	vld.idx.msk [tilespmem:v52+s12+$0x0], $0xffff;
	v55 =	vor.u32 v0, v42  }
0xe4: {  	v57 =	vadd.s32 s29, v25  }
0xe5: {  	v58 =	vadd.s32 s26, v21;
	_ =	sdelay $0x1  }
0xe6: {  	[tilespmem:v54+s13+$0x0] =	vst.idx.msk $0xffff, v41  }
0xe7: {  	v59 =	vmov s26;
	v60 =	vor.u32 v18, v46;
	[tilespmem:v55+s13+$0x0] =	vst.idx.msk $0xffff, v43;
	v41 =	vld.idx.msk [tilespmem:v56+s12+$0x0], $0xffff  }
0xe8: {  	v40 =	vshll.u32 v59, $0x7;
	v62 =	vadd.s32 s30, v27;
	v61 =	vor.u32 v17, v42;
	v44 =	vld.idx.msk [tilespmem:v57+s12+$0x0], $0xffff  }
0xe9: {  	v48 =	vld.idx.msk [tilespmem:v58+s12+$0x0], $0xffff;
	v63 =	vor.u32 v0, v40;
	v56 =	vadd.s32 s29, v26  }
0xea: {  	v57 =	vadd.s32 s26, v25  }
0xeb: {  	v58 =	vadd.s32 s28, v21  }
0xec: {  	[tilespmem:v60+s13+$0x0] =	vst.idx.msk $0xffff, v41  }
0xed: {  	[tilespmem:v61+s13+$0x0] =	vst.idx.msk $0xffff, v44;
	v44 =	vor.u32 v19, v46;
	v43 =	vld.idx.msk [tilespmem:v62+s12+$0x0], $0xffff  }
0xee: {  	v59 =	vmov s28;
	[tilespmem:v63+s13+$0x0] =	vst.idx.msk $0xffff, v48;
	v61 =	vadd.s32 s30, v28;
	v45 =	vld.idx.msk [tilespmem:v56+s12+$0x0], $0xffff;
	v60 =	vor.u32 v18, v42  }
0xef: {  	v63 =	vadd.s32 s29, v27;
	v49 =	vld.idx.msk [tilespmem:v57+s12+$0x0], $0xffff;
	v41 =	vshll.u32 v59, $0x7;
	v62 =	vor.u32 v17, v40  }
0xf0: {  	v52 =	vld.idx.msk [tilespmem:v58+s12+$0x0], $0xffff;
	v54 =	vadd.s32 s26, v26;
	v53 =	vor.u32 v0, v41  }
0xf1: {  	v55 =	vadd.s32 s28, v25  }
0xf2: {  	v56 =	vadd.s32 s23, v21;
	[tilespmem:v44+s13+$0x0] =	vst.idx.msk $0xffff, v43  }
0xf3: {  	[tilespmem:v60+s13+$0x0] =	vst.idx.msk $0xffff, v45;
	v45 =	vor.u32 v20, v46;
	v44 =	vld.idx.msk [tilespmem:v61+s12+$0x0], $0xffff  }
0xf4: {  	v48 =	vor.u32 v19, v42;
	[tilespmem:v62+s13+$0x0] =	vst.idx.msk $0xffff, v49;
	v47 =	vld.idx.msk [tilespmem:v63+s12+$0x0], $0xffff;
	v49 =	vadd.s32 s30, v29  }
0xf5: {  	v60 =	vmov s23;
	[tilespmem:v53+s13+$0x0] =	vst.idx.msk $0xffff, v52;
	v62 =	vadd.s32 s29, v28;
	v50 =	vld.idx.msk [tilespmem:v54+s12+$0x0], $0xffff;
	v61 =	vor.u32 v18, v40  }
0xf6: {  	v43 =	vshll.u32 v60, $0x7;
	v63 =	vor.u32 v17, v41;
	v60 =	vadd.s32 s26, v27;
	v53 =	vld.idx.msk [tilespmem:v55+s12+$0x0], $0xffff  }
0xf7: {  	v58 =	vadd.s32 s28, v26;
	v56 =	vld.idx.msk [tilespmem:v56+s12+$0x0], $0xffff;
	v57 =	vor.u32 v0, v43  }
0xf8: {  	[tilespmem:v45+s13+$0x0] =	vst.idx.msk $0xffff, v44  }
0xf9: {  	v59 =	vadd.s32 s23, v25;
	[tilespmem:v48+s13+$0x0] =	vst.idx.msk $0xffff, v47;
	v48 =	vor.u32 v22, v46;
	v47 =	vld.idx.msk [tilespmem:v49+s12+$0x0], $0xffff  }
0xfa: {  	v45 =	vadd.s32 s24, v21;
	[tilespmem:v61+s13+$0x0] =	vst.idx.msk $0xffff, v50;
	v50 =	vor.u32 v20, v42;
	v49 =	vld.idx.msk [tilespmem:v62+s12+$0x0], $0xffff  }
0xfb: {  	v51 =	vadd.s32 s30, v30;
	[tilespmem:v63+s13+$0x0] =	vst.idx.msk $0xffff, v53;
	v53 =	vor.u32 v19, v40;
	v52 =	vld.idx.msk [tilespmem:v60+s12+$0x0], $0xffff  }
0xfc: {  	v54 =	vadd.s32 s29, v29;
	[tilespmem:v57+s13+$0x0] =	vst.idx.msk $0xffff, v56;
	v56 =	vor.u32 v18, v41;
	v55 =	vld.idx.msk [tilespmem:v58+s12+$0x0], $0xffff  }
0xfd: {  	v61 =	vmov s24;
	v57 =	vadd.s32 s26, v28  }
0xfe: {  	v58 =	vld.idx.msk [tilespmem:v59+s12+$0x0], $0xffff;
	v44 =	vshll.u32 v61, $0x7;
	v59 =	vor.u32 v17, v43;
	v60 =	vadd.s32 s28, v27;
	[tilespmem:v48+s13+$0x0] =	vst.idx.msk $0xffff, v47  }
0xff: {  	v62 =	vadd.s32 s23, v26;
	v61 =	vor.u32 v0, v44;
	v45 =	vld.idx.msk [tilespmem:v45+s12+$0x0], $0xffff;
	[tilespmem:v50+s13+$0x0] =	vst.idx.msk $0xffff, v49  }
0x100: {  	v47 =	vadd.s32 s24, v25;
	[tilespmem:v53+s13+$0x0] =	vst.idx.msk $0xffff, v52;
	v53 =	vor.u32 v23, v46;
	v48 =	vld.idx.msk [tilespmem:v51+s12+$0x0], $0xffff  }
0x101: {  	v49 =	vadd.s32 s25, v21;
	[tilespmem:v56+s13+$0x0] =	vst.idx.msk $0xffff, v55;
	v56 =	vor.u32 v22, v42;
	v52 =	vld.idx.msk [tilespmem:v54+s12+$0x0], $0xffff  }
0x102: {  	v2 =	vadd.s32 s30, v31;
	v63 =	vld.idx.msk [tilespmem:v57+s12+$0x0], $0xffff  }
0x103: {  	v8 =	vadd.s32 s29, v30;
	v7 =	vor.u32 v20, v40;
	[tilespmem:v59+s13+$0x0] =	vst.idx.msk $0xffff, v58;
	v4 =	vld.idx.msk [tilespmem:v60+s12+$0x0], $0xffff  }
0x104: {  	v13 =	vadd.s32 s26, v29;
	v10 =	vor.u32 v19, v41;
	v51 =	vld.idx.msk [tilespmem:v62+s12+$0x0], $0xffff;
	[tilespmem:v61+s13+$0x0] =	vst.idx.msk $0xffff, v45  }
0x105: {  	v50 =	vadd.s32 s28, v28;
	v62 =	vmov s25;
	v54 =	vor.u32 v18, v43;
	v55 =	vld.idx.msk [tilespmem:v47+s12+$0x0], $0xffff;
	[tilespmem:v53+s13+$0x0] =	vst.idx.msk $0xffff, v48  }
0x106: {  	v59 =	vor.u32 v17, v44;
	v45 =	vshll.u32 v62, $0x7;
	v57 =	vld.idx.msk [tilespmem:v49+s12+$0x0], $0xffff;
	[tilespmem:v56+s13+$0x0] =	vst.idx.msk $0xffff, v52;
	v56 =	vadd.s32 s23, v27  }
0x107: {  	v58 =	vadd.s32 s24, v26;
	v60 =	vor.u32 v0, v45;
	v49 =	vld.idx.msk [tilespmem:v2+s12+$0x0], $0xffff  }
0x108: {  	v61 =	vadd.s32 s25, v25;
	[tilespmem:v7+s13+$0x0] =	vst.idx.msk $0xffff, v63;
	v52 =	vor.u32 v24, v46;
	v48 =	vld.idx.msk [tilespmem:v8+s12+$0x0], $0xffff  }
0x109: {  	s0 =	simm.s32 $0x8;
	v62 =	vadd.s32 s22, v21;
	[tilespmem:v10+s13+$0x0] =	vst.idx.msk $0xffff, v4;
	v53 =	vor.u32 v23, v42;
	v47 =	vld.idx.msk [tilespmem:v13+s12+$0x0], $0xffff  }
.LBB2_6:
0x10a: {  	p0 =	sne.s32 s0, $0x3F;
	[tilespmem:v54+s13+$0x0] =	vst.idx.msk $0xffff, v51;
	v2 =	vld.idx.msk [tilespmem:v50+s12+$0x0], $0xffff;
	v4 =	vor.u32 v22, v40;
	v7 =	vadd.s32 s29, v31;
	v8 =	vmov v41;
	s29 =	smov.u32 s26;
	s26 =	smov.u32 s28  }
0x10b: {  	v41 =	vmov v43;
	s28 =	smov.u32 s23;
	s23 =	smov.u32 s24;
	s24 =	smov.u32 s25;
	[tilespmem:v59+s13+$0x0] =	vst.idx.msk $0xffff, v55;
	v10 =	vld.idx.msk [tilespmem:v56+s12+$0x0], $0xffff;
	v13 =	vor.u32 v20, v8;
	v46 =	vadd.s32 s29, v30  }
0x10c: {  	v43 =	vmov v44;
	s25 =	smov.u32 s22;
	s22 =	smov.u32 s0;
	v63 =	vor.u32 v19, v41;
	v14 =	vadd.s32 s26, v29;
	[tilespmem:v60+s13+$0x0] =	vst.idx.msk $0xffff, v57;
	v51 =	vld.idx.msk [tilespmem:v58+s12+$0x0], $0xffff  }
.Ltmp6:
0x10d: {  	v44 =	vmovc v45;
	v56 =	vmov s25;
	v54 =	vor.u32 v18, v43;
	v50 =	vadd.s32 s28, v28;
	v55 =	vld.idx.msk [tilespmem:v61+s12+$0x0], $0xffff;
	[tilespmem:v52+s13+$0x0] =	vst.idx.msk $0xffff, v49;
	(pc) =	sbr.rel @p0 .LBB2_6-.Ltmp6, $4  }
0x10e: {  	v59 =	vor.u32 v17, v44;
	v45 =	vshll.u32 v56, $0x7;
	v56 =	vadd.s32 s23, v27;
	v57 =	vld.idx.msk [tilespmem:v62+s12+$0x0], $0xffff;
	[tilespmem:v53+s13+$0x0] =	vst.idx.msk $0xffff, v48  }
0x10f: {  	v58 =	vadd.s32 s24, v26;
	v60 =	vor.u32 v0, v45;
	[tilespmem:v4+s13+$0x0] =	vst.idx.msk $0xffff, v47;
	v49 =	vld.idx.msk [tilespmem:v7+s12+$0x0], $0xffff  }
0x110: {  	v61 =	vadd.s32 s25, v25;
	v52 =	vor.u32 v24, v42;
	v42 =	vmov v40;
	[tilespmem:v13+s13+$0x0] =	vst.idx.msk $0xffff, v2;
	v48 =	vld.idx.msk [tilespmem:v46+s12+$0x0], $0xffff  }
0x111: {  	s0 =	sadd.s32 $0x1, s0;
	v40 =	vmov v8;
	v62 =	vadd.s32 s22, v21;
	v53 =	vor.u32 v23, v42;
	[tilespmem:v63+s13+$0x0] =	vst.idx.msk $0xffff, v10;
	v47 =	vld.idx.msk [tilespmem:v14+s12+$0x0], $0xffff  }
0x112: {  	_ =	sdelay $0x1  }
0x113: {  	v2 =	vmov s22  }
0x114: {  	v46 =	vshll.u32 v2, $0x7  }
0x115: {  	v2 =	vld.idx.msk [tilespmem:v62+s12+$0x0], $0xffff;
	v4 =	vor.u32 v0, v46  }
0x116: {  	v7 =	vadd.s32 s22, v25;
	_ =	sdelay $0x2  }
0x117: {  	[tilespmem:v60+s13+$0x0] =	vst.idx.msk $0xffff, v57  }
0x118: {  	v10 =	vor.u32 v17, v45;
	v8 =	vld.idx.msk [tilespmem:v61+s12+$0x0], $0xffff;
	[tilespmem:v4+s13+$0x0] =	vst.idx.msk $0xffff, v2  }
0x119: {  	v2 =	vadd.s32 s25, v26;
	v4 =	vld.idx.msk [tilespmem:v7+s12+$0x0], $0xffff;
	v7 =	vor.u32 v17, v46  }
0x11a: {  	v13 =	vadd.s32 s22, v26;
	_ =	sdelay $0x1  }
0x11b: {  	[tilespmem:v59+s13+$0x0] =	vst.idx.msk $0xffff, v55  }
0x11c: {  	v14 =	vld.idx.msk [tilespmem:v58+s12+$0x0], $0xffff;
	v61 =	vor.u32 v18, v44;
	[tilespmem:v10+s13+$0x0] =	vst.idx.msk $0xffff, v8  }
0x11d: {  	v8 =	vadd.s32 s24, v27;
	v10 =	vor.u32 v18, v45;
	v2 =	vld.idx.msk [tilespmem:v2+s12+$0x0], $0xffff;
	[tilespmem:v7+s13+$0x0] =	vst.idx.msk $0xffff, v4  }
0x11e: {  	v4 =	vadd.s32 s25, v27;
	v7 =	vld.idx.msk [tilespmem:v13+s12+$0x0], $0xffff;
	v13 =	vor.u32 v18, v46  }
0x11f: {  	v62 =	vadd.s32 s22, v27  }
0x120: {  	[tilespmem:v54+s13+$0x0] =	vst.idx.msk $0xffff, v51  }
0x121: {  	v63 =	vor.u32 v19, v43;
	v51 =	vld.idx.msk [tilespmem:v56+s12+$0x0], $0xffff;
	[tilespmem:v61+s13+$0x0] =	vst.idx.msk $0xffff, v14  }
0x122: {  	v55 =	vor.u32 v19, v44;
	v14 =	vadd.s32 s23, v28;
	v8 =	vld.idx.msk [tilespmem:v8+s12+$0x0], $0xffff;
	[tilespmem:v10+s13+$0x0] =	vst.idx.msk $0xffff, v2  }
0x123: {  	v2 =	vadd.s32 s24, v28;
	v10 =	vor.u32 v19, v45;
	v4 =	vld.idx.msk [tilespmem:v4+s12+$0x0], $0xffff;
	[tilespmem:v13+s13+$0x0] =	vst.idx.msk $0xffff, v7  }
0x124: {  	[tilespmem:v52+s13+$0x0] =	vst.idx.msk $0xffff, v49;
	v49 =	vor.u32 v19, v46;
	v7 =	vadd.s32 s25, v28;
	v13 =	vld.idx.msk [tilespmem:v62+s12+$0x0], $0xffff  }
0x125: {  	v60 =	vadd.s32 s22, v28;
	v52 =	vor.u32 v22, v40;
	[tilespmem:v53+s13+$0x0] =	vst.idx.msk $0xffff, v48  }
0x126: {  	v50 =	vld.idx.msk [tilespmem:v50+s12+$0x0], $0xffff;
	[tilespmem:v63+s13+$0x0] =	vst.idx.msk $0xffff, v51;
	v61 =	vadd.s32 s29, v31;
	v62 =	vor.u32 v20, v41  }
0x127: {  	v57 =	vor.u32 v20, v43;
	v63 =	vadd.s32 s28, v29;
	v14 =	vld.idx.msk [tilespmem:v14+s12+$0x0], $0xffff;
	[tilespmem:v55+s13+$0x0] =	vst.idx.msk $0xffff, v8  }
0x128: {  	v58 =	vor.u32 v20, v44;
	v8 =	vadd.s32 s23, v29;
	v2 =	vld.idx.msk [tilespmem:v2+s12+$0x0], $0xffff;
	[tilespmem:v10+s13+$0x0] =	vst.idx.msk $0xffff, v4  }
0x129: {  	v4 =	vadd.s32 s24, v29;
	v10 =	vor.u32 v20, v45;
	v7 =	vld.idx.msk [tilespmem:v7+s12+$0x0], $0xffff;
	[tilespmem:v49+s13+$0x0] =	vst.idx.msk $0xffff, v13  }
0x12a: {  	v59 =	vor.u32 v20, v46;
	[tilespmem:v52+s13+$0x0] =	vst.idx.msk $0xffff, v47;
	v13 =	vadd.s32 s25, v29;
	v47 =	vld.idx.msk [tilespmem:v60+s12+$0x0], $0xffff  }
0x12b: {  	v42 =	vor.u32 v24, v42;
	[tilespmem:v62+s13+$0x0] =	vst.idx.msk $0xffff, v50;
	v60 =	vld.idx.msk [tilespmem:v61+s12+$0x0], $0xffff;
	v61 =	vadd.s32 s22, v29  }
0x12c: {  	[tilespmem:v57+s13+$0x0] =	vst.idx.msk $0xffff, v14;
	v62 =	vadd.s32 s26, v30;
	v51 =	vld.idx.msk [tilespmem:v63+s12+$0x0], $0xffff;
	v63 =	vor.u32 v22, v41  }
0x12d: {  	v14 =	vadd.s32 s28, v30;
	v57 =	vor.u32 v22, v43;
	v8 =	vld.idx.msk [tilespmem:v8+s12+$0x0], $0xffff;
	[tilespmem:v58+s13+$0x0] =	vst.idx.msk $0xffff, v2  }
0x12e: {  	v2 =	vadd.s32 s23, v30;
	v58 =	vor.u32 v22, v44;
	v4 =	vld.idx.msk [tilespmem:v4+s12+$0x0], $0xffff;
	[tilespmem:v10+s13+$0x0] =	vst.idx.msk $0xffff, v7  }
0x12f: {  	v7 =	vadd.s32 s24, v30;
	v10 =	vld.idx.msk [tilespmem:v13+s12+$0x0], $0xffff;
	v13 =	vor.u32 v22, v45;
	[tilespmem:v59+s13+$0x0] =	vst.idx.msk $0xffff, v47  }
0x130: {  	v48 =	vor.u32 v22, v46;
	[tilespmem:v42+s13+$0x0] =	vst.idx.msk $0xffff, v60;
	v59 =	vadd.s32 s25, v30;
	v47 =	vld.idx.msk [tilespmem:v61+s12+$0x0], $0xffff  }
0x131: {  	v49 =	vld.idx.msk [tilespmem:v62+s12+$0x0], $0xffff;
	v60 =	vor.u32 v23, v40;
	[tilespmem:v63+s13+$0x0] =	vst.idx.msk $0xffff, v51;
	v61 =	vadd.s32 s22, v30  }
0x132: {  	[tilespmem:v57+s13+$0x0] =	vst.idx.msk $0xffff, v8;
	v62 =	vadd.s32 s26, v31;
	v63 =	vor.u32 v23, v41;
	v14 =	vld.idx.msk [tilespmem:v14+s12+$0x0], $0xffff  }
0x133: {  	v8 =	vadd.s32 s28, v31;
	v57 =	vor.u32 v23, v43;
	v2 =	vld.idx.msk [tilespmem:v2+s12+$0x0], $0xffff;
	[tilespmem:v58+s13+$0x0] =	vst.idx.msk $0xffff, v4  }
0x134: {  	v4 =	vadd.s32 s23, v31;
	v58 =	vor.u32 v23, v44;
	v7 =	vld.idx.msk [tilespmem:v7+s12+$0x0], $0xffff;
	[tilespmem:v13+s13+$0x0] =	vst.idx.msk $0xffff, v10  }
0x135: {  	v10 =	vadd.s32 s24, v31;
	v13 =	vld.idx.msk [tilespmem:v59+s12+$0x0], $0xffff;
	v59 =	vor.u32 v23, v45;
	[tilespmem:v48+s13+$0x0] =	vst.idx.msk $0xffff, v47  }
0x136: {  	[tilespmem:v60+s13+$0x0] =	vst.idx.msk $0xffff, v49;
	v60 =	vadd.s32 s25, v31;
	v48 =	vld.idx.msk [tilespmem:v61+s12+$0x0], $0xffff;
	v61 =	vor.u32 v23, v46  }
0x137: {  	v50 =	vld.idx.msk [tilespmem:v62+s12+$0x0], $0xffff;
	v62 =	vor.u32 v24, v40;
	[tilespmem:v63+s13+$0x0] =	vst.idx.msk $0xffff, v14;
	v14 =	vadd.s32 s22, v31  }
0x138: {  	v63 =	vor.u32 v24, v41;
	[tilespmem:v57+s13+$0x0] =	vst.idx.msk $0xffff, v2;
	v8 =	vld.idx.msk [tilespmem:v8+s12+$0x0], $0xffff  }
0x139: {  	v2 =	vld.idx.msk [tilespmem:v4+s12+$0x0], $0xffff;
	v4 =	vor.u32 v24, v43;
	[tilespmem:v58+s13+$0x0] =	vst.idx.msk $0xffff, v7  }
0x13a: {  	v7 =	vld.idx.msk [tilespmem:v10+s12+$0x0], $0xffff;
	v10 =	vor.u32 v24, v44;
	[tilespmem:v59+s13+$0x0] =	vst.idx.msk $0xffff, v13  }
0x13b: {  	v47 =	vor.u32 v24, v45;
	v13 =	vld.idx.msk [tilespmem:v60+s12+$0x0], $0xffff;
	[tilespmem:v61+s13+$0x0] =	vst.idx.msk $0xffff, v48  }
0x13c: {  	v51 =	vor.u32 v24, v46;
	[tilespmem:v62+s13+$0x0] =	vst.idx.msk $0xffff, v50;
	v14 =	vld.idx.msk [tilespmem:v14+s12+$0x0], $0xffff  }
0x13d: {  	s0 =	sadd.s32 s16, s21;
	[tilespmem:v63+s13+$0x0] =	vst.idx.msk $0xffff, v8  }
0x13e: {  	s1 =	sshll.u32 s0, $0xB;
	s0 =	sshll.u32 s0, $0x7;
	[tilespmem:v4+s13+$0x0] =	vst.idx.msk $0xffff, v2  }
0x13f: {  	s3 =	simm.s32 $0x0;
	s1 =	sand.u32 $0xFFC0000, s1;
	s0 =	sand.u32 $0x3F00, s0;
	[tilespmem:v10+s13+$0x0] =	vst.idx.msk $0xffff, v7  }
0x140: {  	s30 =	rddreg [dreg:$0x1];
	s4 =	simm.s32 $0x400;
	s22 =	sor.u32 s0, s1;
	[tilespmem:v47+s13+$0x0] =	vst.idx.msk $0xffff, v13  }
0x141: {  	s5 =	simm.s32 $0x20000;
	s31 =	simm.s32 $0x3;
	s0 =	sadd.s32 s30, s22;
	v2 =	vadd.s32 s3, v32;
	[tilespmem:v51+s13+$0x0] =	vst.idx.msk $0xffff, v14  }
0x142: {  	[hbm4b:s0+s4] =	stream.strided.scatter [tilespmem:s13], [sflag:$0x3], $0x2000, s5, s4, $0x38;
	[tilespmem:$0x10100] =	vst v63  }
0x143: {  	_ =	swait.ge [sflag:s31], $0x2000  }
0x144: {  	v4 =	vmov s3;
	[sflag:s31] =	ssyncset.done $0x0  }
0x145: {  	v46 =	vshll.u32 v4, $0x7;
	[sflag:s31] =	ssyncadd.s32 $0xFFFFE000  }
0x146: {  	v4 =	vor.u32 v0, v46;
	v2 =	vld.idx.msk [tilespmem:v2+s12+$0x0], $0xffff  }
0x147: {  	s26 =	simm.s32 $0x1;
	v7 =	vadd.s32 s3, v33  }
0x148: {  	v8 =	vadd.s32 s26, v32;
	_ =	sdelay $0x2  }
0x149: {  	[tilespmem:v4+s17+$0x0] =	vst.idx.msk $0xffff, v2;
	v2 =	vmov s26  }
0x14a: {  	v4 =	vld.idx.msk [tilespmem:v7+s12+$0x0], $0xffff;
	v42 =	vshll.u32 v2, $0x7;
	v2 =	vor.u32 v17, v46  }
0x14b: {  	v10 =	vadd.s32 s3, v34;
	v7 =	vld.idx.msk [tilespmem:v8+s12+$0x0], $0xffff;
	v8 =	vor.u32 v0, v42  }
0x14c: {  	s23 =	simm.s32 $0x2;
	v13 =	vadd.s32 s26, v33  }
0x14d: {  	v14 =	vadd.s32 s23, v32;
	_ =	sdelay $0x1  }
0x14e: {  	[tilespmem:v2+s17+$0x0] =	vst.idx.msk $0xffff, v4  }
0x14f: {  	v4 =	vmov s23;
	[tilespmem:v8+s17+$0x0] =	vst.idx.msk $0xffff, v7;
	v2 =	vld.idx.msk [tilespmem:v10+s12+$0x0], $0xffff;
	v7 =	vor.u32 v18, v46  }
0x150: {  	v40 =	vshll.u32 v4, $0x7;
	v4 =	vor.u32 v17, v42;
	v10 =	vadd.s32 s3, v35;
	v8 =	vld.idx.msk [tilespmem:v13+s12+$0x0], $0xffff  }
0x151: {  	v52 =	vadd.s32 s26, v34;
	v13 =	vld.idx.msk [tilespmem:v14+s12+$0x0], $0xffff;
	v14 =	vor.u32 v0, v40  }
0x152: {  	v53 =	vadd.s32 s23, v33;
	s24 =	simm.s32 $0x3  }
0x153: {  	v54 =	vadd.s32 s24, v32  }
0x154: {  	[tilespmem:v7+s17+$0x0] =	vst.idx.msk $0xffff, v2  }
0x155: {  	[tilespmem:v4+s17+$0x0] =	vst.idx.msk $0xffff, v8;
	v2 =	vld.idx.msk [tilespmem:v10+s12+$0x0], $0xffff;
	v4 =	vor.u32 v19, v46  }
0x156: {  	[tilespmem:v14+s17+$0x0] =	vst.idx.msk $0xffff, v13;
	v8 =	vmov s24;
	v10 =	vor.u32 v18, v42;
	v13 =	vadd.s32 s3, v36;
	v7 =	vld.idx.msk [tilespmem:v52+s12+$0x0], $0xffff  }
0x157: {  	v55 =	vadd.s32 s26, v35;
	v14 =	vld.idx.msk [tilespmem:v53+s12+$0x0], $0xffff;
	v41 =	vshll.u32 v8, $0x7;
	v8 =	vor.u32 v17, v40  }
0x158: {  	v57 =	vadd.s32 s23, v34;
	v44 =	vld.idx.msk [tilespmem:v54+s12+$0x0], $0xffff;
	v56 =	vor.u32 v0, v41  }
0x159: {  	s25 =	simm.s32 $0x4;
	v58 =	vadd.s32 s24, v33  }
0x15a: {  	v59 =	vadd.s32 s25, v32;
	[tilespmem:v4+s17+$0x0] =	vst.idx.msk $0xffff, v2  }
0x15b: {  	v4 =	vor.u32 v20, v46;
	[tilespmem:v10+s17+$0x0] =	vst.idx.msk $0xffff, v7;
	v2 =	vld.idx.msk [tilespmem:v13+s12+$0x0], $0xffff  }
0x15c: {  	[tilespmem:v8+s17+$0x0] =	vst.idx.msk $0xffff, v14;
	v8 =	vor.u32 v19, v42;
	v10 =	vadd.s32 s3, v37;
	v7 =	vld.idx.msk [tilespmem:v55+s12+$0x0], $0xffff  }
0x15d: {  	v61 =	vadd.s32 s26, v36;
	v60 =	vor.u32 v18, v40;
	v14 =	vmov s25;
	[tilespmem:v56+s17+$0x0] =	vst.idx.msk $0xffff, v44;
	v13 =	vld.idx.msk [tilespmem:v57+s12+$0x0], $0xffff  }
0x15e: {  	v63 =	vadd.s32 s23, v35;
	v43 =	vshll.u32 v14, $0x7;
	v14 =	vor.u32 v17, v41;
	v62 =	vld.idx.msk [tilespmem:v58+s12+$0x0], $0xffff  }
0x15f: {  	v49 =	vld.idx.msk [tilespmem:v59+s12+$0x0], $0xffff;
	v57 =	vadd.s32 s24, v34;
	v56 =	vor.u32 v0, v43  }
0x160: {  	s2 =	simm.s32 $0x5;
	v58 =	vadd.s32 s25, v33;
	[tilespmem:v4+s17+$0x0] =	vst.idx.msk $0xffff, v2  }
0x161: {  	v2 =	vadd.s32 s2, v32;
	[tilespmem:v8+s17+$0x0] =	vst.idx.msk $0xffff, v7;
	v4 =	vld.idx.msk [tilespmem:v10+s12+$0x0], $0xffff;
	v7 =	vor.u32 v22, v46  }
0x162: {  	[tilespmem:v60+s17+$0x0] =	vst.idx.msk $0xffff, v13;
	v10 =	vor.u32 v20, v42;
	v13 =	vadd.s32 s3, v38;
	v8 =	vld.idx.msk [tilespmem:v61+s12+$0x0], $0xffff  }
0x163: {  	v47 =	vadd.s32 s26, v37;
	v45 =	vor.u32 v19, v40;
	[tilespmem:v14+s17+$0x0] =	vst.idx.msk $0xffff, v62;
	v14 =	vld.idx.msk [tilespmem:v63+s12+$0x0], $0xffff  }
0x164: {  	v59 =	vmov s2;
	v60 =	vor.u32 v18, v41;
	[tilespmem:v56+s17+$0x0] =	vst.idx.msk $0xffff, v49;
	v61 =	vadd.s32 s23, v36;
	v48 =	vld.idx.msk [tilespmem:v57+s12+$0x0], $0xffff  }
0x165: {  	v44 =	vshll.u32 v59, $0x7;
	v63 =	vor.u32 v17, v43;
	v62 =	vld.idx.msk [tilespmem:v58+s12+$0x0], $0xffff;
	v57 =	vadd.s32 s24, v35  }
0x166: {  	v59 =	vadd.s32 s25, v34;
	v58 =	vor.u32 v0, v44;
	v2 =	vld.idx.msk [tilespmem:v2+s12+$0x0], $0xffff;
	[tilespmem:v7+s17+$0x0] =	vst.idx.msk $0xffff, v4  }
0x167: {  	s0 =	simm.s32 $0x6;
	v4 =	vadd.s32 s2, v33;
	[tilespmem:v10+s17+$0x0] =	vst.idx.msk $0xffff, v8;
	v7 =	vld.idx.msk [tilespmem:v13+s12+$0x0], $0xffff  }
0x168: {  	v8 =	vadd.s32 s0, v32;
	[tilespmem:v45+s17+$0x0] =	vst.idx.msk $0xffff, v14;
	v13 =	vor.u32 v23, v46;
	v10 =	vld.idx.msk [tilespmem:v47+s12+$0x0], $0xffff  }
0x169: {  	[tilespmem:v60+s17+$0x0] =	vst.idx.msk $0xffff, v48;
	v14 =	vld.idx.msk [tilespmem:v61+s12+$0x0], $0xffff;
	v47 =	vor.u32 v22, v42;
	v48 =	vadd.s32 s3, v39  }
0x16a: {  	v52 =	vor.u32 v20, v40;
	[tilespmem:v63+s17+$0x0] =	vst.idx.msk $0xffff, v62;
	v61 =	vadd.s32 s26, v38;
	v53 =	vld.idx.msk [tilespmem:v57+s12+$0x0], $0xffff  }
0x16b: {  	v63 =	vadd.s32 s23, v37;
	v51 =	vld.idx.msk [tilespmem:v59+s12+$0x0], $0xffff;
	[tilespmem:v58+s17+$0x0] =	vst.idx.msk $0xffff, v2;
	v2 =	vor.u32 v19, v41  }
0x16c: {  	v50 =	vadd.s32 s24, v36;
	v54 =	vor.u32 v18, v43;
	v62 =	vmov s0;
	v55 =	vld.idx.msk [tilespmem:v4+s12+$0x0], $0xffff  }
0x16d: {  	v56 =	vadd.s32 s25, v35;
	v45 =	vshll.u32 v62, $0x7;
	v58 =	vor.u32 v17, v44;
	v57 =	vld.idx.msk [tilespmem:v8+s12+$0x0], $0xffff;
	[tilespmem:v13+s17+$0x0] =	vst.idx.msk $0xffff, v7  }
0x16e: {  	v59 =	vadd.s32 s2, v34;
	v60 =	vor.u32 v0, v45;
	[tilespmem:v47+s17+$0x0] =	vst.idx.msk $0xffff, v10;
	v49 =	vld.idx.msk [tilespmem:v48+s12+$0x0], $0xffff  }
0x16f: {  	s3 =	simm.s32 $0x7;
	[tilespmem:v52+s17+$0x0] =	vst.idx.msk $0xffff, v14;
	v52 =	vor.u32 v24, v46;
	v48 =	vld.idx.msk [tilespmem:v61+s12+$0x0], $0xffff;
	v61 =	vadd.s32 s0, v33  }
0x170: {  	s1 =	simm.s32 $0x8;
	v62 =	vadd.s32 s3, v32;
	v47 =	vld.idx.msk [tilespmem:v63+s12+$0x0], $0xffff;
	[tilespmem:v2+s17+$0x0] =	vst.idx.msk $0xffff, v53;
	v53 =	vor.u32 v23, v42  }
.LBB2_8:
0x171: {  	p0 =	seq.s32 s1, $0x3F;
	[tilespmem:v54+s17+$0x0] =	vst.idx.msk $0xffff, v51;
	v2 =	vld.idx.msk [tilespmem:v50+s12+$0x0], $0xffff;
	v4 =	vor.u32 v22, v40;
	v7 =	vadd.s32 s26, v39;
	v8 =	vmov v41;
	s26 =	smov.u32 s23;
	s23 =	smov.u32 s24  }
0x172: {  	v41 =	vmov v43;
	s24 =	smov.u32 s25;
	s25 =	smov.u32 s2;
	s2 =	smov.u32 s0;
	[tilespmem:v58+s17+$0x0] =	vst.idx.msk $0xffff, v55;
	v10 =	vld.idx.msk [tilespmem:v56+s12+$0x0], $0xffff;
	v13 =	vor.u32 v20, v8;
	v14 =	vadd.s32 s26, v38  }
0x173: {  	v43 =	vmov v44;
	s0 =	smov.u32 s3;
	s3 =	smov.u32 s1;
	v46 =	vor.u32 v19, v41;
	v63 =	vadd.s32 s23, v37;
	[tilespmem:v60+s17+$0x0] =	vst.idx.msk $0xffff, v57;
	v51 =	vld.idx.msk [tilespmem:v59+s12+$0x0], $0xffff  }
.Ltmp7:
0x174: {  	v44 =	vmovc v45;
	v56 =	vmov s0;
	v54 =	vor.u32 v18, v43;
	v50 =	vadd.s32 s24, v36;
	v55 =	vld.idx.msk [tilespmem:v61+s12+$0x0], $0xffff;
	[tilespmem:v52+s17+$0x0] =	vst.idx.msk $0xffff, v49;
	(pc) =	sbr.rel @!p0 .LBB2_8-.Ltmp7, $4  }
0x175: {  	v58 =	vor.u32 v17, v44;
	v45 =	vshll.u32 v56, $0x7;
	v56 =	vadd.s32 s25, v35;
	v57 =	vld.idx.msk [tilespmem:v62+s12+$0x0], $0xffff;
	[tilespmem:v53+s17+$0x0] =	vst.idx.msk $0xffff, v48  }
0x176: {  	v59 =	vadd.s32 s2, v34;
	v60 =	vor.u32 v0, v45;
	[tilespmem:v4+s17+$0x0] =	vst.idx.msk $0xffff, v47;
	v49 =	vld.idx.msk [tilespmem:v7+s12+$0x0], $0xffff  }
0x177: {  	v61 =	vadd.s32 s0, v33;
	v52 =	vor.u32 v24, v42;
	v42 =	vmov v40;
	[tilespmem:v13+s17+$0x0] =	vst.idx.msk $0xffff, v2;
	v48 =	vld.idx.msk [tilespmem:v14+s12+$0x0], $0xffff  }
0x178: {  	s1 =	sadd.s32 $0x1, s1;
	v40 =	vmov v8;
	v62 =	vadd.s32 s3, v32;
	v53 =	vor.u32 v23, v42;
	[tilespmem:v46+s17+$0x0] =	vst.idx.msk $0xffff, v10;
	v47 =	vld.idx.msk [tilespmem:v63+s12+$0x0], $0xffff  }
0x179: {  	_ =	sdelay $0x1  }
0x17a: {  	v2 =	vmov s3  }
0x17b: {  	v46 =	vshll.u32 v2, $0x7  }
0x17c: {  	v2 =	vld.idx.msk [tilespmem:v62+s12+$0x0], $0xffff;
	v4 =	vor.u32 v0, v46  }
0x17d: {  	v7 =	vadd.s32 s3, v33;
	_ =	sdelay $0x2  }
0x17e: {  	[tilespmem:v60+s17+$0x0] =	vst.idx.msk $0xffff, v57  }
0x17f: {  	v10 =	vor.u32 v17, v45;
	v8 =	vld.idx.msk [tilespmem:v61+s12+$0x0], $0xffff;
	[tilespmem:v4+s17+$0x0] =	vst.idx.msk $0xffff, v2  }
0x180: {  	v2 =	vadd.s32 s0, v34;
	v4 =	vld.idx.msk [tilespmem:v7+s12+$0x0], $0xffff;
	v7 =	vor.u32 v17, v46  }
0x181: {  	v13 =	vadd.s32 s3, v34;
	_ =	sdelay $0x1  }
0x182: {  	[tilespmem:v58+s17+$0x0] =	vst.idx.msk $0xffff, v55  }
0x183: {  	v14 =	vld.idx.msk [tilespmem:v59+s12+$0x0], $0xffff;
	v60 =	vor.u32 v18, v44;
	[tilespmem:v10+s17+$0x0] =	vst.idx.msk $0xffff, v8  }
0x184: {  	v8 =	vadd.s32 s2, v35;
	v10 =	vor.u32 v18, v45;
	v2 =	vld.idx.msk [tilespmem:v2+s12+$0x0], $0xffff;
	[tilespmem:v7+s17+$0x0] =	vst.idx.msk $0xffff, v4  }
0x185: {  	v4 =	vadd.s32 s0, v35;
	v7 =	vld.idx.msk [tilespmem:v13+s12+$0x0], $0xffff;
	v13 =	vor.u32 v18, v46  }
0x186: {  	v61 =	vadd.s32 s3, v35  }
0x187: {  	[tilespmem:v54+s17+$0x0] =	vst.idx.msk $0xffff, v51  }
0x188: {  	v51 =	vld.idx.msk [tilespmem:v56+s12+$0x0], $0xffff;
	v62 =	vor.u32 v19, v43;
	[tilespmem:v60+s17+$0x0] =	vst.idx.msk $0xffff, v14  }
0x189: {  	v63 =	vor.u32 v19, v44;
	v14 =	vadd.s32 s25, v36;
	v8 =	vld.idx.msk [tilespmem:v8+s12+$0x0], $0xffff;
	[tilespmem:v10+s17+$0x0] =	vst.idx.msk $0xffff, v2  }
0x18a: {  	v2 =	vadd.s32 s2, v36;
	v10 =	vor.u32 v19, v45;
	v4 =	vld.idx.msk [tilespmem:v4+s12+$0x0], $0xffff;
	[tilespmem:v13+s17+$0x0] =	vst.idx.msk $0xffff, v7  }
0x18b: {  	[tilespmem:v52+s17+$0x0] =	vst.idx.msk $0xffff, v49;
	v49 =	vor.u32 v19, v46;
	v7 =	vadd.s32 s0, v36;
	v13 =	vld.idx.msk [tilespmem:v61+s12+$0x0], $0xffff  }
0x18c: {  	v52 =	vor.u32 v22, v40;
	[tilespmem:v53+s17+$0x0] =	vst.idx.msk $0xffff, v48;
	v48 =	vadd.s32 s3, v36  }
0x18d: {  	v50 =	vld.idx.msk [tilespmem:v50+s12+$0x0], $0xffff;
	v53 =	vadd.s32 s26, v39;
	v60 =	vor.u32 v20, v41;
	[tilespmem:v62+s17+$0x0] =	vst.idx.msk $0xffff, v51  }
0x18e: {  	v62 =	vor.u32 v20, v43;
	v14 =	vld.idx.msk [tilespmem:v14+s12+$0x0], $0xffff;
	[tilespmem:v63+s17+$0x0] =	vst.idx.msk $0xffff, v8;
	v61 =	vadd.s32 s24, v37  }
0x18f: {  	v8 =	vadd.s32 s25, v37;
	v63 =	vor.u32 v20, v44;
	v2 =	vld.idx.msk [tilespmem:v2+s12+$0x0], $0xffff;
	[tilespmem:v10+s17+$0x0] =	vst.idx.msk $0xffff, v4  }
0x190: {  	v4 =	vadd.s32 s2, v37;
	v10 =	vor.u32 v20, v45;
	v7 =	vld.idx.msk [tilespmem:v7+s12+$0x0], $0xffff;
	[tilespmem:v49+s17+$0x0] =	vst.idx.msk $0xffff, v13  }
0x191: {  	v57 =	vor.u32 v20, v46;
	[tilespmem:v52+s17+$0x0] =	vst.idx.msk $0xffff, v47;
	v13 =	vadd.s32 s0, v37;
	v47 =	vld.idx.msk [tilespmem:v48+s12+$0x0], $0xffff  }
0x192: {  	v42 =	vor.u32 v24, v42;
	v59 =	vadd.s32 s3, v37;
	v58 =	vld.idx.msk [tilespmem:v53+s12+$0x0], $0xffff;
	[tilespmem:v60+s17+$0x0] =	vst.idx.msk $0xffff, v50  }
0x193: {  	v60 =	vadd.s32 s23, v38;
	[tilespmem:v62+s17+$0x0] =	vst.idx.msk $0xffff, v14;
	v51 =	vld.idx.msk [tilespmem:v61+s12+$0x0], $0xffff;
	v61 =	vor.u32 v22, v41  }
0x194: {  	v14 =	vadd.s32 s24, v38;
	v62 =	vor.u32 v22, v43;
	v8 =	vld.idx.msk [tilespmem:v8+s12+$0x0], $0xffff;
	[tilespmem:v63+s17+$0x0] =	vst.idx.msk $0xffff, v2  }
0x195: {  	v2 =	vadd.s32 s25, v38;
	v63 =	vor.u32 v22, v44;
	v4 =	vld.idx.msk [tilespmem:v4+s12+$0x0], $0xffff;
	[tilespmem:v10+s17+$0x0] =	vst.idx.msk $0xffff, v7  }
0x196: {  	v7 =	vadd.s32 s2, v38;
	v10 =	vld.idx.msk [tilespmem:v13+s12+$0x0], $0xffff;
	v13 =	vor.u32 v22, v45;
	[tilespmem:v57+s17+$0x0] =	vst.idx.msk $0xffff, v47  }
0x197: {  	[tilespmem:v42+s17+$0x0] =	vst.idx.msk $0xffff, v58;
	v48 =	vor.u32 v22, v46;
	v57 =	vadd.s32 s0, v38;
	v47 =	vld.idx.msk [tilespmem:v59+s12+$0x0], $0xffff  }
0x198: {  	v58 =	vor.u32 v23, v40;
	v49 =	vld.idx.msk [tilespmem:v60+s12+$0x0], $0xffff;
	[tilespmem:v61+s17+$0x0] =	vst.idx.msk $0xffff, v51;
	v59 =	vadd.s32 s3, v38  }
0x199: {  	v60 =	vadd.s32 s23, v39;
	[tilespmem:v62+s17+$0x0] =	vst.idx.msk $0xffff, v8;
	v61 =	vor.u32 v23, v41;
	v14 =	vld.idx.msk [tilespmem:v14+s12+$0x0], $0xffff  }
0x19a: {  	v8 =	vadd.s32 s24, v39;
	v62 =	vor.u32 v23, v43;
	v2 =	vld.idx.msk [tilespmem:v2+s12+$0x0], $0xffff;
	[tilespmem:v63+s17+$0x0] =	vst.idx.msk $0xffff, v4  }
0x19b: {  	v4 =	vadd.s32 s25, v39;
	v63 =	vor.u32 v23, v44;
	v7 =	vld.idx.msk [tilespmem:v7+s12+$0x0], $0xffff;
	[tilespmem:v13+s17+$0x0] =	vst.idx.msk $0xffff, v10  }
0x19c: {  	v10 =	vadd.s32 s2, v39;
	v13 =	vld.idx.msk [tilespmem:v57+s12+$0x0], $0xffff;
	v57 =	vor.u32 v23, v45;
	[tilespmem:v48+s17+$0x0] =	vst.idx.msk $0xffff, v47  }
0x19d: {  	[tilespmem:v58+s17+$0x0] =	vst.idx.msk $0xffff, v49;
	v58 =	vadd.s32 s0, v39;
	v48 =	vld.idx.msk [tilespmem:v59+s12+$0x0], $0xffff;
	v59 =	vor.u32 v23, v46  }
0x19e: {  	v50 =	vld.idx.msk [tilespmem:v60+s12+$0x0], $0xffff;
	v60 =	vor.u32 v24, v40;
	[tilespmem:v61+s17+$0x0] =	vst.idx.msk $0xffff, v14;
	v14 =	vadd.s32 s3, v39  }
0x19f: {  	v61 =	vor.u32 v24, v41;
	v8 =	vld.idx.msk [tilespmem:v8+s12+$0x0], $0xffff;
	[tilespmem:v62+s17+$0x0] =	vst.idx.msk $0xffff, v2  }
0x1a0: {  	v2 =	vld.idx.msk [tilespmem:v4+s12+$0x0], $0xffff;
	v4 =	vor.u32 v24, v43;
	[tilespmem:v63+s17+$0x0] =	vst.idx.msk $0xffff, v7  }
0x1a1: {  	v7 =	vld.idx.msk [tilespmem:v10+s12+$0x0], $0xffff;
	v10 =	vor.u32 v24, v44;
	[tilespmem:v57+s17+$0x0] =	vst.idx.msk $0xffff, v13  }
0x1a2: {  	v62 =	vor.u32 v24, v45;
	v13 =	vld.idx.msk [tilespmem:v58+s12+$0x0], $0xffff;
	[tilespmem:v59+s17+$0x0] =	vst.idx.msk $0xffff, v48  }
0x1a3: {  	[tilespmem:v60+s17+$0x0] =	vst.idx.msk $0xffff, v50;
	v63 =	vor.u32 v24, v46;
	v14 =	vld.idx.msk [tilespmem:v14+s12+$0x0], $0xffff  }
.Ltmp8:
0x1a4: {  	[tilespmem:v61+s17+$0x0] =	vst.idx.msk $0xffff, v8;
	(pc) =	sbr.rel .LBB2_17-.Ltmp8, $4  }
0x1a5: {  	[tilespmem:v4+s17+$0x0] =	vst.idx.msk $0xffff, v2  }
0x1a6: {  	[tilespmem:v10+s17+$0x0] =	vst.idx.msk $0xffff, v7  }
0x1a7: {  	[tilespmem:v62+s17+$0x0] =	vst.idx.msk $0xffff, v13  }
0x1a8: {  	[tilespmem:v63+s17+$0x0] =	vst.idx.msk $0xffff, v14  }
.LBB2_10:
0x1a9: {  	p0 =	seq.s32 s21, $0x27;
	s0 =	rddreg [dreg:$0x4]  }
0x1aa: {  	s0 =	sadd.s32 @!p0 s21, s0  }
0x1ab: {  	s1 =	sshll.u32 @!p0 s0, $0x7  }
0x1ac: {  	s1 =	sand.u32 @!p0 $0x3F00, s1  }
0x1ad: {  	v2 =	vmov @!p0 s1  }
0x1ae: {  	v2 =	vmul.u32 @!p0 $0xA, v2  }
0x1af: {  	s0 =	sshrl.u32 @!p0 s0, $0x7  }
0x1b0: {  	s25 =	simm.s32 $0x2;
	v4 =	vlaneseq.u32 @!p0;
	v2 =	vadd.s32 @!p0 s0, v2  }
0x1b1: {  	_ =	swait.ge [sflag:s25], $0x4000;
	v4 =	vmul.u32 @!p0 $0xA, v4;
	v2 =	vbroadcast @!p0 v2, $0x0  }
0x1b2: {  	[sflag:s25] =	ssyncset.done $0x0  }
0x1b3: {  	[sflag:s25] =	ssyncadd.s32 $0xFFFFC000;
	v8 =	vadd.s32 @!p0 $0xA0, v4;
	v7 =	vadd.s32 @!p0 v4, v2  }
0x1b4: {  	[tilespmem:$0x0] =	vst @!p0 v7;
	v7 =	vadd.s32 @!p0 v8, v2;
	v8 =	vadd.s32 @!p0 $0x140, v4  }
0x1b5: {  	[tilespmem:$0x10] =	vst @!p0 v7;
	v7 =	vadd.s32 @!p0 v8, v2;
	v8 =	vadd.s32 @!p0 $0x1E0, v4  }
0x1b6: {  	[tilespmem:$0x20] =	vst @!p0 v7;
	v7 =	vadd.s32 @!p0 v8, v2;
	v8 =	vadd.s32 @!p0 $0x280, v4  }
0x1b7: {  	s26 =	simm.s32 $0x0;
	[tilespmem:$0x30] =	vst @!p0 v7;
	v7 =	vadd.s32 @!p0 v8, v2;
	v8 =	vadd.s32 @!p0 $0x320, v4  }
0x1b8: {  	v10 =	vor.u32 s26, v0;
	[tilespmem:$0x40] =	vst @!p0 v7;
	v7 =	vadd.s32 @!p0 v8, v2;
	v8 =	vadd.s32 @!p0 $0x3C0, v4  }
0x1b9: {  	v4 =	vadd.s32 @!p0 $0x460, v4;
	[tilespmem:$0x50] =	vst @!p0 v7;
	v7 =	vadd.s32 @!p0 v8, v2  }
0x1ba: {  	v2 =	vadd.s32 @!p0 v4, v2;
	[tilespmem:$0x60] =	vst @!p0 v7  }
0x1bb: {  	s2 =	simm.s32 @!p0 $0x80;
	s0 =	simm.s32 @!p0 $0x0;
	[tilespmem:$0x70] =	vst @!p0 v2  }
0x1bc: {  	[tilespmem:s2], [sflag:$0x1] =	stream.indirect.gather @!p0 [hbm4b:s18+s2], $0x80, s0, s2, $0xb8;
	[tilespmem:$0x10100] =	vst v63  }
0x1bd: {  	v2 =	vld.idx.msk [tilespmem:v10+s11+$0x0], $0xffff  }
0x1be: {  	s10 =	simm.s32 $0x80;
	v4 =	vor.u32 s26, v17  }
0x1bf: {  	v7 =	vor.u32 s10, v0;
	_ =	sdelay $0x1  }
0x1c0: {  	s14 =	simm.s32 $0xC0C0  }
0x1c1: {  	[tilespmem:s14+$0xFFFFFFC0] =	vst v2  }
0x1c2: {  	v2 =	vld.idx.msk [tilespmem:v4+s11+$0x0], $0xffff  }
0x1c3: {  	v4 =	vld.idx.msk [tilespmem:v7+s11+$0x0], $0xffff;
	v7 =	vor.u32 s26, v18  }
0x1c4: {  	v8 =	vor.u32 s10, v17;
	s0 =	simm.s32 $0x100  }
0x1c5: {  	v10 =	vor.u32 s0, v0;
	_ =	sdelay $0x1  }
0x1c6: {  	s20 =	simm.s32 $0xC141;
	[tilespmem:s14+$0xFFFFFFD0] =	vst v2  }
0x1c7: {  	[tilespmem:s20+$0xFFFFFFC0] =	vst v4;
	v2 =	vld.idx.msk [tilespmem:v7+s11+$0x0], $0xffff  }
0x1c8: {  	v4 =	vld.idx.msk [tilespmem:v8+s11+$0x0], $0xffff;
	v7 =	vor.u32 s26, v19  }
0x1c9: {  	v8 =	vld.idx.msk [tilespmem:v10+s11+$0x0], $0xffff;
	v10 =	vor.u32 s10, v18  }
0x1ca: {  	s8 =	simm.s32 $0x180;
	v13 =	vor.u32 s0, v17  }
0x1cb: {  	v14 =	vor.u32 s8, v0  }
0x1cc: {  	s6 =	simm.s32 $0x200;
	[tilespmem:s14+$0xFFFFFFE0] =	vst v2  }
0x1cd: {  	v41 =	vor.u32 s6, v0;
	s2 =	simm.s32 $0xC1C2;
	[tilespmem:s20+$0xFFFFFFD0] =	vst v4;
	v2 =	vld.idx.msk [tilespmem:v7+s11+$0x0], $0xffff  }
0x1ce: {  	[tilespmem:s2+$0xFFFFFFC0] =	vst v8;
	v4 =	vld.idx.msk [tilespmem:v10+s11+$0x0], $0xffff;
	v7 =	vor.u32 s26, v20  }
0x1cf: {  	v8 =	vld.idx.msk [tilespmem:v13+s11+$0x0], $0xffff;
	v10 =	vor.u32 s10, v19  }
0x1d0: {  	v13 =	vld.idx.msk [tilespmem:v14+s11+$0x0], $0xffff;
	v14 =	vor.u32 s0, v18  }
0x1d1: {  	v40 =	vor.u32 s8, v17  }
0x1d2: {  	v59 =	vld.idx.msk [tilespmem:v41+s11+$0x0], $0xffff;
	[tilespmem:s14+$0xFFFFFFF0] =	vst v2  }
0x1d3: {  	v42 =	vor.u32 s6, v17;
	[tilespmem:s20+$0xFFFFFFE0] =	vst v4;
	v2 =	vld.idx.msk [tilespmem:v7+s11+$0x0], $0xffff  }
0x1d4: {  	s4 =	simm.s32 $0xC243;
	[tilespmem:s2+$0xFFFFFFD0] =	vst v8;
	v4 =	vld.idx.msk [tilespmem:v10+s11+$0x0], $0xffff;
	v7 =	vor.u32 s26, v22  }
0x1d5: {  	[tilespmem:s4+$0xFFFFFFC0] =	vst v13;
	v8 =	vld.idx.msk [tilespmem:v14+s11+$0x0], $0xffff;
	v10 =	vor.u32 s10, v20  }
0x1d6: {  	s3 =	simm.s32 $0xC2C4;
	v13 =	vld.idx.msk [tilespmem:v40+s11+$0x0], $0xffff;
	v14 =	vor.u32 s0, v19  }
0x1d7: {  	v60 =	vor.u32 s8, v18;
	[tilespmem:s3+$0xFFFFFFC0] =	vst v59  }
0x1d8: {  	s19 =	simm.s32 $0x280;
	v62 =	vld.idx.msk [tilespmem:v42+s11+$0x0], $0xffff;
	[tilespmem:s14+$0x0] =	vst v2  }
0x1d9: {  	v2 =	vor.u32 s19, v0;
	[tilespmem:s20+$0xFFFFFFF0] =	vst v4;
	v4 =	vld.idx.msk [tilespmem:v7+s11+$0x0], $0xffff  }
0x1da: {  	v43 =	vor.u32 s6, v18;
	[tilespmem:s2+$0xFFFFFFE0] =	vst v8;
	v7 =	vld.idx.msk [tilespmem:v10+s11+$0x0], $0xffff  }
0x1db: {  	v8 =	vor.u32 s26, v23;
	[tilespmem:s4+$0xFFFFFFD0] =	vst v13;
	v10 =	vld.idx.msk [tilespmem:v14+s11+$0x0], $0xffff  }
0x1dc: {  	v13 =	vor.u32 s10, v22;
	v14 =	vld.idx.msk [tilespmem:v60+s11+$0x0], $0xffff  }
0x1dd: {  	v61 =	vor.u32 s0, v20;
	[tilespmem:s3+$0xFFFFFFD0] =	vst v62  }
0x1de: {  	v63 =	vor.u32 s8, v19;
	v2 =	vld.idx.msk [tilespmem:v2+s11+$0x0], $0xffff;
	[tilespmem:s14+$0x10] =	vst v4  }
0x1df: {  	s15 =	simm.s32 $0x300;
	v42 =	vld.idx.msk [tilespmem:v43+s11+$0x0], $0xffff;
	v4 =	vor.u32 s19, v17;
	[tilespmem:s20+$0x0] =	vst v7  }
0x1e0: {  	[tilespmem:s2+$0xFFFFFFF0] =	vst v10;
	v7 =	vld.idx.msk [tilespmem:v8+s11+$0x0], $0xffff;
	v8 =	vor.u32 s15, v0  }
0x1e1: {  	[tilespmem:s4+$0xFFFFFFE0] =	vst v14;
	v14 =	vor.u32 s26, v24;
	v10 =	vld.idx.msk [tilespmem:v13+s11+$0x0], $0xffff  }
0x1e2: {  	s7 =	simm.s32 $0xC345;
	v44 =	vor.u32 s10, v23;
	v13 =	vld.idx.msk [tilespmem:v61+s11+$0x0], $0xffff  }
0x1e3: {  	s22 =	sadd.s32 s16, s21;
	v41 =	vor.u32 s0, v22;
	v40 =	vld.idx.msk [tilespmem:v63+s11+$0x0], $0xffff;
	[tilespmem:s7+$0xFFFFFFC0] =	vst v2  }
0x1e4: {  	s31 =	simm.s32 $0x0;
	s30 =	simm.s32 $0x1;
	s28 =	simm.s32 $0x2;
	v43 =	vor.u32 s8, v20;
	v45 =	vld.idx.msk [tilespmem:v4+s11+$0x0], $0xffff  }
0x1e5: {  	s29 =	simm.s32 $0x3;
	s24 =	simm.s32 $0x4;
	s23 =	simm.s32 $0x7;
	v46 =	vor.u32 s6, v19;
	v48 =	vld.idx.msk [tilespmem:v8+s11+$0x0], $0xffff;
	[tilespmem:s14+$0x20] =	vst v7  }
0x1e6: {  	s5 =	simm.s32 $0x380;
	v49 =	vor.u32 s19, v18;
	s25 =	simm.s32 $0x5;
	s1 =	simm.s32 $0xC345;
	[tilespmem:s20+$0x10] =	vst v10;
	v47 =	vld.idx.msk [tilespmem:v14+s11+$0x0], $0xffff  }
0x1e7: {  	v50 =	vor.u32 s15, v17;
	s18 =	smov.u32 s16;
	s16 =	simm.s32 $0x8;
	s26 =	simm.s32 $0x6;
	[tilespmem:s2+$0x0] =	vst v13;
	v44 =	vld.idx.msk [tilespmem:v44+s11+$0x0], $0xffff  }
.LBB2_11:
0x1e8: {  	p0 =	sne.s32 s16, $0x7F;
	v2 =	vor.u32 s5, v0;
	[tilespmem:s4+$0xFFFFFFF0] =	vst v40;
	v4 =	vld.idx.msk [tilespmem:v41+s11+$0x0], $0xffff  }
0x1e9: {  	v8 =	vor.u32 s10, v24;
	s10 =	smov.u32 s0;
	s0 =	smov.u32 s8;
	s8 =	smov.u32 s6;
	[tilespmem:s3+$0xFFFFFFE0] =	vst v42;
	v7 =	vld.idx.msk [tilespmem:v43+s11+$0x0], $0xffff  }
0x1ea: {  	s1 =	sadd.s32 $0x81, s1;
	s6 =	smov.u32 s19;
	s19 =	smov.u32 s15;
	v10 =	vor.u32 s10, v23;
	[tilespmem:s7+$0xFFFFFFD0] =	vst v45;
	v40 =	vld.idx.msk [tilespmem:v46+s11+$0x0], $0xffff  }
.Ltmp9:
0x1eb: {  	s15 =	smov.u32 s5;
	v41 =	vor.u32 s0, v22;
	[tilespmem:s1+$0xFFFFFFC0] =	vst v48;
	v42 =	vld.idx.msk [tilespmem:v49+s11+$0x0], $0xffff;
	(pc) =	sbr.rel @p0 .LBB2_11-.Ltmp9, $4  }
0x1ec: {  	v43 =	vor.u32 s8, v20;
	v45 =	vld.idx.msk [tilespmem:v50+s11+$0x0], $0xffff;
	[tilespmem:s14+$0x30] =	vst v47;
	s14 =	smov.u32 s20;
	s20 =	smov.u32 s2;
	s2 =	smov.u32 s4  }
0x1ed: {  	v46 =	vor.u32 s6, v19;
	s4 =	smov.u32 s3;
	s3 =	smov.u32 s7;
	s7 =	smov.u32 s1;
	v48 =	vld.idx.msk [tilespmem:v2+s11+$0x0], $0xffff;
	[tilespmem:s14+$0x20] =	vst v44  }
0x1ee: {  	v49 =	vor.u32 s19, v18;
	[tilespmem:s20+$0x10] =	vst v4;
	v47 =	vld.idx.msk [tilespmem:v8+s11+$0x0], $0xffff  }
0x1ef: {  	s5 =	sshll.u32 s16, $0x7;
	s16 =	sadd.s32 $0x1, s16;
	v50 =	vor.u32 s15, v17;
	[tilespmem:s2+$0x0] =	vst v7;
	v44 =	vld.idx.msk [tilespmem:v10+s11+$0x0], $0xffff  }
0x1f0: {  	v2 =	vor.u32 s5, v0;
	_ =	sdelay $0x4  }
0x1f1: {  	v2 =	vld.idx.msk [tilespmem:v2+s11+$0x0], $0xffff  }
0x1f2: {  	v4 =	vor.u32 s5, v17;
	_ =	sdelay $0x1  }
0x1f3: {  	s16 =	sadd.s32 $0x81, s1  }
0x1f4: {  	s1 =	sadd.s32 $0x81, s16;
	[tilespmem:s16+$0xFFFFFFC0] =	vst v48  }
0x1f5: {  	v7 =	vld.idx.msk [tilespmem:v50+s11+$0x0], $0xffff;
	[tilespmem:s1+$0xFFFFFFC0] =	vst v2  }
0x1f6: {  	v2 =	vor.u32 s15, v18;
	v4 =	vld.idx.msk [tilespmem:v4+s11+$0x0], $0xffff  }
0x1f7: {  	v8 =	vor.u32 s5, v18;
	_ =	sdelay $0x1  }
0x1f8: {  	[tilespmem:s7+$0xFFFFFFD0] =	vst v45  }
0x1f9: {  	v10 =	vld.idx.msk [tilespmem:v49+s11+$0x0], $0xffff;
	[tilespmem:s16+$0xFFFFFFD0] =	vst v7  }
0x1fa: {  	v7 =	vor.u32 s19, v19;
	v2 =	vld.idx.msk [tilespmem:v2+s11+$0x0], $0xffff;
	[tilespmem:s1+$0xFFFFFFD0] =	vst v4  }
0x1fb: {  	v4 =	vor.u32 s15, v19;
	v8 =	vld.idx.msk [tilespmem:v8+s11+$0x0], $0xffff  }
0x1fc: {  	v13 =	vor.u32 s5, v19;
	[tilespmem:s3+$0xFFFFFFE0] =	vst v42  }
0x1fd: {  	[tilespmem:s4+$0xFFFFFFF0] =	vst v40  }
0x1fe: {  	v14 =	vld.idx.msk [tilespmem:v46+s11+$0x0], $0xffff;
	[tilespmem:s7+$0xFFFFFFE0] =	vst v10  }
0x1ff: {  	v10 =	vor.u32 s6, v20;
	v7 =	vld.idx.msk [tilespmem:v7+s11+$0x0], $0xffff;
	[tilespmem:s16+$0xFFFFFFE0] =	vst v2  }
0x200: {  	v2 =	vor.u32 s19, v20;
	v4 =	vld.idx.msk [tilespmem:v4+s11+$0x0], $0xffff;
	[tilespmem:s1+$0xFFFFFFE0] =	vst v8  }
0x201: {  	[tilespmem:s14+$0x30] =	vst v47;
	v8 =	vor.u32 s15, v20;
	v13 =	vld.idx.msk [tilespmem:v13+s11+$0x0], $0xffff  }
0x202: {  	v63 =	vld.idx.msk [tilespmem:v41+s11+$0x0], $0xffff;
	v45 =	vor.u32 s5, v20;
	[tilespmem:s20+$0x20] =	vst v44  }
0x203: {  	v51 =	vor.u32 s0, v23;
	v46 =	vld.idx.msk [tilespmem:v43+s11+$0x0], $0xffff;
	[tilespmem:s3+$0xFFFFFFF0] =	vst v14  }
0x204: {  	v14 =	vor.u32 s8, v22;
	v10 =	vld.idx.msk [tilespmem:v10+s11+$0x0], $0xffff;
	[tilespmem:s7+$0xFFFFFFF0] =	vst v7  }
0x205: {  	v7 =	vor.u32 s6, v22;
	v2 =	vld.idx.msk [tilespmem:v2+s11+$0x0], $0xffff;
	[tilespmem:s16+$0xFFFFFFF0] =	vst v4  }
0x206: {  	v4 =	vor.u32 s19, v22;
	v8 =	vld.idx.msk [tilespmem:v8+s11+$0x0], $0xffff;
	[tilespmem:s1+$0xFFFFFFF0] =	vst v13  }
0x207: {  	[tilespmem:s2+$0x10] =	vst v63;
	v13 =	vor.u32 s15, v22;
	v48 =	vld.idx.msk [tilespmem:v45+s11+$0x0], $0xffff  }
0x208: {  	v50 =	vor.u32 s5, v22;
	[tilespmem:s4+$0x0] =	vst v46;
	v54 =	vld.idx.msk [tilespmem:v51+s11+$0x0], $0xffff  }
0x209: {  	v47 =	vor.u32 s10, v24;
	v14 =	vld.idx.msk [tilespmem:v14+s11+$0x0], $0xffff;
	[tilespmem:s3+$0x0] =	vst v10  }
0x20a: {  	v10 =	vor.u32 s8, v23;
	v7 =	vld.idx.msk [tilespmem:v7+s11+$0x0], $0xffff;
	[tilespmem:s7+$0x0] =	vst v2  }
0x20b: {  	v2 =	vor.u32 s6, v23;
	v4 =	vld.idx.msk [tilespmem:v4+s11+$0x0], $0xffff;
	[tilespmem:s16+$0x0] =	vst v8  }
0x20c: {  	v8 =	vor.u32 s19, v23;
	v13 =	vld.idx.msk [tilespmem:v13+s11+$0x0], $0xffff;
	[tilespmem:s1+$0x0] =	vst v48  }
0x20d: {  	v52 =	vor.u32 s15, v23;
	[tilespmem:s2+$0x20] =	vst v54;
	v53 =	vld.idx.msk [tilespmem:v50+s11+$0x0], $0xffff  }
0x20e: {  	v49 =	vld.idx.msk [tilespmem:v47+s11+$0x0], $0xffff;
	[tilespmem:s4+$0x10] =	vst v14;
	v14 =	vor.u32 s5, v23  }
0x20f: {  	v55 =	vor.u32 s0, v24;
	v10 =	vld.idx.msk [tilespmem:v10+s11+$0x0], $0xffff;
	[tilespmem:s3+$0x10] =	vst v7  }
0x210: {  	v7 =	vor.u32 s8, v24;
	v2 =	vld.idx.msk [tilespmem:v2+s11+$0x0], $0xffff;
	[tilespmem:s7+$0x10] =	vst v4  }
0x211: {  	v4 =	vor.u32 s6, v24;
	v8 =	vld.idx.msk [tilespmem:v8+s11+$0x0], $0xffff;
	[tilespmem:s16+$0x10] =	vst v13  }
0x212: {  	v13 =	vor.u32 s19, v24;
	v40 =	vld.idx.msk [tilespmem:v52+s11+$0x0], $0xffff;
	[tilespmem:s1+$0x10] =	vst v53  }
0x213: {  	v56 =	vor.u32 s15, v24;
	[tilespmem:s20+$0x30] =	vst v49;
	v14 =	vld.idx.msk [tilespmem:v14+s11+$0x0], $0xffff  }
0x214: {  	v42 =	vld.idx.msk [tilespmem:v55+s11+$0x0], $0xffff;
	[tilespmem:s4+$0x20] =	vst v10;
	v10 =	vor.u32 s5, v24  }
0x215: {  	v7 =	vld.idx.msk [tilespmem:v7+s11+$0x0], $0xffff;
	[tilespmem:s3+$0x20] =	vst v2  }
0x216: {  	v2 =	vld.idx.msk [tilespmem:v4+s11+$0x0], $0xffff;
	[tilespmem:s7+$0x20] =	vst v8  }
0x217: {  	v4 =	vld.idx.msk [tilespmem:v13+s11+$0x0], $0xffff;
	[tilespmem:s16+$0x20] =	vst v40  }
0x218: {  	v8 =	vld.idx.msk [tilespmem:v56+s11+$0x0], $0xffff;
	[tilespmem:s1+$0x20] =	vst v14  }
0x219: {  	[tilespmem:s2+$0x30] =	vst v42;
	v10 =	vld.idx.msk [tilespmem:v10+s11+$0x0], $0xffff  }
0x21a: {  	[tilespmem:s4+$0x30] =	vst v7;
	v7 =	vadd.s32 s31, v21  }
0x21b: {  	[tilespmem:s3+$0x30] =	vst v2  }
0x21c: {  	[tilespmem:s7+$0x30] =	vst v4  }
0x21d: {  	v2 =	vmov s31;
	[tilespmem:s16+$0x30] =	vst v8  }
0x21e: {  	v2 =	vshll.u32 v2, $0x7;
	[tilespmem:s1+$0x30] =	vst v10  }
0x21f: {  	v4 =	vld.idx.msk [tilespmem:v7+s12+$0x0], $0xffff;
	v7 =	vor.u32 v0, v2  }
0x220: {  	v8 =	vadd.s32 s31, v25  }
0x221: {  	v10 =	vadd.s32 s30, v21;
	_ =	sdelay $0x2  }
0x222: {  	[tilespmem:v7+s13+$0x0] =	vst.idx.msk $0xffff, v4;
	v4 =	vmov s30  }
0x223: {  	v7 =	vld.idx.msk [tilespmem:v8+s12+$0x0], $0xffff;
	v42 =	vshll.u32 v4, $0x7;
	v4 =	vor.u32 v17, v2  }
0x224: {  	v13 =	vadd.s32 s31, v26;
	v8 =	vld.idx.msk [tilespmem:v10+s12+$0x0], $0xffff;
	v10 =	vor.u32 v0, v42  }
0x225: {  	v14 =	vadd.s32 s30, v25  }
0x226: {  	v57 =	vadd.s32 s28, v21;
	_ =	sdelay $0x1  }
0x227: {  	[tilespmem:v4+s13+$0x0] =	vst.idx.msk $0xffff, v7  }
0x228: {  	v7 =	vmov s28;
	[tilespmem:v10+s13+$0x0] =	vst.idx.msk $0xffff, v8;
	v4 =	vld.idx.msk [tilespmem:v13+s12+$0x0], $0xffff;
	v8 =	vor.u32 v18, v2  }
0x229: {  	v40 =	vshll.u32 v7, $0x7;
	v7 =	vor.u32 v17, v42;
	v13 =	vadd.s32 s31, v27;
	v10 =	vld.idx.msk [tilespmem:v14+s12+$0x0], $0xffff  }
0x22a: {  	v59 =	vadd.s32 s30, v26;
	v14 =	vld.idx.msk [tilespmem:v57+s12+$0x0], $0xffff;
	v58 =	vor.u32 v0, v40  }
0x22b: {  	v60 =	vadd.s32 s28, v25  }
0x22c: {  	v61 =	vadd.s32 s29, v21  }
0x22d: {  	[tilespmem:v8+s13+$0x0] =	vst.idx.msk $0xffff, v4  }
0x22e: {  	v55 =	vadd.s32 s24, v21;
	[tilespmem:v7+s13+$0x0] =	vst.idx.msk $0xffff, v10;
	v4 =	vld.idx.msk [tilespmem:v13+s12+$0x0], $0xffff;
	v7 =	vor.u32 v19, v2  }
0x22f: {  	[tilespmem:v58+s13+$0x0] =	vst.idx.msk $0xffff, v14;
	v10 =	vmov s29;
	v13 =	vor.u32 v18, v42;
	v14 =	vadd.s32 s31, v28;
	v8 =	vld.idx.msk [tilespmem:v59+s12+$0x0], $0xffff  }
0x230: {  	v63 =	vadd.s32 s30, v27;
	v62 =	vld.idx.msk [tilespmem:v60+s12+$0x0], $0xffff;
	v41 =	vshll.u32 v10, $0x7;
	v10 =	vor.u32 v17, v40  }
0x231: {  	v53 =	vadd.s32 s28, v26;
	v56 =	vmov s24;
	v45 =	vld.idx.msk [tilespmem:v61+s12+$0x0], $0xffff;
	v52 =	vor.u32 v0, v41  }
0x232: {  	v54 =	vadd.s32 s29, v25;
	v43 =	vshll.u32 v56, $0x7  }
0x233: {  	v49 =	vld.idx.msk [tilespmem:v55+s12+$0x0], $0xffff;
	v61 =	vor.u32 v0, v43;
	[tilespmem:v7+s13+$0x0] =	vst.idx.msk $0xffff, v4  }
0x234: {  	v7 =	vor.u32 v20, v2;
	[tilespmem:v13+s13+$0x0] =	vst.idx.msk $0xffff, v8;
	v4 =	vld.idx.msk [tilespmem:v14+s12+$0x0], $0xffff  }
0x235: {  	[tilespmem:v10+s13+$0x0] =	vst.idx.msk $0xffff, v62;
	v10 =	vor.u32 v19, v42;
	v13 =	vadd.s32 s31, v29;
	v8 =	vld.idx.msk [tilespmem:v63+s12+$0x0], $0xffff  }
0x236: {  	v57 =	vor.u32 v18, v40;
	v58 =	vadd.s32 s30, v28;
	[tilespmem:v52+s13+$0x0] =	vst.idx.msk $0xffff, v45;
	v14 =	vld.idx.msk [tilespmem:v53+s12+$0x0], $0xffff  }
0x237: {  	v60 =	vadd.s32 s28, v27;
	v59 =	vor.u32 v17, v41;
	v46 =	vld.idx.msk [tilespmem:v54+s12+$0x0], $0xffff  }
0x238: {  	[tilespmem:v61+s13+$0x0] =	vst.idx.msk $0xffff, v49;
	v52 =	vadd.s32 s24, v25  }
0x239: {  	v51 =	vadd.s32 s29, v26;
	[tilespmem:v7+s13+$0x0] =	vst.idx.msk $0xffff, v4  }
0x23a: {  	v4 =	vadd.s32 s25, v21;
	[tilespmem:v10+s13+$0x0] =	vst.idx.msk $0xffff, v8;
	v7 =	vld.idx.msk [tilespmem:v13+s12+$0x0], $0xffff;
	v8 =	vor.u32 v22, v2  }
0x23b: {  	[tilespmem:v57+s13+$0x0] =	vst.idx.msk $0xffff, v14;
	v13 =	vor.u32 v20, v42;
	v14 =	vadd.s32 s31, v30;
	v10 =	vld.idx.msk [tilespmem:v58+s12+$0x0], $0xffff  }
0x23c: {  	v62 =	vadd.s32 s30, v29;
	[tilespmem:v59+s13+$0x0] =	vst.idx.msk $0xffff, v46;
	v45 =	vld.idx.msk [tilespmem:v60+s12+$0x0], $0xffff;
	v46 =	vor.u32 v19, v40  }
0x23d: {  	v61 =	vor.u32 v17, v43;
	v57 =	vmov s25;
	v59 =	vadd.s32 s28, v28;
	v60 =	vld.idx.msk [tilespmem:v52+s12+$0x0], $0xffff  }
0x23e: {  	v55 =	vadd.s32 s24, v26;
	v58 =	vor.u32 v18, v41;
	v44 =	vshll.u32 v57, $0x7;
	v63 =	vld.idx.msk [tilespmem:v51+s12+$0x0], $0xffff  }
0x23f: {  	v53 =	vadd.s32 s29, v27;
	v54 =	vor.u32 v0, v44;
	v4 =	vld.idx.msk [tilespmem:v4+s12+$0x0], $0xffff;
	[tilespmem:v8+s13+$0x0] =	vst.idx.msk $0xffff, v7  }
0x240: {  	v7 =	vadd.s32 s25, v25;
	[tilespmem:v13+s13+$0x0] =	vst.idx.msk $0xffff, v10;
	v8 =	vld.idx.msk [tilespmem:v14+s12+$0x0], $0xffff  }
0x241: {  	v10 =	vadd.s32 s26, v21;
	[tilespmem:v46+s13+$0x0] =	vst.idx.msk $0xffff, v45;
	v14 =	vor.u32 v23, v2;
	v13 =	vld.idx.msk [tilespmem:v62+s12+$0x0], $0xffff  }
0x242: {  	v48 =	vadd.s32 s31, v31;
	v47 =	vor.u32 v22, v42;
	[tilespmem:v61+s13+$0x0] =	vst.idx.msk $0xffff, v60;
	v46 =	vld.idx.msk [tilespmem:v59+s12+$0x0], $0xffff  }
0x243: {  	v52 =	vor.u32 v20, v40;
	v61 =	vadd.s32 s30, v30;
	[tilespmem:v58+s13+$0x0] =	vst.idx.msk $0xffff, v63;
	v51 =	vld.idx.msk [tilespmem:v55+s12+$0x0], $0xffff  }
0x244: {  	v63 =	vadd.s32 s28, v29;
	v53 =	vld.idx.msk [tilespmem:v53+s12+$0x0], $0xffff;
	[tilespmem:v54+s13+$0x0] =	vst.idx.msk $0xffff, v4;
	v4 =	vor.u32 v19, v41  }
0x245: {  	v50 =	vadd.s32 s29, v28;
	v62 =	vmov s26;
	v54 =	vor.u32 v18, v43;
	v55 =	vld.idx.msk [tilespmem:v7+s12+$0x0], $0xffff  }
0x246: {  	v56 =	vadd.s32 s24, v27;
	v59 =	vor.u32 v17, v44;
	v45 =	vshll.u32 v62, $0x7;
	v57 =	vld.idx.msk [tilespmem:v10+s12+$0x0], $0xffff;
	[tilespmem:v14+s13+$0x0] =	vst.idx.msk $0xffff, v8  }
0x247: {  	v58 =	vadd.s32 s25, v26;
	v60 =	vor.u32 v0, v45;
	[tilespmem:v47+s13+$0x0] =	vst.idx.msk $0xffff, v13;
	v49 =	vld.idx.msk [tilespmem:v48+s12+$0x0], $0xffff  }
0x248: {  	[tilespmem:v52+s13+$0x0] =	vst.idx.msk $0xffff, v46;
	v52 =	vor.u32 v24, v2;
	v48 =	vld.idx.msk [tilespmem:v61+s12+$0x0], $0xffff;
	v61 =	vadd.s32 s26, v25  }
0x249: {  	s0 =	simm.s32 $0x8;
	v62 =	vadd.s32 s23, v21;
	v47 =	vld.idx.msk [tilespmem:v63+s12+$0x0], $0xffff;
	[tilespmem:v4+s13+$0x0] =	vst.idx.msk $0xffff, v53;
	v53 =	vor.u32 v23, v42  }
.LBB2_13:
0x24a: {  	p0 =	sne.s32 s0, $0x3F;
	[tilespmem:v54+s13+$0x0] =	vst.idx.msk $0xffff, v51;
	v2 =	vld.idx.msk [tilespmem:v50+s12+$0x0], $0xffff;
	v4 =	vor.u32 v22, v40;
	v7 =	vadd.s32 s30, v31;
	v8 =	vmov v41;
	s30 =	smov.u32 s28;
	s28 =	smov.u32 s29  }
0x24b: {  	v41 =	vmov v43;
	s29 =	smov.u32 s24;
	s24 =	smov.u32 s25;
	s25 =	smov.u32 s26;
	[tilespmem:v59+s13+$0x0] =	vst.idx.msk $0xffff, v55;
	v10 =	vld.idx.msk [tilespmem:v56+s12+$0x0], $0xffff;
	v13 =	vor.u32 v20, v8;
	v14 =	vadd.s32 s30, v30  }
0x24c: {  	v43 =	vmov v44;
	s26 =	smov.u32 s23;
	s23 =	smov.u32 s0;
	v46 =	vor.u32 v19, v41;
	v63 =	vadd.s32 s28, v29;
	[tilespmem:v60+s13+$0x0] =	vst.idx.msk $0xffff, v57;
	v51 =	vld.idx.msk [tilespmem:v58+s12+$0x0], $0xffff  }
.Ltmp10:
0x24d: {  	v44 =	vmovc v45;
	v56 =	vmov s26;
	v54 =	vor.u32 v18, v43;
	v50 =	vadd.s32 s29, v28;
	v55 =	vld.idx.msk [tilespmem:v61+s12+$0x0], $0xffff;
	[tilespmem:v52+s13+$0x0] =	vst.idx.msk $0xffff, v49;
	(pc) =	sbr.rel @p0 .LBB2_13-.Ltmp10, $4  }
0x24e: {  	v59 =	vor.u32 v17, v44;
	v45 =	vshll.u32 v56, $0x7;
	v56 =	vadd.s32 s24, v27;
	v57 =	vld.idx.msk [tilespmem:v62+s12+$0x0], $0xffff;
	[tilespmem:v53+s13+$0x0] =	vst.idx.msk $0xffff, v48  }
0x24f: {  	v58 =	vadd.s32 s25, v26;
	v60 =	vor.u32 v0, v45;
	[tilespmem:v4+s13+$0x0] =	vst.idx.msk $0xffff, v47;
	v49 =	vld.idx.msk [tilespmem:v7+s12+$0x0], $0xffff  }
0x250: {  	v61 =	vadd.s32 s26, v25;
	v52 =	vor.u32 v24, v42;
	v42 =	vmov v40;
	[tilespmem:v13+s13+$0x0] =	vst.idx.msk $0xffff, v2;
	v48 =	vld.idx.msk [tilespmem:v14+s12+$0x0], $0xffff  }
0x251: {  	s0 =	sadd.s32 $0x1, s0;
	v40 =	vmov v8;
	v62 =	vadd.s32 s23, v21;
	v53 =	vor.u32 v23, v42;
	[tilespmem:v46+s13+$0x0] =	vst.idx.msk $0xffff, v10;
	v47 =	vld.idx.msk [tilespmem:v63+s12+$0x0], $0xffff  }
0x252: {  	_ =	sdelay $0x1  }
0x253: {  	v2 =	vmov s23  }
0x254: {  	v46 =	vshll.u32 v2, $0x7  }
0x255: {  	v2 =	vld.idx.msk [tilespmem:v62+s12+$0x0], $0xffff;
	v4 =	vor.u32 v0, v46  }
0x256: {  	v7 =	vadd.s32 s23, v25;
	_ =	sdelay $0x2  }
0x257: {  	[tilespmem:v60+s13+$0x0] =	vst.idx.msk $0xffff, v57  }
0x258: {  	v10 =	vor.u32 v17, v45;
	v8 =	vld.idx.msk [tilespmem:v61+s12+$0x0], $0xffff;
	[tilespmem:v4+s13+$0x0] =	vst.idx.msk $0xffff, v2  }
0x259: {  	v2 =	vadd.s32 s26, v26;
	v4 =	vld.idx.msk [tilespmem:v7+s12+$0x0], $0xffff;
	v7 =	vor.u32 v17, v46  }
0x25a: {  	v13 =	vadd.s32 s23, v26;
	_ =	sdelay $0x1  }
0x25b: {  	[tilespmem:v59+s13+$0x0] =	vst.idx.msk $0xffff, v55  }
0x25c: {  	v14 =	vld.idx.msk [tilespmem:v58+s12+$0x0], $0xffff;
	v61 =	vor.u32 v18, v44;
	[tilespmem:v10+s13+$0x0] =	vst.idx.msk $0xffff, v8  }
0x25d: {  	v8 =	vadd.s32 s25, v27;
	v10 =	vor.u32 v18, v45;
	v2 =	vld.idx.msk [tilespmem:v2+s12+$0x0], $0xffff;
	[tilespmem:v7+s13+$0x0] =	vst.idx.msk $0xffff, v4  }
0x25e: {  	v4 =	vadd.s32 s26, v27;
	v7 =	vld.idx.msk [tilespmem:v13+s12+$0x0], $0xffff;
	v13 =	vor.u32 v18, v46  }
0x25f: {  	v62 =	vadd.s32 s23, v27  }
0x260: {  	[tilespmem:v54+s13+$0x0] =	vst.idx.msk $0xffff, v51  }
0x261: {  	v63 =	vor.u32 v19, v43;
	v51 =	vld.idx.msk [tilespmem:v56+s12+$0x0], $0xffff;
	[tilespmem:v61+s13+$0x0] =	vst.idx.msk $0xffff, v14  }
0x262: {  	v55 =	vor.u32 v19, v44;
	v14 =	vadd.s32 s24, v28;
	v8 =	vld.idx.msk [tilespmem:v8+s12+$0x0], $0xffff;
	[tilespmem:v10+s13+$0x0] =	vst.idx.msk $0xffff, v2  }
0x263: {  	v2 =	vadd.s32 s25, v28;
	v10 =	vor.u32 v19, v45;
	v4 =	vld.idx.msk [tilespmem:v4+s12+$0x0], $0xffff;
	[tilespmem:v13+s13+$0x0] =	vst.idx.msk $0xffff, v7  }
0x264: {  	[tilespmem:v52+s13+$0x0] =	vst.idx.msk $0xffff, v49;
	v49 =	vor.u32 v19, v46;
	v7 =	vadd.s32 s26, v28;
	v13 =	vld.idx.msk [tilespmem:v62+s12+$0x0], $0xffff  }
0x265: {  	v60 =	vadd.s32 s23, v28;
	v52 =	vor.u32 v22, v40;
	[tilespmem:v53+s13+$0x0] =	vst.idx.msk $0xffff, v48  }
0x266: {  	v50 =	vld.idx.msk [tilespmem:v50+s12+$0x0], $0xffff;
	[tilespmem:v63+s13+$0x0] =	vst.idx.msk $0xffff, v51;
	v61 =	vadd.s32 s30, v31;
	v62 =	vor.u32 v20, v41  }
0x267: {  	v57 =	vor.u32 v20, v43;
	v63 =	vadd.s32 s29, v29;
	v14 =	vld.idx.msk [tilespmem:v14+s12+$0x0], $0xffff;
	[tilespmem:v55+s13+$0x0] =	vst.idx.msk $0xffff, v8  }
0x268: {  	v58 =	vor.u32 v20, v44;
	v8 =	vadd.s32 s24, v29;
	v2 =	vld.idx.msk [tilespmem:v2+s12+$0x0], $0xffff;
	[tilespmem:v10+s13+$0x0] =	vst.idx.msk $0xffff, v4  }
0x269: {  	v4 =	vadd.s32 s25, v29;
	v10 =	vor.u32 v20, v45;
	v7 =	vld.idx.msk [tilespmem:v7+s12+$0x0], $0xffff;
	[tilespmem:v49+s13+$0x0] =	vst.idx.msk $0xffff, v13  }
0x26a: {  	v59 =	vor.u32 v20, v46;
	[tilespmem:v52+s13+$0x0] =	vst.idx.msk $0xffff, v47;
	v13 =	vadd.s32 s26, v29;
	v47 =	vld.idx.msk [tilespmem:v60+s12+$0x0], $0xffff  }
0x26b: {  	v42 =	vor.u32 v24, v42;
	[tilespmem:v62+s13+$0x0] =	vst.idx.msk $0xffff, v50;
	v60 =	vld.idx.msk [tilespmem:v61+s12+$0x0], $0xffff;
	v61 =	vadd.s32 s23, v29  }
0x26c: {  	[tilespmem:v57+s13+$0x0] =	vst.idx.msk $0xffff, v14;
	v62 =	vadd.s32 s28, v30;
	v51 =	vld.idx.msk [tilespmem:v63+s12+$0x0], $0xffff;
	v63 =	vor.u32 v22, v41  }
0x26d: {  	v14 =	vadd.s32 s29, v30;
	v57 =	vor.u32 v22, v43;
	v8 =	vld.idx.msk [tilespmem:v8+s12+$0x0], $0xffff;
	[tilespmem:v58+s13+$0x0] =	vst.idx.msk $0xffff, v2  }
0x26e: {  	v2 =	vadd.s32 s24, v30;
	v58 =	vor.u32 v22, v44;
	v4 =	vld.idx.msk [tilespmem:v4+s12+$0x0], $0xffff;
	[tilespmem:v10+s13+$0x0] =	vst.idx.msk $0xffff, v7  }
0x26f: {  	v7 =	vadd.s32 s25, v30;
	v10 =	vld.idx.msk [tilespmem:v13+s12+$0x0], $0xffff;
	v13 =	vor.u32 v22, v45;
	[tilespmem:v59+s13+$0x0] =	vst.idx.msk $0xffff, v47  }
0x270: {  	v48 =	vor.u32 v22, v46;
	[tilespmem:v42+s13+$0x0] =	vst.idx.msk $0xffff, v60;
	v59 =	vadd.s32 s26, v30;
	v47 =	vld.idx.msk [tilespmem:v61+s12+$0x0], $0xffff  }
0x271: {  	v49 =	vld.idx.msk [tilespmem:v62+s12+$0x0], $0xffff;
	v60 =	vor.u32 v23, v40;
	[tilespmem:v63+s13+$0x0] =	vst.idx.msk $0xffff, v51;
	v61 =	vadd.s32 s23, v30  }
0x272: {  	[tilespmem:v57+s13+$0x0] =	vst.idx.msk $0xffff, v8;
	v62 =	vadd.s32 s28, v31;
	v63 =	vor.u32 v23, v41;
	v14 =	vld.idx.msk [tilespmem:v14+s12+$0x0], $0xffff  }
0x273: {  	v8 =	vadd.s32 s29, v31;
	v57 =	vor.u32 v23, v43;
	v2 =	vld.idx.msk [tilespmem:v2+s12+$0x0], $0xffff;
	[tilespmem:v58+s13+$0x0] =	vst.idx.msk $0xffff, v4  }
0x274: {  	v4 =	vadd.s32 s24, v31;
	v58 =	vor.u32 v23, v44;
	v7 =	vld.idx.msk [tilespmem:v7+s12+$0x0], $0xffff;
	[tilespmem:v13+s13+$0x0] =	vst.idx.msk $0xffff, v10  }
0x275: {  	v10 =	vadd.s32 s25, v31;
	v13 =	vld.idx.msk [tilespmem:v59+s12+$0x0], $0xffff;
	v59 =	vor.u32 v23, v45;
	[tilespmem:v48+s13+$0x0] =	vst.idx.msk $0xffff, v47  }
0x276: {  	[tilespmem:v60+s13+$0x0] =	vst.idx.msk $0xffff, v49;
	v60 =	vadd.s32 s26, v31;
	v48 =	vld.idx.msk [tilespmem:v61+s12+$0x0], $0xffff;
	v61 =	vor.u32 v23, v46  }
0x277: {  	v50 =	vld.idx.msk [tilespmem:v62+s12+$0x0], $0xffff;
	v62 =	vor.u32 v24, v40;
	[tilespmem:v63+s13+$0x0] =	vst.idx.msk $0xffff, v14;
	v14 =	vadd.s32 s23, v31  }
0x278: {  	v63 =	vor.u32 v24, v41;
	[tilespmem:v57+s13+$0x0] =	vst.idx.msk $0xffff, v2;
	v8 =	vld.idx.msk [tilespmem:v8+s12+$0x0], $0xffff  }
0x279: {  	v2 =	vld.idx.msk [tilespmem:v4+s12+$0x0], $0xffff;
	v4 =	vor.u32 v24, v43;
	[tilespmem:v58+s13+$0x0] =	vst.idx.msk $0xffff, v7  }
0x27a: {  	v7 =	vld.idx.msk [tilespmem:v10+s12+$0x0], $0xffff;
	v10 =	vor.u32 v24, v44;
	[tilespmem:v59+s13+$0x0] =	vst.idx.msk $0xffff, v13  }
0x27b: {  	v47 =	vor.u32 v24, v45;
	v13 =	vld.idx.msk [tilespmem:v60+s12+$0x0], $0xffff;
	[tilespmem:v61+s13+$0x0] =	vst.idx.msk $0xffff, v48  }
0x27c: {  	v51 =	vor.u32 v24, v46;
	[tilespmem:v62+s13+$0x0] =	vst.idx.msk $0xffff, v50;
	v14 =	vld.idx.msk [tilespmem:v14+s12+$0x0], $0xffff  }
0x27d: {  	[tilespmem:v63+s13+$0x0] =	vst.idx.msk $0xffff, v8  }
0x27e: {  	s0 =	sshll.u32 s22, $0xB;
	s1 =	sshll.u32 s22, $0x7;
	[tilespmem:v4+s13+$0x0] =	vst.idx.msk $0xffff, v2  }
0x27f: {  	s3 =	simm.s32 $0x0;
	s0 =	sand.u32 $0xFFC0000, s0;
	s1 =	sand.u32 $0x3F80, s1;
	[tilespmem:v10+s13+$0x0] =	vst.idx.msk $0xffff, v7  }
0x280: {  	s4 =	simm.s32 $0x400;
	s22 =	sor.u32 s1, s0;
	s30 =	rddreg [dreg:$0x1];
	[tilespmem:v47+s13+$0x0] =	vst.idx.msk $0xffff, v13  }
0x281: {  	s5 =	simm.s32 $0x20000;
	s31 =	simm.s32 $0x3;
	s0 =	sadd.s32 s30, s22;
	v2 =	vadd.s32 s3, v32;
	[tilespmem:v51+s13+$0x0] =	vst.idx.msk $0xffff, v14  }
0x282: {  	[hbm4b:s0+s4] =	stream.strided.scatter [tilespmem:s13], [sflag:$0x3], $0x2000, s5, s4, $0x38;
	[tilespmem:$0x10100] =	vst v63  }
0x283: {  	_ =	swait.ge [sflag:s31], $0x2000  }
0x284: {  	v4 =	vmov s3;
	[sflag:s31] =	ssyncset.done $0x0  }
0x285: {  	v46 =	vshll.u32 v4, $0x7;
	[sflag:s31] =	ssyncadd.s32 $0xFFFFE000  }
0x286: {  	v4 =	vor.u32 v0, v46;
	v2 =	vld.idx.msk [tilespmem:v2+s12+$0x0], $0xffff  }
0x287: {  	s26 =	simm.s32 $0x1;
	v7 =	vadd.s32 s3, v33  }
0x288: {  	v8 =	vadd.s32 s26, v32;
	_ =	sdelay $0x2  }
0x289: {  	[tilespmem:v4+s17+$0x0] =	vst.idx.msk $0xffff, v2;
	v2 =	vmov s26  }
0x28a: {  	v4 =	vld.idx.msk [tilespmem:v7+s12+$0x0], $0xffff;
	v42 =	vshll.u32 v2, $0x7;
	v2 =	vor.u32 v17, v46  }
0x28b: {  	v10 =	vadd.s32 s3, v34;
	v7 =	vld.idx.msk [tilespmem:v8+s12+$0x0], $0xffff;
	v8 =	vor.u32 v0, v42  }
0x28c: {  	s23 =	simm.s32 $0x2;
	v13 =	vadd.s32 s26, v33  }
0x28d: {  	v14 =	vadd.s32 s23, v32;
	_ =	sdelay $0x1  }
0x28e: {  	[tilespmem:v2+s17+$0x0] =	vst.idx.msk $0xffff, v4  }
0x28f: {  	v4 =	vmov s23;
	[tilespmem:v8+s17+$0x0] =	vst.idx.msk $0xffff, v7;
	v2 =	vld.idx.msk [tilespmem:v10+s12+$0x0], $0xffff;
	v7 =	vor.u32 v18, v46  }
0x290: {  	v40 =	vshll.u32 v4, $0x7;
	v4 =	vor.u32 v17, v42;
	v10 =	vadd.s32 s3, v35;
	v8 =	vld.idx.msk [tilespmem:v13+s12+$0x0], $0xffff  }
0x291: {  	v52 =	vadd.s32 s26, v34;
	v13 =	vld.idx.msk [tilespmem:v14+s12+$0x0], $0xffff;
	v14 =	vor.u32 v0, v40  }
0x292: {  	s24 =	simm.s32 $0x3;
	v53 =	vadd.s32 s23, v33  }
0x293: {  	v54 =	vadd.s32 s24, v32  }
0x294: {  	[tilespmem:v7+s17+$0x0] =	vst.idx.msk $0xffff, v2  }
0x295: {  	[tilespmem:v4+s17+$0x0] =	vst.idx.msk $0xffff, v8;
	v2 =	vld.idx.msk [tilespmem:v10+s12+$0x0], $0xffff;
	v4 =	vor.u32 v19, v46  }
0x296: {  	[tilespmem:v14+s17+$0x0] =	vst.idx.msk $0xffff, v13;
	v8 =	vmov s24;
	v10 =	vor.u32 v18, v42;
	v13 =	vadd.s32 s3, v36;
	v7 =	vld.idx.msk [tilespmem:v52+s12+$0x0], $0xffff  }
0x297: {  	v55 =	vadd.s32 s26, v35;
	v14 =	vld.idx.msk [tilespmem:v53+s12+$0x0], $0xffff;
	v41 =	vshll.u32 v8, $0x7;
	v8 =	vor.u32 v17, v40  }
0x298: {  	v57 =	vadd.s32 s23, v34;
	v44 =	vld.idx.msk [tilespmem:v54+s12+$0x0], $0xffff;
	v56 =	vor.u32 v0, v41  }
0x299: {  	s25 =	simm.s32 $0x4;
	v58 =	vadd.s32 s24, v33  }
0x29a: {  	v59 =	vadd.s32 s25, v32;
	[tilespmem:v4+s17+$0x0] =	vst.idx.msk $0xffff, v2  }
0x29b: {  	v4 =	vor.u32 v20, v46;
	[tilespmem:v10+s17+$0x0] =	vst.idx.msk $0xffff, v7;
	v2 =	vld.idx.msk [tilespmem:v13+s12+$0x0], $0xffff  }
0x29c: {  	[tilespmem:v8+s17+$0x0] =	vst.idx.msk $0xffff, v14;
	v8 =	vor.u32 v19, v42;
	v10 =	vadd.s32 s3, v37;
	v7 =	vld.idx.msk [tilespmem:v55+s12+$0x0], $0xffff  }
0x29d: {  	v61 =	vadd.s32 s26, v36;
	v60 =	vor.u32 v18, v40;
	v14 =	vmov s25;
	[tilespmem:v56+s17+$0x0] =	vst.idx.msk $0xffff, v44;
	v13 =	vld.idx.msk [tilespmem:v57+s12+$0x0], $0xffff  }
0x29e: {  	v63 =	vadd.s32 s23, v35;
	v43 =	vshll.u32 v14, $0x7;
	v14 =	vor.u32 v17, v41;
	v62 =	vld.idx.msk [tilespmem:v58+s12+$0x0], $0xffff  }
0x29f: {  	v49 =	vld.idx.msk [tilespmem:v59+s12+$0x0], $0xffff;
	v57 =	vadd.s32 s24, v34;
	v56 =	vor.u32 v0, v43  }
0x2a0: {  	s2 =	simm.s32 $0x5;
	v58 =	vadd.s32 s25, v33;
	[tilespmem:v4+s17+$0x0] =	vst.idx.msk $0xffff, v2  }
0x2a1: {  	v2 =	vadd.s32 s2, v32;
	[tilespmem:v8+s17+$0x0] =	vst.idx.msk $0xffff, v7;
	v4 =	vld.idx.msk [tilespmem:v10+s12+$0x0], $0xffff;
	v7 =	vor.u32 v22, v46  }
0x2a2: {  	[tilespmem:v60+s17+$0x0] =	vst.idx.msk $0xffff, v13;
	v10 =	vor.u32 v20, v42;
	v13 =	vadd.s32 s3, v38;
	v8 =	vld.idx.msk [tilespmem:v61+s12+$0x0], $0xffff  }
0x2a3: {  	v47 =	vadd.s32 s26, v37;
	v45 =	vor.u32 v19, v40;
	[tilespmem:v14+s17+$0x0] =	vst.idx.msk $0xffff, v62;
	v14 =	vld.idx.msk [tilespmem:v63+s12+$0x0], $0xffff  }
0x2a4: {  	v59 =	vmov s2;
	v60 =	vor.u32 v18, v41;
	[tilespmem:v56+s17+$0x0] =	vst.idx.msk $0xffff, v49;
	v61 =	vadd.s32 s23, v36;
	v48 =	vld.idx.msk [tilespmem:v57+s12+$0x0], $0xffff  }
0x2a5: {  	v44 =	vshll.u32 v59, $0x7;
	v63 =	vor.u32 v17, v43;
	v62 =	vld.idx.msk [tilespmem:v58+s12+$0x0], $0xffff;
	v57 =	vadd.s32 s24, v35  }
0x2a6: {  	v59 =	vadd.s32 s25, v34;
	v58 =	vor.u32 v0, v44;
	v2 =	vld.idx.msk [tilespmem:v2+s12+$0x0], $0xffff;
	[tilespmem:v7+s17+$0x0] =	vst.idx.msk $0xffff, v4  }
0x2a7: {  	s0 =	simm.s32 $0x6;
	v4 =	vadd.s32 s2, v33;
	[tilespmem:v10+s17+$0x0] =	vst.idx.msk $0xffff, v8;
	v7 =	vld.idx.msk [tilespmem:v13+s12+$0x0], $0xffff  }
0x2a8: {  	v8 =	vadd.s32 s0, v32;
	[tilespmem:v45+s17+$0x0] =	vst.idx.msk $0xffff, v14;
	v13 =	vor.u32 v23, v46;
	v10 =	vld.idx.msk [tilespmem:v47+s12+$0x0], $0xffff  }
0x2a9: {  	[tilespmem:v60+s17+$0x0] =	vst.idx.msk $0xffff, v48;
	v14 =	vld.idx.msk [tilespmem:v61+s12+$0x0], $0xffff;
	v47 =	vor.u32 v22, v42;
	v48 =	vadd.s32 s3, v39  }
0x2aa: {  	v52 =	vor.u32 v20, v40;
	[tilespmem:v63+s17+$0x0] =	vst.idx.msk $0xffff, v62;
	v61 =	vadd.s32 s26, v38;
	v53 =	vld.idx.msk [tilespmem:v57+s12+$0x0], $0xffff  }
0x2ab: {  	v63 =	vadd.s32 s23, v37;
	v51 =	vld.idx.msk [tilespmem:v59+s12+$0x0], $0xffff;
	[tilespmem:v58+s17+$0x0] =	vst.idx.msk $0xffff, v2;
	v2 =	vor.u32 v19, v41  }
0x2ac: {  	v50 =	vadd.s32 s24, v36;
	v54 =	vor.u32 v18, v43;
	v62 =	vmov s0;
	v55 =	vld.idx.msk [tilespmem:v4+s12+$0x0], $0xffff  }
0x2ad: {  	v56 =	vadd.s32 s25, v35;
	v45 =	vshll.u32 v62, $0x7;
	v58 =	vor.u32 v17, v44;
	v57 =	vld.idx.msk [tilespmem:v8+s12+$0x0], $0xffff;
	[tilespmem:v13+s17+$0x0] =	vst.idx.msk $0xffff, v7  }
0x2ae: {  	v59 =	vadd.s32 s2, v34;
	v60 =	vor.u32 v0, v45;
	[tilespmem:v47+s17+$0x0] =	vst.idx.msk $0xffff, v10;
	v49 =	vld.idx.msk [tilespmem:v48+s12+$0x0], $0xffff  }
0x2af: {  	s3 =	simm.s32 $0x7;
	[tilespmem:v52+s17+$0x0] =	vst.idx.msk $0xffff, v14;
	v52 =	vor.u32 v24, v46;
	v48 =	vld.idx.msk [tilespmem:v61+s12+$0x0], $0xffff;
	v61 =	vadd.s32 s0, v33  }
0x2b0: {  	s16 =	smov.u32 s18;
	s1 =	simm.s32 $0x8;
	v62 =	vadd.s32 s3, v32;
	v47 =	vld.idx.msk [tilespmem:v63+s12+$0x0], $0xffff;
	[tilespmem:v2+s17+$0x0] =	vst.idx.msk $0xffff, v53;
	v53 =	vor.u32 v23, v42  }
.LBB2_15:
0x2b1: {  	p0 =	sne.s32 s1, $0x3F;
	[tilespmem:v54+s17+$0x0] =	vst.idx.msk $0xffff, v51;
	v2 =	vld.idx.msk [tilespmem:v50+s12+$0x0], $0xffff;
	v4 =	vor.u32 v22, v40;
	v7 =	vadd.s32 s26, v39;
	v8 =	vmov v41;
	s26 =	smov.u32 s23;
	s23 =	smov.u32 s24  }
0x2b2: {  	v41 =	vmov v43;
	s24 =	smov.u32 s25;
	s25 =	smov.u32 s2;
	s2 =	smov.u32 s0;
	[tilespmem:v58+s17+$0x0] =	vst.idx.msk $0xffff, v55;
	v10 =	vld.idx.msk [tilespmem:v56+s12+$0x0], $0xffff;
	v13 =	vor.u32 v20, v8;
	v14 =	vadd.s32 s26, v38  }
0x2b3: {  	v43 =	vmov v44;
	s0 =	smov.u32 s3;
	s3 =	smov.u32 s1;
	v46 =	vor.u32 v19, v41;
	v63 =	vadd.s32 s23, v37;
	[tilespmem:v60+s17+$0x0] =	vst.idx.msk $0xffff, v57;
	v51 =	vld.idx.msk [tilespmem:v59+s12+$0x0], $0xffff  }
.Ltmp11:
0x2b4: {  	v44 =	vmovc v45;
	v56 =	vmov s0;
	v54 =	vor.u32 v18, v43;
	v50 =	vadd.s32 s24, v36;
	v55 =	vld.idx.msk [tilespmem:v61+s12+$0x0], $0xffff;
	[tilespmem:v52+s17+$0x0] =	vst.idx.msk $0xffff, v49;
	(pc) =	sbr.rel @p0 .LBB2_15-.Ltmp11, $4  }
0x2b5: {  	v58 =	vor.u32 v17, v44;
	v45 =	vshll.u32 v56, $0x7;
	v56 =	vadd.s32 s25, v35;
	v57 =	vld.idx.msk [tilespmem:v62+s12+$0x0], $0xffff;
	[tilespmem:v53+s17+$0x0] =	vst.idx.msk $0xffff, v48  }
0x2b6: {  	v59 =	vadd.s32 s2, v34;
	v60 =	vor.u32 v0, v45;
	[tilespmem:v4+s17+$0x0] =	vst.idx.msk $0xffff, v47;
	v49 =	vld.idx.msk [tilespmem:v7+s12+$0x0], $0xffff  }
0x2b7: {  	v61 =	vadd.s32 s0, v33;
	v52 =	vor.u32 v24, v42;
	v42 =	vmov v40;
	[tilespmem:v13+s17+$0x0] =	vst.idx.msk $0xffff, v2;
	v48 =	vld.idx.msk [tilespmem:v14+s12+$0x0], $0xffff  }
0x2b8: {  	s1 =	sadd.s32 $0x1, s1;
	v40 =	vmov v8;
	v62 =	vadd.s32 s3, v32;
	v53 =	vor.u32 v23, v42;
	[tilespmem:v46+s17+$0x0] =	vst.idx.msk $0xffff, v10;
	v47 =	vld.idx.msk [tilespmem:v63+s12+$0x0], $0xffff  }
.Ltmp12:
0x2b9: {  	_ = 	snop;
	(pc) =	sbr.rel .LBB2_16-.Ltmp12, $1  }
0x2ba: {  	_ =	sdelay $0x3  }
.LBB2_19:
0x2bb: {  	_ =	sfence.sel $0x180000  }
0x2bc: {  	[bflag:$0x0] =	sbarrier.arrive $0xFFFF  }
0x2bd: {  	_ =	strace $0x9000004D  }
0x2be: {  	s0 =	stileid.u32;
	[bflag:$0x2] =	sbarrier.arrive $0xFFFF  }
0x2bf: {  	p0 =	sne.s32 s0, $0x0;
	s0 =	rddreg [dreg:$0x2]  }
0x2c0: {  	s0 =	sadd.s32 @!p0 $0x100000, s0  }
0x2c1: {  	[sflag:s0] =	ssyncadd.tile.s32 @!p0 $0x1;
	_ =	shalt  }
.Lfunc_end2:
_tile_overlayer_lowered:
.L_overlay_start_2:
0x2c2: {  	(tag) =	ssettag $0x2  }
0x2c3: {  	s0 =	rddreg [dreg:$0x0];
	s2 =	stileid.u32  }
0x2c4: {  	s1 =	rddreg [dreg:$0x1];
	p0 =	sne.s32 s2, $0x0  }
0x2c5: {  	s3 =	rddreg [dreg:$0x2];
	[bflag:$0x3] =	sbarrier.arrive $0xFFFF;
	s2 =	simm.s32 @!p0 $0x1C05  }
0x2c6: {  	[timem:s3], [sflag:s2] =	dma.local @!p0 [hbm:s0], s1  }
0x2c7: {  	s0 =	simm.s32 @!p0 $0x5  }
0x2c8: {  	_ =	swait.ge @!p0 [sflag:s0], s1  }
0x2c9: {  	s1 =	ssub.s32 @!p0 $0x0, s1;
	[sflag:s0] =	ssyncset.done @!p0 $0x0  }
0x2ca: {  	[sflag:s0] =	ssyncadd.s32 @!p0 s1  }
0x2cb: {  	[bflag:$0x3] =	sbarrier.arrive $0xFFFF  }
0x2cc: {  	_ =	shalt  }

// kernel: kernel.5.cloned.1.call-start
scs
__scs_entry_jumppad:
0x0: {  	(pc) =	sbr.rel $0x88, $3  }
0x1: {  	(tag) =	ssettag $0x0;
	lr =	simm.s32 $0x1  }
0x2: {  	[smem:$0x3F9F] =	sst lr;
	_ =	strace $0xD0000000  }
0x3: {  	_ = 	snop  }
0x4: {  	_ = 	snop  }
0x5: {  	_ = 	snop  }
0x6: {  	_ = 	snop  }
0x7: {  	_ = 	snop  }
__scs_overlays_trampoline_lowered:
0x8: {  	[smem:$0x3FAE] =	sst s0  }
0x9: {  	[smem:$0x3FAF] =	sst s1  }
0xa: {  	[smem:$0x3FB0] =	sst s2  }
0xb: {  	[smem:$0x3FB1] =	sst s3  }
0xc: {  	[smem:$0x3FB2] =	sst s4  }
0xd: {  	[smem:$0x3FB3] =	sst s5  }
0xe: {  	[smem:$0x3FB4] =	sst s6  }
0xf: {  	[smem:$0x3FB5] =	sst s7  }
0x10: {  	[smem:$0x3FB6] =	sst s8  }
0x11: {  	[smem:$0x3FB7] =	sst s9;
	s0 =	simm.s32 @!p0 $0x0  }
0x12: {  	s1 =	sld [smem:$0x3F9D];
	s0 =	simm.s32 @p0 $0x1  }
0x13: {  	[smem:$0x3FB8] =	sst s0;
	s0 =	simm.s32 @!p1 $0x0  }
0x14: {  	s2 =	sld [smem:$0x3F9C];
	s0 =	simm.s32 @p1 $0x1  }
0x15: {  	[smem:$0x3FB9] =	sst s0;
	s0 =	simm.s32 @!p2 $0x0  }
0x16: {  	s3 =	sld [smem:$0x3FDB];
	s0 =	simm.s32 @p2 $0x1  }
0x17: {  	s4 =	simm.s32 $0x1BF5;
	[smem:$0x3FBB] =	sst s0  }
0x18: {  	s0 =	sld [smem:$0x3F9E];
	_ =	swait.ge [sflag:s4], $0x0  }
0x19: {  	s7 =	sld [smem:$0x3F9F]  }
0x1a: {  	s8 =	sadd.s32 $0xFFFFE003, lr  }
0x1b: {  	s9 =	sadd.s32 $0xFFFFFEF7, lr;
	s5 =	simm.s32 $0xFFFFFFFF;
	p2 =	slt.u32 s8, $0xFFFFF086  }
0x1c: {  	p1 =	slt.u32 s9, $0xF7A;
	s5 =	simm.s32 @!p2 $0x0  }
0x1d: {  	s5 =	simm.s32 @p1 $0x1;
	p0 =	seq.s32 s7, s2  }
0x1e: {  	s7 =	smul.u32 @!p0 $0xF7A, s2;
	p2 =	seq.s32 @!p0 s5, $0x0  }
0x1f: {  	s9 =	smul.u32 $0xF7A, s1;
	s8 =	simm.s32 @!p0 $0x1BF5;
	p2 =	por !p2, p0  }
0x20: {  	[sflag:s8] =	ssyncset.s32 @!p0 $0xFFFFF086;
	s6 =	sadd.s32 @!p0 s3, s7;
	s7 =	simm.s32 @!p0 $0x108  }
0x21: {  	s3 =	sadd.s32 s3, s9;
	s6 =	sadd.s32 @!p0 $0x88, s6;
	s7 =	simm.s32 @p2 $0x1082  }
0x22: {  	[simem:s7], [sflag:s8] =	dma.local @!p0 [hbm:s6], $0xF7A  }
0x23: {  	s9 =	sor.u32 $0xD0000000, s2;
	s6 =	simm.s32 $0x108;
	_ =	swait.ge @!p0 [sflag:s8], $0x0  }
0x24: {  	s3 =	sadd.s32 $0x88, s3;
	s6 =	simm.s32 @!p1 $0x1082;
	[sflag:s4] =	ssyncset.s32 $0xFFFFF086  }
0x25: {  	[simem:s6], [sflag:s4] =	dma.local [hbm:s3], $0xF7A  }
0x26: {  	[smem:$0x3F9F] =	sst s1;
	(tag) =	ssettag s2;
	_ =	strace s9  }
0x27: {  	s1 =	sld [smem:$0x3FAF]  }
0x28: {  	s2 =	sld [smem:$0x3FB0]  }
0x29: {  	s4 =	sld [smem:$0x3FB2]  }
0x2a: {  	p0 =	seq.s32 s5, $0x0;
	s5 =	sld [smem:$0x3FB3]  }
0x2b: {  	s6 =	sld [smem:$0x3FB4]  }
0x2c: {  	s7 =	sld [smem:$0x3FB5]  }
0x2d: {  	s3 =	simm.s32 $0x108;
	s8 =	sld [smem:$0x3FB6]  }
0x2e: {  	s3 =	simm.s32 @!p0 $0x1082;
	s9 =	sld [smem:$0x3FB7]  }
0x2f: {  	lr =	sadd.s32 s0, s3;
	s0 =	sld [smem:$0x3FAE]  }
0x30: {  	s3 =	sld [smem:$0x3FB1]  }
0x31: {  	[smem:$0x3FBA] =	sst s10  }
0x32: {  	s10 =	sld [smem:$0x3FB8];
	_ =	sdelay $0x3  }
0x33: {  	p0 =	seq.s32 s10, $0x1;
	s10 =	sld [smem:$0x3FBA];
	_ =	sdelay $0x3  }
0x34: {  	[smem:$0x3FBA] =	sst s10  }
0x35: {  	s10 =	sld [smem:$0x3FB9];
	_ =	sdelay $0x3  }
0x36: {  	p1 =	seq.s32 s10, $0x1;
	s10 =	sld [smem:$0x3FBA];
	_ =	sdelay $0x3  }
0x37: {  	[smem:$0x3FBA] =	sst s10  }
0x38: {  	s10 =	sld [smem:$0x3FBB]  }
0x39: {  	_ = 	snop;
	(pc) =	sbr.ind lr, $3  }
0x3a: {  	_ = 	snop  }
0x3b: {  	_ = 	snop  }
0x3c: {  	p2 =	seq.s32 s10, $0x1;
	s10 =	sld [smem:$0x3FBA]  }
0x3d: {  	_ =	shalt  }
0x3e: {  	_ =	shalt  }
0x3f: {  	_ =	shalt  }
0x40: {  	_ =	shalt  }
0x41: {  	_ =	shalt  }
0x42: {  	_ =	shalt  }
0x43: {  	_ =	shalt  }
0x44: {  	_ =	shalt  }
0x45: {  	_ =	shalt  }
0x46: {  	_ =	shalt  }
0x47: {  	_ =	shalt  }
0x48: {  	_ =	shalt  }
0x49: {  	_ =	shalt  }
0x4a: {  	_ =	shalt  }
0x4b: {  	_ =	shalt  }
0x4c: {  	_ =	shalt  }
0x4d: {  	_ =	shalt  }
0x4e: {  	_ =	shalt  }
0x4f: {  	_ =	shalt  }
0x50: {  	_ =	shalt  }
0x51: {  	_ =	shalt  }
0x52: {  	_ =	shalt  }
0x53: {  	_ =	shalt  }
0x54: {  	_ =	shalt  }
0x55: {  	_ =	shalt  }
0x56: {  	_ =	shalt  }
0x57: {  	_ =	shalt  }
0x58: {  	_ =	shalt  }
0x59: {  	_ =	shalt  }
0x5a: {  	_ =	shalt  }
0x5b: {  	_ =	shalt  }
0x5c: {  	_ =	shalt  }
0x5d: {  	_ =	shalt  }
0x5e: {  	_ =	shalt  }
0x5f: {  	_ =	shalt  }
0x60: {  	_ =	shalt  }
0x61: {  	_ =	shalt  }
0x62: {  	_ =	shalt  }
0x63: {  	_ =	shalt  }
0x64: {  	_ =	shalt  }
0x65: {  	_ =	shalt  }
0x66: {  	_ =	shalt  }
0x67: {  	_ =	shalt  }
0x68: {  	_ =	shalt  }
0x69: {  	_ =	shalt  }
0x6a: {  	_ =	shalt  }
0x6b: {  	_ =	shalt  }
0x6c: {  	_ =	shalt  }
0x6d: {  	_ =	shalt  }
0x6e: {  	_ =	shalt  }
0x6f: {  	_ =	shalt  }
0x70: {  	_ =	shalt  }
0x71: {  	_ =	shalt  }
0x72: {  	_ =	shalt  }
0x73: {  	_ =	shalt  }
0x74: {  	_ =	shalt  }
0x75: {  	_ =	shalt  }
0x76: {  	_ =	shalt  }
0x77: {  	_ =	shalt  }
0x78: {  	_ =	shalt  }
0x79: {  	_ =	shalt  }
0x7a: {  	_ =	shalt  }
0x7b: {  	_ =	shalt  }
0x7c: {  	_ =	shalt  }
0x7d: {  	_ =	shalt  }
0x7e: {  	_ =	shalt  }
0x7f: {  	_ =	shalt  }
0x80: {  	_ =	shalt  }
0x81: {  	_ =	shalt  }
0x82: {  	_ =	shalt  }
0x83: {  	_ =	shalt  }
0x84: {  	_ =	shalt  }
0x85: {  	_ =	shalt  }
0x86: {  	_ =	shalt  }
0x87: {  	_ =	shalt  }
.Lfunc_end0:
.L_simem_size_0:
called_computation_lowered:
.L_overlay_start_0:
0x88: {  	s2 =	sld [smem:$0x3FD9]  }
0x89: {  	s3 =	sld [smem:$0x3FFE];
	_ =	sdelay $0x1  }
0x8a: {  	s1 =	srdreg.scid  }
0x8b: {  	s0 =	sand.u32 $0x1, s1  }
0x8c: {  	s17 =	sshll.u32 s0, $0xA;
	s2 =	sadd.s32 s3, s2  }
0x8d: {  	s2 =	sadd.s32 s2, s17  }
0x8e: {  	[smem:$0x3FC6] =	sst s2  }
0x8f: {  	_ = 	snop  }
0x90: {  	s2 =	sld [smem:$0x3FC8];
	(tm) =	ssettm $0x1  }
0x91: {  	s18 =	sld [smem:$0x3FFB];
	_ =	sdelay $0x3  }
0x92: {  	_ =	strace s18  }
0x93: {  	s3 =	sld [smem:$0x3FFC];
	_ =	sdelay $0x3  }
0x94: {  	_ =	strace s3  }
0x95: {  	s3 =	sld [smem:$0x3FFD];
	_ =	sdelay $0x3  }
0x96: {  	_ =	strace s3  }
0x97: {  	_ =	strace $0x8FFFFFFF  }
0x98: {  	s19 =	sld [smem:$0x3FDB];
	_ =	sdelay $0x1  }
0x99: {  	s4 =	simm.s32 $_scs_section_size  }
0x9a: {  	s5 =	simm.s32 $_size__tile_overlayer_lowered;
	s6 =	simm.s32 $_tile_overlayer_lowered  }
0x9b: {  	s22 =	simm.s32 $0x1BFF;
	s21 =	sshll.u32 s6, $0x1;
	s3 =	sadd.s32 s4, s19  }
0x9c: {  	s7 =	simm.s32 $0x0;
	s20 =	sshll.u32 s5, $0x1;
	s5 =	sadd.s32 s21, s3  }
0x9d: {  	[timem:s7], [sflag:s22] =	dma.local [hbm:s5], s20  }
0x9e: {  	_ =	swait.ge [sflag:s22], s20  }
0x9f: {  	s4 =	ssub.s32 $0x0, s20;
	[sflag:s22] =	ssyncset.done $0x0  }
0xa0: {  	[sflag:s22] =	ssyncadd.s32 s4;
	_ =	sdelay $0x1  }
0xa1: {  	s23 =	simm.s32 $0x1B8B  }
0xa2: {  	_ =	swait.ge [sflag:s23], $0x1  }
0xa3: {  	[sflag:s23] =	ssyncset.done $0x0  }
0xa4: {  	s25 =	simm.s32 $0x1B8E;
	s24 =	sld [smem:$0x3FFE];
	[sflag:s23] =	ssyncadd.s32 $0xFFFFFFFF  }
0xa5: {  	s26 =	simm.s32 $execute0_lowered;
	[smem:$0x3FD2] =	sst s25  }
0xa6: {  	s5 =	sshll.u32 s26, $0x1;
	_ =	strace $0x80000046;
	[dreg:$0x1] =	wrdreg $0xFFFFFFFF  }
0xa7: {  	s28 =	simm.s32 $_size_execute0_lowered;
	s3 =	sadd.s32 s3, s5;
	[dreg:$0x0] =	wrdreg $0x0  }
0xa8: {  	s5 =	sshll.u32 s28, $0x1;
	[dreg:$0x2] =	wrdreg s3  }
0xa9: {  	[dreg:$0x3] =	wrdreg s5  }
0xaa: {  	[dreg:$0x4] =	wrdreg $0xC0  }
0xab: {  	_ =	task [dreg:s7], $0x5FFFF  }
0xac: {  	[dreg:$0x1] =	wrdreg $0xFFFFFFFF  }
0xad: {  	[dreg:$0x0] =	wrdreg $0x60  }
0xae: {  	[dreg:$0x2] =	wrdreg s2  }
0xaf: {  	[dreg:$0x3] =	wrdreg s24  }
0xb0: {  	[dreg:$0x4] =	wrdreg $0x9  }
0xb1: {  	_ =	task.clear_ibuf [dreg:s7], $0x5FFFF;
	_ =	strace $0x90000046  }
0xb2: {  	s29 =	simm.s32 $0x9;
	_ =	strace $0x80000048  }
0xb3: {  	_ =	swait.ge [sflag:s29], $0x1  }
0xb4: {  	[sflag:s29] =	ssyncadd.s32 $0xFFFFFFFF  }
0xb5: {  	_ =	strace $0x90000048  }
0xb6: {  	_ =	sfence  }
0xb7: {  	s30 =	sld [smem:$0x0];
	_ =	sdelay $0x2  }
0xb8: {  	s31 =	sshll.u32 s1, $0xD;
	s1 =	sshrl.u32 s1, $0x2  }
0xb9: {  	s3 =	sand.u32 $0x4000, s31;
	s1 =	sadd.s32 s1, s30  }
0xba: {  	s0 =	sor.u32 s3, s0;
	s1 =	sshll.u32 s1, $0x11  }
0xbb: {  	s0 =	sor.u32 s1, s0  }
0xbc: {  	s0 =	sadd.s32 $0x8F2B, s0  }
0xbd: {  	[sflag:s0] =	ssyncadd.remote.s32 $0x1  }
0xbe: {  	_ =	sfence.sel $0xFFFF  }
0xbf: {  	[dreg:$0x0] =	wrdreg $0xFFFFFFFF;
	(pc) =	sbr.abs _section_cstart, $3  }
0xc0: {  	[dreg:$0x1] =	wrdreg $0xFFFFFFFF  }
0xc1: {  	_ =	task.clear_ibuf [dreg:s7], $0x2FFFF;
	_ =	strace $0x9FFFFFFF  }
0xc2: {  	(tm) =	ssettm $0x7FFFFFFF  }
0xc3: {  	_ =	shalt  }
tec
execute0_lowered:
.L_overlay_start_1:
0x0: {  	(tag) =	ssettag $0x1  }
0x1: {  	s0 =	rddreg [dreg:$0x0]  }
0x2: {  	s1 =	rddreg [dreg:$0x1]  }
0x3: {  	s3 =	srdreg.scid;
	s9 =	stileid.u32  }
0x4: {  	s2 =	simm.s32 $0x0;
	s16 =	simm.s32 $0x2000;
	s17 =	simm.s32 $0x1  }
0x5: {  	s18 =	simm.s32 $0x8000;
	s19 =	simm.s32 $0x4000;
	s20 =	simm.s32 $0x2  }
0x6: {  	s21 =	simm.s32 $0x6000;
	s22 =	simm.s32 $0x3;
	s23 =	simm.s32 $0x4  }
0x7: {  	s24 =	simm.s32 $0x0;
	s3 =	sand.u32 $0x1, s3;
	s4 =	sshll.u32 s9, $0x1  }
0x8: {  	[smem:$0x7FF] =	sst s2;
	s29 =	sadd.s32 $0xE00, s1;
	p0 =	slt.u32 s9, $0x2  }
0x9: {  	s11 =	sadd.s32 $0x100, s0;
	s31 =	sadd.s32 $0x7A2000, s1;
	s8 =	sor.u32 s3, s4  }
0xa: {  	_ =	strace $0x80000047;
	[dreg:$0x3] =	wrdreg s29;
	s5 =	smul.u32 $0xF4, s8  }
0xb: {  	v0 =	vlaneseq.u32;
	s3 =	ssub.s32 $0x2, s3;
	s4 =	sadd.s32 $0x1000, s1;
	s6 =	smin.u32 s8, $0x4  }
.Ltmp0:
0xc: {  	v1 =	vmul.u32 $0x41, v0;
	v2 =	vor.u32 $0x10, v0;
	v4 =	vor.u32 $0x20, v0;
	s7 =	sshrl.u32 s3, $0x1;
	s5 =	sadd.s32 s6, s5;
	(pc) =	sbr.rel .LBB2_1-.Ltmp0, $4  }
0xd: {  	v6 =	vor.u32 $0x30, v0;
	v8 =	vor.u32 $0x40, v0;
	v10 =	vor.u32 $0x50, v0;
	[dreg:$0x5] =	wrdreg s31;
	s3 =	ssub.s32 s3, s7;
	s30 =	sshll.u32 s5, $0x7  }
0xe: {  	v12 =	vor.u32 $0x60, v0;
	v14 =	vor.u32 $0x70, v0;
	v3 =	vadd.s32 $0x410, v1;
	s6 =	simm.s32 $0xF5;
	s14 =	smax.u32 s3, $0x1;
	s7 =	sadd.s32 s0, s30  }
0xf: {  	v5 =	vadd.s32 $0x820, v1;
	v7 =	vadd.s32 $0xC30, v1;
	v9 =	vadd.s32 $0x1040, v1;
	s6 =	simm.s32 @!p0 $0xF4;
	p0 =	sne.s32 s8, $0x1F;
	s9 =	sadd.s32 $0x80, s7  }
0x10: {  	v11 =	vadd.s32 $0x1450, v1;
	v13 =	vadd.s32 $0x1860, v1;
	v15 =	vadd.s32 $0x1C70, v1;
	s10 =	sadd.s32 $0xFFFFFFFD, s6;
	[dreg:$0x4] =	wrdreg s9;
	s9 =	sadd.s32 $0xFFFFFFFE, s6  }
.LBB2_15:
0x11: {  	_ =	swait.ge [sflag:s22], $0x2000  }
0x12: {  	[sflag:s22] =	ssyncset.done $0x0  }
0x13: {  	[sflag:s22] =	ssyncadd.s32 $0xFFFFE000  }
0x14: {  	_ =	swait.ge [sflag:s23], $0x2000  }
0x15: {  	s0 =	simm.s32 @!p0 $0x0;
	[sflag:s23] =	ssyncset.done $0x0  }
0x16: {  	s1 =	simm.s32 @!p0 $0x6000;
	s3 =	rddreg [dreg:$0x3];
	[sflag:s23] =	ssyncadd.s32 $0xFFFFE000  }
0x17: {  	[tilespmem:s1], [sflag:$0x2] =	stream.linear.gather @!p0 [hbm4b:s3+s0], $0x1000, $0x38;
	[tilespmem:$0xA080] =	vst v63  }
0x18: {  	s3 =	simm.s32 @!p0 $0x2  }
0x19: {  	_ =	swait.ge @!p0 [sflag:s3], $0x1000  }
0x1a: {  	s24 =	sadd.s32 $0x1, s24;
	[sflag:s3] =	ssyncset.done @!p0 $0x0  }
0x1b: {  	p1 =	sne.s32 s24, s14;
	[sflag:s3] =	ssyncadd.s32 @!p0 $0xFFFFF000;
	s3 =	rddreg [dreg:$0x5]  }
0x1c: {  	[hbm4b:s3+s0] =	stream.linear.scatter @!p0 [tilespmem:s1], [sflag:$0x4], $0x1000, $0x38;
	[tilespmem:$0xA080] =	vst v63  }
.Ltmp1:
0x1d: {  	_ = 	snop;
	(pc) =	sbr.rel @!p1 .LBB2_16-.Ltmp1, $4  }
0x1e: {  	s0 =	simm.s32 @!p0 $0x4  }
0x1f: {  	_ =	swait.ge @!p0 [sflag:s0], $0x1000  }
0x20: {  	[sflag:s0] =	ssyncset.done @!p0 $0x0  }
0x21: {  	[sflag:s0] =	ssyncadd.s32 @!p0 $0xFFFFF000  }
.LBB2_1:
.Ltmp2:
0x22: {  	(pc) =	sbr.rel .LBB2_2-.Ltmp2, $4  }
0x23: {  	s1 =	simm.s32 $0x400;
	s3 =	simm.s32 $0x7A1400  }
0x24: {  	[tilespmem:s2], [sflag:$0x1] =	stream.strided.gather [hbm4b:s7+s1], $0x2000, s3, s1, $0x38;
	[tilespmem:$0xA080] =	vst v63  }
0x25: {  	s0 =	rddreg [dreg:$0x4];
	s25 =	simm.s32 $0x0  }
0x26: {  	[tilespmem:s16], [sflag:$0x2] =	stream.strided.gather [hbm4b:s0+s1], $0x2000, s3, s1, $0x38;
	[tilespmem:$0xA080] =	vst v63  }
.LBB2_14:
0x27: {  	s25 =	sadd.s32 $0x1, s25  }
0x28: {  	p1 =	sne.s32 s25, $0x7B  }
.Ltmp3:
0x29: {  	_ = 	snop;
	(pc) =	sbr.rel @!p1 .LBB2_15-.Ltmp3, $1  }
0x2a: {  	_ =	sdelay $0x3  }
.LBB2_2:
0x2b: {  	s26 =	sshll.u32 s25, $0x1  }
0x2c: {  	p1 =	sge.u32 s26, s6  }
.Ltmp4:
0x2d: {  	_ = 	snop;
	(pc) =	sbr.rel @p1 .LBB2_8-.Ltmp4, $1  }
0x2e: {  	_ =	sdelay $0x3  }
0x2f: {  	s28 =	simm.s32 $0x0  }
0x30: {  	v16 =	vmov s28  }
0x31: {  	_ =	swait.ge [sflag:s17], $0x2000;
	v22 =	vshll.u32 v16, $0x7  }
0x32: {  	p1 =	seq.s32 s25, $0x0;
	[sflag:s17] =	ssyncset.done $0x0;
	v16 =	vor.u32 v0, v22  }
0x33: {  	s0 =	simm.s32 @!p1 $0x3;
	[sflag:s17] =	ssyncadd.s32 $0xFFFFE000  }
0x34: {  	_ =	swait.ge @!p1 [sflag:s0], $0x2000  }
0x35: {  	[sflag:s0] =	ssyncset.done @!p1 $0x0  }
0x36: {  	s1 =	simm.s32 $0x1;
	[sflag:s0] =	ssyncadd.s32 @!p1 $0xFFFFE000  }
0x37: {  	v17 =	vmov s1;
	v18 =	vadd.s32 s28, v1;
	v16 =	vld.idx.msk [tilespmem:v16+s28+$0x0], $0xffff  }
0x38: {  	v19 =	vshll.u32 v17, $0x7;
	v17 =	vor.u32 v2, v22  }
0x39: {  	v20 =	vor.u32 v0, v19;
	_ =	sdelay $0x2  }
0x3a: {  	[tilespmem:v18+s18+$0x0] =	vst.idx.msk $0xffff, v16  }
0x3b: {  	s29 =	simm.s32 $0x2;
	v18 =	vadd.s32 s28, v3;
	v17 =	vld.idx.msk [tilespmem:v17+s28+$0x0], $0xffff  }
0x3c: {  	v21 =	vadd.s32 s1, v1;
	v23 =	vor.u32 v4, v22;
	v20 =	vld.idx.msk [tilespmem:v20+s28+$0x0], $0xffff;
	v16 =	vmov s29  }
0x3d: {  	v24 =	vor.u32 v2, v19;
	v16 =	vshll.u32 v16, $0x7  }
0x3e: {  	v25 =	vor.u32 v0, v16;
	_ =	sdelay $0x1  }
0x3f: {  	[tilespmem:v18+s18+$0x0] =	vst.idx.msk $0xffff, v17  }
0x40: {  	[tilespmem:v21+s18+$0x0] =	vst.idx.msk $0xffff, v20;
	v20 =	vadd.s32 s28, v5;
	v18 =	vld.idx.msk [tilespmem:v23+s28+$0x0], $0xffff  }
0x41: {  	s30 =	simm.s32 $0x3;
	v21 =	vld.idx.msk [tilespmem:v24+s28+$0x0], $0xffff;
	v24 =	vor.u32 v6, v22;
	v23 =	vadd.s32 s1, v3  }
0x42: {  	v26 =	vadd.s32 s29, v1;
	v27 =	vor.u32 v4, v19;
	v17 =	vmov s30;
	v25 =	vld.idx.msk [tilespmem:v25+s28+$0x0], $0xffff  }
0x43: {  	v28 =	vor.u32 v2, v16;
	v17 =	vshll.u32 v17, $0x7  }
0x44: {  	v29 =	vor.u32 v0, v17  }
0x45: {  	[tilespmem:v20+s18+$0x0] =	vst.idx.msk $0xffff, v18  }
0x46: {  	[tilespmem:v23+s18+$0x0] =	vst.idx.msk $0xffff, v21;
	v21 =	vadd.s32 s28, v7;
	v20 =	vld.idx.msk [tilespmem:v24+s28+$0x0], $0xffff  }
0x47: {  	[tilespmem:v26+s18+$0x0] =	vst.idx.msk $0xffff, v25;
	v25 =	vor.u32 v8, v22;
	v23 =	vld.idx.msk [tilespmem:v27+s28+$0x0], $0xffff;
	v24 =	vadd.s32 s1, v5  }
0x48: {  	s0 =	simm.s32 $0x4;
	v26 =	vld.idx.msk [tilespmem:v28+s28+$0x0], $0xffff;
	v27 =	vadd.s32 s29, v3;
	v28 =	vor.u32 v6, v19  }
0x49: {  	v30 =	vadd.s32 s30, v1;
	v31 =	vor.u32 v4, v16;
	v18 =	vmov s0;
	v29 =	vld.idx.msk [tilespmem:v29+s28+$0x0], $0xffff  }
0x4a: {  	v32 =	vor.u32 v2, v17;
	v18 =	vshll.u32 v18, $0x7  }
0x4b: {  	v33 =	vor.u32 v0, v18;
	[tilespmem:v21+s18+$0x0] =	vst.idx.msk $0xffff, v20  }
0x4c: {  	[tilespmem:v24+s18+$0x0] =	vst.idx.msk $0xffff, v23;
	v23 =	vadd.s32 s28, v9;
	v21 =	vld.idx.msk [tilespmem:v25+s28+$0x0], $0xffff  }
0x4d: {  	[tilespmem:v27+s18+$0x0] =	vst.idx.msk $0xffff, v26;
	v26 =	vor.u32 v10, v22;
	v24 =	vld.idx.msk [tilespmem:v28+s28+$0x0], $0xffff;
	v25 =	vadd.s32 s1, v7  }
0x4e: {  	[tilespmem:v30+s18+$0x0] =	vst.idx.msk $0xffff, v29;
	v29 =	vor.u32 v8, v19;
	v27 =	vld.idx.msk [tilespmem:v31+s28+$0x0], $0xffff;
	v28 =	vadd.s32 s29, v5  }
0x4f: {  	s3 =	simm.s32 $0x5;
	v59 =	vor.u32 v6, v16;
	v30 =	vld.idx.msk [tilespmem:v32+s28+$0x0], $0xffff;
	v31 =	vadd.s32 s30, v3  }
0x50: {  	v34 =	vadd.s32 s0, v1;
	v35 =	vor.u32 v4, v17;
	v20 =	vmov s3;
	v33 =	vld.idx.msk [tilespmem:v33+s28+$0x0], $0xffff  }
0x51: {  	v36 =	vor.u32 v2, v18;
	v20 =	vshll.u32 v20, $0x7;
	[tilespmem:v23+s18+$0x0] =	vst.idx.msk $0xffff, v21  }
0x52: {  	v21 =	vor.u32 v0, v20;
	[tilespmem:v25+s18+$0x0] =	vst.idx.msk $0xffff, v24;
	v24 =	vadd.s32 s28, v11;
	v23 =	vld.idx.msk [tilespmem:v26+s28+$0x0], $0xffff  }
0x53: {  	[tilespmem:v28+s18+$0x0] =	vst.idx.msk $0xffff, v27;
	v27 =	vor.u32 v12, v22;
	v25 =	vld.idx.msk [tilespmem:v29+s28+$0x0], $0xffff;
	v26 =	vadd.s32 s1, v9  }
0x54: {  	[tilespmem:v31+s18+$0x0] =	vst.idx.msk $0xffff, v30;
	v30 =	vor.u32 v10, v19;
	v28 =	vld.idx.msk [tilespmem:v59+s28+$0x0], $0xffff;
	v29 =	vadd.s32 s29, v7  }
0x55: {  	v60 =	vadd.s32 s30, v5;
	v61 =	vor.u32 v8, v16;
	[tilespmem:v34+s18+$0x0] =	vst.idx.msk $0xffff, v33;
	v31 =	vld.idx.msk [tilespmem:v35+s28+$0x0], $0xffff  }
0x56: {  	s13 =	simm.s32 $0x6;
	v62 =	vadd.s32 s0, v3;
	v63 =	vor.u32 v6, v17;
	v34 =	vld.idx.msk [tilespmem:v36+s28+$0x0], $0xffff  }
0x57: {  	v38 =	vadd.s32 s3, v1;
	v39 =	vor.u32 v4, v18;
	v37 =	vld.idx.msk [tilespmem:v21+s28+$0x0], $0xffff;
	v21 =	vmov s13;
	[tilespmem:v24+s18+$0x0] =	vst.idx.msk $0xffff, v23  }
0x58: {  	v40 =	vor.u32 v2, v20;
	v21 =	vshll.u32 v21, $0x7;
	[tilespmem:v26+s18+$0x0] =	vst.idx.msk $0xffff, v25;
	v27 =	vld.idx.msk [tilespmem:v27+s28+$0x0], $0xffff  }
0x59: {  	v43 =	vadd.s32 s28, v13;
	[tilespmem:v29+s18+$0x0] =	vst.idx.msk $0xffff, v28;
	v41 =	vor.u32 v0, v21;
	v42 =	vld.idx.msk [tilespmem:v30+s28+$0x0], $0xffff  }
0x5a: {  	v44 =	vadd.s32 s1, v11;
	v45 =	vor.u32 v14, v22;
	[tilespmem:v60+s18+$0x0] =	vst.idx.msk $0xffff, v31;
	v24 =	vld.idx.msk [tilespmem:v61+s28+$0x0], $0xffff  }
0x5b: {  	v32 =	vadd.s32 s29, v9;
	[tilespmem:v62+s18+$0x0] =	vst.idx.msk $0xffff, v34;
	v28 =	vor.u32 v12, v19;
	v26 =	vld.idx.msk [tilespmem:v63+s28+$0x0], $0xffff  }
0x5c: {  	v31 =	vadd.s32 s30, v7;
	v23 =	vor.u32 v10, v16;
	v25 =	vld.idx.msk [tilespmem:v39+s28+$0x0], $0xffff;
	[tilespmem:v38+s18+$0x0] =	vst.idx.msk $0xffff, v37  }
0x5d: {  	v22 =	vor.u32 v8, v17;
	v30 =	vadd.s32 s0, v5;
	v33 =	vld.idx.msk [tilespmem:v40+s28+$0x0], $0xffff  }
0x5e: {  	s15 =	simm.s32 $0x7;
	v34 =	vadd.s32 s3, v3;
	v29 =	vor.u32 v6, v18;
	v35 =	vld.idx.msk [tilespmem:v41+s28+$0x0], $0xffff;
	[tilespmem:v43+s18+$0x0] =	vst.idx.msk $0xffff, v27  }
0x5f: {  	s31 =	sadd.s32 s5, s26;
	s12 =	simm.s32 $0x8;
	s8 =	simm.s32 $0x0;
	v36 =	vor.u32 v4, v20;
	v38 =	vmov s15;
	v37 =	vadd.s32 s13, v1;
	[tilespmem:v44+s18+$0x0] =	vst.idx.msk $0xffff, v42;
	v27 =	vld.idx.msk [tilespmem:v45+s28+$0x0], $0xffff  }
.LBB2_4:
0x60: {  	p1 =	sne.s32 s12, $0x3F;
	v39 =	vshll.u32 v38, $0x7;
	v38 =	vor.u32 v2, v21;
	[tilespmem:v32+s18+$0x0] =	vst.idx.msk $0xffff, v24;
	v40 =	vld.idx.msk [tilespmem:v28+s28+$0x0], $0xffff;
	v41 =	vadd.s32 s8, v15;
	s8 =	smov.u32 s1;
	s1 =	smov.u32 s29  }
0x61: {  	s29 =	smov.u32 s30;
	s30 =	smov.u32 s0;
	s0 =	smov.u32 s3;
	v42 =	vor.u32 v0, v39;
	[tilespmem:v31+s18+$0x0] =	vst.idx.msk $0xffff, v26;
	v43 =	vld.idx.msk [tilespmem:v23+s28+$0x0], $0xffff;
	v44 =	vadd.s32 s8, v13  }
0x62: {  	v46 =	vor.u32 v14, v19;
	v19 =	vmov v16;
	s3 =	smov.u32 s13;
	s13 =	smov.u32 s15;
	s15 =	smov.u32 s12;
	v45 =	vadd.s32 s1, v11;
	[tilespmem:v30+s18+$0x0] =	vst.idx.msk $0xffff, v25;
	v24 =	vld.idx.msk [tilespmem:v22+s28+$0x0], $0xffff  }
.Ltmp5:
0x63: {  	v16 =	vmov v17;
	v32 =	vadd.s32 s29, v9;
	v28 =	vor.u32 v12, v19;
	[tilespmem:v34+s18+$0x0] =	vst.idx.msk $0xffff, v33;
	v26 =	vld.idx.msk [tilespmem:v29+s28+$0x0], $0xffff;
	(pc) =	sbr.rel @p1 .LBB2_4-.Ltmp5, $4  }
0x64: {  	v17 =	vmov v18;
	v31 =	vadd.s32 s30, v7;
	v23 =	vor.u32 v10, v16;
	[tilespmem:v37+s18+$0x0] =	vst.idx.msk $0xffff, v35;
	v25 =	vld.idx.msk [tilespmem:v36+s28+$0x0], $0xffff  }
0x65: {  	v18 =	vmov v20;
	v30 =	vadd.s32 s0, v5;
	v22 =	vor.u32 v8, v17;
	v33 =	vld.idx.msk [tilespmem:v38+s28+$0x0], $0xffff;
	[tilespmem:v41+s18+$0x0] =	vst.idx.msk $0xffff, v27  }
0x66: {  	v20 =	vmov v21;
	v34 =	vadd.s32 s3, v3;
	v29 =	vor.u32 v6, v18;
	v35 =	vld.idx.msk [tilespmem:v42+s28+$0x0], $0xffff;
	[tilespmem:v44+s18+$0x0] =	vst.idx.msk $0xffff, v40  }
0x67: {  	s12 =	sadd.s32 $0x1, s12;
	v21 =	vmovc v39;
	v37 =	vadd.s32 s13, v1;
	v36 =	vor.u32 v4, v20;
	v38 =	vmov s15;
	[tilespmem:v45+s18+$0x0] =	vst.idx.msk $0xffff, v43;
	v27 =	vld.idx.msk [tilespmem:v46+s28+$0x0], $0xffff  }
0x68: {  	v38 =	vshll.u32 v38, $0x7  }
0x69: {  	v39 =	vor.u32 v0, v38;
	_ =	sdelay $0x4  }
0x6a: {  	v40 =	vor.u32 v2, v21;
	v41 =	vadd.s32 s15, v1;
	v39 =	vld.idx.msk [tilespmem:v39+s28+$0x0], $0xffff  }
0x6b: {  	v42 =	vor.u32 v2, v38;
	_ =	sdelay $0x2  }
0x6c: {  	[tilespmem:v37+s18+$0x0] =	vst.idx.msk $0xffff, v35  }
0x6d: {  	v49 =	vadd.s32 s13, v3;
	v35 =	vld.idx.msk [tilespmem:v40+s28+$0x0], $0xffff;
	[tilespmem:v41+s18+$0x0] =	vst.idx.msk $0xffff, v39  }
0x6e: {  	v50 =	vor.u32 v4, v21;
	v52 =	vadd.s32 s15, v3;
	v51 =	vld.idx.msk [tilespmem:v42+s28+$0x0], $0xffff  }
0x6f: {  	v53 =	vor.u32 v4, v38;
	_ =	sdelay $0x1  }
0x70: {  	[tilespmem:v34+s18+$0x0] =	vst.idx.msk $0xffff, v33  }
0x71: {  	v54 =	vadd.s32 s3, v5;
	v33 =	vld.idx.msk [tilespmem:v36+s28+$0x0], $0xffff;
	[tilespmem:v49+s18+$0x0] =	vst.idx.msk $0xffff, v35  }
0x72: {  	v55 =	vor.u32 v6, v20;
	v57 =	vadd.s32 s13, v5;
	v56 =	vld.idx.msk [tilespmem:v50+s28+$0x0], $0xffff;
	[tilespmem:v52+s18+$0x0] =	vst.idx.msk $0xffff, v51  }
0x73: {  	[tilespmem:v32+s18+$0x0] =	vst.idx.msk $0xffff, v24;
	v58 =	vor.u32 v6, v21;
	v60 =	vadd.s32 s15, v5;
	v59 =	vld.idx.msk [tilespmem:v53+s28+$0x0], $0xffff  }
0x74: {  	[tilespmem:v31+s18+$0x0] =	vst.idx.msk $0xffff, v26;
	v61 =	vadd.s32 s8, v15;
	v62 =	vor.u32 v6, v38  }
0x75: {  	v28 =	vld.idx.msk [tilespmem:v28+s28+$0x0], $0xffff;
	v63 =	vadd.s32 s1, v13;
	[tilespmem:v30+s18+$0x0] =	vst.idx.msk $0xffff, v25  }
0x76: {  	v29 =	vld.idx.msk [tilespmem:v29+s28+$0x0], $0xffff;
	v40 =	vadd.s32 s0, v7;
	[tilespmem:v54+s18+$0x0] =	vst.idx.msk $0xffff, v33  }
0x77: {  	v34 =	vld.idx.msk [tilespmem:v55+s28+$0x0], $0xffff;
	v41 =	vor.u32 v8, v18;
	v42 =	vadd.s32 s3, v7;
	[tilespmem:v57+s18+$0x0] =	vst.idx.msk $0xffff, v56  }
0x78: {  	v43 =	vor.u32 v8, v20;
	v44 =	vadd.s32 s13, v7;
	v24 =	vld.idx.msk [tilespmem:v58+s28+$0x0], $0xffff;
	[tilespmem:v60+s18+$0x0] =	vst.idx.msk $0xffff, v59  }
0x79: {  	v45 =	vor.u32 v8, v21;
	v47 =	vadd.s32 s15, v7;
	[tilespmem:v61+s18+$0x0] =	vst.idx.msk $0xffff, v27;
	v46 =	vld.idx.msk [tilespmem:v62+s28+$0x0], $0xffff  }
0x7a: {  	v48 =	vadd.s32 s29, v11;
	v23 =	vld.idx.msk [tilespmem:v23+s28+$0x0], $0xffff;
	[tilespmem:v63+s18+$0x0] =	vst.idx.msk $0xffff, v28;
	v49 =	vor.u32 v8, v38  }
0x7b: {  	v19 =	vor.u32 v14, v19;
	v22 =	vld.idx.msk [tilespmem:v22+s28+$0x0], $0xffff;
	[tilespmem:v40+s18+$0x0] =	vst.idx.msk $0xffff, v29;
	v50 =	vadd.s32 s30, v9  }
0x7c: {  	v30 =	vld.idx.msk [tilespmem:v41+s28+$0x0], $0xffff;
	v51 =	vor.u32 v10, v17;
	v52 =	vadd.s32 s0, v9;
	[tilespmem:v42+s18+$0x0] =	vst.idx.msk $0xffff, v34  }
0x7d: {  	v54 =	vadd.s32 s3, v9;
	v53 =	vor.u32 v10, v18;
	v35 =	vld.idx.msk [tilespmem:v43+s28+$0x0], $0xffff;
	[tilespmem:v44+s18+$0x0] =	vst.idx.msk $0xffff, v24  }
0x7e: {  	v55 =	vor.u32 v10, v20;
	v56 =	vadd.s32 s13, v9;
	v26 =	vld.idx.msk [tilespmem:v45+s28+$0x0], $0xffff;
	[tilespmem:v47+s18+$0x0] =	vst.idx.msk $0xffff, v46  }
0x7f: {  	[tilespmem:v48+s18+$0x0] =	vst.idx.msk $0xffff, v23;
	v57 =	vor.u32 v10, v21;
	v58 =	vadd.s32 s15, v9;
	v25 =	vld.idx.msk [tilespmem:v49+s28+$0x0], $0xffff  }
0x80: {  	v19 =	vld.idx.msk [tilespmem:v19+s28+$0x0], $0xffff;
	[tilespmem:v50+s18+$0x0] =	vst.idx.msk $0xffff, v22;
	v59 =	vadd.s32 s1, v15;
	v60 =	vor.u32 v10, v38  }
0x81: {  	v61 =	vor.u32 v12, v16;
	v29 =	vld.idx.msk [tilespmem:v51+s28+$0x0], $0xffff;
	[tilespmem:v52+s18+$0x0] =	vst.idx.msk $0xffff, v30;
	v62 =	vadd.s32 s30, v11  }
0x82: {  	v63 =	vor.u32 v12, v17;
	v40 =	vadd.s32 s0, v11;
	v33 =	vld.idx.msk [tilespmem:v53+s28+$0x0], $0xffff;
	[tilespmem:v54+s18+$0x0] =	vst.idx.msk $0xffff, v35  }
0x83: {  	v41 =	vor.u32 v12, v18;
	v42 =	vadd.s32 s3, v11;
	v24 =	vld.idx.msk [tilespmem:v55+s28+$0x0], $0xffff;
	[tilespmem:v56+s18+$0x0] =	vst.idx.msk $0xffff, v26  }
0x84: {  	v43 =	vor.u32 v12, v20;
	v44 =	vadd.s32 s13, v11;
	v23 =	vld.idx.msk [tilespmem:v57+s28+$0x0], $0xffff;
	[tilespmem:v58+s18+$0x0] =	vst.idx.msk $0xffff, v25  }
0x85: {  	[tilespmem:v59+s18+$0x0] =	vst.idx.msk $0xffff, v19;
	v19 =	vor.u32 v12, v21;
	v46 =	vadd.s32 s15, v11;
	v45 =	vld.idx.msk [tilespmem:v60+s28+$0x0], $0xffff  }
0x86: {  	v48 =	vadd.s32 s29, v13;
	v47 =	vld.idx.msk [tilespmem:v61+s28+$0x0], $0xffff;
	[tilespmem:v62+s18+$0x0] =	vst.idx.msk $0xffff, v29;
	v49 =	vor.u32 v12, v38  }
0x87: {  	v16 =	vor.u32 v14, v16;
	v50 =	vadd.s32 s30, v13;
	[tilespmem:v40+s18+$0x0] =	vst.idx.msk $0xffff, v33;
	v30 =	vld.idx.msk [tilespmem:v63+s28+$0x0], $0xffff  }
0x88: {  	v17 =	vor.u32 v14, v17;
	v52 =	vadd.s32 s0, v13;
	v51 =	vld.idx.msk [tilespmem:v41+s28+$0x0], $0xffff;
	[tilespmem:v42+s18+$0x0] =	vst.idx.msk $0xffff, v24  }
0x89: {  	v18 =	vor.u32 v14, v18;
	v53 =	vadd.s32 s3, v13;
	v24 =	vld.idx.msk [tilespmem:v43+s28+$0x0], $0xffff;
	[tilespmem:v44+s18+$0x0] =	vst.idx.msk $0xffff, v23  }
0x8a: {  	v20 =	vor.u32 v14, v20;
	v54 =	vadd.s32 s13, v13;
	v19 =	vld.idx.msk [tilespmem:v19+s28+$0x0], $0xffff;
	[tilespmem:v46+s18+$0x0] =	vst.idx.msk $0xffff, v45  }
0x8b: {  	v55 =	vor.u32 v14, v21;
	v56 =	vadd.s32 s15, v13;
	[tilespmem:v48+s18+$0x0] =	vst.idx.msk $0xffff, v47;
	v22 =	vld.idx.msk [tilespmem:v49+s28+$0x0], $0xffff  }
0x8c: {  	v57 =	vadd.s32 s29, v15;
	v16 =	vld.idx.msk [tilespmem:v16+s28+$0x0], $0xffff;
	[tilespmem:v50+s18+$0x0] =	vst.idx.msk $0xffff, v30;
	v58 =	vor.u32 v14, v38  }
0x8d: {  	v59 =	vadd.s32 s30, v15;
	[tilespmem:v52+s18+$0x0] =	vst.idx.msk $0xffff, v51;
	v17 =	vld.idx.msk [tilespmem:v17+s28+$0x0], $0xffff  }
0x8e: {  	v18 =	vld.idx.msk [tilespmem:v18+s28+$0x0], $0xffff;
	[tilespmem:v53+s18+$0x0] =	vst.idx.msk $0xffff, v24;
	v60 =	vadd.s32 s0, v15  }
0x8f: {  	v61 =	vadd.s32 s3, v15;
	v20 =	vld.idx.msk [tilespmem:v20+s28+$0x0], $0xffff;
	[tilespmem:v54+s18+$0x0] =	vst.idx.msk $0xffff, v19  }
0x90: {  	v62 =	vadd.s32 s13, v15;
	v19 =	vld.idx.msk [tilespmem:v55+s28+$0x0], $0xffff;
	[tilespmem:v56+s18+$0x0] =	vst.idx.msk $0xffff, v22  }
0x91: {  	v63 =	vadd.s32 s15, v15;
	[tilespmem:v57+s18+$0x0] =	vst.idx.msk $0xffff, v16;
	v16 =	vld.idx.msk [tilespmem:v58+s28+$0x0], $0xffff  }
0x92: {  	[tilespmem:v59+s18+$0x0] =	vst.idx.msk $0xffff, v17  }
0x93: {  	[tilespmem:v60+s18+$0x0] =	vst.idx.msk $0xffff, v18  }
0x94: {  	[tilespmem:v61+s18+$0x0] =	vst.idx.msk $0xffff, v20  }
0x95: {  	[tilespmem:v62+s18+$0x0] =	vst.idx.msk $0xffff, v19  }
0x96: {  	s30 =	simm.s32 $0x0;
	[tilespmem:v63+s18+$0x0] =	vst.idx.msk $0xffff, v16  }
0x97: {  	v16 =	vld [tilespmem:s30+$0x8000];
	_ =	sdelay $0x3  }
0x98: {  	s1 =	simm.s32 $0x41;
	s0 =	simm.s32 $0x4020  }
0x99: {  	[tilespmem:s0+$0xFFFFFFE0] =	vst v16;
	v16 =	vld [tilespmem:s1+$0x8000]  }
0x9a: {  	v17 =	vld [tilespmem:s30+$0x8010];
	_ =	sdelay $0x2  }
0x9b: {  	s12 =	simm.s32 $0x4060;
	s8 =	simm.s32 $0x82  }
0x9c: {  	[tilespmem:s12+$0xFFFFFFE0] =	vst v16;
	v16 =	vld [tilespmem:s8+$0x8000]  }
0x9d: {  	[tilespmem:s0+$0xFFFFFFF0] =	vst v17;
	v18 =	vld [tilespmem:s1+$0x8010]  }
0x9e: {  	v19 =	vld [tilespmem:s30+$0x8020];
	_ =	sdelay $0x1  }
0x9f: {  	s3 =	simm.s32 $0x40A0;
	s13 =	simm.s32 $0xC3  }
0xa0: {  	v17 =	vld [tilespmem:s13+$0x8000];
	[tilespmem:s3+$0xFFFFFFE0] =	vst v16  }
0xa1: {  	[tilespmem:s12+$0xFFFFFFF0] =	vst v18;
	v18 =	vld [tilespmem:s8+$0x8010]  }
0xa2: {  	[tilespmem:s0+$0x0] =	vst v19;
	v19 =	vld [tilespmem:s1+$0x8020]  }
0xa3: {  	v16 =	vld [tilespmem:s30+$0x8030]  }
0xa4: {  	s15 =	simm.s32 $0x40E0;
	s28 =	simm.s32 $0x410  }
.LBB2_6:
0xa5: {  	s29 =	sshra.s32 s28, $0x2;
	[tilespmem:s15+$0xFFFFFFE0] =	vst v17;
	p1 =	sne.s32 s28, $0x80FC  }
.Ltmp6:
0xa6: {  	v17 =	vld [tilespmem:s29+$0x8000];
	[tilespmem:s3+$0xFFFFFFF0] =	vst v18;
	(pc) =	sbr.rel @p1 .LBB2_6-.Ltmp6, $4  }
0xa7: {  	v18 =	vld [tilespmem:s13+$0x8010];
	[tilespmem:s12+$0x0] =	vst v19  }
0xa8: {  	s28 =	sadd.s32 $0x104, s28;
	v19 =	vld [tilespmem:s8+$0x8020];
	[tilespmem:s0+$0x10] =	vst v16;
	s0 =	smov.u32 s12  }
0xa9: {  	v16 =	vld [tilespmem:s1+$0x8030];
	s1 =	smov.u32 s8;
	s8 =	smov.u32 s13;
	s13 =	smov.u32 s29  }
0xaa: {  	s12 =	smov.u32 s3;
	s3 =	smov.u32 s15;
	s15 =	sadd.s32 $0x40, s15  }
0xab: {  	[tilespmem:s15+$0xFFFFFFE0] =	vst v17  }
0xac: {  	v17 =	vld [tilespmem:s13+$0x8010];
	_ =	sdelay $0x3  }
0xad: {  	[tilespmem:s3+$0xFFFFFFF0] =	vst v18  }
0xae: {  	v18 =	vld [tilespmem:s8+$0x8020];
	[tilespmem:s15+$0xFFFFFFF0] =	vst v17  }
0xaf: {  	v17 =	vld [tilespmem:s13+$0x8020];
	_ =	sdelay $0x2  }
0xb0: {  	[tilespmem:s12+$0x0] =	vst v19  }
0xb1: {  	v19 =	vld [tilespmem:s1+$0x8030];
	[tilespmem:s3+$0x0] =	vst v18  }
0xb2: {  	v18 =	vld [tilespmem:s8+$0x8030];
	[tilespmem:s15+$0x0] =	vst v17  }
0xb3: {  	v17 =	vld [tilespmem:s13+$0x8030];
	_ =	sdelay $0x1  }
0xb4: {  	[tilespmem:s0+$0x10] =	vst v16  }
0xb5: {  	s30 =	sshll.u32 s31, $0xA;
	[tilespmem:s12+$0x10] =	vst v19  }
0xb6: {  	s0 =	sand.u32 $0x1FFFFC00, s30;
	[tilespmem:s3+$0x10] =	vst v18  }
0xb7: {  	p1 =	sge.u32 s26, s9;
	s0 =	sadd.s32 s4, s0;
	[tilespmem:s15+$0x10] =	vst v17  }
0xb8: {  	[hbm4b:s0+s2] =	stream.linear.scatter [tilespmem:s19], [sflag:$0x3], $0x2000, $0x38;
	[tilespmem:$0xA080] =	vst v63  }
0xb9: {  	s1 =	simm.s32 @!p1 $0x400;
	s0 =	sshll.u32 @!p1 s31, $0x7  }
0xba: {  	s8 =	simm.s32 @!p1 $0x0;
	s3 =	simm.s32 @!p1 $0x7A1400;
	s0 =	sadd.s32 @!p1 s0, s11  }
0xbb: {  	[tilespmem:s8], [sflag:$0x1] =	stream.strided.gather @!p1 [hbm4b:s0+s1], $0x2000, s3, s1, $0x38;
	[tilespmem:$0xA080] =	vst v63  }
.LBB2_8:
0xbc: {  	s30 =	sor.u32 $0x1, s26  }
0xbd: {  	p1 =	sge.u32 s30, s6  }
.Ltmp7:
0xbe: {  	_ = 	snop;
	(pc) =	sbr.rel @p1 .LBB2_14-.Ltmp7, $1  }
0xbf: {  	_ =	sdelay $0x3  }
0xc0: {  	s31 =	simm.s32 $0x0  }
0xc1: {  	v16 =	vmov s31  }
0xc2: {  	_ =	swait.ge [sflag:s20], $0x2000;
	v22 =	vshll.u32 v16, $0x7  }
0xc3: {  	p1 =	seq.s32 s25, $0x0;
	[sflag:s20] =	ssyncset.done $0x0;
	v16 =	vor.u32 v0, v22  }
0xc4: {  	s0 =	simm.s32 @!p1 $0x4;
	[sflag:s20] =	ssyncadd.s32 $0xFFFFE000  }
0xc5: {  	_ =	swait.ge @!p1 [sflag:s0], $0x2000  }
0xc6: {  	[sflag:s0] =	ssyncset.done @!p1 $0x0  }
0xc7: {  	s1 =	simm.s32 $0x1;
	[sflag:s0] =	ssyncadd.s32 @!p1 $0xFFFFE000  }
0xc8: {  	v17 =	vmov s1;
	v18 =	vadd.s32 s31, v1;
	v16 =	vld.idx.msk [tilespmem:v16+s16+$0x0], $0xffff  }
0xc9: {  	v19 =	vshll.u32 v17, $0x7;
	v17 =	vor.u32 v2, v22  }
0xca: {  	v20 =	vor.u32 v0, v19;
	_ =	sdelay $0x2  }
0xcb: {  	[tilespmem:v18+s18+$0x0] =	vst.idx.msk $0xffff, v16  }
0xcc: {  	s28 =	simm.s32 $0x2;
	v18 =	vadd.s32 s31, v3;
	v17 =	vld.idx.msk [tilespmem:v17+s16+$0x0], $0xffff  }
0xcd: {  	v21 =	vadd.s32 s1, v1;
	v23 =	vor.u32 v4, v22;
	v20 =	vld.idx.msk [tilespmem:v20+s16+$0x0], $0xffff;
	v16 =	vmov s28  }
0xce: {  	v24 =	vor.u32 v2, v19;
	v16 =	vshll.u32 v16, $0x7  }
0xcf: {  	v25 =	vor.u32 v0, v16;
	_ =	sdelay $0x1  }
0xd0: {  	[tilespmem:v18+s18+$0x0] =	vst.idx.msk $0xffff, v17  }
0xd1: {  	[tilespmem:v21+s18+$0x0] =	vst.idx.msk $0xffff, v20;
	v20 =	vadd.s32 s31, v5;
	v18 =	vld.idx.msk [tilespmem:v23+s16+$0x0], $0xffff  }
0xd2: {  	s29 =	simm.s32 $0x3;
	v21 =	vld.idx.msk [tilespmem:v24+s16+$0x0], $0xffff;
	v24 =	vor.u32 v6, v22;
	v23 =	vadd.s32 s1, v3  }
0xd3: {  	v26 =	vadd.s32 s28, v1;
	v27 =	vor.u32 v4, v19;
	v17 =	vmov s29;
	v25 =	vld.idx.msk [tilespmem:v25+s16+$0x0], $0xffff  }
0xd4: {  	v28 =	vor.u32 v2, v16;
	v17 =	vshll.u32 v17, $0x7  }
0xd5: {  	v29 =	vor.u32 v0, v17  }
0xd6: {  	[tilespmem:v20+s18+$0x0] =	vst.idx.msk $0xffff, v18  }
0xd7: {  	[tilespmem:v23+s18+$0x0] =	vst.idx.msk $0xffff, v21;
	v21 =	vadd.s32 s31, v7;
	v20 =	vld.idx.msk [tilespmem:v24+s16+$0x0], $0xffff  }
0xd8: {  	[tilespmem:v26+s18+$0x0] =	vst.idx.msk $0xffff, v25;
	v25 =	vor.u32 v8, v22;
	v23 =	vld.idx.msk [tilespmem:v27+s16+$0x0], $0xffff;
	v24 =	vadd.s32 s1, v5  }
0xd9: {  	s0 =	simm.s32 $0x4;
	v26 =	vld.idx.msk [tilespmem:v28+s16+$0x0], $0xffff;
	v27 =	vadd.s32 s28, v3;
	v28 =	vor.u32 v6, v19  }
0xda: {  	v30 =	vadd.s32 s29, v1;
	v31 =	vor.u32 v4, v16;
	v18 =	vmov s0;
	v29 =	vld.idx.msk [tilespmem:v29+s16+$0x0], $0xffff  }
0xdb: {  	v32 =	vor.u32 v2, v17;
	v18 =	vshll.u32 v18, $0x7  }
0xdc: {  	v33 =	vor.u32 v0, v18;
	[tilespmem:v21+s18+$0x0] =	vst.idx.msk $0xffff, v20  }
0xdd: {  	[tilespmem:v24+s18+$0x0] =	vst.idx.msk $0xffff, v23;
	v23 =	vadd.s32 s31, v9;
	v21 =	vld.idx.msk [tilespmem:v25+s16+$0x0], $0xffff  }
0xde: {  	[tilespmem:v27+s18+$0x0] =	vst.idx.msk $0xffff, v26;
	v26 =	vor.u32 v10, v22;
	v24 =	vld.idx.msk [tilespmem:v28+s16+$0x0], $0xffff;
	v25 =	vadd.s32 s1, v7  }
0xdf: {  	[tilespmem:v30+s18+$0x0] =	vst.idx.msk $0xffff, v29;
	v29 =	vor.u32 v8, v19;
	v27 =	vld.idx.msk [tilespmem:v31+s16+$0x0], $0xffff;
	v28 =	vadd.s32 s28, v5  }
0xe0: {  	s3 =	simm.s32 $0x5;
	v59 =	vor.u32 v6, v16;
	v30 =	vld.idx.msk [tilespmem:v32+s16+$0x0], $0xffff;
	v31 =	vadd.s32 s29, v3  }
0xe1: {  	v34 =	vadd.s32 s0, v1;
	v35 =	vor.u32 v4, v17;
	v20 =	vmov s3;
	v33 =	vld.idx.msk [tilespmem:v33+s16+$0x0], $0xffff  }
0xe2: {  	v36 =	vor.u32 v2, v18;
	v20 =	vshll.u32 v20, $0x7;
	[tilespmem:v23+s18+$0x0] =	vst.idx.msk $0xffff, v21  }
0xe3: {  	v21 =	vor.u32 v0, v20;
	[tilespmem:v25+s18+$0x0] =	vst.idx.msk $0xffff, v24;
	v24 =	vadd.s32 s31, v11;
	v23 =	vld.idx.msk [tilespmem:v26+s16+$0x0], $0xffff  }
0xe4: {  	[tilespmem:v28+s18+$0x0] =	vst.idx.msk $0xffff, v27;
	v27 =	vor.u32 v12, v22;
	v25 =	vld.idx.msk [tilespmem:v29+s16+$0x0], $0xffff;
	v26 =	vadd.s32 s1, v9  }
0xe5: {  	[tilespmem:v31+s18+$0x0] =	vst.idx.msk $0xffff, v30;
	v30 =	vor.u32 v10, v19;
	v28 =	vld.idx.msk [tilespmem:v59+s16+$0x0], $0xffff;
	v29 =	vadd.s32 s28, v7  }
0xe6: {  	v60 =	vadd.s32 s29, v5;
	v61 =	vor.u32 v8, v16;
	[tilespmem:v34+s18+$0x0] =	vst.idx.msk $0xffff, v33;
	v31 =	vld.idx.msk [tilespmem:v35+s16+$0x0], $0xffff  }
0xe7: {  	s13 =	simm.s32 $0x6;
	v62 =	vadd.s32 s0, v3;
	v63 =	vor.u32 v6, v17;
	v34 =	vld.idx.msk [tilespmem:v36+s16+$0x0], $0xffff  }
0xe8: {  	v38 =	vadd.s32 s3, v1;
	v39 =	vor.u32 v4, v18;
	v37 =	vld.idx.msk [tilespmem:v21+s16+$0x0], $0xffff;
	v21 =	vmov s13;
	[tilespmem:v24+s18+$0x0] =	vst.idx.msk $0xffff, v23  }
0xe9: {  	v40 =	vor.u32 v2, v20;
	v21 =	vshll.u32 v21, $0x7;
	[tilespmem:v26+s18+$0x0] =	vst.idx.msk $0xffff, v25;
	v27 =	vld.idx.msk [tilespmem:v27+s16+$0x0], $0xffff  }
0xea: {  	v43 =	vadd.s32 s31, v13;
	[tilespmem:v29+s18+$0x0] =	vst.idx.msk $0xffff, v28;
	v41 =	vor.u32 v0, v21;
	v42 =	vld.idx.msk [tilespmem:v30+s16+$0x0], $0xffff  }
0xeb: {  	v44 =	vadd.s32 s1, v11;
	v45 =	vor.u32 v14, v22;
	[tilespmem:v60+s18+$0x0] =	vst.idx.msk $0xffff, v31;
	v24 =	vld.idx.msk [tilespmem:v61+s16+$0x0], $0xffff  }
0xec: {  	v32 =	vadd.s32 s28, v9;
	[tilespmem:v62+s18+$0x0] =	vst.idx.msk $0xffff, v34;
	v28 =	vor.u32 v12, v19;
	v26 =	vld.idx.msk [tilespmem:v63+s16+$0x0], $0xffff  }
0xed: {  	v31 =	vadd.s32 s29, v7;
	v23 =	vor.u32 v10, v16;
	v25 =	vld.idx.msk [tilespmem:v39+s16+$0x0], $0xffff;
	[tilespmem:v38+s18+$0x0] =	vst.idx.msk $0xffff, v37  }
0xee: {  	v22 =	vor.u32 v8, v17;
	v30 =	vadd.s32 s0, v5;
	v33 =	vld.idx.msk [tilespmem:v40+s16+$0x0], $0xffff  }
0xef: {  	s15 =	simm.s32 $0x7;
	v34 =	vadd.s32 s3, v3;
	v29 =	vor.u32 v6, v18;
	v35 =	vld.idx.msk [tilespmem:v41+s16+$0x0], $0xffff;
	[tilespmem:v43+s18+$0x0] =	vst.idx.msk $0xffff, v27  }
0xf0: {  	s30 =	sadd.s32 s5, s30;
	s8 =	simm.s32 $0x8;
	v36 =	vor.u32 v4, v20;
	v38 =	vmov s15;
	v37 =	vadd.s32 s13, v1;
	[tilespmem:v44+s18+$0x0] =	vst.idx.msk $0xffff, v42;
	v27 =	vld.idx.msk [tilespmem:v45+s16+$0x0], $0xffff  }
.LBB2_10:
0xf1: {  	p1 =	sne.s32 s8, $0x3F;
	v39 =	vshll.u32 v38, $0x7;
	v38 =	vor.u32 v2, v21;
	[tilespmem:v32+s18+$0x0] =	vst.idx.msk $0xffff, v24;
	v40 =	vld.idx.msk [tilespmem:v28+s16+$0x0], $0xffff;
	v41 =	vadd.s32 s31, v15;
	s31 =	smov.u32 s1;
	s1 =	smov.u32 s28  }
0xf2: {  	s28 =	smov.u32 s29;
	s29 =	smov.u32 s0;
	s0 =	smov.u32 s3;
	v42 =	vor.u32 v0, v39;
	[tilespmem:v31+s18+$0x0] =	vst.idx.msk $0xffff, v26;
	v43 =	vld.idx.msk [tilespmem:v23+s16+$0x0], $0xffff;
	v44 =	vadd.s32 s31, v13  }
0xf3: {  	v46 =	vor.u32 v14, v19;
	v19 =	vmov v16;
	s3 =	smov.u32 s13;
	s13 =	smov.u32 s15;
	s15 =	smov.u32 s8;
	v45 =	vadd.s32 s1, v11;
	[tilespmem:v30+s18+$0x0] =	vst.idx.msk $0xffff, v25;
	v24 =	vld.idx.msk [tilespmem:v22+s16+$0x0], $0xffff  }
.Ltmp8:
0xf4: {  	v16 =	vmov v17;
	v32 =	vadd.s32 s28, v9;
	v28 =	vor.u32 v12, v19;
	[tilespmem:v34+s18+$0x0] =	vst.idx.msk $0xffff, v33;
	v26 =	vld.idx.msk [tilespmem:v29+s16+$0x0], $0xffff;
	(pc) =	sbr.rel @p1 .LBB2_10-.Ltmp8, $4  }
0xf5: {  	v17 =	vmov v18;
	v31 =	vadd.s32 s29, v7;
	v23 =	vor.u32 v10, v16;
	[tilespmem:v37+s18+$0x0] =	vst.idx.msk $0xffff, v35;
	v25 =	vld.idx.msk [tilespmem:v36+s16+$0x0], $0xffff  }
0xf6: {  	v18 =	vmov v20;
	v30 =	vadd.s32 s0, v5;
	v22 =	vor.u32 v8, v17;
	v33 =	vld.idx.msk [tilespmem:v38+s16+$0x0], $0xffff;
	[tilespmem:v41+s18+$0x0] =	vst.idx.msk $0xffff, v27  }
0xf7: {  	v20 =	vmov v21;
	v34 =	vadd.s32 s3, v3;
	v29 =	vor.u32 v6, v18;
	v35 =	vld.idx.msk [tilespmem:v42+s16+$0x0], $0xffff;
	[tilespmem:v44+s18+$0x0] =	vst.idx.msk $0xffff, v40  }
0xf8: {  	s8 =	sadd.s32 $0x1, s8;
	v21 =	vmovc v39;
	v37 =	vadd.s32 s13, v1;
	v36 =	vor.u32 v4, v20;
	v38 =	vmov s15;
	[tilespmem:v45+s18+$0x0] =	vst.idx.msk $0xffff, v43;
	v27 =	vld.idx.msk [tilespmem:v46+s16+$0x0], $0xffff  }
0xf9: {  	v38 =	vshll.u32 v38, $0x7  }
0xfa: {  	v39 =	vor.u32 v0, v38;
	_ =	sdelay $0x4  }
0xfb: {  	v40 =	vor.u32 v2, v21;
	v41 =	vadd.s32 s15, v1;
	v39 =	vld.idx.msk [tilespmem:v39+s16+$0x0], $0xffff  }
0xfc: {  	v42 =	vor.u32 v2, v38;
	_ =	sdelay $0x2  }
0xfd: {  	[tilespmem:v37+s18+$0x0] =	vst.idx.msk $0xffff, v35  }
0xfe: {  	v49 =	vadd.s32 s13, v3;
	v35 =	vld.idx.msk [tilespmem:v40+s16+$0x0], $0xffff;
	[tilespmem:v41+s18+$0x0] =	vst.idx.msk $0xffff, v39  }
0xff: {  	v50 =	vor.u32 v4, v21;
	v52 =	vadd.s32 s15, v3;
	v51 =	vld.idx.msk [tilespmem:v42+s16+$0x0], $0xffff  }
0x100: {  	v53 =	vor.u32 v4, v38;
	_ =	sdelay $0x1  }
0x101: {  	[tilespmem:v34+s18+$0x0] =	vst.idx.msk $0xffff, v33  }
0x102: {  	v54 =	vadd.s32 s3, v5;
	v33 =	vld.idx.msk [tilespmem:v36+s16+$0x0], $0xffff;
	[tilespmem:v49+s18+$0x0] =	vst.idx.msk $0xffff, v35  }
0x103: {  	v55 =	vor.u32 v6, v20;
	v57 =	vadd.s32 s13, v5;
	v56 =	vld.idx.msk [tilespmem:v50+s16+$0x0], $0xffff;
	[tilespmem:v52+s18+$0x0] =	vst.idx.msk $0xffff, v51  }
0x104: {  	[tilespmem:v32+s18+$0x0] =	vst.idx.msk $0xffff, v24;
	v58 =	vor.u32 v6, v21;
	v60 =	vadd.s32 s15, v5;
	v59 =	vld.idx.msk [tilespmem:v53+s16+$0x0], $0xffff  }
0x105: {  	[tilespmem:v31+s18+$0x0] =	vst.idx.msk $0xffff, v26;
	v61 =	vadd.s32 s31, v15;
	v62 =	vor.u32 v6, v38  }
0x106: {  	v28 =	vld.idx.msk [tilespmem:v28+s16+$0x0], $0xffff;
	v63 =	vadd.s32 s1, v13;
	[tilespmem:v30+s18+$0x0] =	vst.idx.msk $0xffff, v25  }
0x107: {  	v29 =	vld.idx.msk [tilespmem:v29+s16+$0x0], $0xffff;
	v40 =	vadd.s32 s0, v7;
	[tilespmem:v54+s18+$0x0] =	vst.idx.msk $0xffff, v33  }
0x108: {  	v34 =	vld.idx.msk [tilespmem:v55+s16+$0x0], $0xffff;
	v41 =	vor.u32 v8, v18;
	v42 =	vadd.s32 s3, v7;
	[tilespmem:v57+s18+$0x0] =	vst.idx.msk $0xffff, v56  }
0x109: {  	v43 =	vor.u32 v8, v20;
	v44 =	vadd.s32 s13, v7;
	v24 =	vld.idx.msk [tilespmem:v58+s16+$0x0], $0xffff;
	[tilespmem:v60+s18+$0x0] =	vst.idx.msk $0xffff, v59  }
0x10a: {  	v45 =	vor.u32 v8, v21;
	v47 =	vadd.s32 s15, v7;
	[tilespmem:v61+s18+$0x0] =	vst.idx.msk $0xffff, v27;
	v46 =	vld.idx.msk [tilespmem:v62+s16+$0x0], $0xffff  }
0x10b: {  	v48 =	vadd.s32 s28, v11;
	v23 =	vld.idx.msk [tilespmem:v23+s16+$0x0], $0xffff;
	[tilespmem:v63+s18+$0x0] =	vst.idx.msk $0xffff, v28;
	v49 =	vor.u32 v8, v38  }
0x10c: {  	v19 =	vor.u32 v14, v19;
	v22 =	vld.idx.msk [tilespmem:v22+s16+$0x0], $0xffff;
	[tilespmem:v40+s18+$0x0] =	vst.idx.msk $0xffff, v29;
	v50 =	vadd.s32 s29, v9  }
0x10d: {  	v30 =	vld.idx.msk [tilespmem:v41+s16+$0x0], $0xffff;
	v51 =	vor.u32 v10, v17;
	v52 =	vadd.s32 s0, v9;
	[tilespmem:v42+s18+$0x0] =	vst.idx.msk $0xffff, v34  }
0x10e: {  	v54 =	vadd.s32 s3, v9;
	v53 =	vor.u32 v10, v18;
	v35 =	vld.idx.msk [tilespmem:v43+s16+$0x0], $0xffff;
	[tilespmem:v44+s18+$0x0] =	vst.idx.msk $0xffff, v24  }
0x10f: {  	v55 =	vor.u32 v10, v20;
	v56 =	vadd.s32 s13, v9;
	v26 =	vld.idx.msk [tilespmem:v45+s16+$0x0], $0xffff;
	[tilespmem:v47+s18+$0x0] =	vst.idx.msk $0xffff, v46  }
0x110: {  	[tilespmem:v48+s18+$0x0] =	vst.idx.msk $0xffff, v23;
	v57 =	vor.u32 v10, v21;
	v58 =	vadd.s32 s15, v9;
	v25 =	vld.idx.msk [tilespmem:v49+s16+$0x0], $0xffff  }
0x111: {  	v19 =	vld.idx.msk [tilespmem:v19+s16+$0x0], $0xffff;
	[tilespmem:v50+s18+$0x0] =	vst.idx.msk $0xffff, v22;
	v59 =	vadd.s32 s1, v15;
	v60 =	vor.u32 v10, v38  }
0x112: {  	v61 =	vor.u32 v12, v16;
	v29 =	vld.idx.msk [tilespmem:v51+s16+$0x0], $0xffff;
	[tilespmem:v52+s18+$0x0] =	vst.idx.msk $0xffff, v30;
	v62 =	vadd.s32 s29, v11  }
0x113: {  	v63 =	vor.u32 v12, v17;
	v40 =	vadd.s32 s0, v11;
	v33 =	vld.idx.msk [tilespmem:v53+s16+$0x0], $0xffff;
	[tilespmem:v54+s18+$0x0] =	vst.idx.msk $0xffff, v35  }
0x114: {  	v41 =	vor.u32 v12, v18;
	v42 =	vadd.s32 s3, v11;
	v24 =	vld.idx.msk [tilespmem:v55+s16+$0x0], $0xffff;
	[tilespmem:v56+s18+$0x0] =	vst.idx.msk $0xffff, v26  }
0x115: {  	v43 =	vor.u32 v12, v20;
	v44 =	vadd.s32 s13, v11;
	v23 =	vld.idx.msk [tilespmem:v57+s16+$0x0], $0xffff;
	[tilespmem:v58+s18+$0x0] =	vst.idx.msk $0xffff, v25  }
0x116: {  	[tilespmem:v59+s18+$0x0] =	vst.idx.msk $0xffff, v19;
	v19 =	vor.u32 v12, v21;
	v46 =	vadd.s32 s15, v11;
	v45 =	vld.idx.msk [tilespmem:v60+s16+$0x0], $0xffff  }
0x117: {  	v48 =	vadd.s32 s28, v13;
	v47 =	vld.idx.msk [tilespmem:v61+s16+$0x0], $0xffff;
	[tilespmem:v62+s18+$0x0] =	vst.idx.msk $0xffff, v29;
	v49 =	vor.u32 v12, v38  }
0x118: {  	v16 =	vor.u32 v14, v16;
	v50 =	vadd.s32 s29, v13;
	[tilespmem:v40+s18+$0x0] =	vst.idx.msk $0xffff, v33;
	v30 =	vld.idx.msk [tilespmem:v63+s16+$0x0], $0xffff  }
0x119: {  	v17 =	vor.u32 v14, v17;
	v52 =	vadd.s32 s0, v13;
	v51 =	vld.idx.msk [tilespmem:v41+s16+$0x0], $0xffff;
	[tilespmem:v42+s18+$0x0] =	vst.idx.msk $0xffff, v24  }
0x11a: {  	v18 =	vor.u32 v14, v18;
	v53 =	vadd.s32 s3, v13;
	v24 =	vld.idx.msk [tilespmem:v43+s16+$0x0], $0xffff;
	[tilespmem:v44+s18+$0x0] =	vst.idx.msk $0xffff, v23  }
0x11b: {  	v20 =	vor.u32 v14, v20;
	v54 =	vadd.s32 s13, v13;
	v19 =	vld.idx.msk [tilespmem:v19+s16+$0x0], $0xffff;
	[tilespmem:v46+s18+$0x0] =	vst.idx.msk $0xffff, v45  }
0x11c: {  	v55 =	vor.u32 v14, v21;
	v56 =	vadd.s32 s15, v13;
	[tilespmem:v48+s18+$0x0] =	vst.idx.msk $0xffff, v47;
	v22 =	vld.idx.msk [tilespmem:v49+s16+$0x0], $0xffff  }
0x11d: {  	v57 =	vadd.s32 s28, v15;
	v16 =	vld.idx.msk [tilespmem:v16+s16+$0x0], $0xffff;
	[tilespmem:v50+s18+$0x0] =	vst.idx.msk $0xffff, v30;
	v58 =	vor.u32 v14, v38  }
0x11e: {  	v59 =	vadd.s32 s29, v15;
	[tilespmem:v52+s18+$0x0] =	vst.idx.msk $0xffff, v51;
	v17 =	vld.idx.msk [tilespmem:v17+s16+$0x0], $0xffff  }
0x11f: {  	v18 =	vld.idx.msk [tilespmem:v18+s16+$0x0], $0xffff;
	[tilespmem:v53+s18+$0x0] =	vst.idx.msk $0xffff, v24;
	v60 =	vadd.s32 s0, v15  }
0x120: {  	v61 =	vadd.s32 s3, v15;
	v20 =	vld.idx.msk [tilespmem:v20+s16+$0x0], $0xffff;
	[tilespmem:v54+s18+$0x0] =	vst.idx.msk $0xffff, v19  }
0x121: {  	v62 =	vadd.s32 s13, v15;
	v19 =	vld.idx.msk [tilespmem:v55+s16+$0x0], $0xffff;
	[tilespmem:v56+s18+$0x0] =	vst.idx.msk $0xffff, v22  }
0x122: {  	v63 =	vadd.s32 s15, v15;
	[tilespmem:v57+s18+$0x0] =	vst.idx.msk $0xffff, v16;
	v16 =	vld.idx.msk [tilespmem:v58+s16+$0x0], $0xffff  }
0x123: {  	[tilespmem:v59+s18+$0x0] =	vst.idx.msk $0xffff, v17  }
0x124: {  	[tilespmem:v60+s18+$0x0] =	vst.idx.msk $0xffff, v18  }
0x125: {  	[tilespmem:v61+s18+$0x0] =	vst.idx.msk $0xffff, v20  }
0x126: {  	[tilespmem:v62+s18+$0x0] =	vst.idx.msk $0xffff, v19  }
0x127: {  	s31 =	simm.s32 $0x0;
	[tilespmem:v63+s18+$0x0] =	vst.idx.msk $0xffff, v16  }
0x128: {  	v16 =	vld [tilespmem:s31+$0x8000];
	_ =	sdelay $0x3  }
0x129: {  	s1 =	simm.s32 $0x41;
	s0 =	simm.s32 $0x6020  }
0x12a: {  	[tilespmem:s0+$0xFFFFFFE0] =	vst v16;
	v16 =	vld [tilespmem:s1+$0x8000]  }
0x12b: {  	v17 =	vld [tilespmem:s31+$0x8010];
	_ =	sdelay $0x2  }
0x12c: {  	s12 =	simm.s32 $0x6060;
	s8 =	simm.s32 $0x82  }
0x12d: {  	[tilespmem:s12+$0xFFFFFFE0] =	vst v16;
	v16 =	vld [tilespmem:s8+$0x8000]  }
0x12e: {  	[tilespmem:s0+$0xFFFFFFF0] =	vst v17;
	v18 =	vld [tilespmem:s1+$0x8010]  }
0x12f: {  	v19 =	vld [tilespmem:s31+$0x8020];
	_ =	sdelay $0x1  }
0x130: {  	s3 =	simm.s32 $0x60A0;
	s13 =	simm.s32 $0xC3  }
0x131: {  	v17 =	vld [tilespmem:s13+$0x8000];
	[tilespmem:s3+$0xFFFFFFE0] =	vst v16  }
0x132: {  	[tilespmem:s12+$0xFFFFFFF0] =	vst v18;
	v18 =	vld [tilespmem:s8+$0x8010]  }
0x133: {  	[tilespmem:s0+$0x0] =	vst v19;
	v19 =	vld [tilespmem:s1+$0x8020]  }
0x134: {  	v16 =	vld [tilespmem:s31+$0x8030]  }
0x135: {  	s28 =	simm.s32 $0x410;
	s15 =	simm.s32 $0x60E0  }
.LBB2_12:
0x136: {  	s29 =	sshra.s32 s28, $0x2;
	[tilespmem:s15+$0xFFFFFFE0] =	vst v17;
	p1 =	sne.s32 s28, $0x80FC  }
.Ltmp9:
0x137: {  	v17 =	vld [tilespmem:s29+$0x8000];
	[tilespmem:s3+$0xFFFFFFF0] =	vst v18;
	(pc) =	sbr.rel @p1 .LBB2_12-.Ltmp9, $4  }
0x138: {  	v18 =	vld [tilespmem:s13+$0x8010];
	[tilespmem:s12+$0x0] =	vst v19  }
0x139: {  	s28 =	sadd.s32 $0x104, s28;
	v19 =	vld [tilespmem:s8+$0x8020];
	[tilespmem:s0+$0x10] =	vst v16;
	s0 =	smov.u32 s12  }
0x13a: {  	v16 =	vld [tilespmem:s1+$0x8030];
	s1 =	smov.u32 s8;
	s8 =	smov.u32 s13;
	s13 =	smov.u32 s29  }
0x13b: {  	s12 =	smov.u32 s3;
	s3 =	smov.u32 s15;
	s15 =	sadd.s32 $0x40, s15  }
0x13c: {  	[tilespmem:s15+$0xFFFFFFE0] =	vst v17  }
0x13d: {  	v17 =	vld [tilespmem:s13+$0x8010];
	_ =	sdelay $0x3  }
0x13e: {  	[tilespmem:s3+$0xFFFFFFF0] =	vst v18  }
0x13f: {  	v18 =	vld [tilespmem:s8+$0x8020];
	[tilespmem:s15+$0xFFFFFFF0] =	vst v17  }
0x140: {  	v17 =	vld [tilespmem:s13+$0x8020];
	_ =	sdelay $0x2  }
0x141: {  	[tilespmem:s12+$0x0] =	vst v19  }
0x142: {  	v19 =	vld [tilespmem:s1+$0x8030];
	[tilespmem:s3+$0x0] =	vst v18  }
0x143: {  	v18 =	vld [tilespmem:s8+$0x8030];
	[tilespmem:s15+$0x0] =	vst v17  }
0x144: {  	v17 =	vld [tilespmem:s13+$0x8030];
	_ =	sdelay $0x1  }
0x145: {  	[tilespmem:s0+$0x10] =	vst v16  }
0x146: {  	s31 =	sshll.u32 s30, $0xA;
	[tilespmem:s12+$0x10] =	vst v19  }
0x147: {  	s0 =	sand.u32 $0x1FFFFC00, s31;
	[tilespmem:s3+$0x10] =	vst v18  }
.Ltmp10:
0x148: {  	p1 =	sge.u32 s26, s10;
	s0 =	sadd.s32 s4, s0;
	[tilespmem:s15+$0x10] =	vst v17;
	(pc) =	sbr.rel .LBB2_14-.Ltmp10, $4  }
0x149: {  	[hbm4b:s0+s2] =	stream.linear.scatter [tilespmem:s21], [sflag:$0x4], $0x2000, $0x38;
	[tilespmem:$0xA080] =	vst v63  }
0x14a: {  	s1 =	simm.s32 @!p1 $0x400;
	s0 =	sshll.u32 @!p1 s30, $0x7  }
0x14b: {  	s8 =	simm.s32 @!p1 $0x2000;
	s3 =	simm.s32 @!p1 $0x7A1400;
	s0 =	sadd.s32 @!p1 s0, s11  }
0x14c: {  	[tilespmem:s8], [sflag:$0x2] =	stream.strided.gather @!p1 [hbm4b:s0+s1], $0x2000, s3, s1, $0x38;
	[tilespmem:$0xA080] =	vst v63  }
.LBB2_16:
0x14d: {  	_ =	sfence.sel $0x180000  }
0x14e: {  	[bflag:$0x0] =	sbarrier.arrive $0xFFFF  }
0x14f: {  	_ =	strace $0x90000047  }
0x150: {  	s0 =	stileid.u32;
	[bflag:$0x2] =	sbarrier.arrive $0xFFFF  }
0x151: {  	p0 =	sne.s32 s0, $0x0;
	s0 =	rddreg [dreg:$0x2]  }
0x152: {  	s0 =	sadd.s32 @!p0 $0x100000, s0  }
0x153: {  	[sflag:s0] =	ssyncadd.tile.s32 @!p0 $0x1;
	_ =	shalt  }
.Lfunc_end2:
_tile_overlayer_lowered:
.L_overlay_start_2:
0x154: {  	(tag) =	ssettag $0x2  }
0x155: {  	s0 =	rddreg [dreg:$0x0];
	s2 =	stileid.u32  }
0x156: {  	s1 =	rddreg [dreg:$0x1];
	p0 =	sne.s32 s2, $0x0  }
0x157: {  	s3 =	rddreg [dreg:$0x2];
	[bflag:$0x3] =	sbarrier.arrive $0xFFFF;
	s2 =	simm.s32 @!p0 $0x1C05  }
0x158: {  	[timem:s3], [sflag:s2] =	dma.local @!p0 [hbm:s0], s1  }
0x159: {  	s0 =	simm.s32 @!p0 $0x5  }
0x15a: {  	_ =	swait.ge @!p0 [sflag:s0], s1  }
0x15b: {  	s1 =	ssub.s32 @!p0 $0x0, s1;
	[sflag:s0] =	ssyncset.done @!p0 $0x0  }
0x15c: {  	[sflag:s0] =	ssyncadd.s32 @!p0 s1  }
0x15d: {  	[bflag:$0x3] =	sbarrier.arrive $0xFFFF  }
0x15e: {  	_ =	shalt  }

// kernel: kernel.8.cloned.1.call-start
scs
__scs_entry_jumppad:
0x0: {  	(pc) =	sbr.rel $0x88, $3  }
0x1: {  	(tag) =	ssettag $0x0;
	lr =	simm.s32 $0x1  }
0x2: {  	[smem:$0x3F9F] =	sst lr;
	_ =	strace $0xD0000000  }
0x3: {  	_ = 	snop  }
0x4: {  	_ = 	snop  }
0x5: {  	_ = 	snop  }
0x6: {  	_ = 	snop  }
0x7: {  	_ = 	snop  }
__scs_overlays_trampoline_lowered:
0x8: {  	[smem:$0x3FAE] =	sst s0  }
0x9: {  	[smem:$0x3FAF] =	sst s1  }
0xa: {  	[smem:$0x3FB0] =	sst s2  }
0xb: {  	[smem:$0x3FB1] =	sst s3  }
0xc: {  	[smem:$0x3FB2] =	sst s4  }
0xd: {  	[smem:$0x3FB3] =	sst s5  }
0xe: {  	[smem:$0x3FB4] =	sst s6  }
0xf: {  	[smem:$0x3FB5] =	sst s7  }
0x10: {  	[smem:$0x3FB6] =	sst s8  }
0x11: {  	[smem:$0x3FB7] =	sst s9;
	s0 =	simm.s32 @!p0 $0x0  }
0x12: {  	s1 =	sld [smem:$0x3F9D];
	s0 =	simm.s32 @p0 $0x1  }
0x13: {  	[smem:$0x3FB8] =	sst s0;
	s0 =	simm.s32 @!p1 $0x0  }
0x14: {  	s2 =	sld [smem:$0x3F9C];
	s0 =	simm.s32 @p1 $0x1  }
0x15: {  	[smem:$0x3FB9] =	sst s0;
	s0 =	simm.s32 @!p2 $0x0  }
0x16: {  	s3 =	sld [smem:$0x3FDB];
	s0 =	simm.s32 @p2 $0x1  }
0x17: {  	s4 =	simm.s32 $0x1BF5;
	[smem:$0x3FBB] =	sst s0  }
0x18: {  	s0 =	sld [smem:$0x3F9E];
	_ =	swait.ge [sflag:s4], $0x0  }
0x19: {  	s7 =	sld [smem:$0x3F9F]  }
0x1a: {  	s8 =	sadd.s32 $0xFFFFE003, lr  }
0x1b: {  	s9 =	sadd.s32 $0xFFFFFEF7, lr;
	s5 =	simm.s32 $0xFFFFFFFF;
	p2 =	slt.u32 s8, $0xFFFFF086  }
0x1c: {  	p1 =	slt.u32 s9, $0xF7A;
	s5 =	simm.s32 @!p2 $0x0  }
0x1d: {  	s5 =	simm.s32 @p1 $0x1;
	p0 =	seq.s32 s7, s2  }
0x1e: {  	s7 =	smul.u32 @!p0 $0xF7A, s2;
	p2 =	seq.s32 @!p0 s5, $0x0  }
0x1f: {  	s9 =	smul.u32 $0xF7A, s1;
	s8 =	simm.s32 @!p0 $0x1BF5;
	p2 =	por !p2, p0  }
0x20: {  	[sflag:s8] =	ssyncset.s32 @!p0 $0xFFFFF086;
	s6 =	sadd.s32 @!p0 s3, s7;
	s7 =	simm.s32 @!p0 $0x108  }
0x21: {  	s3 =	sadd.s32 s3, s9;
	s6 =	sadd.s32 @!p0 $0x88, s6;
	s7 =	simm.s32 @p2 $0x1082  }
0x22: {  	[simem:s7], [sflag:s8] =	dma.local @!p0 [hbm:s6], $0xF7A  }
0x23: {  	s9 =	sor.u32 $0xD0000000, s2;
	s6 =	simm.s32 $0x108;
	_ =	swait.ge @!p0 [sflag:s8], $0x0  }
0x24: {  	s3 =	sadd.s32 $0x88, s3;
	s6 =	simm.s32 @!p1 $0x1082;
	[sflag:s4] =	ssyncset.s32 $0xFFFFF086  }
0x25: {  	[simem:s6], [sflag:s4] =	dma.local [hbm:s3], $0xF7A  }
0x26: {  	[smem:$0x3F9F] =	sst s1;
	(tag) =	ssettag s2;
	_ =	strace s9  }
0x27: {  	s1 =	sld [smem:$0x3FAF]  }
0x28: {  	s2 =	sld [smem:$0x3FB0]  }
0x29: {  	s4 =	sld [smem:$0x3FB2]  }
0x2a: {  	p0 =	seq.s32 s5, $0x0;
	s5 =	sld [smem:$0x3FB3]  }
0x2b: {  	s6 =	sld [smem:$0x3FB4]  }
0x2c: {  	s7 =	sld [smem:$0x3FB5]  }
0x2d: {  	s3 =	simm.s32 $0x108;
	s8 =	sld [smem:$0x3FB6]  }
0x2e: {  	s3 =	simm.s32 @!p0 $0x1082;
	s9 =	sld [smem:$0x3FB7]  }
0x2f: {  	lr =	sadd.s32 s0, s3;
	s0 =	sld [smem:$0x3FAE]  }
0x30: {  	s3 =	sld [smem:$0x3FB1]  }
0x31: {  	[smem:$0x3FBA] =	sst s10  }
0x32: {  	s10 =	sld [smem:$0x3FB8];
	_ =	sdelay $0x3  }
0x33: {  	p0 =	seq.s32 s10, $0x1;
	s10 =	sld [smem:$0x3FBA];
	_ =	sdelay $0x3  }
0x34: {  	[smem:$0x3FBA] =	sst s10  }
0x35: {  	s10 =	sld [smem:$0x3FB9];
	_ =	sdelay $0x3  }
0x36: {  	p1 =	seq.s32 s10, $0x1;
	s10 =	sld [smem:$0x3FBA];
	_ =	sdelay $0x3  }
0x37: {  	[smem:$0x3FBA] =	sst s10  }
0x38: {  	s10 =	sld [smem:$0x3FBB]  }
0x39: {  	_ = 	snop;
	(pc) =	sbr.ind lr, $3  }
0x3a: {  	_ = 	snop  }
0x3b: {  	_ = 	snop  }
0x3c: {  	p2 =	seq.s32 s10, $0x1;
	s10 =	sld [smem:$0x3FBA]  }
0x3d: {  	_ =	shalt  }
0x3e: {  	_ =	shalt  }
0x3f: {  	_ =	shalt  }
0x40: {  	_ =	shalt  }
0x41: {  	_ =	shalt  }
0x42: {  	_ =	shalt  }
0x43: {  	_ =	shalt  }
0x44: {  	_ =	shalt  }
0x45: {  	_ =	shalt  }
0x46: {  	_ =	shalt  }
0x47: {  	_ =	shalt  }
0x48: {  	_ =	shalt  }
0x49: {  	_ =	shalt  }
0x4a: {  	_ =	shalt  }
0x4b: {  	_ =	shalt  }
0x4c: {  	_ =	shalt  }
0x4d: {  	_ =	shalt  }
0x4e: {  	_ =	shalt  }
0x4f: {  	_ =	shalt  }
0x50: {  	_ =	shalt  }
0x51: {  	_ =	shalt  }
0x52: {  	_ =	shalt  }
0x53: {  	_ =	shalt  }
0x54: {  	_ =	shalt  }
0x55: {  	_ =	shalt  }
0x56: {  	_ =	shalt  }
0x57: {  	_ =	shalt  }
0x58: {  	_ =	shalt  }
0x59: {  	_ =	shalt  }
0x5a: {  	_ =	shalt  }
0x5b: {  	_ =	shalt  }
0x5c: {  	_ =	shalt  }
0x5d: {  	_ =	shalt  }
0x5e: {  	_ =	shalt  }
0x5f: {  	_ =	shalt  }
0x60: {  	_ =	shalt  }
0x61: {  	_ =	shalt  }
0x62: {  	_ =	shalt  }
0x63: {  	_ =	shalt  }
0x64: {  	_ =	shalt  }
0x65: {  	_ =	shalt  }
0x66: {  	_ =	shalt  }
0x67: {  	_ =	shalt  }
0x68: {  	_ =	shalt  }
0x69: {  	_ =	shalt  }
0x6a: {  	_ =	shalt  }
0x6b: {  	_ =	shalt  }
0x6c: {  	_ =	shalt  }
0x6d: {  	_ =	shalt  }
0x6e: {  	_ =	shalt  }
0x6f: {  	_ =	shalt  }
0x70: {  	_ =	shalt  }
0x71: {  	_ =	shalt  }
0x72: {  	_ =	shalt  }
0x73: {  	_ =	shalt  }
0x74: {  	_ =	shalt  }
0x75: {  	_ =	shalt  }
0x76: {  	_ =	shalt  }
0x77: {  	_ =	shalt  }
0x78: {  	_ =	shalt  }
0x79: {  	_ =	shalt  }
0x7a: {  	_ =	shalt  }
0x7b: {  	_ =	shalt  }
0x7c: {  	_ =	shalt  }
0x7d: {  	_ =	shalt  }
0x7e: {  	_ =	shalt  }
0x7f: {  	_ =	shalt  }
0x80: {  	_ =	shalt  }
0x81: {  	_ =	shalt  }
0x82: {  	_ =	shalt  }
0x83: {  	_ =	shalt  }
0x84: {  	_ =	shalt  }
0x85: {  	_ =	shalt  }
0x86: {  	_ =	shalt  }
0x87: {  	_ =	shalt  }
.Lfunc_end0:
.L_simem_size_0:
called_computation.1_lowered:
.L_overlay_start_0:
0x88: {  	s2 =	sld [smem:$0x3FD9]  }
0x89: {  	s3 =	sld [smem:$0x3FFE];
	_ =	sdelay $0x1  }
0x8a: {  	s1 =	srdreg.scid  }
0x8b: {  	s0 =	sand.u32 $0x1, s1  }
0x8c: {  	s17 =	sshll.u32 s0, $0xA;
	s2 =	sadd.s32 s3, s2  }
0x8d: {  	s2 =	sadd.s32 s2, s17  }
0x8e: {  	[smem:$0x3FC6] =	sst s2  }
0x8f: {  	_ = 	snop  }
0x90: {  	s2 =	sld [smem:$0x3FD0];
	(tm) =	ssettm $0x1  }
0x91: {  	s18 =	sld [smem:$0x3FFB];
	_ =	sdelay $0x3  }
0x92: {  	_ =	strace s18  }
0x93: {  	s3 =	sld [smem:$0x3FFC];
	_ =	sdelay $0x3  }
0x94: {  	_ =	strace s3  }
0x95: {  	s3 =	sld [smem:$0x3FFD];
	_ =	sdelay $0x3  }
0x96: {  	_ =	strace s3  }
0x97: {  	_ =	strace $0x8FFFFFFF  }
0x98: {  	s19 =	sld [smem:$0x3FDB];
	_ =	sdelay $0x1  }
0x99: {  	s4 =	simm.s32 $_scs_section_size  }
0x9a: {  	s5 =	simm.s32 $_size__tile_overlayer_lowered;
	s6 =	simm.s32 $_tile_overlayer_lowered  }
0x9b: {  	s22 =	simm.s32 $0x1BFF;
	s21 =	sshll.u32 s6, $0x1;
	s3 =	sadd.s32 s4, s19  }
0x9c: {  	s7 =	simm.s32 $0x0;
	s20 =	sshll.u32 s5, $0x1;
	s5 =	sadd.s32 s21, s3  }
0x9d: {  	[timem:s7], [sflag:s22] =	dma.local [hbm:s5], s20  }
0x9e: {  	_ =	swait.ge [sflag:s22], s20  }
0x9f: {  	s4 =	ssub.s32 $0x0, s20;
	[sflag:s22] =	ssyncset.done $0x0  }
0xa0: {  	[sflag:s22] =	ssyncadd.s32 s4;
	_ =	sdelay $0x1  }
0xa1: {  	s23 =	simm.s32 $0x1B8B  }
0xa2: {  	_ =	swait.ge [sflag:s23], $0x1  }
0xa3: {  	[sflag:s23] =	ssyncset.done $0x0  }
0xa4: {  	s25 =	simm.s32 $0x1B8E;
	s24 =	sld [smem:$0x3FFE];
	[sflag:s23] =	ssyncadd.s32 $0xFFFFFFFF  }
0xa5: {  	s26 =	simm.s32 $execute0_lowered;
	[smem:$0x3FD2] =	sst s25  }
0xa6: {  	s5 =	sshll.u32 s26, $0x1;
	_ =	strace $0x80000049;
	[dreg:$0x1] =	wrdreg $0xFFFFFFFF  }
0xa7: {  	s28 =	simm.s32 $_size_execute0_lowered;
	s3 =	sadd.s32 s3, s5;
	[dreg:$0x0] =	wrdreg $0x0  }
0xa8: {  	s5 =	sshll.u32 s28, $0x1;
	[dreg:$0x2] =	wrdreg s3  }
0xa9: {  	[dreg:$0x3] =	wrdreg s5  }
0xaa: {  	[dreg:$0x4] =	wrdreg $0xC0  }
0xab: {  	_ =	task [dreg:s7], $0x5FFFF  }
0xac: {  	[dreg:$0x1] =	wrdreg $0xFFFFFFFF  }
0xad: {  	[dreg:$0x0] =	wrdreg $0x60  }
0xae: {  	[dreg:$0x2] =	wrdreg s2  }
0xaf: {  	[dreg:$0x3] =	wrdreg s24  }
0xb0: {  	[dreg:$0x4] =	wrdreg $0x9  }
0xb1: {  	_ =	task.clear_ibuf [dreg:s7], $0x5FFFF;
	_ =	strace $0x90000049  }
0xb2: {  	s29 =	simm.s32 $0x9;
	_ =	strace $0x8000004B  }
0xb3: {  	_ =	swait.ge [sflag:s29], $0x1  }
0xb4: {  	[sflag:s29] =	ssyncadd.s32 $0xFFFFFFFF  }
0xb5: {  	_ =	strace $0x9000004B  }
0xb6: {  	_ =	sfence  }
0xb7: {  	s30 =	sld [smem:$0x0];
	_ =	sdelay $0x2  }
0xb8: {  	s31 =	sshll.u32 s1, $0xD;
	s1 =	sshrl.u32 s1, $0x2  }
0xb9: {  	s3 =	sand.u32 $0x4000, s31;
	s1 =	sadd.s32 s1, s30  }
0xba: {  	s0 =	sor.u32 s3, s0;
	s1 =	sshll.u32 s1, $0x11  }
0xbb: {  	s0 =	sor.u32 s1, s0  }
0xbc: {  	s0 =	sadd.s32 $0x8F2B, s0  }
0xbd: {  	[sflag:s0] =	ssyncadd.remote.s32 $0x1  }
0xbe: {  	_ =	sfence.sel $0xFFFF  }
0xbf: {  	[dreg:$0x0] =	wrdreg $0xFFFFFFFF;
	(pc) =	sbr.abs _section_cstart, $3  }
0xc0: {  	[dreg:$0x1] =	wrdreg $0xFFFFFFFF  }
0xc1: {  	_ =	task.clear_ibuf [dreg:s7], $0x2FFFF;
	_ =	strace $0x9FFFFFFF  }
0xc2: {  	(tm) =	ssettm $0x7FFFFFFF  }
0xc3: {  	_ =	shalt  }
tec
execute0_lowered:
.L_overlay_start_1:
0x0: {  	(tag) =	ssettag $0x1  }
0x1: {  	s0 =	srdreg.scid;
	s2 =	stileid.u32  }
0x2: {  	s1 =	rddreg [dreg:$0x0];
	s0 =	sand.u32 $0x1, s0;
	s2 =	sshll.u32 s2, $0x1  }
0x3: {  	s3 =	rddreg [dreg:$0x1];
	s24 =	simm.s32 $0x400;
	s4 =	sor.u32 s0, s2  }
0x4: {  	s7 =	sadd.s32 $0x7A2200, s3;
	s2 =	simm.s32 $0x0;
	s5 =	smul.u32 $0x500, s4  }
0x5: {  	s0 =	ssub.s32 $0x2, s0;
	[smem:$0x7FF] =	sst s2;
	s6 =	smul.u32 $0x14000, s4  }
0x6: {  	s4 =	smul.u32 $0xA0000, s4;
	s20 =	sshrl.u32 s0, $0x1;
	_ =	strace $0x8000004A  }
0x7: {  	[dreg:$0x17] =	wrdreg s24;
	s1 =	sadd.s32 s1, s5;
	s23 =	sadd.s32 s7, s6  }
0x8: {  	s0 =	ssub.s32 s0, s20;
	[dreg:$0x3] =	wrdreg s1;
	s25 =	sadd.s32 $0x1000, s23  }
0x9: {  	s4 =	sshrl.u32 s4, $0x3;
	s26 =	sadd.s32 $0x2000, s23;
	[dreg:$0x4] =	wrdreg s25  }
0xa: {  	s0 =	smax.u32 s0, $0x1;
	s5 =	sadd.s32 $0x3000, s23;
	[dreg:$0x5] =	wrdreg s26  }
0xb: {  	s4 =	sadd.s32 s7, s4;
	p1 =	sne.s32 s0, $0x1;
	[dreg:$0x6] =	wrdreg s5  }
0xc: {  	s1 =	sadd.s32 $0xFFFFFFFF, s0;
	s6 =	sadd.s32 $0x4000, s4;
	s0 =	rddreg [dreg:$0x3]  }
0xd: {  	s7 =	sadd.s32 $0x5000, s4;
	[dreg:$0x7] =	wrdreg s6  }
0xe: {  	s8 =	sadd.s32 $0x6000, s4;
	[dreg:$0x8] =	wrdreg s7  }
0xf: {  	s9 =	sadd.s32 $0x7000, s4;
	[dreg:$0x9] =	wrdreg s8  }
0x10: {  	s10 =	sadd.s32 $0x8000, s4;
	[dreg:$0xa] =	wrdreg s9  }
0x11: {  	s11 =	sadd.s32 $0x9000, s4;
	[dreg:$0xb] =	wrdreg s10  }
0x12: {  	s31 =	simm.s32 $0x7;
	s12 =	sadd.s32 $0xA000, s4;
	[dreg:$0xc] =	wrdreg s11  }
0x13: {  	s30 =	simm.s32 $0xA00;
	s13 =	sadd.s32 $0xB000, s4;
	[dreg:$0xd] =	wrdreg s12  }
0x14: {  	s29 =	simm.s32 $0xC00;
	s14 =	sadd.s32 $0xC000, s4;
	[dreg:$0xe] =	wrdreg s13  }
0x15: {  	s28 =	simm.s32 $0xE00;
	s15 =	sadd.s32 $0xD000, s4;
	[dreg:$0xf] =	wrdreg s14  }
0x16: {  	p0 =	por $0x0, $0x0;
	s16 =	sadd.s32 $0xE000, s4;
	[dreg:$0x10] =	wrdreg s15  }
0x17: {  	s24 =	simm.s32 $0x1400;
	s17 =	sadd.s32 $0xF000, s4;
	[dreg:$0x11] =	wrdreg s16  }
0x18: {  	s20 =	simm.s32 $0x1A00;
	s18 =	sadd.s32 $0x10000, s4;
	[dreg:$0x12] =	wrdreg s17  }
0x19: {  	s19 =	sadd.s32 $0x11000, s4;
	s21 =	sadd.s32 $0x12000, s4;
	[dreg:$0x13] =	wrdreg s18  }
0x1a: {  	s22 =	sadd.s32 $0x13000, s4;
	s25 =	simm.s32 $0x600;
	[dreg:$0x14] =	wrdreg s19  }
0x1b: {  	s4 =	simm.s32 $0x4;
	s26 =	simm.s32 $0x800;
	[dreg:$0x15] =	wrdreg s21  }
0x1c: {  	s5 =	simm.s32 $0x5;
	s8 =	sadd.s32 $0x1000, s3;
	[dreg:$0x16] =	wrdreg s22  }
0x1d: {  	s11 =	simm.s32 $0x200;
	s7 =	simm.s32 $0x2800;
	s3 =	simm.s32 $0xA800  }
0x1e: {  	s12 =	simm.s32 $0x12800;
	s9 =	simm.s32 $0x1;
	[dreg:$0x18] =	wrdreg s25  }
.Ltmp0:
0x1f: {  	s10 =	simm.s32 $0x2;
	[dreg:$0x19] =	wrdreg s26;
	(pc) =	sbr.rel @!p1 .LBB2_3-.Ltmp0, $4  }
0x20: {  	s13 =	simm.s32 $0x3;
	s6 =	simm.s32 $0x6;
	s26 =	simm.s32 $0x1000  }
0x21: {  	s25 =	simm.s32 $0x1200;
	s22 =	simm.s32 $0x1600;
	s21 =	simm.s32 $0x1800  }
0x22: {  	s19 =	simm.s32 $0x1C00;
	s18 =	simm.s32 $0x1E00;
	s17 =	simm.s32 $0x2000  }
0x23: {  	s16 =	simm.s32 $0x2200;
	s15 =	simm.s32 $0x2400;
	s14 =	simm.s32 $0x2600  }
0x24: {  	[tilespmem:s2], [sflag:$0x7] =	stream.linear.gather [hbm4b:s0+s2], $0x2800, $0x38;
	[tilespmem:$0x1A800] =	vst v63  }
0x25: {  	_ =	swait.ge [sflag:s31], $0x2800  }
0x26: {  	[sflag:s31] =	ssyncset.done $0x0  }
0x27: {  	[sflag:s31] =	ssyncadd.s32 $0xFFFFD800  }
0x28: {  	[tilespmem:s7], [sflag:$0x1] =	stream.indirect.gather [hbm4b:s8+s11], $0x40, s2, s11, $0xb8;
	[tilespmem:$0x1A800] =	vst v63  }
0x29: {  	_ = 	snop  }
0x2a: {  	[tilespmem:s3], [sflag:$0x2] =	stream.indirect.gather [hbm4b:s8+s11], $0x40, s11, s11, $0xb8;
	[tilespmem:$0x1A800] =	vst v63  }
0x2b: {  	s0 =	rddreg [dreg:$0x17]  }
0x2c: {  	[tilespmem:s12], [sflag:$0x3] =	stream.indirect.gather [hbm4b:s8+s11], $0x40, s0, s11, $0xb8;
	[tilespmem:$0x1A800] =	vst v63  }
0x2d: {  	_ =	swait.ge [sflag:s9], $0x8000  }
0x2e: {  	[sflag:s9] =	ssyncset.done $0x0  }
0x2f: {  	[sflag:s9] =	ssyncadd.s32 $0xFFFF8000  }
0x30: {  	[hbm4b:s23+s2] =	stream.linear.scatter [tilespmem:s7], [sflag:$0x4], $0x8000, $0x38;
	[tilespmem:$0x1A800] =	vst v63  }
0x31: {  	_ =	swait.ge [sflag:s4], $0x8000  }
0x32: {  	[sflag:s4] =	ssyncset.done $0x0  }
0x33: {  	s0 =	rddreg [dreg:$0x18];
	[sflag:s4] =	ssyncadd.s32 $0xFFFF8000  }
0x34: {  	[tilespmem:s7], [sflag:$0x1] =	stream.indirect.gather [hbm4b:s8+s11], $0x40, s0, s11, $0xb8;
	[tilespmem:$0x1A800] =	vst v63  }
0x35: {  	_ =	swait.ge [sflag:s10], $0x8000  }
0x36: {  	[sflag:s10] =	ssyncset.done $0x0  }
0x37: {  	s0 =	rddreg [dreg:$0x4];
	[sflag:s10] =	ssyncadd.s32 $0xFFFF8000  }
0x38: {  	[hbm4b:s0+s2] =	stream.linear.scatter [tilespmem:s3], [sflag:$0x5], $0x8000, $0x38;
	[tilespmem:$0x1A800] =	vst v63  }
0x39: {  	_ =	swait.ge [sflag:s5], $0x8000  }
0x3a: {  	[sflag:s5] =	ssyncset.done $0x0  }
0x3b: {  	s0 =	rddreg [dreg:$0x19];
	[sflag:s5] =	ssyncadd.s32 $0xFFFF8000  }
0x3c: {  	[tilespmem:s3], [sflag:$0x2] =	stream.indirect.gather [hbm4b:s8+s11], $0x40, s0, s11, $0xb8;
	[tilespmem:$0x1A800] =	vst v63  }
0x3d: {  	_ =	swait.ge [sflag:s13], $0x8000  }
0x3e: {  	[sflag:s13] =	ssyncset.done $0x0  }
0x3f: {  	s0 =	rddreg [dreg:$0x5];
	[sflag:s13] =	ssyncadd.s32 $0xFFFF8000  }
0x40: {  	[hbm4b:s0+s2] =	stream.linear.scatter [tilespmem:s12], [sflag:$0x6], $0x8000, $0x38;
	[tilespmem:$0x1A800] =	vst v63  }
0x41: {  	_ =	swait.ge [sflag:s6], $0x8000  }
0x42: {  	[sflag:s6] =	ssyncset.done $0x0  }
0x43: {  	[sflag:s6] =	ssyncadd.s32 $0xFFFF8000  }
0x44: {  	[tilespmem:s12], [sflag:$0x3] =	stream.indirect.gather [hbm4b:s8+s11], $0x40, s30, s11, $0xb8;
	[tilespmem:$0x1A800] =	vst v63  }
0x45: {  	_ =	swait.ge [sflag:s9], $0x8000  }
0x46: {  	[sflag:s9] =	ssyncset.done $0x0  }
0x47: {  	s0 =	rddreg [dreg:$0x6];
	[sflag:s9] =	ssyncadd.s32 $0xFFFF8000  }
0x48: {  	[hbm4b:s0+s2] =	stream.linear.scatter [tilespmem:s7], [sflag:$0x4], $0x8000, $0x38;
	[tilespmem:$0x1A800] =	vst v63  }
0x49: {  	_ =	swait.ge [sflag:s4], $0x8000  }
0x4a: {  	[sflag:s4] =	ssyncset.done $0x0  }
0x4b: {  	[sflag:s4] =	ssyncadd.s32 $0xFFFF8000  }
0x4c: {  	[tilespmem:s7], [sflag:$0x1] =	stream.indirect.gather [hbm4b:s8+s11], $0x40, s29, s11, $0xb8;
	[tilespmem:$0x1A800] =	vst v63  }
0x4d: {  	_ =	swait.ge [sflag:s10], $0x8000  }
0x4e: {  	[sflag:s10] =	ssyncset.done $0x0  }
0x4f: {  	s0 =	rddreg [dreg:$0x7];
	[sflag:s10] =	ssyncadd.s32 $0xFFFF8000  }
0x50: {  	[hbm4b:s0+s2] =	stream.linear.scatter [tilespmem:s3], [sflag:$0x5], $0x8000, $0x38;
	[tilespmem:$0x1A800] =	vst v63  }
0x51: {  	_ =	swait.ge [sflag:s5], $0x8000  }
0x52: {  	[sflag:s5] =	ssyncset.done $0x0  }
0x53: {  	[sflag:s5] =	ssyncadd.s32 $0xFFFF8000  }
0x54: {  	[tilespmem:s3], [sflag:$0x2] =	stream.indirect.gather [hbm4b:s8+s11], $0x40, s28, s11, $0xb8;
	[tilespmem:$0x1A800] =	vst v63  }
0x55: {  	_ =	swait.ge [sflag:s13], $0x8000  }
0x56: {  	[sflag:s13] =	ssyncset.done $0x0  }
0x57: {  	s0 =	rddreg [dreg:$0x8];
	[sflag:s13] =	ssyncadd.s32 $0xFFFF8000  }
0x58: {  	[hbm4b:s0+s2] =	stream.linear.scatter [tilespmem:s12], [sflag:$0x6], $0x8000, $0x38;
	[tilespmem:$0x1A800] =	vst v63  }
0x59: {  	_ =	swait.ge [sflag:s6], $0x8000  }
0x5a: {  	[sflag:s6] =	ssyncset.done $0x0  }
0x5b: {  	[sflag:s6] =	ssyncadd.s32 $0xFFFF8000  }
0x5c: {  	[tilespmem:s12], [sflag:$0x3] =	stream.indirect.gather [hbm4b:s8+s11], $0x40, s26, s11, $0xb8;
	[tilespmem:$0x1A800] =	vst v63  }
0x5d: {  	_ =	swait.ge [sflag:s9], $0x8000  }
0x5e: {  	[sflag:s9] =	ssyncset.done $0x0  }
0x5f: {  	s0 =	rddreg [dreg:$0x9];
	[sflag:s9] =	ssyncadd.s32 $0xFFFF8000  }
0x60: {  	[hbm4b:s0+s2] =	stream.linear.scatter [tilespmem:s7], [sflag:$0x4], $0x8000, $0x38;
	[tilespmem:$0x1A800] =	vst v63  }
0x61: {  	_ =	swait.ge [sflag:s4], $0x8000  }
0x62: {  	[sflag:s4] =	ssyncset.done $0x0  }
0x63: {  	[sflag:s4] =	ssyncadd.s32 $0xFFFF8000  }
0x64: {  	[tilespmem:s7], [sflag:$0x1] =	stream.indirect.gather [hbm4b:s8+s11], $0x40, s25, s11, $0xb8;
	[tilespmem:$0x1A800] =	vst v63  }
0x65: {  	_ =	swait.ge [sflag:s10], $0x8000  }
0x66: {  	[sflag:s10] =	ssyncset.done $0x0  }
0x67: {  	s0 =	rddreg [dreg:$0xa];
	[sflag:s10] =	ssyncadd.s32 $0xFFFF8000  }
0x68: {  	[hbm4b:s0+s2] =	stream.linear.scatter [tilespmem:s3], [sflag:$0x5], $0x8000, $0x38;
	[tilespmem:$0x1A800] =	vst v63  }
0x69: {  	_ =	swait.ge [sflag:s5], $0x8000  }
0x6a: {  	[sflag:s5] =	ssyncset.done $0x0  }
0x6b: {  	[sflag:s5] =	ssyncadd.s32 $0xFFFF8000  }
0x6c: {  	[tilespmem:s3], [sflag:$0x2] =	stream.indirect.gather [hbm4b:s8+s11], $0x40, s24, s11, $0xb8;
	[tilespmem:$0x1A800] =	vst v63  }
0x6d: {  	_ =	swait.ge [sflag:s13], $0x8000  }
0x6e: {  	[sflag:s13] =	ssyncset.done $0x0  }
0x6f: {  	s0 =	rddreg [dreg:$0xb];
	[sflag:s13] =	ssyncadd.s32 $0xFFFF8000  }
0x70: {  	[hbm4b:s0+s2] =	stream.linear.scatter [tilespmem:s12], [sflag:$0x6], $0x8000, $0x38;
	[tilespmem:$0x1A800] =	vst v63  }
0x71: {  	_ =	swait.ge [sflag:s6], $0x8000  }
0x72: {  	[sflag:s6] =	ssyncset.done $0x0  }
0x73: {  	[sflag:s6] =	ssyncadd.s32 $0xFFFF8000  }
0x74: {  	[tilespmem:s12], [sflag:$0x3] =	stream.indirect.gather [hbm4b:s8+s11], $0x40, s22, s11, $0xb8;
	[tilespmem:$0x1A800] =	vst v63  }
0x75: {  	_ =	swait.ge [sflag:s9], $0x8000  }
0x76: {  	[sflag:s9] =	ssyncset.done $0x0  }
0x77: {  	s0 =	rddreg [dreg:$0xc];
	[sflag:s9] =	ssyncadd.s32 $0xFFFF8000  }
0x78: {  	[hbm4b:s0+s2] =	stream.linear.scatter [tilespmem:s7], [sflag:$0x4], $0x8000, $0x38;
	[tilespmem:$0x1A800] =	vst v63  }
0x79: {  	_ =	swait.ge [sflag:s4], $0x8000  }
0x7a: {  	[sflag:s4] =	ssyncset.done $0x0  }
0x7b: {  	[sflag:s4] =	ssyncadd.s32 $0xFFFF8000  }
0x7c: {  	[tilespmem:s7], [sflag:$0x1] =	stream.indirect.gather [hbm4b:s8+s11], $0x40, s21, s11, $0xb8;
	[tilespmem:$0x1A800] =	vst v63  }
0x7d: {  	_ =	swait.ge [sflag:s10], $0x8000  }
0x7e: {  	[sflag:s10] =	ssyncset.done $0x0  }
0x7f: {  	s0 =	rddreg [dreg:$0xd];
	[sflag:s10] =	ssyncadd.s32 $0xFFFF8000  }
0x80: {  	[hbm4b:s0+s2] =	stream.linear.scatter [tilespmem:s3], [sflag:$0x5], $0x8000, $0x38;
	[tilespmem:$0x1A800] =	vst v63  }
0x81: {  	_ =	swait.ge [sflag:s5], $0x8000  }
0x82: {  	[sflag:s5] =	ssyncset.done $0x0  }
0x83: {  	[sflag:s5] =	ssyncadd.s32 $0xFFFF8000  }
0x84: {  	[tilespmem:s3], [sflag:$0x2] =	stream.indirect.gather [hbm4b:s8+s11], $0x40, s20, s11, $0xb8;
	[tilespmem:$0x1A800] =	vst v63  }
0x85: {  	_ =	swait.ge [sflag:s13], $0x8000  }
0x86: {  	[sflag:s13] =	ssyncset.done $0x0  }
0x87: {  	s0 =	rddreg [dreg:$0xe];
	[sflag:s13] =	ssyncadd.s32 $0xFFFF8000  }
0x88: {  	[hbm4b:s0+s2] =	stream.linear.scatter [tilespmem:s12], [sflag:$0x6], $0x8000, $0x38;
	[tilespmem:$0x1A800] =	vst v63  }
0x89: {  	_ =	swait.ge [sflag:s6], $0x8000  }
0x8a: {  	[sflag:s6] =	ssyncset.done $0x0  }
0x8b: {  	[sflag:s6] =	ssyncadd.s32 $0xFFFF8000  }
0x8c: {  	[tilespmem:s12], [sflag:$0x3] =	stream.indirect.gather [hbm4b:s8+s11], $0x40, s19, s11, $0xb8;
	[tilespmem:$0x1A800] =	vst v63  }
0x8d: {  	_ =	swait.ge [sflag:s9], $0x8000  }
0x8e: {  	[sflag:s9] =	ssyncset.done $0x0  }
0x8f: {  	s0 =	rddreg [dreg:$0xf];
	[sflag:s9] =	ssyncadd.s32 $0xFFFF8000  }
0x90: {  	[hbm4b:s0+s2] =	stream.linear.scatter [tilespmem:s7], [sflag:$0x4], $0x8000, $0x38;
	[tilespmem:$0x1A800] =	vst v63  }
0x91: {  	_ =	swait.ge [sflag:s4], $0x8000  }
0x92: {  	[sflag:s4] =	ssyncset.done $0x0  }
0x93: {  	[sflag:s4] =	ssyncadd.s32 $0xFFFF8000  }
0x94: {  	[tilespmem:s7], [sflag:$0x1] =	stream.indirect.gather [hbm4b:s8+s11], $0x40, s18, s11, $0xb8;
	[tilespmem:$0x1A800] =	vst v63  }
0x95: {  	_ =	swait.ge [sflag:s10], $0x8000  }
0x96: {  	[sflag:s10] =	ssyncset.done $0x0  }
0x97: {  	s0 =	rddreg [dreg:$0x10];
	[sflag:s10] =	ssyncadd.s32 $0xFFFF8000  }
0x98: {  	[hbm4b:s0+s2] =	stream.linear.scatter [tilespmem:s3], [sflag:$0x5], $0x8000, $0x38;
	[tilespmem:$0x1A800] =	vst v63  }
0x99: {  	_ =	swait.ge [sflag:s5], $0x8000  }
0x9a: {  	[sflag:s5] =	ssyncset.done $0x0  }
0x9b: {  	[sflag:s5] =	ssyncadd.s32 $0xFFFF8000  }
0x9c: {  	[tilespmem:s3], [sflag:$0x2] =	stream.indirect.gather [hbm4b:s8+s11], $0x40, s17, s11, $0xb8;
	[tilespmem:$0x1A800] =	vst v63  }
0x9d: {  	_ =	swait.ge [sflag:s13], $0x8000  }
0x9e: {  	[sflag:s13] =	ssyncset.done $0x0  }
0x9f: {  	s0 =	rddreg [dreg:$0x11];
	[sflag:s13] =	ssyncadd.s32 $0xFFFF8000  }
0xa0: {  	[hbm4b:s0+s2] =	stream.linear.scatter [tilespmem:s12], [sflag:$0x6], $0x8000, $0x38;
	[tilespmem:$0x1A800] =	vst v63  }
0xa1: {  	_ =	swait.ge [sflag:s6], $0x8000  }
0xa2: {  	[sflag:s6] =	ssyncset.done $0x0  }
0xa3: {  	[sflag:s6] =	ssyncadd.s32 $0xFFFF8000  }
0xa4: {  	[tilespmem:s12], [sflag:$0x3] =	stream.indirect.gather [hbm4b:s8+s11], $0x40, s16, s11, $0xb8;
	[tilespmem:$0x1A800] =	vst v63  }
0xa5: {  	_ =	swait.ge [sflag:s9], $0x8000  }
0xa6: {  	[sflag:s9] =	ssyncset.done $0x0  }
0xa7: {  	s0 =	rddreg [dreg:$0x12];
	[sflag:s9] =	ssyncadd.s32 $0xFFFF8000  }
0xa8: {  	[hbm4b:s0+s2] =	stream.linear.scatter [tilespmem:s7], [sflag:$0x4], $0x8000, $0x38;
	[tilespmem:$0x1A800] =	vst v63  }
0xa9: {  	_ =	swait.ge [sflag:s4], $0x8000  }
0xaa: {  	[sflag:s4] =	ssyncset.done $0x0  }
0xab: {  	[sflag:s4] =	ssyncadd.s32 $0xFFFF8000  }
0xac: {  	[tilespmem:s7], [sflag:$0x1] =	stream.indirect.gather [hbm4b:s8+s11], $0x40, s15, s11, $0xb8;
	[tilespmem:$0x1A800] =	vst v63  }
0xad: {  	_ =	swait.ge [sflag:s10], $0x8000  }
0xae: {  	[sflag:s10] =	ssyncset.done $0x0  }
0xaf: {  	s0 =	rddreg [dreg:$0x13];
	[sflag:s10] =	ssyncadd.s32 $0xFFFF8000  }
0xb0: {  	[hbm4b:s0+s2] =	stream.linear.scatter [tilespmem:s3], [sflag:$0x5], $0x8000, $0x38;
	[tilespmem:$0x1A800] =	vst v63  }
0xb1: {  	_ =	swait.ge [sflag:s5], $0x8000  }
0xb2: {  	[sflag:s5] =	ssyncset.done $0x0  }
0xb3: {  	[sflag:s5] =	ssyncadd.s32 $0xFFFF8000  }
0xb4: {  	[tilespmem:s3], [sflag:$0x2] =	stream.indirect.gather [hbm4b:s8+s11], $0x40, s14, s11, $0xb8;
	[tilespmem:$0x1A800] =	vst v63  }
0xb5: {  	_ =	swait.ge [sflag:s13], $0x8000  }
0xb6: {  	[sflag:s13] =	ssyncset.done $0x0  }
0xb7: {  	s0 =	rddreg [dreg:$0x14];
	[sflag:s13] =	ssyncadd.s32 $0xFFFF8000  }
0xb8: {  	[hbm4b:s0+s2] =	stream.linear.scatter [tilespmem:s12], [sflag:$0x6], $0x8000, $0x38;
	[tilespmem:$0x1A800] =	vst v63  }
0xb9: {  	_ =	swait.ge [sflag:s9], $0x8000  }
0xba: {  	[sflag:s9] =	ssyncset.done $0x0  }
0xbb: {  	s0 =	rddreg [dreg:$0x15];
	[sflag:s9] =	ssyncadd.s32 $0xFFFF8000  }
0xbc: {  	[hbm4b:s0+s2] =	stream.linear.scatter [tilespmem:s7], [sflag:$0x4], $0x8000, $0x38;
	[tilespmem:$0x1A800] =	vst v63  }
0xbd: {  	_ =	swait.ge [sflag:s10], $0x8000  }
0xbe: {  	[sflag:s10] =	ssyncset.done $0x0  }
0xbf: {  	s0 =	rddreg [dreg:$0x16];
	[sflag:s10] =	ssyncadd.s32 $0xFFFF8000  }
0xc0: {  	[hbm4b:s0+s2] =	stream.linear.scatter [tilespmem:s3], [sflag:$0x5], $0x8000, $0x38;
	[tilespmem:$0x1A800] =	vst v63  }
0xc1: {  	_ =	swait.ge [sflag:s4], $0x8000  }
0xc2: {  	[sflag:s4] =	ssyncset.done $0x0  }
0xc3: {  	p1 =	sne.s32 s1, $0x1;
	[sflag:s4] =	ssyncadd.s32 $0xFFFF8000  }
.Ltmp1:
0xc4: {  	_ =	swait.ge [sflag:s5], $0x8000;
	(pc) =	sbr.rel @!p1 .LBB2_3-.Ltmp1, $4  }
0xc5: {  	[sflag:s5] =	ssyncset.done $0x0  }
0xc6: {  	[sflag:s5] =	ssyncadd.s32 $0xFFFF8000  }
0xc7: {  	s1 =	sadd.s32 $0xFFFFFFFF, s1;
	_ =	swait.ge [sflag:s6], $0x8000  }
0xc8: {  	p0 =	por $0x1, $0x1;
	s0 =	rddreg [dreg:$0x3];
	[sflag:s6] =	ssyncset.done $0x0  }
.LBB2_2:
0xc9: {  	[sflag:s6] =	ssyncadd.s32 $0xFFFF8000  }
0xca: {  	[tilespmem:s2], [sflag:$0x7] =	stream.linear.gather [hbm4b:s0+s2], $0x2800, $0x38;
	[tilespmem:$0x1A800] =	vst v63  }
0xcb: {  	_ =	swait.ge [sflag:s31], $0x2800  }
0xcc: {  	[sflag:s31] =	ssyncset.done $0x0  }
0xcd: {  	[sflag:s31] =	ssyncadd.s32 $0xFFFFD800  }
0xce: {  	[tilespmem:s7], [sflag:$0x1] =	stream.indirect.gather [hbm4b:s8+s11], $0x40, s2, s11, $0xb8;
	[tilespmem:$0x1A800] =	vst v63  }
0xcf: {  	_ = 	snop  }
0xd0: {  	[tilespmem:s3], [sflag:$0x2] =	stream.indirect.gather [hbm4b:s8+s11], $0x40, s11, s11, $0xb8;
	[tilespmem:$0x1A800] =	vst v63  }
0xd1: {  	s0 =	rddreg [dreg:$0x17]  }
0xd2: {  	[tilespmem:s12], [sflag:$0x3] =	stream.indirect.gather [hbm4b:s8+s11], $0x40, s0, s11, $0xb8;
	[tilespmem:$0x1A800] =	vst v63  }
0xd3: {  	_ =	swait.ge [sflag:s9], $0x8000  }
0xd4: {  	[sflag:s9] =	ssyncset.done $0x0  }
0xd5: {  	[sflag:s9] =	ssyncadd.s32 $0xFFFF8000  }
0xd6: {  	[hbm4b:s23+s2] =	stream.linear.scatter [tilespmem:s7], [sflag:$0x4], $0x8000, $0x38;
	[tilespmem:$0x1A800] =	vst v63  }
0xd7: {  	_ =	swait.ge [sflag:s4], $0x8000  }
0xd8: {  	[sflag:s4] =	ssyncset.done $0x0  }
0xd9: {  	s0 =	rddreg [dreg:$0x18];
	[sflag:s4] =	ssyncadd.s32 $0xFFFF8000  }
0xda: {  	[tilespmem:s7], [sflag:$0x1] =	stream.indirect.gather [hbm4b:s8+s11], $0x40, s0, s11, $0xb8;
	[tilespmem:$0x1A800] =	vst v63  }
0xdb: {  	_ =	swait.ge [sflag:s10], $0x8000  }
0xdc: {  	[sflag:s10] =	ssyncset.done $0x0  }
0xdd: {  	s0 =	rddreg [dreg:$0x4];
	[sflag:s10] =	ssyncadd.s32 $0xFFFF8000  }
0xde: {  	[hbm4b:s0+s2] =	stream.linear.scatter [tilespmem:s3], [sflag:$0x5], $0x8000, $0x38;
	[tilespmem:$0x1A800] =	vst v63  }
0xdf: {  	_ =	swait.ge [sflag:s5], $0x8000  }
0xe0: {  	[sflag:s5] =	ssyncset.done $0x0  }
0xe1: {  	s0 =	rddreg [dreg:$0x19];
	[sflag:s5] =	ssyncadd.s32 $0xFFFF8000  }
0xe2: {  	[tilespmem:s3], [sflag:$0x2] =	stream.indirect.gather [hbm4b:s8+s11], $0x40, s0, s11, $0xb8;
	[tilespmem:$0x1A800] =	vst v63  }
0xe3: {  	_ =	swait.ge [sflag:s13], $0x8000  }
0xe4: {  	[sflag:s13] =	ssyncset.done $0x0  }
0xe5: {  	s0 =	rddreg [dreg:$0x5];
	[sflag:s13] =	ssyncadd.s32 $0xFFFF8000  }
0xe6: {  	[hbm4b:s0+s2] =	stream.linear.scatter [tilespmem:s12], [sflag:$0x6], $0x8000, $0x38;
	[tilespmem:$0x1A800] =	vst v63  }
0xe7: {  	_ =	swait.ge [sflag:s6], $0x8000  }
0xe8: {  	[sflag:s6] =	ssyncset.done $0x0  }
0xe9: {  	[sflag:s6] =	ssyncadd.s32 $0xFFFF8000  }
0xea: {  	[tilespmem:s12], [sflag:$0x3] =	stream.indirect.gather [hbm4b:s8+s11], $0x40, s30, s11, $0xb8;
	[tilespmem:$0x1A800] =	vst v63  }
0xeb: {  	_ =	swait.ge [sflag:s9], $0x8000  }
0xec: {  	[sflag:s9] =	ssyncset.done $0x0  }
0xed: {  	s0 =	rddreg [dreg:$0x6];
	[sflag:s9] =	ssyncadd.s32 $0xFFFF8000  }
0xee: {  	[hbm4b:s0+s2] =	stream.linear.scatter [tilespmem:s7], [sflag:$0x4], $0x8000, $0x38;
	[tilespmem:$0x1A800] =	vst v63  }
0xef: {  	_ =	swait.ge [sflag:s4], $0x8000  }
0xf0: {  	[sflag:s4] =	ssyncset.done $0x0  }
0xf1: {  	[sflag:s4] =	ssyncadd.s32 $0xFFFF8000  }
0xf2: {  	[tilespmem:s7], [sflag:$0x1] =	stream.indirect.gather [hbm4b:s8+s11], $0x40, s29, s11, $0xb8;
	[tilespmem:$0x1A800] =	vst v63  }
0xf3: {  	_ =	swait.ge [sflag:s10], $0x8000  }
0xf4: {  	[sflag:s10] =	ssyncset.done $0x0  }
0xf5: {  	s0 =	rddreg [dreg:$0x7];
	[sflag:s10] =	ssyncadd.s32 $0xFFFF8000  }
0xf6: {  	[hbm4b:s0+s2] =	stream.linear.scatter [tilespmem:s3], [sflag:$0x5], $0x8000, $0x38;
	[tilespmem:$0x1A800] =	vst v63  }
0xf7: {  	_ =	swait.ge [sflag:s5], $0x8000  }
0xf8: {  	[sflag:s5] =	ssyncset.done $0x0  }
0xf9: {  	[sflag:s5] =	ssyncadd.s32 $0xFFFF8000  }
0xfa: {  	[tilespmem:s3], [sflag:$0x2] =	stream.indirect.gather [hbm4b:s8+s11], $0x40, s28, s11, $0xb8;
	[tilespmem:$0x1A800] =	vst v63  }
0xfb: {  	_ =	swait.ge [sflag:s13], $0x8000  }
0xfc: {  	[sflag:s13] =	ssyncset.done $0x0  }
0xfd: {  	s0 =	rddreg [dreg:$0x8];
	[sflag:s13] =	ssyncadd.s32 $0xFFFF8000  }
0xfe: {  	[hbm4b:s0+s2] =	stream.linear.scatter [tilespmem:s12], [sflag:$0x6], $0x8000, $0x38;
	[tilespmem:$0x1A800] =	vst v63  }
0xff: {  	_ =	swait.ge [sflag:s6], $0x8000  }
0x100: {  	[sflag:s6] =	ssyncset.done $0x0  }
0x101: {  	[sflag:s6] =	ssyncadd.s32 $0xFFFF8000  }
0x102: {  	[tilespmem:s12], [sflag:$0x3] =	stream.indirect.gather [hbm4b:s8+s11], $0x40, s26, s11, $0xb8;
	[tilespmem:$0x1A800] =	vst v63  }
0x103: {  	_ =	swait.ge [sflag:s9], $0x8000  }
0x104: {  	[sflag:s9] =	ssyncset.done $0x0  }
0x105: {  	s0 =	rddreg [dreg:$0x9];
	[sflag:s9] =	ssyncadd.s32 $0xFFFF8000  }
0x106: {  	[hbm4b:s0+s2] =	stream.linear.scatter [tilespmem:s7], [sflag:$0x4], $0x8000, $0x38;
	[tilespmem:$0x1A800] =	vst v63  }
0x107: {  	_ =	swait.ge [sflag:s4], $0x8000  }
0x108: {  	[sflag:s4] =	ssyncset.done $0x0  }
0x109: {  	[sflag:s4] =	ssyncadd.s32 $0xFFFF8000  }
0x10a: {  	[tilespmem:s7], [sflag:$0x1] =	stream.indirect.gather [hbm4b:s8+s11], $0x40, s25, s11, $0xb8;
	[tilespmem:$0x1A800] =	vst v63  }
0x10b: {  	_ =	swait.ge [sflag:s10], $0x8000  }
0x10c: {  	[sflag:s10] =	ssyncset.done $0x0  }
0x10d: {  	s0 =	rddreg [dreg:$0xa];
	[sflag:s10] =	ssyncadd.s32 $0xFFFF8000  }
0x10e: {  	[hbm4b:s0+s2] =	stream.linear.scatter [tilespmem:s3], [sflag:$0x5], $0x8000, $0x38;
	[tilespmem:$0x1A800] =	vst v63  }
0x10f: {  	_ =	swait.ge [sflag:s5], $0x8000  }
0x110: {  	[sflag:s5] =	ssyncset.done $0x0  }
0x111: {  	[sflag:s5] =	ssyncadd.s32 $0xFFFF8000  }
0x112: {  	[tilespmem:s3], [sflag:$0x2] =	stream.indirect.gather [hbm4b:s8+s11], $0x40, s24, s11, $0xb8;
	[tilespmem:$0x1A800] =	vst v63  }
0x113: {  	_ =	swait.ge [sflag:s13], $0x8000  }
0x114: {  	[sflag:s13] =	ssyncset.done $0x0  }
0x115: {  	s0 =	rddreg [dreg:$0xb];
	[sflag:s13] =	ssyncadd.s32 $0xFFFF8000  }
0x116: {  	[hbm4b:s0+s2] =	stream.linear.scatter [tilespmem:s12], [sflag:$0x6], $0x8000, $0x38;
	[tilespmem:$0x1A800] =	vst v63  }
0x117: {  	_ =	swait.ge [sflag:s6], $0x8000  }
0x118: {  	[sflag:s6] =	ssyncset.done $0x0  }
0x119: {  	[sflag:s6] =	ssyncadd.s32 $0xFFFF8000  }
0x11a: {  	[tilespmem:s12], [sflag:$0x3] =	stream.indirect.gather [hbm4b:s8+s11], $0x40, s22, s11, $0xb8;
	[tilespmem:$0x1A800] =	vst v63  }
0x11b: {  	_ =	swait.ge [sflag:s9], $0x8000  }
0x11c: {  	[sflag:s9] =	ssyncset.done $0x0  }
0x11d: {  	s0 =	rddreg [dreg:$0xc];
	[sflag:s9] =	ssyncadd.s32 $0xFFFF8000  }
0x11e: {  	[hbm4b:s0+s2] =	stream.linear.scatter [tilespmem:s7], [sflag:$0x4], $0x8000, $0x38;
	[tilespmem:$0x1A800] =	vst v63  }
0x11f: {  	_ =	swait.ge [sflag:s4], $0x8000  }
0x120: {  	[sflag:s4] =	ssyncset.done $0x0  }
0x121: {  	[sflag:s4] =	ssyncadd.s32 $0xFFFF8000  }
0x122: {  	[tilespmem:s7], [sflag:$0x1] =	stream.indirect.gather [hbm4b:s8+s11], $0x40, s21, s11, $0xb8;
	[tilespmem:$0x1A800] =	vst v63  }
0x123: {  	_ =	swait.ge [sflag:s10], $0x8000  }
0x124: {  	[sflag:s10] =	ssyncset.done $0x0  }
0x125: {  	s0 =	rddreg [dreg:$0xd];
	[sflag:s10] =	ssyncadd.s32 $0xFFFF8000  }
0x126: {  	[hbm4b:s0+s2] =	stream.linear.scatter [tilespmem:s3], [sflag:$0x5], $0x8000, $0x38;
	[tilespmem:$0x1A800] =	vst v63  }
0x127: {  	_ =	swait.ge [sflag:s5], $0x8000  }
0x128: {  	[sflag:s5] =	ssyncset.done $0x0  }
0x129: {  	[sflag:s5] =	ssyncadd.s32 $0xFFFF8000  }
0x12a: {  	[tilespmem:s3], [sflag:$0x2] =	stream.indirect.gather [hbm4b:s8+s11], $0x40, s20, s11, $0xb8;
	[tilespmem:$0x1A800] =	vst v63  }
0x12b: {  	_ =	swait.ge [sflag:s13], $0x8000  }
0x12c: {  	[sflag:s13] =	ssyncset.done $0x0  }
0x12d: {  	s0 =	rddreg [dreg:$0xe];
	[sflag:s13] =	ssyncadd.s32 $0xFFFF8000  }
0x12e: {  	[hbm4b:s0+s2] =	stream.linear.scatter [tilespmem:s12], [sflag:$0x6], $0x8000, $0x38;
	[tilespmem:$0x1A800] =	vst v63  }
0x12f: {  	_ =	swait.ge [sflag:s6], $0x8000  }
0x130: {  	[sflag:s6] =	ssyncset.done $0x0  }
0x131: {  	[sflag:s6] =	ssyncadd.s32 $0xFFFF8000  }
0x132: {  	[tilespmem:s12], [sflag:$0x3] =	stream.indirect.gather [hbm4b:s8+s11], $0x40, s19, s11, $0xb8;
	[tilespmem:$0x1A800] =	vst v63  }
0x133: {  	_ =	swait.ge [sflag:s9], $0x8000  }
0x134: {  	[sflag:s9] =	ssyncset.done $0x0  }
0x135: {  	s0 =	rddreg [dreg:$0xf];
	[sflag:s9] =	ssyncadd.s32 $0xFFFF8000  }
0x136: {  	[hbm4b:s0+s2] =	stream.linear.scatter [tilespmem:s7], [sflag:$0x4], $0x8000, $0x38;
	[tilespmem:$0x1A800] =	vst v63  }
0x137: {  	_ =	swait.ge [sflag:s4], $0x8000  }
0x138: {  	[sflag:s4] =	ssyncset.done $0x0  }
0x139: {  	[sflag:s4] =	ssyncadd.s32 $0xFFFF8000  }
0x13a: {  	[tilespmem:s7], [sflag:$0x1] =	stream.indirect.gather [hbm4b:s8+s11], $0x40, s18, s11, $0xb8;
	[tilespmem:$0x1A800] =	vst v63  }
0x13b: {  	_ =	swait.ge [sflag:s10], $0x8000  }
0x13c: {  	[sflag:s10] =	ssyncset.done $0x0  }
0x13d: {  	s0 =	rddreg [dreg:$0x10];
	[sflag:s10] =	ssyncadd.s32 $0xFFFF8000  }
0x13e: {  	[hbm4b:s0+s2] =	stream.linear.scatter [tilespmem:s3], [sflag:$0x5], $0x8000, $0x38;
	[tilespmem:$0x1A800] =	vst v63  }
0x13f: {  	_ =	swait.ge [sflag:s5], $0x8000  }
0x140: {  	[sflag:s5] =	ssyncset.done $0x0  }
0x141: {  	[sflag:s5] =	ssyncadd.s32 $0xFFFF8000  }
0x142: {  	[tilespmem:s3], [sflag:$0x2] =	stream.indirect.gather [hbm4b:s8+s11], $0x40, s17, s11, $0xb8;
	[tilespmem:$0x1A800] =	vst v63  }
0x143: {  	_ =	swait.ge [sflag:s13], $0x8000  }
0x144: {  	[sflag:s13] =	ssyncset.done $0x0  }
0x145: {  	s0 =	rddreg [dreg:$0x11];
	[sflag:s13] =	ssyncadd.s32 $0xFFFF8000  }
0x146: {  	[hbm4b:s0+s2] =	stream.linear.scatter [tilespmem:s12], [sflag:$0x6], $0x8000, $0x38;
	[tilespmem:$0x1A800] =	vst v63  }
0x147: {  	_ =	swait.ge [sflag:s6], $0x8000  }
0x148: {  	[sflag:s6] =	ssyncset.done $0x0  }
0x149: {  	[sflag:s6] =	ssyncadd.s32 $0xFFFF8000  }
0x14a: {  	[tilespmem:s12], [sflag:$0x3] =	stream.indirect.gather [hbm4b:s8+s11], $0x40, s16, s11, $0xb8;
	[tilespmem:$0x1A800] =	vst v63  }
0x14b: {  	_ =	swait.ge [sflag:s9], $0x8000  }
0x14c: {  	[sflag:s9] =	ssyncset.done $0x0  }
0x14d: {  	s0 =	rddreg [dreg:$0x12];
	[sflag:s9] =	ssyncadd.s32 $0xFFFF8000  }
0x14e: {  	[hbm4b:s0+s2] =	stream.linear.scatter [tilespmem:s7], [sflag:$0x4], $0x8000, $0x38;
	[tilespmem:$0x1A800] =	vst v63  }
0x14f: {  	_ =	swait.ge [sflag:s4], $0x8000  }
0x150: {  	[sflag:s4] =	ssyncset.done $0x0  }
0x151: {  	[sflag:s4] =	ssyncadd.s32 $0xFFFF8000  }
0x152: {  	[tilespmem:s7], [sflag:$0x1] =	stream.indirect.gather [hbm4b:s8+s11], $0x40, s15, s11, $0xb8;
	[tilespmem:$0x1A800] =	vst v63  }
0x153: {  	_ =	swait.ge [sflag:s10], $0x8000  }
0x154: {  	[sflag:s10] =	ssyncset.done $0x0  }
0x155: {  	s0 =	rddreg [dreg:$0x13];
	[sflag:s10] =	ssyncadd.s32 $0xFFFF8000  }
0x156: {  	[hbm4b:s0+s2] =	stream.linear.scatter [tilespmem:s3], [sflag:$0x5], $0x8000, $0x38;
	[tilespmem:$0x1A800] =	vst v63  }
0x157: {  	_ =	swait.ge [sflag:s5], $0x8000  }
0x158: {  	[sflag:s5] =	ssyncset.done $0x0  }
0x159: {  	[sflag:s5] =	ssyncadd.s32 $0xFFFF8000  }
0x15a: {  	[tilespmem:s3], [sflag:$0x2] =	stream.indirect.gather [hbm4b:s8+s11], $0x40, s14, s11, $0xb8;
	[tilespmem:$0x1A800] =	vst v63  }
0x15b: {  	_ =	swait.ge [sflag:s13], $0x8000  }
0x15c: {  	[sflag:s13] =	ssyncset.done $0x0  }
0x15d: {  	s0 =	rddreg [dreg:$0x14];
	[sflag:s13] =	ssyncadd.s32 $0xFFFF8000  }
0x15e: {  	[hbm4b:s0+s2] =	stream.linear.scatter [tilespmem:s12], [sflag:$0x6], $0x8000, $0x38;
	[tilespmem:$0x1A800] =	vst v63  }
0x15f: {  	_ =	swait.ge [sflag:s9], $0x8000  }
0x160: {  	[sflag:s9] =	ssyncset.done $0x0  }
0x161: {  	s0 =	rddreg [dreg:$0x15];
	[sflag:s9] =	ssyncadd.s32 $0xFFFF8000  }
0x162: {  	[hbm4b:s0+s2] =	stream.linear.scatter [tilespmem:s7], [sflag:$0x4], $0x8000, $0x38;
	[tilespmem:$0x1A800] =	vst v63  }
0x163: {  	_ =	swait.ge [sflag:s10], $0x8000  }
0x164: {  	[sflag:s10] =	ssyncset.done $0x0  }
0x165: {  	s0 =	rddreg [dreg:$0x16];
	[sflag:s10] =	ssyncadd.s32 $0xFFFF8000  }
0x166: {  	[hbm4b:s0+s2] =	stream.linear.scatter [tilespmem:s3], [sflag:$0x5], $0x8000, $0x38;
	[tilespmem:$0x1A800] =	vst v63  }
0x167: {  	_ =	swait.ge [sflag:s4], $0x8000  }
0x168: {  	[sflag:s4] =	ssyncset.done $0x0  }
0x169: {  	p1 =	sne.s32 s1, $0x1;
	[sflag:s4] =	ssyncadd.s32 $0xFFFF8000  }
.Ltmp2:
0x16a: {  	_ =	swait.ge [sflag:s5], $0x8000;
	(pc) =	sbr.rel @p1 .LBB2_2-.Ltmp2, $4  }
0x16b: {  	[sflag:s5] =	ssyncset.done $0x0  }
0x16c: {  	[sflag:s5] =	ssyncadd.s32 $0xFFFF8000  }
0x16d: {  	_ =	swait.ge [sflag:s6], $0x8000  }
0x16e: {  	s1 =	sadd.s32 $0xFFFFFFFF, s1;
	s0 =	rddreg [dreg:$0x3];
	[sflag:s6] =	ssyncset.done $0x0  }
.LBB2_3:
0x16f: {  	[sflag:s6] =	ssyncadd.s32 @p0 $0xFFFF8000  }
0x170: {  	[tilespmem:s2], [sflag:$0x7] =	stream.linear.gather [hbm4b:s0+s2], $0x2800, $0x38;
	[tilespmem:$0x1A800] =	vst v63  }
0x171: {  	_ =	swait.ge [sflag:s31], $0x2800  }
0x172: {  	[sflag:s31] =	ssyncset.done $0x0  }
0x173: {  	[sflag:s31] =	ssyncadd.s32 $0xFFFFD800  }
0x174: {  	[tilespmem:s7], [sflag:$0x1] =	stream.indirect.gather [hbm4b:s8+s11], $0x40, s2, s11, $0xb8;
	[tilespmem:$0x1A800] =	vst v63  }
0x175: {  	_ = 	snop  }
0x176: {  	[tilespmem:s3], [sflag:$0x2] =	stream.indirect.gather [hbm4b:s8+s11], $0x40, s11, s11, $0xb8;
	[tilespmem:$0x1A800] =	vst v63  }
0x177: {  	s1 =	rddreg [dreg:$0x17]  }
0x178: {  	[tilespmem:s12], [sflag:$0x3] =	stream.indirect.gather [hbm4b:s8+s11], $0x40, s1, s11, $0xb8;
	[tilespmem:$0x1A800] =	vst v63  }
0x179: {  	_ =	swait.ge [sflag:s9], $0x8000  }
0x17a: {  	[sflag:s9] =	ssyncset.done $0x0  }
0x17b: {  	[sflag:s9] =	ssyncadd.s32 $0xFFFF8000  }
0x17c: {  	[hbm4b:s23+s2] =	stream.linear.scatter [tilespmem:s7], [sflag:$0x4], $0x8000, $0x38;
	[tilespmem:$0x1A800] =	vst v63  }
0x17d: {  	_ =	swait.ge [sflag:s4], $0x8000  }
0x17e: {  	[sflag:s4] =	ssyncset.done $0x0  }
0x17f: {  	s23 =	rddreg [dreg:$0x18];
	[sflag:s4] =	ssyncadd.s32 $0xFFFF8000  }
0x180: {  	[tilespmem:s7], [sflag:$0x1] =	stream.indirect.gather [hbm4b:s8+s11], $0x40, s23, s11, $0xb8;
	[tilespmem:$0x1A800] =	vst v63  }
0x181: {  	_ =	swait.ge [sflag:s10], $0x8000  }
0x182: {  	[sflag:s10] =	ssyncset.done $0x0  }
0x183: {  	s31 =	rddreg [dreg:$0x4];
	[sflag:s10] =	ssyncadd.s32 $0xFFFF8000  }
0x184: {  	[hbm4b:s31+s2] =	stream.linear.scatter [tilespmem:s3], [sflag:$0x5], $0x8000, $0x38;
	[tilespmem:$0x1A800] =	vst v63  }
0x185: {  	_ =	swait.ge [sflag:s5], $0x8000  }
0x186: {  	[sflag:s5] =	ssyncset.done $0x0  }
0x187: {  	s1 =	rddreg [dreg:$0x19];
	[sflag:s5] =	ssyncadd.s32 $0xFFFF8000  }
0x188: {  	[tilespmem:s3], [sflag:$0x2] =	stream.indirect.gather [hbm4b:s8+s11], $0x40, s1, s11, $0xb8;
	[tilespmem:$0x1A800] =	vst v63  }
0x189: {  	_ =	swait.ge [sflag:s13], $0x8000  }
0x18a: {  	[sflag:s13] =	ssyncset.done $0x0  }
0x18b: {  	s23 =	rddreg [dreg:$0x5];
	[sflag:s13] =	ssyncadd.s32 $0xFFFF8000  }
0x18c: {  	[hbm4b:s23+s2] =	stream.linear.scatter [tilespmem:s12], [sflag:$0x6], $0x8000, $0x38;
	[tilespmem:$0x1A800] =	vst v63  }
0x18d: {  	_ =	swait.ge [sflag:s6], $0x8000  }
0x18e: {  	[sflag:s6] =	ssyncset.done $0x0  }
0x18f: {  	[sflag:s6] =	ssyncadd.s32 $0xFFFF8000  }
0x190: {  	[tilespmem:s12], [sflag:$0x3] =	stream.indirect.gather [hbm4b:s8+s11], $0x40, s30, s11, $0xb8;
	[tilespmem:$0x1A800] =	vst v63  }
0x191: {  	_ =	swait.ge [sflag:s9], $0x8000  }
0x192: {  	[sflag:s9] =	ssyncset.done $0x0  }
0x193: {  	s31 =	rddreg [dreg:$0x6];
	[sflag:s9] =	ssyncadd.s32 $0xFFFF8000  }
0x194: {  	[hbm4b:s31+s2] =	stream.linear.scatter [tilespmem:s7], [sflag:$0x4], $0x8000, $0x38;
	[tilespmem:$0x1A800] =	vst v63  }
0x195: {  	_ =	swait.ge [sflag:s4], $0x8000  }
0x196: {  	[sflag:s4] =	ssyncset.done $0x0  }
0x197: {  	[sflag:s4] =	ssyncadd.s32 $0xFFFF8000  }
0x198: {  	[tilespmem:s7], [sflag:$0x1] =	stream.indirect.gather [hbm4b:s8+s11], $0x40, s29, s11, $0xb8;
	[tilespmem:$0x1A800] =	vst v63  }
0x199: {  	_ =	swait.ge [sflag:s10], $0x8000  }
0x19a: {  	[sflag:s10] =	ssyncset.done $0x0  }
0x19b: {  	s1 =	rddreg [dreg:$0x7];
	[sflag:s10] =	ssyncadd.s32 $0xFFFF8000  }
0x19c: {  	[hbm4b:s1+s2] =	stream.linear.scatter [tilespmem:s3], [sflag:$0x5], $0x8000, $0x38;
	[tilespmem:$0x1A800] =	vst v63  }
0x19d: {  	_ =	swait.ge [sflag:s5], $0x8000  }
0x19e: {  	[sflag:s5] =	ssyncset.done $0x0  }
0x19f: {  	[sflag:s5] =	ssyncadd.s32 $0xFFFF8000  }
0x1a0: {  	[tilespmem:s3], [sflag:$0x2] =	stream.indirect.gather [hbm4b:s8+s11], $0x40, s28, s11, $0xb8;
	[tilespmem:$0x1A800] =	vst v63  }
0x1a1: {  	_ =	swait.ge [sflag:s13], $0x8000  }
0x1a2: {  	[sflag:s13] =	ssyncset.done $0x0  }
0x1a3: {  	s23 =	rddreg [dreg:$0x8];
	[sflag:s13] =	ssyncadd.s32 $0xFFFF8000  }
0x1a4: {  	[hbm4b:s23+s2] =	stream.linear.scatter [tilespmem:s12], [sflag:$0x6], $0x8000, $0x38;
	[tilespmem:$0x1A800] =	vst v63  }
0x1a5: {  	_ =	swait.ge [sflag:s6], $0x8000  }
0x1a6: {  	[sflag:s6] =	ssyncset.done $0x0  }
0x1a7: {  	[sflag:s6] =	ssyncadd.s32 $0xFFFF8000  }
0x1a8: {  	[tilespmem:s12], [sflag:$0x3] =	stream.indirect.gather [hbm4b:s8+s11], $0x40, s26, s11, $0xb8;
	[tilespmem:$0x1A800] =	vst v63  }
0x1a9: {  	_ =	swait.ge [sflag:s9], $0x8000  }
0x1aa: {  	[sflag:s9] =	ssyncset.done $0x0  }
0x1ab: {  	s28 =	rddreg [dreg:$0x9];
	[sflag:s9] =	ssyncadd.s32 $0xFFFF8000  }
0x1ac: {  	[hbm4b:s28+s2] =	stream.linear.scatter [tilespmem:s7], [sflag:$0x4], $0x8000, $0x38;
	[tilespmem:$0x1A800] =	vst v63  }
0x1ad: {  	_ =	swait.ge [sflag:s4], $0x8000  }
0x1ae: {  	[sflag:s4] =	ssyncset.done $0x0  }
0x1af: {  	[sflag:s4] =	ssyncadd.s32 $0xFFFF8000  }
0x1b0: {  	[tilespmem:s7], [sflag:$0x1] =	stream.indirect.gather [hbm4b:s8+s11], $0x40, s25, s11, $0xb8;
	[tilespmem:$0x1A800] =	vst v63  }
0x1b1: {  	_ =	swait.ge [sflag:s10], $0x8000  }
0x1b2: {  	[sflag:s10] =	ssyncset.done $0x0  }
0x1b3: {  	s29 =	rddreg [dreg:$0xa];
	[sflag:s10] =	ssyncadd.s32 $0xFFFF8000  }
0x1b4: {  	[hbm4b:s29+s2] =	stream.linear.scatter [tilespmem:s3], [sflag:$0x5], $0x8000, $0x38;
	[tilespmem:$0x1A800] =	vst v63  }
0x1b5: {  	_ =	swait.ge [sflag:s5], $0x8000  }
0x1b6: {  	[sflag:s5] =	ssyncset.done $0x0  }
0x1b7: {  	[sflag:s5] =	ssyncadd.s32 $0xFFFF8000  }
0x1b8: {  	[tilespmem:s3], [sflag:$0x2] =	stream.indirect.gather [hbm4b:s8+s11], $0x40, s24, s11, $0xb8;
	[tilespmem:$0x1A800] =	vst v63  }
0x1b9: {  	_ =	swait.ge [sflag:s13], $0x8000  }
0x1ba: {  	[sflag:s13] =	ssyncset.done $0x0  }
0x1bb: {  	s30 =	rddreg [dreg:$0xb];
	[sflag:s13] =	ssyncadd.s32 $0xFFFF8000  }
0x1bc: {  	[hbm4b:s30+s2] =	stream.linear.scatter [tilespmem:s12], [sflag:$0x6], $0x8000, $0x38;
	[tilespmem:$0x1A800] =	vst v63  }
0x1bd: {  	_ =	swait.ge [sflag:s6], $0x8000  }
0x1be: {  	[sflag:s6] =	ssyncset.done $0x0  }
0x1bf: {  	[sflag:s6] =	ssyncadd.s32 $0xFFFF8000  }
0x1c0: {  	[tilespmem:s12], [sflag:$0x3] =	stream.indirect.gather [hbm4b:s8+s11], $0x40, s22, s11, $0xb8;
	[tilespmem:$0x1A800] =	vst v63  }
0x1c1: {  	_ =	swait.ge [sflag:s9], $0x8000  }
0x1c2: {  	[sflag:s9] =	ssyncset.done $0x0  }
0x1c3: {  	s31 =	rddreg [dreg:$0xc];
	[sflag:s9] =	ssyncadd.s32 $0xFFFF8000  }
0x1c4: {  	[hbm4b:s31+s2] =	stream.linear.scatter [tilespmem:s7], [sflag:$0x4], $0x8000, $0x38;
	[tilespmem:$0x1A800] =	vst v63  }
0x1c5: {  	_ =	swait.ge [sflag:s4], $0x8000  }
0x1c6: {  	[sflag:s4] =	ssyncset.done $0x0  }
0x1c7: {  	[sflag:s4] =	ssyncadd.s32 $0xFFFF8000  }
0x1c8: {  	[tilespmem:s7], [sflag:$0x1] =	stream.indirect.gather [hbm4b:s8+s11], $0x40, s21, s11, $0xb8;
	[tilespmem:$0x1A800] =	vst v63  }
0x1c9: {  	_ =	swait.ge [sflag:s10], $0x8000  }
0x1ca: {  	[sflag:s10] =	ssyncset.done $0x0  }
0x1cb: {  	s1 =	rddreg [dreg:$0xd];
	[sflag:s10] =	ssyncadd.s32 $0xFFFF8000  }
0x1cc: {  	[hbm4b:s1+s2] =	stream.linear.scatter [tilespmem:s3], [sflag:$0x5], $0x8000, $0x38;
	[tilespmem:$0x1A800] =	vst v63  }
0x1cd: {  	_ =	swait.ge [sflag:s5], $0x8000  }
0x1ce: {  	[sflag:s5] =	ssyncset.done $0x0  }
0x1cf: {  	[sflag:s5] =	ssyncadd.s32 $0xFFFF8000  }
0x1d0: {  	[tilespmem:s3], [sflag:$0x2] =	stream.indirect.gather [hbm4b:s8+s11], $0x40, s20, s11, $0xb8;
	[tilespmem:$0x1A800] =	vst v63  }
0x1d1: {  	_ =	swait.ge [sflag:s13], $0x8000  }
0x1d2: {  	[sflag:s13] =	ssyncset.done $0x0  }
0x1d3: {  	s21 =	rddreg [dreg:$0xe];
	[sflag:s13] =	ssyncadd.s32 $0xFFFF8000  }
0x1d4: {  	[hbm4b:s21+s2] =	stream.linear.scatter [tilespmem:s12], [sflag:$0x6], $0x8000, $0x38;
	[tilespmem:$0x1A800] =	vst v63  }
0x1d5: {  	_ =	swait.ge [sflag:s6], $0x8000  }
0x1d6: {  	[sflag:s6] =	ssyncset.done $0x0  }
0x1d7: {  	[sflag:s6] =	ssyncadd.s32 $0xFFFF8000  }
0x1d8: {  	[tilespmem:s12], [sflag:$0x3] =	stream.indirect.gather [hbm4b:s8+s11], $0x40, s19, s11, $0xb8;
	[tilespmem:$0x1A800] =	vst v63  }
0x1d9: {  	_ =	swait.ge [sflag:s9], $0x8000  }
0x1da: {  	[sflag:s9] =	ssyncset.done $0x0  }
0x1db: {  	s22 =	rddreg [dreg:$0xf];
	[sflag:s9] =	ssyncadd.s32 $0xFFFF8000  }
0x1dc: {  	[hbm4b:s22+s2] =	stream.linear.scatter [tilespmem:s7], [sflag:$0x4], $0x8000, $0x38;
	[tilespmem:$0x1A800] =	vst v63  }
0x1dd: {  	_ =	swait.ge [sflag:s4], $0x8000  }
0x1de: {  	[sflag:s4] =	ssyncset.done $0x0  }
0x1df: {  	[sflag:s4] =	ssyncadd.s32 $0xFFFF8000  }
0x1e0: {  	[tilespmem:s7], [sflag:$0x1] =	stream.indirect.gather [hbm4b:s8+s11], $0x40, s18, s11, $0xb8;
	[tilespmem:$0x1A800] =	vst v63  }
0x1e1: {  	_ =	swait.ge [sflag:s10], $0x8000  }
0x1e2: {  	[sflag:s10] =	ssyncset.done $0x0  }
0x1e3: {  	s23 =	rddreg [dreg:$0x10];
	[sflag:s10] =	ssyncadd.s32 $0xFFFF8000  }
0x1e4: {  	[hbm4b:s23+s2] =	stream.linear.scatter [tilespmem:s3], [sflag:$0x5], $0x8000, $0x38;
	[tilespmem:$0x1A800] =	vst v63  }
0x1e5: {  	_ =	swait.ge [sflag:s5], $0x8000  }
0x1e6: {  	[sflag:s5] =	ssyncset.done $0x0  }
0x1e7: {  	[sflag:s5] =	ssyncadd.s32 $0xFFFF8000  }
0x1e8: {  	[tilespmem:s3], [sflag:$0x2] =	stream.indirect.gather [hbm4b:s8+s11], $0x40, s17, s11, $0xb8;
	[tilespmem:$0x1A800] =	vst v63  }
0x1e9: {  	_ =	swait.ge [sflag:s13], $0x8000  }
0x1ea: {  	[sflag:s13] =	ssyncset.done $0x0  }
0x1eb: {  	s24 =	rddreg [dreg:$0x11];
	[sflag:s13] =	ssyncadd.s32 $0xFFFF8000  }
0x1ec: {  	[hbm4b:s24+s2] =	stream.linear.scatter [tilespmem:s12], [sflag:$0x6], $0x8000, $0x38;
	[tilespmem:$0x1A800] =	vst v63  }
0x1ed: {  	_ =	swait.ge [sflag:s6], $0x8000  }
0x1ee: {  	[sflag:s6] =	ssyncset.done $0x0  }
0x1ef: {  	[sflag:s6] =	ssyncadd.s32 $0xFFFF8000  }
0x1f0: {  	[tilespmem:s12], [sflag:$0x3] =	stream.indirect.gather [hbm4b:s8+s11], $0x40, s16, s11, $0xb8;
	[tilespmem:$0x1A800] =	vst v63  }
0x1f1: {  	_ =	swait.ge [sflag:s9], $0x8000  }
0x1f2: {  	[sflag:s9] =	ssyncset.done $0x0  }
0x1f3: {  	s25 =	rddreg [dreg:$0x12];
	[sflag:s9] =	ssyncadd.s32 $0xFFFF8000  }
0x1f4: {  	[hbm4b:s25+s2] =	stream.linear.scatter [tilespmem:s7], [sflag:$0x4], $0x8000, $0x38;
	[tilespmem:$0x1A800] =	vst v63  }
0x1f5: {  	_ =	swait.ge [sflag:s4], $0x8000  }
0x1f6: {  	[sflag:s4] =	ssyncset.done $0x0  }
0x1f7: {  	[sflag:s4] =	ssyncadd.s32 $0xFFFF8000  }
0x1f8: {  	[tilespmem:s7], [sflag:$0x1] =	stream.indirect.gather [hbm4b:s8+s11], $0x40, s15, s11, $0xb8;
	[tilespmem:$0x1A800] =	vst v63  }
0x1f9: {  	_ =	swait.ge [sflag:s10], $0x8000  }
0x1fa: {  	[sflag:s10] =	ssyncset.done $0x0  }
0x1fb: {  	s26 =	rddreg [dreg:$0x13];
	[sflag:s10] =	ssyncadd.s32 $0xFFFF8000  }
0x1fc: {  	[hbm4b:s26+s2] =	stream.linear.scatter [tilespmem:s3], [sflag:$0x5], $0x8000, $0x38;
	[tilespmem:$0x1A800] =	vst v63  }
0x1fd: {  	_ =	swait.ge [sflag:s5], $0x8000  }
0x1fe: {  	[sflag:s5] =	ssyncset.done $0x0  }
0x1ff: {  	[sflag:s5] =	ssyncadd.s32 $0xFFFF8000  }
0x200: {  	[tilespmem:s3], [sflag:$0x2] =	stream.indirect.gather [hbm4b:s8+s11], $0x40, s14, s11, $0xb8;
	[tilespmem:$0x1A800] =	vst v63  }
0x201: {  	_ =	swait.ge [sflag:s13], $0x8000  }
0x202: {  	[sflag:s13] =	ssyncset.done $0x0  }
0x203: {  	s28 =	rddreg [dreg:$0x14];
	[sflag:s13] =	ssyncadd.s32 $0xFFFF8000  }
0x204: {  	[hbm4b:s28+s2] =	stream.linear.scatter [tilespmem:s12], [sflag:$0x6], $0x8000, $0x38;
	[tilespmem:$0x1A800] =	vst v63  }
0x205: {  	_ =	swait.ge [sflag:s9], $0x8000  }
0x206: {  	[sflag:s9] =	ssyncset.done $0x0  }
0x207: {  	s29 =	rddreg [dreg:$0x15];
	[sflag:s9] =	ssyncadd.s32 $0xFFFF8000  }
0x208: {  	[hbm4b:s29+s2] =	stream.linear.scatter [tilespmem:s7], [sflag:$0x4], $0x8000, $0x38;
	[tilespmem:$0x1A800] =	vst v63  }
0x209: {  	_ =	swait.ge [sflag:s10], $0x8000  }
0x20a: {  	[sflag:s10] =	ssyncset.done $0x0  }
0x20b: {  	s30 =	rddreg [dreg:$0x16];
	[sflag:s10] =	ssyncadd.s32 $0xFFFF8000  }
0x20c: {  	[hbm4b:s30+s2] =	stream.linear.scatter [tilespmem:s3], [sflag:$0x5], $0x8000, $0x38;
	[tilespmem:$0x1A800] =	vst v63  }
0x20d: {  	_ =	swait.ge [sflag:s4], $0x8000  }
0x20e: {  	[sflag:s4] =	ssyncset.done $0x0  }
0x20f: {  	[sflag:s4] =	ssyncadd.s32 $0xFFFF8000  }
0x210: {  	_ =	swait.ge [sflag:s5], $0x8000  }
0x211: {  	[sflag:s5] =	ssyncset.done $0x0  }
0x212: {  	[sflag:s5] =	ssyncadd.s32 $0xFFFF8000  }
0x213: {  	_ =	swait.ge [sflag:s6], $0x8000  }
0x214: {  	[sflag:s6] =	ssyncset.done $0x0  }
0x215: {  	[sflag:s6] =	ssyncadd.s32 $0xFFFF8000  }
0x216: {  	_ =	sfence.sel $0x180000  }
0x217: {  	[bflag:$0x0] =	sbarrier.arrive $0xFFFF  }
0x218: {  	_ =	strace $0x9000004A  }
0x219: {  	s31 =	stileid.u32;
	[bflag:$0x2] =	sbarrier.arrive $0xFFFF  }
0x21a: {  	p0 =	sne.s32 s31, $0x0;
	s0 =	rddreg [dreg:$0x2]  }
0x21b: {  	s0 =	sadd.s32 @!p0 $0x100000, s0  }
0x21c: {  	[sflag:s0] =	ssyncadd.tile.s32 @!p0 $0x1;
	_ =	shalt  }
.Lfunc_end2:
_tile_overlayer_lowered:
.L_overlay_start_2:
0x21d: {  	(tag) =	ssettag $0x2  }
0x21e: {  	s0 =	rddreg [dreg:$0x0];
	s2 =	stileid.u32  }
0x21f: {  	s1 =	rddreg [dreg:$0x1];
	p0 =	sne.s32 s2, $0x0  }
0x220: {  	s3 =	rddreg [dreg:$0x2];
	[bflag:$0x3] =	sbarrier.arrive $0xFFFF;
	s2 =	simm.s32 @!p0 $0x1C07  }
0x221: {  	[timem:s3], [sflag:s2] =	dma.local @!p0 [hbm:s0], s1  }
0x222: {  	s0 =	simm.s32 @!p0 $0x7  }
0x223: {  	_ =	swait.ge @!p0 [sflag:s0], s1  }
0x224: {  	s1 =	ssub.s32 @!p0 $0x0, s1;
	[sflag:s0] =	ssyncset.done @!p0 $0x0  }
0x225: {  	[sflag:s0] =	ssyncadd.s32 @!p0 s1  }
0x226: {  	[bflag:$0x3] =	sbarrier.arrive $0xFFFF  }
0x227: {  	_ =	shalt  }

</sc_bundles>
